<compile_context>
chip_gen: v7x
topology: tpu7x:2x2x1
jax: 0.10.2.dev20260603
libtpu: 0.0.44.dev20260713+nightly
codegen_flags: <defaults>
</compile_context>

<pallas_src>
import jax
import jax.numpy as jnp
from jax import lax
from jax.experimental import pallas as pl
from jax.experimental.pallas import tpu as pltpu
from jax.experimental.pallas import tpu_sc as plsc

NN = 10000
NE = 320000
DIN = 128
D_EDGE = 16
H = 64
W128 = 128
NC = 2
NS = 16
NW = NC * NS
CHE = 128
NCHUNK = NE // CHE
_F32 = jnp.float32

_MESH = plsc.VectorSubcoreMesh(core_axis_name="c", subcore_axis_name="s")

_RPW = 624
_TAIL = NN - NS * _RPW


NFULL = NCHUNK // NW
NEXTRA = NCHUNK - NFULL * NW


def _worker_ids():
    c = lax.axis_index("c")
    s = lax.axis_index("s")
    return c, s, s * NC + c



def _zero_acc(z2d, acc, s):
    pltpu.sync_copy(z2d.at[pl.ds(s * _RPW, _RPW)],
                    acc.at[pl.ds(s * _RPW, _RPW)])

    @pl.when(s == 0)
    def _():
        pltpu.sync_copy(z2d.at[pl.ds(NS * _RPW, _TAIL)],
                        acc.at[pl.ds(NS * _RPW, _TAIL)])


KPW = 80
PH = 40


def _sc_agg_body(tab, srcp2, dstp2, z2d,
                 agg_out,
                 idx_sa, idx_da, idx_sb, idx_db, rows_a, rows_b,
                 sem_a, sem_b, sem_sa, sem_sb, acc):
    c, s, w = _worker_ids()
    _zero_acc(z2d, acc, s)
    plsc.subcore_barrier()

    def ld(idx_s, idx_d, k):
        ch = w + k * NW
        pltpu.sync_copy(srcp2.at[ch], idx_s)
        pltpu.sync_copy(dstp2.at[ch], idx_d)

    ld(idx_sa, idx_da, 0)
    pltpu.async_copy(tab.at[idx_sa], rows_a, sem_a)
    ld(idx_sb, idx_db, 1)
    pltpu.async_copy(tab.at[idx_sb], rows_b, sem_b)

    def body(m, carry):
        kA = 2 * m
        kB = kA + 1
        pltpu.make_async_copy(tab.at[idx_sa], rows_a, sem_a).wait()
        pltpu.async_copy(rows_a, acc.at[idx_da], sem_sa, add=True)
        pltpu.make_async_copy(tab.at[idx_sb], rows_b, sem_b).wait()
        pltpu.async_copy(rows_b, acc.at[idx_db], sem_sb, add=True)

        @pl.when(m < NFULL // 2 - 1)
        def _():
            pltpu.make_async_copy(rows_a, acc.at[idx_da], sem_sa).wait()
            ld(idx_sa, idx_da, kA + 2)
            pltpu.async_copy(tab.at[idx_sa], rows_a, sem_a)
            pltpu.make_async_copy(rows_b, acc.at[idx_db], sem_sb).wait()
            ld(idx_sb, idx_db, kB + 2)
            pltpu.async_copy(tab.at[idx_sb], rows_b, sem_b)

        @pl.when(m == NFULL // 2 - 1)
        def _():
            pltpu.make_async_copy(rows_a, acc.at[idx_da], sem_sa).wait()
            pltpu.make_async_copy(rows_b, acc.at[idx_db], sem_sb).wait()

        return carry

    lax.fori_loop(0, NFULL // 2, body, 0)

    @pl.when(w < NEXTRA)
    def _():
        ld(idx_sa, idx_da, NFULL)
        pltpu.async_copy(tab.at[idx_sa], rows_a, sem_a).wait()
        pltpu.sync_copy(rows_a, acc.at[idx_da], add=True)

    plsc.subcore_barrier()

    pltpu.sync_copy(acc.at[pl.ds(s * _RPW, _RPW)],
                    agg_out.at[c, pl.ds(s * _RPW, _RPW)])

    @pl.when(s == 0)
    def _():
        pltpu.sync_copy(acc.at[pl.ds(NS * _RPW, _TAIL)],
                        agg_out.at[c, pl.ds(NS * _RPW, _TAIL)])


NE2 = NE // 2
CH2 = CHE // 2


def _pack_add(rows_s, rows_d, sbuf):
    def body(e2, carry):
        for j in range(8):
            e = 2 * e2 + j // 4
            cc = (j % 4) * 16
            sbuf[e2, pl.ds(j * 16, 16)] = (
                rows_s[e, pl.ds(cc, 16)] + rows_d[e, pl.ds(H + cc, 16)])
        return carry

    lax.fori_loop(0, CH2, body, 0)


def _sc_gather_body(tab, srcp2, dstp2,
                    s2_out,
                    idx_sa, idx_da, idx_sb, idx_db,
                    rows_sa, rows_da, rows_sb, rows_db, sbuf_a, sbuf_b,
                    sem_sa, sem_da, sem_sb, sem_db, sem_wa, sem_wb):
    c, s, w = _worker_ids()

    def ld(idx_s, idx_d, k):
        ch = w + k * NW
        pltpu.sync_copy(srcp2.at[ch], idx_s)
        pltpu.sync_copy(dstp2.at[ch], idx_d)

    def out_slice(k):
        return s2_out.at[pl.ds((w + k * NW) * CH2, CH2)]

    ld(idx_sa, idx_da, 0)
    pltpu.async_copy(tab.at[idx_sa], rows_sa, sem_sa)
    pltpu.async_copy(tab.at[idx_da], rows_da, sem_da)
    ld(idx_sb, idx_db, 1)
    pltpu.async_copy(tab.at[idx_sb], rows_sb, sem_sb)
    pltpu.async_copy(tab.at[idx_db], rows_db, sem_db)

    def body(m, carry):
        kA = 2 * m
        kB = kA + 1
        pltpu.make_async_copy(tab.at[idx_sa], rows_sa, sem_sa).wait()
        pltpu.make_async_copy(tab.at[idx_da], rows_da, sem_da).wait()

        @pl.when(m > 0)
        def _():
            pltpu.make_async_copy(sbuf_a, out_slice(kA - 2), sem_wa).wait()

        _pack_add(rows_sa, rows_da, sbuf_a)
        pltpu.async_copy(sbuf_a, out_slice(kA), sem_wa)

        @pl.when(m < NFULL // 2 - 1)
        def _():
            ld(idx_sa, idx_da, kA + 2)
            pltpu.async_copy(tab.at[idx_sa], rows_sa, sem_sa)
            pltpu.async_copy(tab.at[idx_da], rows_da, sem_da)

        pltpu.make_async_copy(tab.at[idx_sb], rows_sb, sem_sb).wait()
        pltpu.make_async_copy(tab.at[idx_db], rows_db, sem_db).wait()

        @pl.when(m > 0)
        def _():
            pltpu.make_async_copy(sbuf_b, out_slice(kB - 2), sem_wb).wait()

        _pack_add(rows_sb, rows_db, sbuf_b)
        pltpu.async_copy(sbuf_b, out_slice(kB), sem_wb)

        @pl.when(m < NFULL // 2 - 1)
        def _():
            ld(idx_sb, idx_db, kB + 2)
            pltpu.async_copy(tab.at[idx_sb], rows_sb, sem_sb)
            pltpu.async_copy(tab.at[idx_db], rows_db, sem_db)

        return carry

    lax.fori_loop(0, NFULL // 2, body, 0)
    pltpu.make_async_copy(sbuf_a, out_slice(NFULL - 2), sem_wa).wait()
    pltpu.make_async_copy(sbuf_b, out_slice(NFULL - 1), sem_wb).wait()

    @pl.when(w < NEXTRA)
    def _():
        ld(idx_sa, idx_da, NFULL)
        pltpu.async_copy(tab.at[idx_sa], rows_sa, sem_sa).wait()
        pltpu.async_copy(tab.at[idx_da], rows_da, sem_da).wait()
        _pack_add(rows_sa, rows_da, sbuf_a)
        pltpu.sync_copy(sbuf_a, out_slice(NFULL))


_sc_agg = pl.kernel(
    _sc_agg_body,
    out_type=jax.ShapeDtypeStruct((NC, NN, W128), _F32),
    mesh=_MESH,
    scratch_types=[
        pltpu.VMEM((CHE,), jnp.int32),
        pltpu.VMEM((CHE,), jnp.int32),
        pltpu.VMEM((CHE,), jnp.int32),
        pltpu.VMEM((CHE,), jnp.int32),
        pltpu.VMEM((CHE, W128), _F32),
        pltpu.VMEM((CHE, W128), _F32),
        pltpu.SemaphoreType.DMA,
        pltpu.SemaphoreType.DMA,
        pltpu.SemaphoreType.DMA,
        pltpu.SemaphoreType.DMA,
        pltpu.VMEM_SHARED((NN, W128), _F32),
    ],
)

_sc_gather = pl.kernel(
    _sc_gather_body,
    out_type=jax.ShapeDtypeStruct((NE2, W128), _F32),
    mesh=_MESH,
    scratch_types=[
        pltpu.VMEM((CHE,), jnp.int32),
        pltpu.VMEM((CHE,), jnp.int32),
        pltpu.VMEM((CHE,), jnp.int32),
        pltpu.VMEM((CHE,), jnp.int32),
        pltpu.VMEM((CHE, W128), _F32),
        pltpu.VMEM((CHE, W128), _F32),
        pltpu.VMEM((CHE, W128), _F32),
        pltpu.VMEM((CHE, W128), _F32),
        pltpu.VMEM((CH2, W128), _F32),
        pltpu.VMEM((CH2, W128), _F32),
        pltpu.SemaphoreType.DMA,
        pltpu.SemaphoreType.DMA,
        pltpu.SemaphoreType.DMA,
        pltpu.SemaphoreType.DMA,
        pltpu.SemaphoreType.DMA,
        pltpu.SemaphoreType.DMA,
    ],
)



def _mm0_body(x_ref, wpad_ref, e64_ref, wr_ref, br_ref, tab_ref, sf_ref):
    x = x_ref[...]
    tab_ref[...] = jnp.dot(x, wpad_ref[...],
                           preferred_element_type=_F32) + e64_ref[...]
    sf_ref[...] = jnp.dot(x, wr_ref[...],
                          preferred_element_type=_F32) + br_ref[...]


_mm0 = pl.pallas_call(
    _mm0_body,
    out_shape=(jax.ShapeDtypeStruct((NN, W128), _F32),
               jax.ShapeDtypeStruct((NN, H), _F32)),
)


def _combine_first_body(p_ref, sf_ref, wpad_ref, wr_ref, br_ref,
                        tab_ref, sfo_ref, inv_ref):
    agg = p_ref[0] + p_ref[1]
    inv = 1.0 / jnp.maximum(agg[:, H:H + 1], 1.0)
    h = jnp.maximum(agg[:, :H] * inv + sf_ref[...], 0.0)
    tab_ref[...] = jnp.dot(h, wpad_ref[...], preferred_element_type=_F32)
    sfo_ref[...] = jnp.dot(h, wr_ref[...],
                           preferred_element_type=_F32) + br_ref[...]
    inv_ref[...] = inv


_combine_first = pl.pallas_call(
    _combine_first_body,
    out_shape=(jax.ShapeDtypeStruct((NN, W128), _F32),
               jax.ShapeDtypeStruct((NN, H), _F32),
               jax.ShapeDtypeStruct((NN, 1), _F32)),
)


def _combine_mid_body(p_ref, inv_ref, sf_ref, wpad_ref, wr_ref, br_ref,
                      tab_ref, sfo_ref):
    agg = p_ref[0] + p_ref[1]
    h = jnp.maximum(agg[:, :H] * inv_ref[...] + sf_ref[...], 0.0)
    tab_ref[...] = jnp.dot(h, wpad_ref[...], preferred_element_type=_F32)
    sfo_ref[...] = jnp.dot(h, wr_ref[...],
                           preferred_element_type=_F32) + br_ref[...]


_combine_mid = pl.pallas_call(
    _combine_mid_body,
    out_shape=(jax.ShapeDtypeStruct((NN, W128), _F32),
               jax.ShapeDtypeStruct((NN, H), _F32)),
)


def _combine_last_body(p_ref, inv_ref, sf_ref, wc_ref, tab_ref):
    agg = p_ref[0] + p_ref[1]
    h3 = agg[:, :H] * inv_ref[...] + sf_ref[...]
    tab_ref[...] = jnp.dot(h3, wc_ref[...], preferred_element_type=_F32)


_combine_last = pl.pallas_call(
    _combine_last_body,
    out_shape=jax.ShapeDtypeStruct((NN, W128), _F32),
)

_BE2 = 4000


def _edge_mlp_body(s2, ea2, w1, b1, w2, b2, w3, b3, out):
    z1 = s2[...] + jnp.dot(ea2[...], w1[...],
                           preferred_element_type=_F32) + b1[...]
    z1 = jnp.maximum(z1, 0.0)
    z2 = jnp.maximum(jnp.dot(z1, w2[...],
                             preferred_element_type=_F32) + b2[...], 0.0)
    o = jnp.dot(z2, w3[...], preferred_element_type=_F32) + b3[...]
    out[...] = 1.0 / (1.0 + jnp.exp(-o))


_edge_mlp = pl.pallas_call(
    _edge_mlp_body,
    grid=(NE2 // _BE2,),
    in_specs=[
        pl.BlockSpec((_BE2, W128), lambda i: (i, 0)),
        pl.BlockSpec((_BE2, 32), lambda i: (i, 0)),
        pl.BlockSpec((32, W128), lambda i: (0, 0)),
        pl.BlockSpec((1, W128), lambda i: (0, 0)),
        pl.BlockSpec((W128, 2 * 32), lambda i: (0, 0)),
        pl.BlockSpec((1, 2 * 32), lambda i: (0, 0)),
        pl.BlockSpec((2 * 32, 2), lambda i: (0, 0)),
        pl.BlockSpec((1, 2), lambda i: (0, 0)),
    ],
    out_specs=pl.BlockSpec((_BE2, 2), lambda i: (i, 0)),
    out_shape=jax.ShapeDtypeStruct((NE2, 2), _F32),
)



def kernel(x, edge_index, edge_attr, Wl0, Wr0, b0, Wl1, Wr1, b1,
           Wl2, Wr2, b2, PW1, Pb1, PW2, Pb2, PW3, Pb3):
    npad = KPW * NW * CHE - NE
    srcp = jnp.concatenate([edge_index[0], jnp.zeros((npad,), jnp.int32)])
    dstp = jnp.concatenate([edge_index[1], jnp.zeros((npad,), jnp.int32)])
    srcp2 = srcp.reshape(KPW * NW, CHE)
    dstp2 = dstp.reshape(KPW * NW, CHE)
    z2d = jnp.zeros((NN, W128), _F32)

    def wpad(Wl):
        return jnp.pad(Wl, ((0, 0), (0, W128 - H)))

    e64 = jnp.zeros((1, W128), _F32).at[0, H].set(1.0)
    WcP = jnp.concatenate([PW1[:H], PW1[H:2 * H]], axis=1)

    tab0, sf0 = _mm0(x, wpad(Wl0), e64, Wr0, b0.reshape(1, H))
    p1 = _sc_agg(tab0, srcp2, dstp2, z2d)
    tab1, sf1, inv = _combine_first(p1, sf0, wpad(Wl1), Wr1, b1.reshape(1, H))
    p2 = _sc_agg(tab1, srcp2, dstp2, z2d)
    tab2, sf2 = _combine_mid(p2, inv, sf1, wpad(Wl2), Wr2, b2.reshape(1, H))
    p3 = _sc_agg(tab2, srcp2, dstp2, z2d)
    huv = _combine_last(p3, inv, sf2, WcP)
    s2 = _sc_gather(huv, srcp2, dstp2)

    def blockdiag(wmat):
        a, b = wmat.shape
        z = jnp.zeros((a, b), _F32)
        return jnp.concatenate(
            [jnp.concatenate([wmat, z], axis=1),
             jnp.concatenate([z, wmat], axis=1)], axis=0)

    ea2 = edge_attr.reshape(NE2, 2 * D_EDGE)
    w1d = blockdiag(PW1[2 * H:])
    b1d = jnp.concatenate([Pb1, Pb1]).reshape(1, W128)
    w2d = blockdiag(PW2)
    b2d = jnp.concatenate([Pb2, Pb2]).reshape(1, 64)
    w3d = blockdiag(PW3)
    b3d = jnp.concatenate([Pb3, Pb3]).reshape(1, 2)
    out2 = _edge_mlp(s2, ea2, w1d, b1d, w2d, b2d, w3d, b3d)
    return out2.reshape(NE, 1)

# --- scband reference (transcript-rebuilt; emitter-appended) ---
"""Pipeline reference for scband-traffic-gnn-79139067396125 (READ-ONLY COPY).

The authoritative reference and input builder live on the scoring server;
editing this copy changes nothing except your own understanding.
"""

import jax, jax.numpy as jnp
import numpy as np

N = 10000
E = 320000
D_IN = 128
D_EDGE = 16
HID = 64


def setup_inputs(seed: int = 0):
    key = jax.random.key(seed)
    ks = jax.random.split(key, 20)
    x = jax.random.normal(ks[0], (N, D_IN), dtype=jnp.float32)
    edge_index = jax.random.randint(ks[1], (2, E), 0, N, dtype=jnp.int32)
    edge_attr = jax.random.normal(ks[2], (E, D_EDGE), dtype=jnp.float32)

    def mk(k, shape):
        fan_in = shape[0]
        return jax.random.normal(k, shape, dtype=jnp.float32) * (1.0 / np.sqrt(fan_in))

    Wl0 = mk(ks[3], (D_IN, HID)); Wr0 = mk(ks[4], (D_IN, HID)); b0 = jnp.zeros((HID,), jnp.float32)
    Wl1 = mk(ks[5], (HID, HID)); Wr1 = mk(ks[6], (HID, HID)); b1 = jnp.zeros((HID,), jnp.float32)
    Wl2 = mk(ks[7], (HID, HID)); Wr2 = mk(ks[8], (HID, HID)); b2 = jnp.zeros((HID,), jnp.float32)
    PIN = HID * 2 + D_EDGE
    PW1 = mk(ks[9], (PIN, 64)); Pb1 = jnp.zeros((64,), jnp.float32)
    PW2 = mk(ks[10], (64, 32)); Pb2 = jnp.zeros((32,), jnp.float32)
    PW3 = mk(ks[11], (32, 1)); Pb3 = jnp.zeros((1,), jnp.float32)
    return {"x": x, "edge_index": edge_index, "edge_attr": edge_attr,
            "Wl0": Wl0, "Wr0": Wr0, "b0": b0,
            "Wl1": Wl1, "Wr1": Wr1, "b1": b1,
            "Wl2": Wl2, "Wr2": Wr2, "b2": b2,
            "PW1": PW1, "Pb1": Pb1, "PW2": PW2, "Pb2": Pb2, "PW3": PW3, "Pb3": Pb3}


def _sage_conv(h, src, dst, Wl, Wr, b):
    msgs = jnp.take(h, src, axis=0)
    agg = jax.ops.segment_sum(msgs, dst, num_segments=N)
    cnt = jax.ops.segment_sum(jnp.ones((src.shape[0],), jnp.float32), dst, num_segments=N)
    mean = agg / jnp.maximum(cnt, 1.0)[:, None]
    return mean @ Wl + h @ Wr + b


def reference(x, edge_index, edge_attr, Wl0, Wr0, b0, Wl1, Wr1, b1, Wl2, Wr2, b2, PW1, Pb1, PW2, Pb2, PW3, Pb3):
    src = edge_index[0]
    dst = edge_index[1]
    h = _sage_conv(x, src, dst, Wl0, Wr0, b0)
    h = jax.nn.relu(h)
    h = _sage_conv(h, src, dst, Wl1, Wr1, b1)
    h = jax.nn.relu(h)
    h = _sage_conv(h, src, dst, Wl2, Wr2, b2)
    u_emb = jnp.take(h, src, axis=0)
    v_emb = jnp.take(h, dst, axis=0)
    edge_repr = jnp.concatenate([u_emb, v_emb, edge_attr], axis=1)
    z = jax.nn.relu(edge_repr @ PW1 + Pb1)
    z = jax.nn.relu(z @ PW2 + Pb2)
    out = jax.nn.sigmoid(z @ PW3 + Pb3)
    return out

if __name__ == "__main__":
    import jax
    _d = setup_inputs()
    print(jax.jit(kernel)(*tuple(_d.values())))

</pallas_src>

<mosaic_0001>
#map = affine_map<(d0, d1) -> (0, 0)>
#map1 = affine_map<(d0, d1) -> (0, 0, 0)>
module attributes {stable_mosaic.version = 14 : i64} {
  func.func @_sc_agg_body(%arg0: i32, %arg1: i32, %arg2: memref<10000x128xf32, #tpu.memory_space<hbm>>, %arg3: memref<2560x128xi32, #tpu.memory_space<hbm>>, %arg4: memref<2560x128xi32, #tpu.memory_space<hbm>>, %arg5: memref<10000x128xf32, #tpu.memory_space<hbm>>, %arg6: memref<2x10000x128xf32, #tpu.memory_space<hbm>>, %arg7: memref<128xi32, #tpu.memory_space<vmem>>, %arg8: memref<128xi32, #tpu.memory_space<vmem>>, %arg9: memref<128xi32, #tpu.memory_space<vmem>>, %arg10: memref<128xi32, #tpu.memory_space<vmem>>, %arg11: memref<128x128xf32, #tpu.memory_space<vmem>>, %arg12: memref<128x128xf32, #tpu.memory_space<vmem>>, %arg13: memref<!tpu.dma_semaphore, #tpu.memory_space<semaphore_mem>>, %arg14: memref<!tpu.dma_semaphore, #tpu.memory_space<semaphore_mem>>, %arg15: memref<!tpu.dma_semaphore, #tpu.memory_space<semaphore_mem>>, %arg16: memref<!tpu.dma_semaphore, #tpu.memory_space<semaphore_mem>>, %arg17: memref<10000x128xf32, #tpu.memory_space<vmem_shared>>) attributes {dimension_semantics = [#tpu.dimension_semantics<core_parallel>, #tpu.dimension_semantics<subcore_parallel>], iteration_bounds = array<i64: 2, 16>, scalar_prefetch = 0 : i64, scratch_operands = 11 : i64, tpu.core_type = #tpu.core_type<sc_vector_subcore>, window_params = [{transform_indices = #map}, {transform_indices = #map}, {transform_indices = #map}, {transform_indices = #map}, {transform_indices = #map1}]} {
    %mul3A = arith.constant 2 : i32
    %mul3A_0 = arith.muli %arg1, %mul3A : i32
    %add3A = arith.addi %mul3A_0, %arg0 : i32
    %mul3A_1 = arith.constant 624 : i32
    %mul3A_2 = arith.muli %arg1, %mul3A_1 : i32
    %mul3A_3 = arith.constant 624 : i32
    %mul3A_4 = arith.muli %arg1, %mul3A_3 : i32
    "tpu.region"() ({
      %run_scoped3A = tpu.sem_alloc : memref<!tpu.dma_semaphore, #tpu.memory_space<semaphore_mem>>
      %dma_start3A_35 = arith.constant 0 : i32
      %dma_start3A_36 = tpu.memref_slice %arg17[%mul3A_4, %dma_start3A_35] : memref<10000x128xf32, #tpu.memory_space<vmem_shared>> -> memref<624x128xf32, #tpu.memory_space<vmem_shared>>
      %dma_start3A_37 = arith.constant 0 : i32
      %dma_start3A_38 = tpu.memref_slice %arg5[%mul3A_2, %dma_start3A_37] : memref<10000x128xf32, #tpu.memory_space<hbm>> -> memref<624x128xf32, #tpu.memory_space<hbm>>
      tpu.enqueue_dma source(%dma_start3A_38 : memref<624x128xf32, #tpu.memory_space<hbm>>) target(%dma_start3A_36 : memref<624x128xf32, #tpu.memory_space<vmem_shared>>) target_semaphore(%run_scoped3A : memref<!tpu.dma_semaphore, #tpu.memory_space<semaphore_mem>>)
      %dma_wait3A = arith.constant 0 : i32
      %dma_wait3A_39 = tpu.memref_slice %arg17[%mul3A_4, %dma_wait3A] : memref<10000x128xf32, #tpu.memory_space<vmem_shared>> -> memref<624x128xf32, #tpu.memory_space<vmem_shared>>
      %dma_wait3A_40 = arith.constant 0 : i32
      %dma_wait3A_41 = tpu.memref_slice %arg5[%mul3A_2, %dma_wait3A_40] : memref<10000x128xf32, #tpu.memory_space<hbm>> -> memref<624x128xf32, #tpu.memory_space<hbm>>
      tpu.wait_dma2 semaphore(%run_scoped3A : memref<!tpu.dma_semaphore, #tpu.memory_space<semaphore_mem>>) src(%dma_wait3A_41 : memref<624x128xf32, #tpu.memory_space<hbm>>) dst(%dma_wait3A_39 : memref<624x128xf32, #tpu.memory_space<vmem_shared>>)
      tpu.yield
    }) : () -> ()
    %eq3A = arith.constant 0 : i32
    %eq3A_5 = arith.cmpi eq, %arg1, %eq3A : i32
    %convert_element_type3A = arith.extui %eq3A_5 : i1 to i32
    %cond3A = arith.constant 0 : i32
    %cond3A_6 = arith.cmpi ne, %convert_element_type3A, %cond3A : i32
    scf.if %cond3A_6 {
      "tpu.region"() ({
        %run_scoped3A = tpu.sem_alloc : memref<!tpu.dma_semaphore, #tpu.memory_space<semaphore_mem>>
        %dma_start3A_35 = arith.constant 9984 : i32
        %dma_start3A_36 = arith.constant 0 : i32
        %dma_start3A_37 = tpu.memref_slice %arg17[%dma_start3A_35, %dma_start3A_36] : memref<10000x128xf32, #tpu.memory_space<vmem_shared>> -> memref<16x128xf32, #tpu.memory_space<vmem_shared>>
        %dma_start3A_38 = arith.constant 9984 : i32
        %dma_start3A_39 = arith.constant 0 : i32
        %dma_start3A_40 = tpu.memref_slice %arg5[%dma_start3A_38, %dma_start3A_39] : memref<10000x128xf32, #tpu.memory_space<hbm>> -> memref<16x128xf32, #tpu.memory_space<hbm>>
        tpu.enqueue_dma source(%dma_start3A_40 : memref<16x128xf32, #tpu.memory_space<hbm>>) target(%dma_start3A_37 : memref<16x128xf32, #tpu.memory_space<vmem_shared>>) target_semaphore(%run_scoped3A : memref<!tpu.dma_semaphore, #tpu.memory_space<semaphore_mem>>)
        %dma_wait3A = arith.constant 9984 : i32
        %dma_wait3A_41 = arith.constant 0 : i32
        %dma_wait3A_42 = tpu.memref_slice %arg17[%dma_wait3A, %dma_wait3A_41] : memref<10000x128xf32, #tpu.memory_space<vmem_shared>> -> memref<16x128xf32, #tpu.memory_space<vmem_shared>>
        %dma_wait3A_43 = arith.constant 9984 : i32
        %dma_wait3A_44 = arith.constant 0 : i32
        %dma_wait3A_45 = tpu.memref_slice %arg5[%dma_wait3A_43, %dma_wait3A_44] : memref<10000x128xf32, #tpu.memory_space<hbm>> -> memref<16x128xf32, #tpu.memory_space<hbm>>
        tpu.wait_dma2 semaphore(%run_scoped3A : memref<!tpu.dma_semaphore, #tpu.memory_space<semaphore_mem>>) src(%dma_wait3A_45 : memref<16x128xf32, #tpu.memory_space<hbm>>) dst(%dma_wait3A_42 : memref<16x128xf32, #tpu.memory_space<vmem_shared>>)
        tpu.yield
      }) : () -> ()
    } else {
    }
    %barrier3A = arith.constant 0 : index
    tpu.barrier barrier_id(%barrier3A)
    %add3A_7 = arith.constant 0 : i32
    %add3A_8 = arith.addi %add3A, %add3A_7 : i32
    "tpu.region"() ({
      %run_scoped3A = tpu.sem_alloc : memref<!tpu.dma_semaphore, #tpu.memory_space<semaphore_mem>>
      %dma_start3A_35 = arith.constant 0 : i32
      %dma_start3A_36 = tpu.memref_slice %arg3[%add3A_8, %dma_start3A_35] : memref<2560x128xi32, #tpu.memory_space<hbm>> -> memref<1x128xi32, #tpu.memory_space<hbm>>
      %dma_start3A_37 = tpu.memref_squeeze %dma_start3A_36 : memref<1x128xi32, #tpu.memory_space<hbm>> -> memref<128xi32, #tpu.memory_space<hbm>>
      %dma_start3A_38 = arith.constant 0 : i32
      %dma_start3A_39 = tpu.memref_slice %arg3[%add3A_8, %dma_start3A_38] : memref<2560x128xi32, #tpu.memory_space<hbm>> -> memref<1x128xi32, #tpu.memory_space<hbm>>
      %dma_start3A_40 = tpu.memref_squeeze %dma_start3A_39 : memref<1x128xi32, #tpu.memory_space<hbm>> -> memref<128xi32, #tpu.memory_space<hbm>>
      tpu.enqueue_dma source(%dma_start3A_40 : memref<128xi32, #tpu.memory_space<hbm>>) target(%arg7 : memref<128xi32, #tpu.memory_space<vmem>>) target_semaphore(%run_scoped3A : memref<!tpu.dma_semaphore, #tpu.memory_space<semaphore_mem>>)
      %dma_wait3A = arith.constant 0 : i32
      %dma_wait3A_41 = tpu.memref_slice %arg3[%add3A_8, %dma_wait3A] : memref<2560x128xi32, #tpu.memory_space<hbm>> -> memref<1x128xi32, #tpu.memory_space<hbm>>
      %dma_wait3A_42 = tpu.memref_squeeze %dma_wait3A_41 : memref<1x128xi32, #tpu.memory_space<hbm>> -> memref<128xi32, #tpu.memory_space<hbm>>
      %dma_wait3A_43 = arith.constant 0 : i32
      %dma_wait3A_44 = tpu.memref_slice %arg3[%add3A_8, %dma_wait3A_43] : memref<2560x128xi32, #tpu.memory_space<hbm>> -> memref<1x128xi32, #tpu.memory_space<hbm>>
      %dma_wait3A_45 = tpu.memref_squeeze %dma_wait3A_44 : memref<1x128xi32, #tpu.memory_space<hbm>> -> memref<128xi32, #tpu.memory_space<hbm>>
      tpu.wait_dma2 semaphore(%run_scoped3A : memref<!tpu.dma_semaphore, #tpu.memory_space<semaphore_mem>>) src(%dma_wait3A_45 : memref<128xi32, #tpu.memory_space<hbm>>) dst(%arg7 : memref<128xi32, #tpu.memory_space<vmem>>)
      tpu.yield
    }) : () -> ()
    "tpu.region"() ({
      %run_scoped3A = tpu.sem_alloc : memref<!tpu.dma_semaphore, #tpu.memory_space<semaphore_mem>>
      %dma_start3A_35 = arith.constant 0 : i32
      %dma_start3A_36 = tpu.memref_slice %arg4[%add3A_8, %dma_start3A_35] : memref<2560x128xi32, #tpu.memory_space<hbm>> -> memref<1x128xi32, #tpu.memory_space<hbm>>
      %dma_start3A_37 = tpu.memref_squeeze %dma_start3A_36 : memref<1x128xi32, #tpu.memory_space<hbm>> -> memref<128xi32, #tpu.memory_space<hbm>>
      %dma_start3A_38 = arith.constant 0 : i32
      %dma_start3A_39 = tpu.memref_slice %arg4[%add3A_8, %dma_start3A_38] : memref<2560x128xi32, #tpu.memory_space<hbm>> -> memref<1x128xi32, #tpu.memory_space<hbm>>
      %dma_start3A_40 = tpu.memref_squeeze %dma_start3A_39 : memref<1x128xi32, #tpu.memory_space<hbm>> -> memref<128xi32, #tpu.memory_space<hbm>>
      tpu.enqueue_dma source(%dma_start3A_40 : memref<128xi32, #tpu.memory_space<hbm>>) target(%arg8 : memref<128xi32, #tpu.memory_space<vmem>>) target_semaphore(%run_scoped3A : memref<!tpu.dma_semaphore, #tpu.memory_space<semaphore_mem>>)
      %dma_wait3A = arith.constant 0 : i32
      %dma_wait3A_41 = tpu.memref_slice %arg4[%add3A_8, %dma_wait3A] : memref<2560x128xi32, #tpu.memory_space<hbm>> -> memref<1x128xi32, #tpu.memory_space<hbm>>
      %dma_wait3A_42 = tpu.memref_squeeze %dma_wait3A_41 : memref<1x128xi32, #tpu.memory_space<hbm>> -> memref<128xi32, #tpu.memory_space<hbm>>
      %dma_wait3A_43 = arith.constant 0 : i32
      %dma_wait3A_44 = tpu.memref_slice %arg4[%add3A_8, %dma_wait3A_43] : memref<2560x128xi32, #tpu.memory_space<hbm>> -> memref<1x128xi32, #tpu.memory_space<hbm>>
      %dma_wait3A_45 = tpu.memref_squeeze %dma_wait3A_44 : memref<1x128xi32, #tpu.memory_space<hbm>> -> memref<128xi32, #tpu.memory_space<hbm>>
      tpu.wait_dma2 semaphore(%run_scoped3A : memref<!tpu.dma_semaphore, #tpu.memory_space<semaphore_mem>>) src(%dma_wait3A_45 : memref<128xi32, #tpu.memory_space<hbm>>) dst(%arg8 : memref<128xi32, #tpu.memory_space<vmem>>)
      tpu.yield
    }) : () -> ()
    %dma_start3A = arith.constant 0 : i32
    %dma_start3A_9 = arith.constant 0 : i32
    %dma_start3A_10 = tpu.memref_slice %arg2[%dma_start3A, %dma_start3A_9] : memref<10000x128xf32, #tpu.memory_space<hbm>> -> memref<10000x128xf32, #tpu.memory_space<hbm>>
    tpu.enqueue_indirect_dma source(%dma_start3A_10 : memref<10000x128xf32, #tpu.memory_space<hbm>>) target(%arg11 : memref<128x128xf32, #tpu.memory_space<vmem>>) offsets(%arg7 : memref<128xi32, #tpu.memory_space<vmem>>) semaphore(%arg13 : memref<!tpu.dma_semaphore, #tpu.memory_space<semaphore_mem>>)
    %add3A_11 = arith.constant 32 : i32
    %add3A_12 = arith.addi %add3A, %add3A_11 : i32
    "tpu.region"() ({
      %run_scoped3A = tpu.sem_alloc : memref<!tpu.dma_semaphore, #tpu.memory_space<semaphore_mem>>
      %dma_start3A_35 = arith.constant 0 : i32
      %dma_start3A_36 = tpu.memref_slice %arg3[%add3A_12, %dma_start3A_35] : memref<2560x128xi32, #tpu.memory_space<hbm>> -> memref<1x128xi32, #tpu.memory_space<hbm>>
      %dma_start3A_37 = tpu.memref_squeeze %dma_start3A_36 : memref<1x128xi32, #tpu.memory_space<hbm>> -> memref<128xi32, #tpu.memory_space<hbm>>
      %dma_start3A_38 = arith.constant 0 : i32
      %dma_start3A_39 = tpu.memref_slice %arg3[%add3A_12, %dma_start3A_38] : memref<2560x128xi32, #tpu.memory_space<hbm>> -> memref<1x128xi32, #tpu.memory_space<hbm>>
      %dma_start3A_40 = tpu.memref_squeeze %dma_start3A_39 : memref<1x128xi32, #tpu.memory_space<hbm>> -> memref<128xi32, #tpu.memory_space<hbm>>
      tpu.enqueue_dma source(%dma_start3A_40 : memref<128xi32, #tpu.memory_space<hbm>>) target(%arg9 : memref<128xi32, #tpu.memory_space<vmem>>) target_semaphore(%run_scoped3A : memref<!tpu.dma_semaphore, #tpu.memory_space<semaphore_mem>>)
      %dma_wait3A = arith.constant 0 : i32
      %dma_wait3A_41 = tpu.memref_slice %arg3[%add3A_12, %dma_wait3A] : memref<2560x128xi32, #tpu.memory_space<hbm>> -> memref<1x128xi32, #tpu.memory_space<hbm>>
      %dma_wait3A_42 = tpu.memref_squeeze %dma_wait3A_41 : memref<1x128xi32, #tpu.memory_space<hbm>> -> memref<128xi32, #tpu.memory_space<hbm>>
      %dma_wait3A_43 = arith.constant 0 : i32
      %dma_wait3A_44 = tpu.memref_slice %arg3[%add3A_12, %dma_wait3A_43] : memref<2560x128xi32, #tpu.memory_space<hbm>> -> memref<1x128xi32, #tpu.memory_space<hbm>>
      %dma_wait3A_45 = tpu.memref_squeeze %dma_wait3A_44 : memref<1x128xi32, #tpu.memory_space<hbm>> -> memref<128xi32, #tpu.memory_space<hbm>>
      tpu.wait_dma2 semaphore(%run_scoped3A : memref<!tpu.dma_semaphore, #tpu.memory_space<semaphore_mem>>) src(%dma_wait3A_45 : memref<128xi32, #tpu.memory_space<hbm>>) dst(%arg9 : memref<128xi32, #tpu.memory_space<vmem>>)
      tpu.yield
    }) : () -> ()
    "tpu.region"() ({
      %run_scoped3A = tpu.sem_alloc : memref<!tpu.dma_semaphore, #tpu.memory_space<semaphore_mem>>
      %dma_start3A_35 = arith.constant 0 : i32
      %dma_start3A_36 = tpu.memref_slice %arg4[%add3A_12, %dma_start3A_35] : memref<2560x128xi32, #tpu.memory_space<hbm>> -> memref<1x128xi32, #tpu.memory_space<hbm>>
      %dma_start3A_37 = tpu.memref_squeeze %dma_start3A_36 : memref<1x128xi32, #tpu.memory_space<hbm>> -> memref<128xi32, #tpu.memory_space<hbm>>
      %dma_start3A_38 = arith.constant 0 : i32
      %dma_start3A_39 = tpu.memref_slice %arg4[%add3A_12, %dma_start3A_38] : memref<2560x128xi32, #tpu.memory_space<hbm>> -> memref<1x128xi32, #tpu.memory_space<hbm>>
      %dma_start3A_40 = tpu.memref_squeeze %dma_start3A_39 : memref<1x128xi32, #tpu.memory_space<hbm>> -> memref<128xi32, #tpu.memory_space<hbm>>
      tpu.enqueue_dma source(%dma_start3A_40 : memref<128xi32, #tpu.memory_space<hbm>>) target(%arg10 : memref<128xi32, #tpu.memory_space<vmem>>) target_semaphore(%run_scoped3A : memref<!tpu.dma_semaphore, #tpu.memory_space<semaphore_mem>>)
      %dma_wait3A = arith.constant 0 : i32
      %dma_wait3A_41 = tpu.memref_slice %arg4[%add3A_12, %dma_wait3A] : memref<2560x128xi32, #tpu.memory_space<hbm>> -> memref<1x128xi32, #tpu.memory_space<hbm>>
      %dma_wait3A_42 = tpu.memref_squeeze %dma_wait3A_41 : memref<1x128xi32, #tpu.memory_space<hbm>> -> memref<128xi32, #tpu.memory_space<hbm>>
      %dma_wait3A_43 = arith.constant 0 : i32
      %dma_wait3A_44 = tpu.memref_slice %arg4[%add3A_12, %dma_wait3A_43] : memref<2560x128xi32, #tpu.memory_space<hbm>> -> memref<1x128xi32, #tpu.memory_space<hbm>>
      %dma_wait3A_45 = tpu.memref_squeeze %dma_wait3A_44 : memref<1x128xi32, #tpu.memory_space<hbm>> -> memref<128xi32, #tpu.memory_space<hbm>>
      tpu.wait_dma2 semaphore(%run_scoped3A : memref<!tpu.dma_semaphore, #tpu.memory_space<semaphore_mem>>) src(%dma_wait3A_45 : memref<128xi32, #tpu.memory_space<hbm>>) dst(%arg10 : memref<128xi32, #tpu.memory_space<vmem>>)
      tpu.yield
    }) : () -> ()
    %dma_start3A_13 = arith.constant 0 : i32
    %dma_start3A_14 = arith.constant 0 : i32
    %dma_start3A_15 = tpu.memref_slice %arg2[%dma_start3A_13, %dma_start3A_14] : memref<10000x128xf32, #tpu.memory_space<hbm>> -> memref<10000x128xf32, #tpu.memory_space<hbm>>
    tpu.enqueue_indirect_dma source(%dma_start3A_15 : memref<10000x128xf32, #tpu.memory_space<hbm>>) target(%arg12 : memref<128x128xf32, #tpu.memory_space<vmem>>) offsets(%arg9 : memref<128xi32, #tpu.memory_space<vmem>>) semaphore(%arg14 : memref<!tpu.dma_semaphore, #tpu.memory_space<semaphore_mem>>)
    %scan3A = arith.constant 0 : i32
    %scan3A_16 = arith.constant 0 : i32
    %scan3A_17 = arith.constant 39 : i32
    %scan3A_18 = arith.addi %scan3A_16, %scan3A_17 : i32
    %scan3A_19 = arith.constant 1 : i32
    scf.for %scan3A_35 = %scan3A_16 to %scan3A_18 step %scan3A_19  : i32 {
      %mul3A_36 = arith.constant 2 : i32
      %mul3A_37 = arith.muli %mul3A_36, %scan3A_35 : i32
      %add3A_38 = arith.constant 1 : i32
      %add3A_39 = arith.addi %mul3A_37, %add3A_38 : i32
      %dma_wait3A = arith.constant 0 : i32
      %dma_wait3A_40 = arith.constant 0 : i32
      %dma_wait3A_41 = tpu.memref_slice %arg2[%dma_wait3A, %dma_wait3A_40] : memref<10000x128xf32, #tpu.memory_space<hbm>> -> memref<10000x128xf32, #tpu.memory_space<hbm>>
      tpu.wait_indirect_dma semaphore(%arg13 : memref<!tpu.dma_semaphore, #tpu.memory_space<semaphore_mem>>) src(%dma_wait3A_41 : memref<10000x128xf32, #tpu.memory_space<hbm>>) dst(%arg11 : memref<128x128xf32, #tpu.memory_space<vmem>>)
      %dma_start3A_42 = arith.constant 0 : i32
      %dma_start3A_43 = arith.constant 0 : i32
      %dma_start3A_44 = tpu.memref_slice %arg17[%dma_start3A_42, %dma_start3A_43] : memref<10000x128xf32, #tpu.memory_space<vmem_shared>> -> memref<10000x128xf32, #tpu.memory_space<vmem_shared>>
      tpu.enqueue_indirect_dma source(%arg11 : memref<128x128xf32, #tpu.memory_space<vmem>>) target(%dma_start3A_44 : memref<10000x128xf32, #tpu.memory_space<vmem_shared>>) offsets(%arg8 : memref<128xi32, #tpu.memory_space<vmem>>) semaphore(%arg15 : memref<!tpu.dma_semaphore, #tpu.memory_space<semaphore_mem>>) {add = true}
      %dma_wait3A_45 = arith.constant 0 : i32
      %dma_wait3A_46 = arith.constant 0 : i32
      %dma_wait3A_47 = tpu.memref_slice %arg2[%dma_wait3A_45, %dma_wait3A_46] : memref<10000x128xf32, #tpu.memory_space<hbm>> -> memref<10000x128xf32, #tpu.memory_space<hbm>>
      tpu.wait_indirect_dma semaphore(%arg14 : memref<!tpu.dma_semaphore, #tpu.memory_space<semaphore_mem>>) src(%dma_wait3A_47 : memref<10000x128xf32, #tpu.memory_space<hbm>>) dst(%arg12 : memref<128x128xf32, #tpu.memory_space<vmem>>)
      %dma_start3A_48 = arith.constant 0 : i32
      %dma_start3A_49 = arith.constant 0 : i32
      %dma_start3A_50 = tpu.memref_slice %arg17[%dma_start3A_48, %dma_start3A_49] : memref<10000x128xf32, #tpu.memory_space<vmem_shared>> -> memref<10000x128xf32, #tpu.memory_space<vmem_shared>>
      tpu.enqueue_indirect_dma source(%arg12 : memref<128x128xf32, #tpu.memory_space<vmem>>) target(%dma_start3A_50 : memref<10000x128xf32, #tpu.memory_space<vmem_shared>>) offsets(%arg10 : memref<128xi32, #tpu.memory_space<vmem>>) semaphore(%arg16 : memref<!tpu.dma_semaphore, #tpu.memory_space<semaphore_mem>>) {add = true}
      %lt3A_51 = arith.constant 38 : i32
      %lt3A_52 = arith.cmpi slt, %scan3A_35, %lt3A_51 : i32
      %convert_element_type3A_53 = arith.extui %lt3A_52 : i1 to i32
      %cond3A_54 = arith.constant 0 : i32
      %cond3A_55 = arith.cmpi ne, %convert_element_type3A_53, %cond3A_54 : i32
      scf.if %cond3A_55 {
        %dma_wait3A_61 = arith.constant 0 : i32
        %dma_wait3A_62 = arith.constant 0 : i32
        %dma_wait3A_63 = tpu.memref_slice %arg17[%dma_wait3A_61, %dma_wait3A_62] : memref<10000x128xf32, #tpu.memory_space<vmem_shared>> -> memref<10000x128xf32, #tpu.memory_space<vmem_shared>>
        tpu.wait_indirect_dma semaphore(%arg15 : memref<!tpu.dma_semaphore, #tpu.memory_space<semaphore_mem>>) src(%arg11 : memref<128x128xf32, #tpu.memory_space<vmem>>) dst(%dma_wait3A_63 : memref<10000x128xf32, #tpu.memory_space<vmem_shared>>)
        %add3A_64 = arith.constant 2 : i32
        %add3A_65 = arith.addi %mul3A_37, %add3A_64 : i32
        %mul3A_66 = arith.constant 32 : i32
        %mul3A_67 = arith.muli %add3A_65, %mul3A_66 : i32
        %add3A_68 = arith.addi %add3A, %mul3A_67 : i32
        "tpu.region"() ({
          %run_scoped3A = tpu.sem_alloc : memref<!tpu.dma_semaphore, #tpu.memory_space<semaphore_mem>>
          %dma_start3A_83 = arith.constant 0 : i32
          %dma_start3A_84 = tpu.memref_slice %arg3[%add3A_68, %dma_start3A_83] : memref<2560x128xi32, #tpu.memory_space<hbm>> -> memref<1x128xi32, #tpu.memory_space<hbm>>
          %dma_start3A_85 = tpu.memref_squeeze %dma_start3A_84 : memref<1x128xi32, #tpu.memory_space<hbm>> -> memref<128xi32, #tpu.memory_space<hbm>>
          %dma_start3A_86 = arith.constant 0 : i32
          %dma_start3A_87 = tpu.memref_slice %arg3[%add3A_68, %dma_start3A_86] : memref<2560x128xi32, #tpu.memory_space<hbm>> -> memref<1x128xi32, #tpu.memory_space<hbm>>
          %dma_start3A_88 = tpu.memref_squeeze %dma_start3A_87 : memref<1x128xi32, #tpu.memory_space<hbm>> -> memref<128xi32, #tpu.memory_space<hbm>>
          tpu.enqueue_dma source(%dma_start3A_88 : memref<128xi32, #tpu.memory_space<hbm>>) target(%arg7 : memref<128xi32, #tpu.memory_space<vmem>>) target_semaphore(%run_scoped3A : memref<!tpu.dma_semaphore, #tpu.memory_space<semaphore_mem>>)
          %dma_wait3A_89 = arith.constant 0 : i32
          %dma_wait3A_90 = tpu.memref_slice %arg3[%add3A_68, %dma_wait3A_89] : memref<2560x128xi32, #tpu.memory_space<hbm>> -> memref<1x128xi32, #tpu.memory_space<hbm>>
          %dma_wait3A_91 = tpu.memref_squeeze %dma_wait3A_90 : memref<1x128xi32, #tpu.memory_space<hbm>> -> memref<128xi32, #tpu.memory_space<hbm>>
          %dma_wait3A_92 = arith.constant 0 : i32
          %dma_wait3A_93 = tpu.memref_slice %arg3[%add3A_68, %dma_wait3A_92] : memref<2560x128xi32, #tpu.memory_space<hbm>> -> memref<1x128xi32, #tpu.memory_space<hbm>>
          %dma_wait3A_94 = tpu.memref_squeeze %dma_wait3A_93 : memref<1x128xi32, #tpu.memory_space<hbm>> -> memref<128xi32, #tpu.memory_space<hbm>>
          tpu.wait_dma2 semaphore(%run_scoped3A : memref<!tpu.dma_semaphore, #tpu.memory_space<semaphore_mem>>) src(%dma_wait3A_94 : memref<128xi32, #tpu.memory_space<hbm>>) dst(%arg7 : memref<128xi32, #tpu.memory_space<vmem>>)
          tpu.yield
        }) : () -> ()
        "tpu.region"() ({
          %run_scoped3A = tpu.sem_alloc : memref<!tpu.dma_semaphore, #tpu.memory_space<semaphore_mem>>
          %dma_start3A_83 = arith.constant 0 : i32
          %dma_start3A_84 = tpu.memref_slice %arg4[%add3A_68, %dma_start3A_83] : memref<2560x128xi32, #tpu.memory_space<hbm>> -> memref<1x128xi32, #tpu.memory_space<hbm>>
          %dma_start3A_85 = tpu.memref_squeeze %dma_start3A_84 : memref<1x128xi32, #tpu.memory_space<hbm>> -> memref<128xi32, #tpu.memory_space<hbm>>
          %dma_start3A_86 = arith.constant 0 : i32
          %dma_start3A_87 = tpu.memref_slice %arg4[%add3A_68, %dma_start3A_86] : memref<2560x128xi32, #tpu.memory_space<hbm>> -> memref<1x128xi32, #tpu.memory_space<hbm>>
          %dma_start3A_88 = tpu.memref_squeeze %dma_start3A_87 : memref<1x128xi32, #tpu.memory_space<hbm>> -> memref<128xi32, #tpu.memory_space<hbm>>
          tpu.enqueue_dma source(%dma_start3A_88 : memref<128xi32, #tpu.memory_space<hbm>>) target(%arg8 : memref<128xi32, #tpu.memory_space<vmem>>) target_semaphore(%run_scoped3A : memref<!tpu.dma_semaphore, #tpu.memory_space<semaphore_mem>>)
          %dma_wait3A_89 = arith.constant 0 : i32
          %dma_wait3A_90 = tpu.memref_slice %arg4[%add3A_68, %dma_wait3A_89] : memref<2560x128xi32, #tpu.memory_space<hbm>> -> memref<1x128xi32, #tpu.memory_space<hbm>>
          %dma_wait3A_91 = tpu.memref_squeeze %dma_wait3A_90 : memref<1x128xi32, #tpu.memory_space<hbm>> -> memref<128xi32, #tpu.memory_space<hbm>>
          %dma_wait3A_92 = arith.constant 0 : i32
          %dma_wait3A_93 = tpu.memref_slice %arg4[%add3A_68, %dma_wait3A_92] : memref<2560x128xi32, #tpu.memory_space<hbm>> -> memref<1x128xi32, #tpu.memory_space<hbm>>
          %dma_wait3A_94 = tpu.memref_squeeze %dma_wait3A_93 : memref<1x128xi32, #tpu.memory_space<hbm>> -> memref<128xi32, #tpu.memory_space<hbm>>
          tpu.wait_dma2 semaphore(%run_scoped3A : memref<!tpu.dma_semaphore, #tpu.memory_space<semaphore_mem>>) src(%dma_wait3A_94 : memref<128xi32, #tpu.memory_space<hbm>>) dst(%arg8 : memref<128xi32, #tpu.memory_space<vmem>>)
          tpu.yield
        }) : () -> ()
        %dma_start3A_69 = arith.constant 0 : i32
        %dma_start3A_70 = arith.constant 0 : i32
        %dma_start3A_71 = tpu.memref_slice %arg2[%dma_start3A_69, %dma_start3A_70] : memref<10000x128xf32, #tpu.memory_space<hbm>> -> memref<10000x128xf32, #tpu.memory_space<hbm>>
        tpu.enqueue_indirect_dma source(%dma_start3A_71 : memref<10000x128xf32, #tpu.memory_space<hbm>>) target(%arg11 : memref<128x128xf32, #tpu.memory_space<vmem>>) offsets(%arg7 : memref<128xi32, #tpu.memory_space<vmem>>) semaphore(%arg13 : memref<!tpu.dma_semaphore, #tpu.memory_space<semaphore_mem>>)
        %dma_wait3A_72 = arith.constant 0 : i32
        %dma_wait3A_73 = arith.constant 0 : i32
        %dma_wait3A_74 = tpu.memref_slice %arg17[%dma_wait3A_72, %dma_wait3A_73] : memref<10000x128xf32, #tpu.memory_space<vmem_shared>> -> memref<10000x128xf32, #tpu.memory_space<vmem_shared>>
        tpu.wait_indirect_dma semaphore(%arg16 : memref<!tpu.dma_semaphore, #tpu.memory_space<semaphore_mem>>) src(%arg12 : memref<128x128xf32, #tpu.memory_space<vmem>>) dst(%dma_wait3A_74 : memref<10000x128xf32, #tpu.memory_space<vmem_shared>>)
        %add3A_75 = arith.constant 2 : i32
        %add3A_76 = arith.addi %add3A_39, %add3A_75 : i32
        %mul3A_77 = arith.constant 32 : i32
        %mul3A_78 = arith.muli %add3A_76, %mul3A_77 : i32
        %add3A_79 = arith.addi %add3A, %mul3A_78 : i32
        "tpu.region"() ({
          %run_scoped3A = tpu.sem_alloc : memref<!tpu.dma_semaphore, #tpu.memory_space<semaphore_mem>>
          %dma_start3A_83 = arith.constant 0 : i32
          %dma_start3A_84 = tpu.memref_slice %arg3[%add3A_79, %dma_start3A_83] : memref<2560x128xi32, #tpu.memory_space<hbm>> -> memref<1x128xi32, #tpu.memory_space<hbm>>
          %dma_start3A_85 = tpu.memref_squeeze %dma_start3A_84 : memref<1x128xi32, #tpu.memory_space<hbm>> -> memref<128xi32, #tpu.memory_space<hbm>>
          %dma_start3A_86 = arith.constant 0 : i32
          %dma_start3A_87 = tpu.memref_slice %arg3[%add3A_79, %dma_start3A_86] : memref<2560x128xi32, #tpu.memory_space<hbm>> -> memref<1x128xi32, #tpu.memory_space<hbm>>
          %dma_start3A_88 = tpu.memref_squeeze %dma_start3A_87 : memref<1x128xi32, #tpu.memory_space<hbm>> -> memref<128xi32, #tpu.memory_space<hbm>>
          tpu.enqueue_dma source(%dma_start3A_88 : memref<128xi32, #tpu.memory_space<hbm>>) target(%arg9 : memref<128xi32, #tpu.memory_space<vmem>>) target_semaphore(%run_scoped3A : memref<!tpu.dma_semaphore, #tpu.memory_space<semaphore_mem>>)
          %dma_wait3A_89 = arith.constant 0 : i32
          %dma_wait3A_90 = tpu.memref_slice %arg3[%add3A_79, %dma_wait3A_89] : memref<2560x128xi32, #tpu.memory_space<hbm>> -> memref<1x128xi32, #tpu.memory_space<hbm>>
          %dma_wait3A_91 = tpu.memref_squeeze %dma_wait3A_90 : memref<1x128xi32, #tpu.memory_space<hbm>> -> memref<128xi32, #tpu.memory_space<hbm>>
          %dma_wait3A_92 = arith.constant 0 : i32
          %dma_wait3A_93 = tpu.memref_slice %arg3[%add3A_79, %dma_wait3A_92] : memref<2560x128xi32, #tpu.memory_space<hbm>> -> memref<1x128xi32, #tpu.memory_space<hbm>>
          %dma_wait3A_94 = tpu.memref_squeeze %dma_wait3A_93 : memref<1x128xi32, #tpu.memory_space<hbm>> -> memref<128xi32, #tpu.memory_space<hbm>>
          tpu.wait_dma2 semaphore(%run_scoped3A : memref<!tpu.dma_semaphore, #tpu.memory_space<semaphore_mem>>) src(%dma_wait3A_94 : memref<128xi32, #tpu.memory_space<hbm>>) dst(%arg9 : memref<128xi32, #tpu.memory_space<vmem>>)
          tpu.yield
        }) : () -> ()
        "tpu.region"() ({
          %run_scoped3A = tpu.sem_alloc : memref<!tpu.dma_semaphore, #tpu.memory_space<semaphore_mem>>
          %dma_start3A_83 = arith.constant 0 : i32
          %dma_start3A_84 = tpu.memref_slice %arg4[%add3A_79, %dma_start3A_83] : memref<2560x128xi32, #tpu.memory_space<hbm>> -> memref<1x128xi32, #tpu.memory_space<hbm>>
          %dma_start3A_85 = tpu.memref_squeeze %dma_start3A_84 : memref<1x128xi32, #tpu.memory_space<hbm>> -> memref<128xi32, #tpu.memory_space<hbm>>
          %dma_start3A_86 = arith.constant 0 : i32
          %dma_start3A_87 = tpu.memref_slice %arg4[%add3A_79, %dma_start3A_86] : memref<2560x128xi32, #tpu.memory_space<hbm>> -> memref<1x128xi32, #tpu.memory_space<hbm>>
          %dma_start3A_88 = tpu.memref_squeeze %dma_start3A_87 : memref<1x128xi32, #tpu.memory_space<hbm>> -> memref<128xi32, #tpu.memory_space<hbm>>
          tpu.enqueue_dma source(%dma_start3A_88 : memref<128xi32, #tpu.memory_space<hbm>>) target(%arg10 : memref<128xi32, #tpu.memory_space<vmem>>) target_semaphore(%run_scoped3A : memref<!tpu.dma_semaphore, #tpu.memory_space<semaphore_mem>>)
          %dma_wait3A_89 = arith.constant 0 : i32
          %dma_wait3A_90 = tpu.memref_slice %arg4[%add3A_79, %dma_wait3A_89] : memref<2560x128xi32, #tpu.memory_space<hbm>> -> memref<1x128xi32, #tpu.memory_space<hbm>>
          %dma_wait3A_91 = tpu.memref_squeeze %dma_wait3A_90 : memref<1x128xi32, #tpu.memory_space<hbm>> -> memref<128xi32, #tpu.memory_space<hbm>>
          %dma_wait3A_92 = arith.constant 0 : i32
          %dma_wait3A_93 = tpu.memref_slice %arg4[%add3A_79, %dma_wait3A_92] : memref<2560x128xi32, #tpu.memory_space<hbm>> -> memref<1x128xi32, #tpu.memory_space<hbm>>
          %dma_wait3A_94 = tpu.memref_squeeze %dma_wait3A_93 : memref<1x128xi32, #tpu.memory_space<hbm>> -> memref<128xi32, #tpu.memory_space<hbm>>
          tpu.wait_dma2 semaphore(%run_scoped3A : memref<!tpu.dma_semaphore, #tpu.memory_space<semaphore_mem>>) src(%dma_wait3A_94 : memref<128xi32, #tpu.memory_space<hbm>>) dst(%arg10 : memref<128xi32, #tpu.memory_space<vmem>>)
          tpu.yield
        }) : () -> ()
        %dma_start3A_80 = arith.constant 0 : i32
        %dma_start3A_81 = arith.constant 0 : i32
        %dma_start3A_82 = tpu.memref_slice %arg2[%dma_start3A_80, %dma_start3A_81] : memref<10000x128xf32, #tpu.memory_space<hbm>> -> memref<10000x128xf32, #tpu.memory_space<hbm>>
        tpu.enqueue_indirect_dma source(%dma_start3A_82 : memref<10000x128xf32, #tpu.memory_space<hbm>>) target(%arg12 : memref<128x128xf32, #tpu.memory_space<vmem>>) offsets(%arg9 : memref<128xi32, #tpu.memory_space<vmem>>) semaphore(%arg14 : memref<!tpu.dma_semaphore, #tpu.memory_space<semaphore_mem>>)
      } else {
      }
      %eq3A_56 = arith.constant 38 : i32
      %eq3A_57 = arith.cmpi eq, %scan3A_35, %eq3A_56 : i32
      %convert_element_type3A_58 = arith.extui %eq3A_57 : i1 to i32
      %cond3A_59 = arith.constant 0 : i32
      %cond3A_60 = arith.cmpi ne, %convert_element_type3A_58, %cond3A_59 : i32
      scf.if %cond3A_60 {
        %dma_wait3A_61 = arith.constant 0 : i32
        %dma_wait3A_62 = arith.constant 0 : i32
        %dma_wait3A_63 = tpu.memref_slice %arg17[%dma_wait3A_61, %dma_wait3A_62] : memref<10000x128xf32, #tpu.memory_space<vmem_shared>> -> memref<10000x128xf32, #tpu.memory_space<vmem_shared>>
        tpu.wait_indirect_dma semaphore(%arg15 : memref<!tpu.dma_semaphore, #tpu.memory_space<semaphore_mem>>) src(%arg11 : memref<128x128xf32, #tpu.memory_space<vmem>>) dst(%dma_wait3A_63 : memref<10000x128xf32, #tpu.memory_space<vmem_shared>>)
        %dma_wait3A_64 = arith.constant 0 : i32
        %dma_wait3A_65 = arith.constant 0 : i32
        %dma_wait3A_66 = tpu.memref_slice %arg17[%dma_wait3A_64, %dma_wait3A_65] : memref<10000x128xf32, #tpu.memory_space<vmem_shared>> -> memref<10000x128xf32, #tpu.memory_space<vmem_shared>>
        tpu.wait_indirect_dma semaphore(%arg16 : memref<!tpu.dma_semaphore, #tpu.memory_space<semaphore_mem>>) src(%arg12 : memref<128x128xf32, #tpu.memory_space<vmem>>) dst(%dma_wait3A_66 : memref<10000x128xf32, #tpu.memory_space<vmem_shared>>)
      } else {
      }
    }
    %scan3A_20 = arith.constant 39 : i32
    %lt3A = arith.constant 4 : i32
    %lt3A_21 = arith.cmpi slt, %add3A, %lt3A : i32
    %convert_element_type3A_22 = arith.extui %lt3A_21 : i1 to i32
    %cond3A_23 = arith.constant 0 : i32
    %cond3A_24 = arith.cmpi ne, %convert_element_type3A_22, %cond3A_23 : i32
    scf.if %cond3A_24 {
      %add3A_35 = arith.constant 2496 : i32
      %add3A_36 = arith.addi %add3A, %add3A_35 : i32
      "tpu.region"() ({
        %run_scoped3A = tpu.sem_alloc : memref<!tpu.dma_semaphore, #tpu.memory_space<semaphore_mem>>
        %dma_start3A_42 = arith.constant 0 : i32
        %dma_start3A_43 = tpu.memref_slice %arg3[%add3A_36, %dma_start3A_42] : memref<2560x128xi32, #tpu.memory_space<hbm>> -> memref<1x128xi32, #tpu.memory_space<hbm>>
        %dma_start3A_44 = tpu.memref_squeeze %dma_start3A_43 : memref<1x128xi32, #tpu.memory_space<hbm>> -> memref<128xi32, #tpu.memory_space<hbm>>
        %dma_start3A_45 = arith.constant 0 : i32
        %dma_start3A_46 = tpu.memref_slice %arg3[%add3A_36, %dma_start3A_45] : memref<2560x128xi32, #tpu.memory_space<hbm>> -> memref<1x128xi32, #tpu.memory_space<hbm>>
        %dma_start3A_47 = tpu.memref_squeeze %dma_start3A_46 : memref<1x128xi32, #tpu.memory_space<hbm>> -> memref<128xi32, #tpu.memory_space<hbm>>
        tpu.enqueue_dma source(%dma_start3A_47 : memref<128xi32, #tpu.memory_space<hbm>>) target(%arg7 : memref<128xi32, #tpu.memory_space<vmem>>) target_semaphore(%run_scoped3A : memref<!tpu.dma_semaphore, #tpu.memory_space<semaphore_mem>>)
        %dma_wait3A_48 = arith.constant 0 : i32
        %dma_wait3A_49 = tpu.memref_slice %arg3[%add3A_36, %dma_wait3A_48] : memref<2560x128xi32, #tpu.memory_space<hbm>> -> memref<1x128xi32, #tpu.memory_space<hbm>>
        %dma_wait3A_50 = tpu.memref_squeeze %dma_wait3A_49 : memref<1x128xi32, #tpu.memory_space<hbm>> -> memref<128xi32, #tpu.memory_space<hbm>>
        %dma_wait3A_51 = arith.constant 0 : i32
        %dma_wait3A_52 = tpu.memref_slice %arg3[%add3A_36, %dma_wait3A_51] : memref<2560x128xi32, #tpu.memory_space<hbm>> -> memref<1x128xi32, #tpu.memory_space<hbm>>
        %dma_wait3A_53 = tpu.memref_squeeze %dma_wait3A_52 : memref<1x128xi32, #tpu.memory_space<hbm>> -> memref<128xi32, #tpu.memory_space<hbm>>
        tpu.wait_dma2 semaphore(%run_scoped3A : memref<!tpu.dma_semaphore, #tpu.memory_space<semaphore_mem>>) src(%dma_wait3A_53 : memref<128xi32, #tpu.memory_space<hbm>>) dst(%arg7 : memref<128xi32, #tpu.memory_space<vmem>>)
        tpu.yield
      }) : () -> ()
      "tpu.region"() ({
        %run_scoped3A = tpu.sem_alloc : memref<!tpu.dma_semaphore, #tpu.memory_space<semaphore_mem>>
        %dma_start3A_42 = arith.constant 0 : i32
        %dma_start3A_43 = tpu.memref_slice %arg4[%add3A_36, %dma_start3A_42] : memref<2560x128xi32, #tpu.memory_space<hbm>> -> memref<1x128xi32, #tpu.memory_space<hbm>>
        %dma_start3A_44 = tpu.memref_squeeze %dma_start3A_43 : memref<1x128xi32, #tpu.memory_space<hbm>> -> memref<128xi32, #tpu.memory_space<hbm>>
        %dma_start3A_45 = arith.constant 0 : i32
        %dma_start3A_46 = tpu.memref_slice %arg4[%add3A_36, %dma_start3A_45] : memref<2560x128xi32, #tpu.memory_space<hbm>> -> memref<1x128xi32, #tpu.memory_space<hbm>>
        %dma_start3A_47 = tpu.memref_squeeze %dma_start3A_46 : memref<1x128xi32, #tpu.memory_space<hbm>> -> memref<128xi32, #tpu.memory_space<hbm>>
        tpu.enqueue_dma source(%dma_start3A_47 : memref<128xi32, #tpu.memory_space<hbm>>) target(%arg8 : memref<128xi32, #tpu.memory_space<vmem>>) target_semaphore(%run_scoped3A : memref<!tpu.dma_semaphore, #tpu.memory_space<semaphore_mem>>)
        %dma_wait3A_48 = arith.constant 0 : i32
        %dma_wait3A_49 = tpu.memref_slice %arg4[%add3A_36, %dma_wait3A_48] : memref<2560x128xi32, #tpu.memory_space<hbm>> -> memref<1x128xi32, #tpu.memory_space<hbm>>
        %dma_wait3A_50 = tpu.memref_squeeze %dma_wait3A_49 : memref<1x128xi32, #tpu.memory_space<hbm>> -> memref<128xi32, #tpu.memory_space<hbm>>
        %dma_wait3A_51 = arith.constant 0 : i32
        %dma_wait3A_52 = tpu.memref_slice %arg4[%add3A_36, %dma_wait3A_51] : memref<2560x128xi32, #tpu.memory_space<hbm>> -> memref<1x128xi32, #tpu.memory_space<hbm>>
        %dma_wait3A_53 = tpu.memref_squeeze %dma_wait3A_52 : memref<1x128xi32, #tpu.memory_space<hbm>> -> memref<128xi32, #tpu.memory_space<hbm>>
        tpu.wait_dma2 semaphore(%run_scoped3A : memref<!tpu.dma_semaphore, #tpu.memory_space<semaphore_mem>>) src(%dma_wait3A_53 : memref<128xi32, #tpu.memory_space<hbm>>) dst(%arg8 : memref<128xi32, #tpu.memory_space<vmem>>)
        tpu.yield
      }) : () -> ()
      %dma_start3A_37 = arith.constant 0 : i32
      %dma_start3A_38 = arith.constant 0 : i32
      %dma_start3A_39 = tpu.memref_slice %arg2[%dma_start3A_37, %dma_start3A_38] : memref<10000x128xf32, #tpu.memory_space<hbm>> -> memref<10000x128xf32, #tpu.memory_space<hbm>>
      tpu.enqueue_indirect_dma source(%dma_start3A_39 : memref<10000x128xf32, #tpu.memory_space<hbm>>) target(%arg11 : memref<128x128xf32, #tpu.memory_space<vmem>>) offsets(%arg7 : memref<128xi32, #tpu.memory_space<vmem>>) semaphore(%arg13 : memref<!tpu.dma_semaphore, #tpu.memory_space<semaphore_mem>>)
      %dma_wait3A = arith.constant 0 : i32
      %dma_wait3A_40 = arith.constant 0 : i32
      %dma_wait3A_41 = tpu.memref_slice %arg2[%dma_wait3A, %dma_wait3A_40] : memref<10000x128xf32, #tpu.memory_space<hbm>> -> memref<10000x128xf32, #tpu.memory_space<hbm>>
      tpu.wait_indirect_dma semaphore(%arg13 : memref<!tpu.dma_semaphore, #tpu.memory_space<semaphore_mem>>) src(%dma_wait3A_41 : memref<10000x128xf32, #tpu.memory_space<hbm>>) dst(%arg11 : memref<128x128xf32, #tpu.memory_space<vmem>>)
      "tpu.region"() ({
        %run_scoped3A = tpu.sem_alloc : memref<!tpu.dma_semaphore, #tpu.memory_space<semaphore_mem>>
        %dma_start3A_42 = arith.constant 0 : i32
        %dma_start3A_43 = arith.constant 0 : i32
        %dma_start3A_44 = tpu.memref_slice %arg17[%dma_start3A_42, %dma_start3A_43] : memref<10000x128xf32, #tpu.memory_space<vmem_shared>> -> memref<10000x128xf32, #tpu.memory_space<vmem_shared>>
        tpu.enqueue_indirect_dma source(%arg11 : memref<128x128xf32, #tpu.memory_space<vmem>>) target(%dma_start3A_44 : memref<10000x128xf32, #tpu.memory_space<vmem_shared>>) offsets(%arg8 : memref<128xi32, #tpu.memory_space<vmem>>) semaphore(%run_scoped3A : memref<!tpu.dma_semaphore, #tpu.memory_space<semaphore_mem>>) {add = true}
        %dma_wait3A_45 = arith.constant 0 : i32
        %dma_wait3A_46 = arith.constant 0 : i32
        %dma_wait3A_47 = tpu.memref_slice %arg17[%dma_wait3A_45, %dma_wait3A_46] : memref<10000x128xf32, #tpu.memory_space<vmem_shared>> -> memref<10000x128xf32, #tpu.memory_space<vmem_shared>>
        tpu.wait_indirect_dma semaphore(%run_scoped3A : memref<!tpu.dma_semaphore, #tpu.memory_space<semaphore_mem>>) src(%arg11 : memref<128x128xf32, #tpu.memory_space<vmem>>) dst(%dma_wait3A_47 : memref<10000x128xf32, #tpu.memory_space<vmem_shared>>)
        tpu.yield
      }) : () -> ()
    } else {
    }
    %barrier3A_25 = arith.constant 0 : index
    tpu.barrier barrier_id(%barrier3A_25)
    %mul3A_26 = arith.constant 624 : i32
    %mul3A_27 = arith.muli %arg1, %mul3A_26 : i32
    %mul3A_28 = arith.constant 624 : i32
    %mul3A_29 = arith.muli %arg1, %mul3A_28 : i32
    "tpu.region"() ({
      %run_scoped3A = tpu.sem_alloc : memref<!tpu.dma_semaphore, #tpu.memory_space<semaphore_mem>>
      %dma_start3A_35 = arith.constant 0 : i32
      %dma_start3A_36 = tpu.memref_slice %arg6[%arg0, %mul3A_29, %dma_start3A_35] : memref<2x10000x128xf32, #tpu.memory_space<hbm>> -> memref<1x624x128xf32, #tpu.memory_space<hbm>>
      %dma_start3A_37 = tpu.memref_squeeze %dma_start3A_36 : memref<1x624x128xf32, #tpu.memory_space<hbm>> -> memref<624x128xf32, #tpu.memory_space<hbm>>
      %dma_start3A_38 = arith.constant 0 : i32
      %dma_start3A_39 = tpu.memref_slice %arg17[%mul3A_27, %dma_start3A_38] : memref<10000x128xf32, #tpu.memory_space<vmem_shared>> -> memref<624x128xf32, #tpu.memory_space<vmem_shared>>
      tpu.enqueue_dma source(%dma_start3A_39 : memref<624x128xf32, #tpu.memory_space<vmem_shared>>) target(%dma_start3A_37 : memref<624x128xf32, #tpu.memory_space<hbm>>) target_semaphore(%run_scoped3A : memref<!tpu.dma_semaphore, #tpu.memory_space<semaphore_mem>>)
      %dma_wait3A = arith.constant 0 : i32
      %dma_wait3A_40 = tpu.memref_slice %arg6[%arg0, %mul3A_29, %dma_wait3A] : memref<2x10000x128xf32, #tpu.memory_space<hbm>> -> memref<1x624x128xf32, #tpu.memory_space<hbm>>
      %dma_wait3A_41 = tpu.memref_squeeze %dma_wait3A_40 : memref<1x624x128xf32, #tpu.memory_space<hbm>> -> memref<624x128xf32, #tpu.memory_space<hbm>>
      %dma_wait3A_42 = arith.constant 0 : i32
      %dma_wait3A_43 = tpu.memref_slice %arg17[%mul3A_27, %dma_wait3A_42] : memref<10000x128xf32, #tpu.memory_space<vmem_shared>> -> memref<624x128xf32, #tpu.memory_space<vmem_shared>>
      tpu.wait_dma2 semaphore(%run_scoped3A : memref<!tpu.dma_semaphore, #tpu.memory_space<semaphore_mem>>) src(%dma_wait3A_43 : memref<624x128xf32, #tpu.memory_space<vmem_shared>>) dst(%dma_wait3A_41 : memref<624x128xf32, #tpu.memory_space<hbm>>)
      tpu.yield
    }) : () -> ()
    %eq3A_30 = arith.constant 0 : i32
    %eq3A_31 = arith.cmpi eq, %arg1, %eq3A_30 : i32
    %convert_element_type3A_32 = arith.extui %eq3A_31 : i1 to i32
    %cond3A_33 = arith.constant 0 : i32
    %cond3A_34 = arith.cmpi ne, %convert_element_type3A_32, %cond3A_33 : i32
    scf.if %cond3A_34 {
      "tpu.region"() ({
        %run_scoped3A = tpu.sem_alloc : memref<!tpu.dma_semaphore, #tpu.memory_space<semaphore_mem>>
        %dma_start3A_35 = arith.constant 9984 : i32
        %dma_start3A_36 = arith.constant 0 : i32
        %dma_start3A_37 = tpu.memref_slice %arg6[%arg0, %dma_start3A_35, %dma_start3A_36] : memref<2x10000x128xf32, #tpu.memory_space<hbm>> -> memref<1x16x128xf32, #tpu.memory_space<hbm>>
        %dma_start3A_38 = tpu.memref_squeeze %dma_start3A_37 : memref<1x16x128xf32, #tpu.memory_space<hbm>> -> memref<16x128xf32, #tpu.memory_space<hbm>>
        %dma_start3A_39 = arith.constant 9984 : i32
        %dma_start3A_40 = arith.constant 0 : i32
        %dma_start3A_41 = tpu.memref_slice %arg17[%dma_start3A_39, %dma_start3A_40] : memref<10000x128xf32, #tpu.memory_space<vmem_shared>> -> memref<16x128xf32, #tpu.memory_space<vmem_shared>>
        tpu.enqueue_dma source(%dma_start3A_41 : memref<16x128xf32, #tpu.memory_space<vmem_shared>>) target(%dma_start3A_38 : memref<16x128xf32, #tpu.memory_space<hbm>>) target_semaphore(%run_scoped3A : memref<!tpu.dma_semaphore, #tpu.memory_space<semaphore_mem>>)
        %dma_wait3A = arith.constant 9984 : i32
        %dma_wait3A_42 = arith.constant 0 : i32
        %dma_wait3A_43 = tpu.memref_slice %arg6[%arg0, %dma_wait3A, %dma_wait3A_42] : memref<2x10000x128xf32, #tpu.memory_space<hbm>> -> memref<1x16x128xf32, #tpu.memory_space<hbm>>
        %dma_wait3A_44 = tpu.memref_squeeze %dma_wait3A_43 : memref<1x16x128xf32, #tpu.memory_space<hbm>> -> memref<16x128xf32, #tpu.memory_space<hbm>>
        %dma_wait3A_45 = arith.constant 9984 : i32
        %dma_wait3A_46 = arith.constant 0 : i32
        %dma_wait3A_47 = tpu.memref_slice %arg17[%dma_wait3A_45, %dma_wait3A_46] : memref<10000x128xf32, #tpu.memory_space<vmem_shared>> -> memref<16x128xf32, #tpu.memory_space<vmem_shared>>
        tpu.wait_dma2 semaphore(%run_scoped3A : memref<!tpu.dma_semaphore, #tpu.memory_space<semaphore_mem>>) src(%dma_wait3A_47 : memref<16x128xf32, #tpu.memory_space<vmem_shared>>) dst(%dma_wait3A_44 : memref<16x128xf32, #tpu.memory_space<hbm>>)
        tpu.yield
      }) : () -> ()
    } else {
    }
    return
  }
}

#map = affine_map<(d0, d1) -> (0, 0)>
#map1 = affine_map<(d0, d1) -> (0, 0, 0)>
module attributes {stable_mosaic.version = 14 : i64} {
  func.func @_sc_agg_body(%arg0: i32, %arg1: i32, %arg2: memref<10000x128xf32, #tpu.memory_space<hbm>>, %arg3: memref<2560x128xi32, #tpu.memory_space<hbm>>, %arg4: memref<2560x128xi32, #tpu.memory_space<hbm>>, %arg5: memref<10000x128xf32, #tpu.memory_space<hbm>>, %arg6: memref<2x10000x128xf32, #tpu.memory_space<hbm>>, %arg7: memref<128xi32, #tpu.memory_space<vmem>>, %arg8: memref<128xi32, #tpu.memory_space<vmem>>, %arg9: memref<128xi32, #tpu.memory_space<vmem>>, %arg10: memref<128xi32, #tpu.memory_space<vmem>>, %arg11: memref<128x128xf32, #tpu.memory_space<vmem>>, %arg12: memref<128x128xf32, #tpu.memory_space<vmem>>, %arg13: memref<!tpu.dma_semaphore, #tpu.memory_space<semaphore_mem>>, %arg14: memref<!tpu.dma_semaphore, #tpu.memory_space<semaphore_mem>>, %arg15: memref<!tpu.dma_semaphore, #tpu.memory_space<semaphore_mem>>, %arg16: memref<!tpu.dma_semaphore, #tpu.memory_space<semaphore_mem>>, %arg17: memref<10000x128xf32, #tpu.memory_space<vmem_shared>>) attributes {dimension_semantics = [#tpu.dimension_semantics<core_parallel>, #tpu.dimension_semantics<subcore_parallel>], iteration_bounds = array<i64: 2, 16>, scalar_prefetch = 0 : i64, scratch_operands = 11 : i64, tpu.core_type = #tpu.core_type<sc_vector_subcore>, window_params = [{transform_indices = #map}, {transform_indices = #map}, {transform_indices = #map}, {transform_indices = #map}, {transform_indices = #map1}]} {
    %mul3A = arith.constant 2 : i32
    %mul3A_0 = arith.muli %arg1, %mul3A : i32
    %add3A = arith.addi %mul3A_0, %arg0 : i32
    %mul3A_1 = arith.constant 624 : i32
    %mul3A_2 = arith.muli %arg1, %mul3A_1 : i32
    %mul3A_3 = arith.constant 624 : i32
    %mul3A_4 = arith.muli %arg1, %mul3A_3 : i32
    "tpu.region"() ({
      %run_scoped3A = tpu.sem_alloc : memref<!tpu.dma_semaphore, #tpu.memory_space<semaphore_mem>>
      %dma_start3A_35 = arith.constant 0 : i32
      %dma_start3A_36 = tpu.memref_slice %arg17[%mul3A_4, %dma_start3A_35] : memref<10000x128xf32, #tpu.memory_space<vmem_shared>> -> memref<624x128xf32, #tpu.memory_space<vmem_shared>>
      %dma_start3A_37 = arith.constant 0 : i32
      %dma_start3A_38 = tpu.memref_slice %arg5[%mul3A_2, %dma_start3A_37] : memref<10000x128xf32, #tpu.memory_space<hbm>> -> memref<624x128xf32, #tpu.memory_space<hbm>>
      tpu.enqueue_dma source(%dma_start3A_38 : memref<624x128xf32, #tpu.memory_space<hbm>>) target(%dma_start3A_36 : memref<624x128xf32, #tpu.memory_space<vmem_shared>>) target_semaphore(%run_scoped3A : memref<!tpu.dma_semaphore, #tpu.memory_space<semaphore_mem>>)
      %dma_wait3A = arith.constant 0 : i32
      %dma_wait3A_39 = tpu.memref_slice %arg17[%mul3A_4, %dma_wait3A] : memref<10000x128xf32, #tpu.memory_space<vmem_shared>> -> memref<624x128xf32, #tpu.memory_space<vmem_shared>>
      %dma_wait3A_40 = arith.constant 0 : i32
      %dma_wait3A_41 = tpu.memref_slice %arg5[%mul3A_2, %dma_wait3A_40] : memref<10000x128xf32, #tpu.memory_space<hbm>> -> memref<624x128xf32, #tpu.memory_space<hbm>>
      tpu.wait_dma2 semaphore(%run_scoped3A : memref<!tpu.dma_semaphore, #tpu.memory_space<semaphore_mem>>) src(%dma_wait3A_41 : memref<624x128xf32, #tpu.memory_space<hbm>>) dst(%dma_wait3A_39 : memref<624x128xf32, #tpu.memory_space<vmem_shared>>)
      tpu.yield
    }) : () -> ()
    %eq3A = arith.constant 0 : i32
    %eq3A_5 = arith.cmpi eq, %arg1, %eq3A : i32
    %convert_element_type3A = arith.extui %eq3A_5 : i1 to i32
    %cond3A = arith.constant 0 : i32
    %cond3A_6 = arith.cmpi ne, %convert_element_type3A, %cond3A : i32
    scf.if %cond3A_6 {
      "tpu.region"() ({
        %run_scoped3A = tpu.sem_alloc : memref<!tpu.dma_semaphore, #tpu.memory_space<semaphore_mem>>
        %dma_start3A_35 = arith.constant 9984 : i32
        %dma_start3A_36 = arith.constant 0 : i32
        %dma_start3A_37 = tpu.memref_slice %arg17[%dma_start3A_35, %dma_start3A_36] : memref<10000x128xf32, #tpu.memory_space<vmem_shared>> -> memref<16x128xf32, #tpu.memory_space<vmem_shared>>
        %dma_start3A_38 = arith.constant 9984 : i32
        %dma_start3A_39 = arith.constant 0 : i32
        %dma_start3A_40 = tpu.memref_slice %arg5[%dma_start3A_38, %dma_start3A_39] : memref<10000x128xf32, #tpu.memory_space<hbm>> -> memref<16x128xf32, #tpu.memory_space<hbm>>
        tpu.enqueue_dma source(%dma_start3A_40 : memref<16x128xf32, #tpu.memory_space<hbm>>) target(%dma_start3A_37 : memref<16x128xf32, #tpu.memory_space<vmem_shared>>) target_semaphore(%run_scoped3A : memref<!tpu.dma_semaphore, #tpu.memory_space<semaphore_mem>>)
        %dma_wait3A = arith.constant 9984 : i32
        %dma_wait3A_41 = arith.constant 0 : i32
        %dma_wait3A_42 = tpu.memref_slice %arg17[%dma_wait3A, %dma_wait3A_41] : memref<10000x128xf32, #tpu.memory_space<vmem_shared>> -> memref<16x128xf32, #tpu.memory_space<vmem_shared>>
        %dma_wait3A_43 = arith.constant 9984 : i32
        %dma_wait3A_44 = arith.constant 0 : i32
        %dma_wait3A_45 = tpu.memref_slice %arg5[%dma_wait3A_43, %dma_wait3A_44] : memref<10000x128xf32, #tpu.memory_space<hbm>> -> memref<16x128xf32, #tpu.memory_space<hbm>>
        tpu.wait_dma2 semaphore(%run_scoped3A : memref<!tpu.dma_semaphore, #tpu.memory_space<semaphore_mem>>) src(%dma_wait3A_45 : memref<16x128xf32, #tpu.memory_space<hbm>>) dst(%dma_wait3A_42 : memref<16x128xf32, #tpu.memory_space<vmem_shared>>)
        tpu.yield
      }) : () -> ()
    } else {
    }
    %barrier3A = arith.constant 0 : index
    tpu.barrier barrier_id(%barrier3A)
    %add3A_7 = arith.constant 0 : i32
    %add3A_8 = arith.addi %add3A, %add3A_7 : i32
    "tpu.region"() ({
      %run_scoped3A = tpu.sem_alloc : memref<!tpu.dma_semaphore, #tpu.memory_space<semaphore_mem>>
      %dma_start3A_35 = arith.constant 0 : i32
      %dma_start3A_36 = tpu.memref_slice %arg3[%add3A_8, %dma_start3A_35] : memref<2560x128xi32, #tpu.memory_space<hbm>> -> memref<1x128xi32, #tpu.memory_space<hbm>>
      %dma_start3A_37 = tpu.memref_squeeze %dma_start3A_36 : memref<1x128xi32, #tpu.memory_space<hbm>> -> memref<128xi32, #tpu.memory_space<hbm>>
      %dma_start3A_38 = arith.constant 0 : i32
      %dma_start3A_39 = tpu.memref_slice %arg3[%add3A_8, %dma_start3A_38] : memref<2560x128xi32, #tpu.memory_space<hbm>> -> memref<1x128xi32, #tpu.memory_space<hbm>>
      %dma_start3A_40 = tpu.memref_squeeze %dma_start3A_39 : memref<1x128xi32, #tpu.memory_space<hbm>> -> memref<128xi32, #tpu.memory_space<hbm>>
      tpu.enqueue_dma source(%dma_start3A_40 : memref<128xi32, #tpu.memory_space<hbm>>) target(%arg7 : memref<128xi32, #tpu.memory_space<vmem>>) target_semaphore(%run_scoped3A : memref<!tpu.dma_semaphore, #tpu.memory_space<semaphore_mem>>)
      %dma_wait3A = arith.constant 0 : i32
      %dma_wait3A_41 = tpu.memref_slice %arg3[%add3A_8, %dma_wait3A] : memref<2560x128xi32, #tpu.memory_space<hbm>> -> memref<1x128xi32, #tpu.memory_space<hbm>>
      %dma_wait3A_42 = tpu.memref_squeeze %dma_wait3A_41 : memref<1x128xi32, #tpu.memory_space<hbm>> -> memref<128xi32, #tpu.memory_space<hbm>>
      %dma_wait3A_43 = arith.constant 0 : i32
      %dma_wait3A_44 = tpu.memref_slice %arg3[%add3A_8, %dma_wait3A_43] : memref<2560x128xi32, #tpu.memory_space<hbm>> -> memref<1x128xi32, #tpu.memory_space<hbm>>
      %dma_wait3A_45 = tpu.memref_squeeze %dma_wait3A_44 : memref<1x128xi32, #tpu.memory_space<hbm>> -> memref<128xi32, #tpu.memory_space<hbm>>
      tpu.wait_dma2 semaphore(%run_scoped3A : memref<!tpu.dma_semaphore, #tpu.memory_space<semaphore_mem>>) src(%dma_wait3A_45 : memref<128xi32, #tpu.memory_space<hbm>>) dst(%arg7 : memref<128xi32, #tpu.memory_space<vmem>>)
      tpu.yield
    }) : () -> ()
    "tpu.region"() ({
      %run_scoped3A = tpu.sem_alloc : memref<!tpu.dma_semaphore, #tpu.memory_space<semaphore_mem>>
      %dma_start3A_35 = arith.constant 0 : i32
      %dma_start3A_36 = tpu.memref_slice %arg4[%add3A_8, %dma_start3A_35] : memref<2560x128xi32, #tpu.memory_space<hbm>> -> memref<1x128xi32, #tpu.memory_space<hbm>>
      %dma_start3A_37 = tpu.memref_squeeze %dma_start3A_36 : memref<1x128xi32, #tpu.memory_space<hbm>> -> memref<128xi32, #tpu.memory_space<hbm>>
      %dma_start3A_38 = arith.constant 0 : i32
      %dma_start3A_39 = tpu.memref_slice %arg4[%add3A_8, %dma_start3A_38] : memref<2560x128xi32, #tpu.memory_space<hbm>> -> memref<1x128xi32, #tpu.memory_space<hbm>>
      %dma_start3A_40 = tpu.memref_squeeze %dma_start3A_39 : memref<1x128xi32, #tpu.memory_space<hbm>> -> memref<128xi32, #tpu.memory_space<hbm>>
      tpu.enqueue_dma source(%dma_start3A_40 : memref<128xi32, #tpu.memory_space<hbm>>) target(%arg8 : memref<128xi32, #tpu.memory_space<vmem>>) target_semaphore(%run_scoped3A : memref<!tpu.dma_semaphore, #tpu.memory_space<semaphore_mem>>)
      %dma_wait3A = arith.constant 0 : i32
      %dma_wait3A_41 = tpu.memref_slice %arg4[%add3A_8, %dma_wait3A] : memref<2560x128xi32, #tpu.memory_space<hbm>> -> memref<1x128xi32, #tpu.memory_space<hbm>>
      %dma_wait3A_42 = tpu.memref_squeeze %dma_wait3A_41 : memref<1x128xi32, #tpu.memory_space<hbm>> -> memref<128xi32, #tpu.memory_space<hbm>>
      %dma_wait3A_43 = arith.constant 0 : i32
      %dma_wait3A_44 = tpu.memref_slice %arg4[%add3A_8, %dma_wait3A_43] : memref<2560x128xi32, #tpu.memory_space<hbm>> -> memref<1x128xi32, #tpu.memory_space<hbm>>
      %dma_wait3A_45 = tpu.memref_squeeze %dma_wait3A_44 : memref<1x128xi32, #tpu.memory_space<hbm>> -> memref<128xi32, #tpu.memory_space<hbm>>
      tpu.wait_dma2 semaphore(%run_scoped3A : memref<!tpu.dma_semaphore, #tpu.memory_space<semaphore_mem>>) src(%dma_wait3A_45 : memref<128xi32, #tpu.memory_space<hbm>>) dst(%arg8 : memref<128xi32, #tpu.memory_space<vmem>>)
      tpu.yield
    }) : () -> ()
    %dma_start3A = arith.constant 0 : i32
    %dma_start3A_9 = arith.constant 0 : i32
    %dma_start3A_10 = tpu.memref_slice %arg2[%dma_start3A, %dma_start3A_9] : memref<10000x128xf32, #tpu.memory_space<hbm>> -> memref<10000x128xf32, #tpu.memory_space<hbm>>
    tpu.enqueue_indirect_dma source(%dma_start3A_10 : memref<10000x128xf32, #tpu.memory_space<hbm>>) target(%arg11 : memref<128x128xf32, #tpu.memory_space<vmem>>) offsets(%arg7 : memref<128xi32, #tpu.memory_space<vmem>>) semaphore(%arg13 : memref<!tpu.dma_semaphore, #tpu.memory_space<semaphore_mem>>)
    %add3A_11 = arith.constant 32 : i32
    %add3A_12 = arith.addi %add3A, %add3A_11 : i32
    "tpu.region"() ({
      %run_scoped3A = tpu.sem_alloc : memref<!tpu.dma_semaphore, #tpu.memory_space<semaphore_mem>>
      %dma_start3A_35 = arith.constant 0 : i32
      %dma_start3A_36 = tpu.memref_slice %arg3[%add3A_12, %dma_start3A_35] : memref<2560x128xi32, #tpu.memory_space<hbm>> -> memref<1x128xi32, #tpu.memory_space<hbm>>
      %dma_start3A_37 = tpu.memref_squeeze %dma_start3A_36 : memref<1x128xi32, #tpu.memory_space<hbm>> -> memref<128xi32, #tpu.memory_space<hbm>>
      %dma_start3A_38 = arith.constant 0 : i32
      %dma_start3A_39 = tpu.memref_slice %arg3[%add3A_12, %dma_start3A_38] : memref<2560x128xi32, #tpu.memory_space<hbm>> -> memref<1x128xi32, #tpu.memory_space<hbm>>
      %dma_start3A_40 = tpu.memref_squeeze %dma_start3A_39 : memref<1x128xi32, #tpu.memory_space<hbm>> -> memref<128xi32, #tpu.memory_space<hbm>>
      tpu.enqueue_dma source(%dma_start3A_40 : memref<128xi32, #tpu.memory_space<hbm>>) target(%arg9 : memref<128xi32, #tpu.memory_space<vmem>>) target_semaphore(%run_scoped3A : memref<!tpu.dma_semaphore, #tpu.memory_space<semaphore_mem>>)
      %dma_wait3A = arith.constant 0 : i32
      %dma_wait3A_41 = tpu.memref_slice %arg3[%add3A_12, %dma_wait3A] : memref<2560x128xi32, #tpu.memory_space<hbm>> -> memref<1x128xi32, #tpu.memory_space<hbm>>
      %dma_wait3A_42 = tpu.memref_squeeze %dma_wait3A_41 : memref<1x128xi32, #tpu.memory_space<hbm>> -> memref<128xi32, #tpu.memory_space<hbm>>
      %dma_wait3A_43 = arith.constant 0 : i32
      %dma_wait3A_44 = tpu.memref_slice %arg3[%add3A_12, %dma_wait3A_43] : memref<2560x128xi32, #tpu.memory_space<hbm>> -> memref<1x128xi32, #tpu.memory_space<hbm>>
      %dma_wait3A_45 = tpu.memref_squeeze %dma_wait3A_44 : memref<1x128xi32, #tpu.memory_space<hbm>> -> memref<128xi32, #tpu.memory_space<hbm>>
      tpu.wait_dma2 semaphore(%run_scoped3A : memref<!tpu.dma_semaphore, #tpu.memory_space<semaphore_mem>>) src(%dma_wait3A_45 : memref<128xi32, #tpu.memory_space<hbm>>) dst(%arg9 : memref<128xi32, #tpu.memory_space<vmem>>)
      tpu.yield
    }) : () -> ()
    "tpu.region"() ({
      %run_scoped3A = tpu.sem_alloc : memref<!tpu.dma_semaphore, #tpu.memory_space<semaphore_mem>>
      %dma_start3A_35 = arith.constant 0 : i32
      %dma_start3A_36 = tpu.memref_slice %arg4[%add3A_12, %dma_start3A_35] : memref<2560x128xi32, #tpu.memory_space<hbm>> -> memref<1x128xi32, #tpu.memory_space<hbm>>
      %dma_start3A_37 = tpu.memref_squeeze %dma_start3A_36 : memref<1x128xi32, #tpu.memory_space<hbm>> -> memref<128xi32, #tpu.memory_space<hbm>>
      %dma_start3A_38 = arith.constant 0 : i32
      %dma_start3A_39 = tpu.memref_slice %arg4[%add3A_12, %dma_start3A_38] : memref<2560x128xi32, #tpu.memory_space<hbm>> -> memref<1x128xi32, #tpu.memory_space<hbm>>
      %dma_start3A_40 = tpu.memref_squeeze %dma_start3A_39 : memref<1x128xi32, #tpu.memory_space<hbm>> -> memref<128xi32, #tpu.memory_space<hbm>>
      tpu.enqueue_dma source(%dma_start3A_40 : memref<128xi32, #tpu.memory_space<hbm>>) target(%arg10 : memref<128xi32, #tpu.memory_space<vmem>>) target_semaphore(%run_scoped3A : memref<!tpu.dma_semaphore, #tpu.memory_space<semaphore_mem>>)
      %dma_wait3A = arith.constant 0 : i32
      %dma_wait3A_41 = tpu.memref_slice %arg4[%add3A_12, %dma_wait3A] : memref<2560x128xi32, #tpu.memory_space<hbm>> -> memref<1x128xi32, #tpu.memory_space<hbm>>
      %dma_wait3A_42 = tpu.memref_squeeze %dma_wait3A_41 : memref<1x128xi32, #tpu.memory_space<hbm>> -> memref<128xi32, #tpu.memory_space<hbm>>
      %dma_wait3A_43 = arith.constant 0 : i32
      %dma_wait3A_44 = tpu.memref_slice %arg4[%add3A_12, %dma_wait3A_43] : memref<2560x128xi32, #tpu.memory_space<hbm>> -> memref<1x128xi32, #tpu.memory_space<hbm>>
      %dma_wait3A_45 = tpu.memref_squeeze %dma_wait3A_44 : memref<1x128xi32, #tpu.memory_space<hbm>> -> memref<128xi32, #tpu.memory_space<hbm>>
      tpu.wait_dma2 semaphore(%run_scoped3A : memref<!tpu.dma_semaphore, #tpu.memory_space<semaphore_mem>>) src(%dma_wait3A_45 : memref<128xi32, #tpu.memory_space<hbm>>) dst(%arg10 : memref<128xi32, #tpu.memory_space<vmem>>)
      tpu.yield
    }) : () -> ()
    %dma_start3A_13 = arith.constant 0 : i32
    %dma_start3A_14 = arith.constant 0 : i32
    %dma_start3A_15 = tpu.memref_slice %arg2[%dma_start3A_13, %dma_start3A_14] : memref<10000x128xf32, #tpu.memory_space<hbm>> -> memref<10000x128xf32, #tpu.memory_space<hbm>>
    tpu.enqueue_indirect_dma source(%dma_start3A_15 : memref<10000x128xf32, #tpu.memory_space<hbm>>) target(%arg12 : memref<128x128xf32, #tpu.memory_space<vmem>>) offsets(%arg9 : memref<128xi32, #tpu.memory_space<vmem>>) semaphore(%arg14 : memref<!tpu.dma_semaphore, #tpu.memory_space<semaphore_mem>>)
    %scan3A = arith.constant 0 : i32
    %scan3A_16 = arith.constant 0 : i32
    %scan3A_17 = arith.constant 39 : i32
    %scan3A_18 = arith.addi %scan3A_16, %scan3A_17 : i32
    %scan3A_19 = arith.constant 1 : i32
    scf.for %scan3A_35 = %scan3A_16 to %scan3A_18 step %scan3A_19  : i32 {
      %mul3A_36 = arith.constant 2 : i32
      %mul3A_37 = arith.muli %mul3A_36, %scan3A_35 : i32
      %add3A_38 = arith.constant 1 : i32
      %add3A_39 = arith.addi %mul3A_37, %add3A_38 : i32
      %dma_wait3A = arith.constant 0 : i32
      %dma_wait3A_40 = arith.constant 0 : i32
      %dma_wait3A_41 = tpu.memref_slice %arg2[%dma_wait3A, %dma_wait3A_40] : memref<10000x128xf32, #tpu.memory_space<hbm>> -> memref<10000x128xf32, #tpu.memory_space<hbm>>
      tpu.wait_indirect_dma semaphore(%arg13 : memref<!tpu.dma_semaphore, #tpu.memory_space<semaphore_mem>>) src(%dma_wait3A_41 : memref<10000x128xf32, #tpu.memory_space<hbm>>) dst(%arg11 : memref<128x128xf32, #tpu.memory_space<vmem>>)
      %dma_start3A_42 = arith.constant 0 : i32
      %dma_start3A_43 = arith.constant 0 : i32
      %dma_start3A_44 = tpu.memref_slice %arg17[%dma_start3A_42, %dma_start3A_43] : memref<10000x128xf32, #tpu.memory_space<vmem_shared>> -> memref<10000x128xf32, #tpu.memory_space<vmem_shared>>
      tpu.enqueue_indirect_dma source(%arg11 : memref<128x128xf32, #tpu.memory_space<vmem>>) target(%dma_start3A_44 : memref<10000x128xf32, #tpu.memory_space<vmem_shared>>) offsets(%arg8 : memref<128xi32, #tpu.memory_space<vmem>>) semaphore(%arg15 : memref<!tpu.dma_semaphore, #tpu.memory_space<semaphore_mem>>) {add = true}
      %dma_wait3A_45 = arith.constant 0 : i32
      %dma_wait3A_46 = arith.constant 0 : i32
      %dma_wait3A_47 = tpu.memref_slice %arg2[%dma_wait3A_45, %dma_wait3A_46] : memref<10000x128xf32, #tpu.memory_space<hbm>> -> memref<10000x128xf32, #tpu.memory_space<hbm>>
      tpu.wait_indirect_dma semaphore(%arg14 : memref<!tpu.dma_semaphore, #tpu.memory_space<semaphore_mem>>) src(%dma_wait3A_47 : memref<10000x128xf32, #tpu.memory_space<hbm>>) dst(%arg12 : memref<128x128xf32, #tpu.memory_space<vmem>>)
      %dma_start3A_48 = arith.constant 0 : i32
      %dma_start3A_49 = arith.constant 0 : i32
      %dma_start3A_50 = tpu.memref_slice %arg17[%dma_start3A_48, %dma_start3A_49] : memref<10000x128xf32, #tpu.memory_space<vmem_shared>> -> memref<10000x128xf32, #tpu.memory_space<vmem_shared>>
      tpu.enqueue_indirect_dma source(%arg12 : memref<128x128xf32, #tpu.memory_space<vmem>>) target(%dma_start3A_50 : memref<10000x128xf32, #tpu.memory_space<vmem_shared>>) offsets(%arg10 : memref<128xi32, #tpu.memory_space<vmem>>) semaphore(%arg16 : memref<!tpu.dma_semaphore, #tpu.memory_space<semaphore_mem>>) {add = true}
      %lt3A_51 = arith.constant 38 : i32
      %lt3A_52 = arith.cmpi slt, %scan3A_35, %lt3A_51 : i32
      %convert_element_type3A_53 = arith.extui %lt3A_52 : i1 to i32
      %cond3A_54 = arith.constant 0 : i32
      %cond3A_55 = arith.cmpi ne, %convert_element_type3A_53, %cond3A_54 : i32
      scf.if %cond3A_55 {
        %dma_wait3A_61 = arith.constant 0 : i32
        %dma_wait3A_62 = arith.constant 0 : i32
        %dma_wait3A_63 = tpu.memref_slice %arg17[%dma_wait3A_61, %dma_wait3A_62] : memref<10000x128xf32, #tpu.memory_space<vmem_shared>> -> memref<10000x128xf32, #tpu.memory_space<vmem_shared>>
        tpu.wait_indirect_dma semaphore(%arg15 : memref<!tpu.dma_semaphore, #tpu.memory_space<semaphore_mem>>) src(%arg11 : memref<128x128xf32, #tpu.memory_space<vmem>>) dst(%dma_wait3A_63 : memref<10000x128xf32, #tpu.memory_space<vmem_shared>>)
        %add3A_64 = arith.constant 2 : i32
        %add3A_65 = arith.addi %mul3A_37, %add3A_64 : i32
        %mul3A_66 = arith.constant 32 : i32
        %mul3A_67 = arith.muli %add3A_65, %mul3A_66 : i32
        %add3A_68 = arith.addi %add3A, %mul3A_67 : i32
        "tpu.region"() ({
          %run_scoped3A = tpu.sem_alloc : memref<!tpu.dma_semaphore, #tpu.memory_space<semaphore_mem>>
          %dma_start3A_83 = arith.constant 0 : i32
          %dma_start3A_84 = tpu.memref_slice %arg3[%add3A_68, %dma_start3A_83] : memref<2560x128xi32, #tpu.memory_space<hbm>> -> memref<1x128xi32, #tpu.memory_space<hbm>>
          %dma_start3A_85 = tpu.memref_squeeze %dma_start3A_84 : memref<1x128xi32, #tpu.memory_space<hbm>> -> memref<128xi32, #tpu.memory_space<hbm>>
          %dma_start3A_86 = arith.constant 0 : i32
          %dma_start3A_87 = tpu.memref_slice %arg3[%add3A_68, %dma_start3A_86] : memref<2560x128xi32, #tpu.memory_space<hbm>> -> memref<1x128xi32, #tpu.memory_space<hbm>>
          %dma_start3A_88 = tpu.memref_squeeze %dma_start3A_87 : memref<1x128xi32, #tpu.memory_space<hbm>> -> memref<128xi32, #tpu.memory_space<hbm>>
          tpu.enqueue_dma source(%dma_start3A_88 : memref<128xi32, #tpu.memory_space<hbm>>) target(%arg7 : memref<128xi32, #tpu.memory_space<vmem>>) target_semaphore(%run_scoped3A : memref<!tpu.dma_semaphore, #tpu.memory_space<semaphore_mem>>)
          %dma_wait3A_89 = arith.constant 0 : i32
          %dma_wait3A_90 = tpu.memref_slice %arg3[%add3A_68, %dma_wait3A_89] : memref<2560x128xi32, #tpu.memory_space<hbm>> -> memref<1x128xi32, #tpu.memory_space<hbm>>
          %dma_wait3A_91 = tpu.memref_squeeze %dma_wait3A_90 : memref<1x128xi32, #tpu.memory_space<hbm>> -> memref<128xi32, #tpu.memory_space<hbm>>
          %dma_wait3A_92 = arith.constant 0 : i32
          %dma_wait3A_93 = tpu.memref_slice %arg3[%add3A_68, %dma_wait3A_92] : memref<2560x128xi32, #tpu.memory_space<hbm>> -> memref<1x128xi32, #tpu.memory_space<hbm>>
          %dma_wait3A_94 = tpu.memref_squeeze %dma_wait3A_93 : memref<1x128xi32, #tpu.memory_space<hbm>> -> memref<128xi32, #tpu.memory_space<hbm>>
          tpu.wait_dma2 semaphore(%run_scoped3A : memref<!tpu.dma_semaphore, #tpu.memory_space<semaphore_mem>>) src(%dma_wait3A_94 : memref<128xi32, #tpu.memory_space<hbm>>) dst(%arg7 : memref<128xi32, #tpu.memory_space<vmem>>)
          tpu.yield
        }) : () -> ()
        "tpu.region"() ({
          %run_scoped3A = tpu.sem_alloc : memref<!tpu.dma_semaphore, #tpu.memory_space<semaphore_mem>>
          %dma_start3A_83 = arith.constant 0 : i32
          %dma_start3A_84 = tpu.memref_slice %arg4[%add3A_68, %dma_start3A_83] : memref<2560x128xi32, #tpu.memory_space<hbm>> -> memref<1x128xi32, #tpu.memory_space<hbm>>
          %dma_start3A_85 = tpu.memref_squeeze %dma_start3A_84 : memref<1x128xi32, #tpu.memory_space<hbm>> -> memref<128xi32, #tpu.memory_space<hbm>>
          %dma_start3A_86 = arith.constant 0 : i32
          %dma_start3A_87 = tpu.memref_slice %arg4[%add3A_68, %dma_start3A_86] : memref<2560x128xi32, #tpu.memory_space<hbm>> -> memref<1x128xi32, #tpu.memory_space<hbm>>
          %dma_start3A_88 = tpu.memref_squeeze %dma_start3A_87 : memref<1x128xi32, #tpu.memory_space<hbm>> -> memref<128xi32, #tpu.memory_space<hbm>>
          tpu.enqueue_dma source(%dma_start3A_88 : memref<128xi32, #tpu.memory_space<hbm>>) target(%arg8 : memref<128xi32, #tpu.memory_space<vmem>>) target_semaphore(%run_scoped3A : memref<!tpu.dma_semaphore, #tpu.memory_space<semaphore_mem>>)
          %dma_wait3A_89 = arith.constant 0 : i32
          %dma_wait3A_90 = tpu.memref_slice %arg4[%add3A_68, %dma_wait3A_89] : memref<2560x128xi32, #tpu.memory_space<hbm>> -> memref<1x128xi32, #tpu.memory_space<hbm>>
          %dma_wait3A_91 = tpu.memref_squeeze %dma_wait3A_90 : memref<1x128xi32, #tpu.memory_space<hbm>> -> memref<128xi32, #tpu.memory_space<hbm>>
          %dma_wait3A_92 = arith.constant 0 : i32
          %dma_wait3A_93 = tpu.memref_slice %arg4[%add3A_68, %dma_wait3A_92] : memref<2560x128xi32, #tpu.memory_space<hbm>> -> memref<1x128xi32, #tpu.memory_space<hbm>>
          %dma_wait3A_94 = tpu.memref_squeeze %dma_wait3A_93 : memref<1x128xi32, #tpu.memory_space<hbm>> -> memref<128xi32, #tpu.memory_space<hbm>>
          tpu.wait_dma2 semaphore(%run_scoped3A : memref<!tpu.dma_semaphore, #tpu.memory_space<semaphore_mem>>) src(%dma_wait3A_94 : memref<128xi32, #tpu.memory_space<hbm>>) dst(%arg8 : memref<128xi32, #tpu.memory_space<vmem>>)
          tpu.yield
        }) : () -> ()
        %dma_start3A_69 = arith.constant 0 : i32
        %dma_start3A_70 = arith.constant 0 : i32
        %dma_start3A_71 = tpu.memref_slice %arg2[%dma_start3A_69, %dma_start3A_70] : memref<10000x128xf32, #tpu.memory_space<hbm>> -> memref<10000x128xf32, #tpu.memory_space<hbm>>
        tpu.enqueue_indirect_dma source(%dma_start3A_71 : memref<10000x128xf32, #tpu.memory_space<hbm>>) target(%arg11 : memref<128x128xf32, #tpu.memory_space<vmem>>) offsets(%arg7 : memref<128xi32, #tpu.memory_space<vmem>>) semaphore(%arg13 : memref<!tpu.dma_semaphore, #tpu.memory_space<semaphore_mem>>)
        %dma_wait3A_72 = arith.constant 0 : i32
        %dma_wait3A_73 = arith.constant 0 : i32
        %dma_wait3A_74 = tpu.memref_slice %arg17[%dma_wait3A_72, %dma_wait3A_73] : memref<10000x128xf32, #tpu.memory_space<vmem_shared>> -> memref<10000x128xf32, #tpu.memory_space<vmem_shared>>
        tpu.wait_indirect_dma semaphore(%arg16 : memref<!tpu.dma_semaphore, #tpu.memory_space<semaphore_mem>>) src(%arg12 : memref<128x128xf32, #tpu.memory_space<vmem>>) dst(%dma_wait3A_74 : memref<10000x128xf32, #tpu.memory_space<vmem_shared>>)
        %add3A_75 = arith.constant 2 : i32
        %add3A_76 = arith.addi %add3A_39, %add3A_75 : i32
        %mul3A_77 = arith.constant 32 : i32
        %mul3A_78 = arith.muli %add3A_76, %mul3A_77 : i32
        %add3A_79 = arith.addi %add3A, %mul3A_78 : i32
        "tpu.region"() ({
          %run_scoped3A = tpu.sem_alloc : memref<!tpu.dma_semaphore, #tpu.memory_space<semaphore_mem>>
          %dma_start3A_83 = arith.constant 0 : i32
          %dma_start3A_84 = tpu.memref_slice %arg3[%add3A_79, %dma_start3A_83] : memref<2560x128xi32, #tpu.memory_space<hbm>> -> memref<1x128xi32, #tpu.memory_space<hbm>>
          %dma_start3A_85 = tpu.memref_squeeze %dma_start3A_84 : memref<1x128xi32, #tpu.memory_space<hbm>> -> memref<128xi32, #tpu.memory_space<hbm>>
          %dma_start3A_86 = arith.constant 0 : i32
          %dma_start3A_87 = tpu.memref_slice %arg3[%add3A_79, %dma_start3A_86] : memref<2560x128xi32, #tpu.memory_space<hbm>> -> memref<1x128xi32, #tpu.memory_space<hbm>>
          %dma_start3A_88 = tpu.memref_squeeze %dma_start3A_87 : memref<1x128xi32, #tpu.memory_space<hbm>> -> memref<128xi32, #tpu.memory_space<hbm>>
          tpu.enqueue_dma source(%dma_start3A_88 : memref<128xi32, #tpu.memory_space<hbm>>) target(%arg9 : memref<128xi32, #tpu.memory_space<vmem>>) target_semaphore(%run_scoped3A : memref<!tpu.dma_semaphore, #tpu.memory_space<semaphore_mem>>)
          %dma_wait3A_89 = arith.constant 0 : i32
          %dma_wait3A_90 = tpu.memref_slice %arg3[%add3A_79, %dma_wait3A_89] : memref<2560x128xi32, #tpu.memory_space<hbm>> -> memref<1x128xi32, #tpu.memory_space<hbm>>
          %dma_wait3A_91 = tpu.memref_squeeze %dma_wait3A_90 : memref<1x128xi32, #tpu.memory_space<hbm>> -> memref<128xi32, #tpu.memory_space<hbm>>
          %dma_wait3A_92 = arith.constant 0 : i32
          %dma_wait3A_93 = tpu.memref_slice %arg3[%add3A_79, %dma_wait3A_92] : memref<2560x128xi32, #tpu.memory_space<hbm>> -> memref<1x128xi32, #tpu.memory_space<hbm>>
          %dma_wait3A_94 = tpu.memref_squeeze %dma_wait3A_93 : memref<1x128xi32, #tpu.memory_space<hbm>> -> memref<128xi32, #tpu.memory_space<hbm>>
          tpu.wait_dma2 semaphore(%run_scoped3A : memref<!tpu.dma_semaphore, #tpu.memory_space<semaphore_mem>>) src(%dma_wait3A_94 : memref<128xi32, #tpu.memory_space<hbm>>) dst(%arg9 : memref<128xi32, #tpu.memory_space<vmem>>)
          tpu.yield
        }) : () -> ()
        "tpu.region"() ({
          %run_scoped3A = tpu.sem_alloc : memref<!tpu.dma_semaphore, #tpu.memory_space<semaphore_mem>>
          %dma_start3A_83 = arith.constant 0 : i32
          %dma_start3A_84 = tpu.memref_slice %arg4[%add3A_79, %dma_start3A_83] : memref<2560x128xi32, #tpu.memory_space<hbm>> -> memref<1x128xi32, #tpu.memory_space<hbm>>
          %dma_start3A_85 = tpu.memref_squeeze %dma_start3A_84 : memref<1x128xi32, #tpu.memory_space<hbm>> -> memref<128xi32, #tpu.memory_space<hbm>>
          %dma_start3A_86 = arith.constant 0 : i32
          %dma_start3A_87 = tpu.memref_slice %arg4[%add3A_79, %dma_start3A_86] : memref<2560x128xi32, #tpu.memory_space<hbm>> -> memref<1x128xi32, #tpu.memory_space<hbm>>
          %dma_start3A_88 = tpu.memref_squeeze %dma_start3A_87 : memref<1x128xi32, #tpu.memory_space<hbm>> -> memref<128xi32, #tpu.memory_space<hbm>>
          tpu.enqueue_dma source(%dma_start3A_88 : memref<128xi32, #tpu.memory_space<hbm>>) target(%arg10 : memref<128xi32, #tpu.memory_space<vmem>>) target_semaphore(%run_scoped3A : memref<!tpu.dma_semaphore, #tpu.memory_space<semaphore_mem>>)
          %dma_wait3A_89 = arith.constant 0 : i32
          %dma_wait3A_90 = tpu.memref_slice %arg4[%add3A_79, %dma_wait3A_89] : memref<2560x128xi32, #tpu.memory_space<hbm>> -> memref<1x128xi32, #tpu.memory_space<hbm>>
          %dma_wait3A_91 = tpu.memref_squeeze %dma_wait3A_90 : memref<1x128xi32, #tpu.memory_space<hbm>> -> memref<128xi32, #tpu.memory_space<hbm>>
          %dma_wait3A_92 = arith.constant 0 : i32
          %dma_wait3A_93 = tpu.memref_slice %arg4[%add3A_79, %dma_wait3A_92] : memref<2560x128xi32, #tpu.memory_space<hbm>> -> memref<1x128xi32, #tpu.memory_space<hbm>>
          %dma_wait3A_94 = tpu.memref_squeeze %dma_wait3A_93 : memref<1x128xi32, #tpu.memory_space<hbm>> -> memref<128xi32, #tpu.memory_space<hbm>>
          tpu.wait_dma2 semaphore(%run_scoped3A : memref<!tpu.dma_semaphore, #tpu.memory_space<semaphore_mem>>) src(%dma_wait3A_94 : memref<128xi32, #tpu.memory_space<hbm>>) dst(%arg10 : memref<128xi32, #tpu.memory_space<vmem>>)
          tpu.yield
        }) : () -> ()
        %dma_start3A_80 = arith.constant 0 : i32
        %dma_start3A_81 = arith.constant 0 : i32
        %dma_start3A_82 = tpu.memref_slice %arg2[%dma_start3A_80, %dma_start3A_81] : memref<10000x128xf32, #tpu.memory_space<hbm>> -> memref<10000x128xf32, #tpu.memory_space<hbm>>
        tpu.enqueue_indirect_dma source(%dma_start3A_82 : memref<10000x128xf32, #tpu.memory_space<hbm>>) target(%arg12 : memref<128x128xf32, #tpu.memory_space<vmem>>) offsets(%arg9 : memref<128xi32, #tpu.memory_space<vmem>>) semaphore(%arg14 : memref<!tpu.dma_semaphore, #tpu.memory_space<semaphore_mem>>)
      } else {
      }
      %eq3A_56 = arith.constant 38 : i32
      %eq3A_57 = arith.cmpi eq, %scan3A_35, %eq3A_56 : i32
      %convert_element_type3A_58 = arith.extui %eq3A_57 : i1 to i32
      %cond3A_59 = arith.constant 0 : i32
      %cond3A_60 = arith.cmpi ne, %convert_element_type3A_58, %cond3A_59 : i32
      scf.if %cond3A_60 {
        %dma_wait3A_61 = arith.constant 0 : i32
        %dma_wait3A_62 = arith.constant 0 : i32
        %dma_wait3A_63 = tpu.memref_slice %arg17[%dma_wait3A_61, %dma_wait3A_62] : memref<10000x128xf32, #tpu.memory_space<vmem_shared>> -> memref<10000x128xf32, #tpu.memory_space<vmem_shared>>
        tpu.wait_indirect_dma semaphore(%arg15 : memref<!tpu.dma_semaphore, #tpu.memory_space<semaphore_mem>>) src(%arg11 : memref<128x128xf32, #tpu.memory_space<vmem>>) dst(%dma_wait3A_63 : memref<10000x128xf32, #tpu.memory_space<vmem_shared>>)
        %dma_wait3A_64 = arith.constant 0 : i32
        %dma_wait3A_65 = arith.constant 0 : i32
        %dma_wait3A_66 = tpu.memref_slice %arg17[%dma_wait3A_64, %dma_wait3A_65] : memref<10000x128xf32, #tpu.memory_space<vmem_shared>> -> memref<10000x128xf32, #tpu.memory_space<vmem_shared>>
        tpu.wait_indirect_dma semaphore(%arg16 : memref<!tpu.dma_semaphore, #tpu.memory_space<semaphore_mem>>) src(%arg12 : memref<128x128xf32, #tpu.memory_space<vmem>>) dst(%dma_wait3A_66 : memref<10000x128xf32, #tpu.memory_space<vmem_shared>>)
      } else {
      }
    }
    %scan3A_20 = arith.constant 39 : i32
    %lt3A = arith.constant 4 : i32
    %lt3A_21 = arith.cmpi slt, %add3A, %lt3A : i32
    %convert_element_type3A_22 = arith.extui %lt3A_21 : i1 to i32
    %cond3A_23 = arith.constant 0 : i32
    %cond3A_24 = arith.cmpi ne, %convert_element_type3A_22, %cond3A_23 : i32
    scf.if %cond3A_24 {
      %add3A_35 = arith.constant 2496 : i32
      %add3A_36 = arith.addi %add3A, %add3A_35 : i32
      "tpu.region"() ({
        %run_scoped3A = tpu.sem_alloc : memref<!tpu.dma_semaphore, #tpu.memory_space<semaphore_mem>>
        %dma_start3A_42 = arith.constant 0 : i32
        %dma_start3A_43 = tpu.memref_slice %arg3[%add3A_36, %dma_start3A_42] : memref<2560x128xi32, #tpu.memory_space<hbm>> -> memref<1x128xi32, #tpu.memory_space<hbm>>
        %dma_start3A_44 = tpu.memref_squeeze %dma_start3A_43 : memref<1x128xi32, #tpu.memory_space<hbm>> -> memref<128xi32, #tpu.memory_space<hbm>>
        %dma_start3A_45 = arith.constant 0 : i32
        %dma_start3A_46 = tpu.memref_slice %arg3[%add3A_36, %dma_start3A_45] : memref<2560x128xi32, #tpu.memory_space<hbm>> -> memref<1x128xi32, #tpu.memory_space<hbm>>
        %dma_start3A_47 = tpu.memref_squeeze %dma_start3A_46 : memref<1x128xi32, #tpu.memory_space<hbm>> -> memref<128xi32, #tpu.memory_space<hbm>>
        tpu.enqueue_dma source(%dma_start3A_47 : memref<128xi32, #tpu.memory_space<hbm>>) target(%arg7 : memref<128xi32, #tpu.memory_space<vmem>>) target_semaphore(%run_scoped3A : memref<!tpu.dma_semaphore, #tpu.memory_space<semaphore_mem>>)
        %dma_wait3A_48 = arith.constant 0 : i32
        %dma_wait3A_49 = tpu.memref_slice %arg3[%add3A_36, %dma_wait3A_48] : memref<2560x128xi32, #tpu.memory_space<hbm>> -> memref<1x128xi32, #tpu.memory_space<hbm>>
        %dma_wait3A_50 = tpu.memref_squeeze %dma_wait3A_49 : memref<1x128xi32, #tpu.memory_space<hbm>> -> memref<128xi32, #tpu.memory_space<hbm>>
        %dma_wait3A_51 = arith.constant 0 : i32
        %dma_wait3A_52 = tpu.memref_slice %arg3[%add3A_36, %dma_wait3A_51] : memref<2560x128xi32, #tpu.memory_space<hbm>> -> memref<1x128xi32, #tpu.memory_space<hbm>>
        %dma_wait3A_53 = tpu.memref_squeeze %dma_wait3A_52 : memref<1x128xi32, #tpu.memory_space<hbm>> -> memref<128xi32, #tpu.memory_space<hbm>>
        tpu.wait_dma2 semaphore(%run_scoped3A : memref<!tpu.dma_semaphore, #tpu.memory_space<semaphore_mem>>) src(%dma_wait3A_53 : memref<128xi32, #tpu.memory_space<hbm>>) dst(%arg7 : memref<128xi32, #tpu.memory_space<vmem>>)
        tpu.yield
      }) : () -> ()
      "tpu.region"() ({
        %run_scoped3A = tpu.sem_alloc : memref<!tpu.dma_semaphore, #tpu.memory_space<semaphore_mem>>
        %dma_start3A_42 = arith.constant 0 : i32
        %dma_start3A_43 = tpu.memref_slice %arg4[%add3A_36, %dma_start3A_42] : memref<2560x128xi32, #tpu.memory_space<hbm>> -> memref<1x128xi32, #tpu.memory_space<hbm>>
        %dma_start3A_44 = tpu.memref_squeeze %dma_start3A_43 : memref<1x128xi32, #tpu.memory_space<hbm>> -> memref<128xi32, #tpu.memory_space<hbm>>
        %dma_start3A_45 = arith.constant 0 : i32
        %dma_start3A_46 = tpu.memref_slice %arg4[%add3A_36, %dma_start3A_45] : memref<2560x128xi32, #tpu.memory_space<hbm>> -> memref<1x128xi32, #tpu.memory_space<hbm>>
        %dma_start3A_47 = tpu.memref_squeeze %dma_start3A_46 : memref<1x128xi32, #tpu.memory_space<hbm>> -> memref<128xi32, #tpu.memory_space<hbm>>
        tpu.enqueue_dma source(%dma_start3A_47 : memref<128xi32, #tpu.memory_space<hbm>>) target(%arg8 : memref<128xi32, #tpu.memory_space<vmem>>) target_semaphore(%run_scoped3A : memref<!tpu.dma_semaphore, #tpu.memory_space<semaphore_mem>>)
        %dma_wait3A_48 = arith.constant 0 : i32
        %dma_wait3A_49 = tpu.memref_slice %arg4[%add3A_36, %dma_wait3A_48] : memref<2560x128xi32, #tpu.memory_space<hbm>> -> memref<1x128xi32, #tpu.memory_space<hbm>>
        %dma_wait3A_50 = tpu.memref_squeeze %dma_wait3A_49 : memref<1x128xi32, #tpu.memory_space<hbm>> -> memref<128xi32, #tpu.memory_space<hbm>>
        %dma_wait3A_51 = arith.constant 0 : i32
        %dma_wait3A_52 = tpu.memref_slice %arg4[%add3A_36, %dma_wait3A_51] : memref<2560x128xi32, #tpu.memory_space<hbm>> -> memref<1x128xi32, #tpu.memory_space<hbm>>
        %dma_wait3A_53 = tpu.memref_squeeze %dma_wait3A_52 : memref<1x128xi32, #tpu.memory_space<hbm>> -> memref<128xi32, #tpu.memory_space<hbm>>
        tpu.wait_dma2 semaphore(%run_scoped3A : memref<!tpu.dma_semaphore, #tpu.memory_space<semaphore_mem>>) src(%dma_wait3A_53 : memref<128xi32, #tpu.memory_space<hbm>>) dst(%arg8 : memref<128xi32, #tpu.memory_space<vmem>>)
        tpu.yield
      }) : () -> ()
      %dma_start3A_37 = arith.constant 0 : i32
      %dma_start3A_38 = arith.constant 0 : i32
      %dma_start3A_39 = tpu.memref_slice %arg2[%dma_start3A_37, %dma_start3A_38] : memref<10000x128xf32, #tpu.memory_space<hbm>> -> memref<10000x128xf32, #tpu.memory_space<hbm>>
      tpu.enqueue_indirect_dma source(%dma_start3A_39 : memref<10000x128xf32, #tpu.memory_space<hbm>>) target(%arg11 : memref<128x128xf32, #tpu.memory_space<vmem>>) offsets(%arg7 : memref<128xi32, #tpu.memory_space<vmem>>) semaphore(%arg13 : memref<!tpu.dma_semaphore, #tpu.memory_space<semaphore_mem>>)
      %dma_wait3A = arith.constant 0 : i32
      %dma_wait3A_40 = arith.constant 0 : i32
      %dma_wait3A_41 = tpu.memref_slice %arg2[%dma_wait3A, %dma_wait3A_40] : memref<10000x128xf32, #tpu.memory_space<hbm>> -> memref<10000x128xf32, #tpu.memory_space<hbm>>
      tpu.wait_indirect_dma semaphore(%arg13 : memref<!tpu.dma_semaphore, #tpu.memory_space<semaphore_mem>>) src(%dma_wait3A_41 : memref<10000x128xf32, #tpu.memory_space<hbm>>) dst(%arg11 : memref<128x128xf32, #tpu.memory_space<vmem>>)
      "tpu.region"() ({
        %run_scoped3A = tpu.sem_alloc : memref<!tpu.dma_semaphore, #tpu.memory_space<semaphore_mem>>
        %dma_start3A_42 = arith.constant 0 : i32
        %dma_start3A_43 = arith.constant 0 : i32
        %dma_start3A_44 = tpu.memref_slice %arg17[%dma_start3A_42, %dma_start3A_43] : memref<10000x128xf32, #tpu.memory_space<vmem_shared>> -> memref<10000x128xf32, #tpu.memory_space<vmem_shared>>
        tpu.enqueue_indirect_dma source(%arg11 : memref<128x128xf32, #tpu.memory_space<vmem>>) target(%dma_start3A_44 : memref<10000x128xf32, #tpu.memory_space<vmem_shared>>) offsets(%arg8 : memref<128xi32, #tpu.memory_space<vmem>>) semaphore(%run_scoped3A : memref<!tpu.dma_semaphore, #tpu.memory_space<semaphore_mem>>) {add = true}
        %dma_wait3A_45 = arith.constant 0 : i32
        %dma_wait3A_46 = arith.constant 0 : i32
        %dma_wait3A_47 = tpu.memref_slice %arg17[%dma_wait3A_45, %dma_wait3A_46] : memref<10000x128xf32, #tpu.memory_space<vmem_shared>> -> memref<10000x128xf32, #tpu.memory_space<vmem_shared>>
        tpu.wait_indirect_dma semaphore(%run_scoped3A : memref<!tpu.dma_semaphore, #tpu.memory_space<semaphore_mem>>) src(%arg11 : memref<128x128xf32, #tpu.memory_space<vmem>>) dst(%dma_wait3A_47 : memref<10000x128xf32, #tpu.memory_space<vmem_shared>>)
        tpu.yield
      }) : () -> ()
    } else {
    }
    %barrier3A_25 = arith.constant 0 : index
    tpu.barrier barrier_id(%barrier3A_25)
    %mul3A_26 = arith.constant 624 : i32
    %mul3A_27 = arith.muli %arg1, %mul3A_26 : i32
    %mul3A_28 = arith.constant 624 : i32
    %mul3A_29 = arith.muli %arg1, %mul3A_28 : i32
    "tpu.region"() ({
      %run_scoped3A = tpu.sem_alloc : memref<!tpu.dma_semaphore, #tpu.memory_space<semaphore_mem>>
      %dma_start3A_35 = arith.constant 0 : i32
      %dma_start3A_36 = tpu.memref_slice %arg6[%arg0, %mul3A_29, %dma_start3A_35] : memref<2x10000x128xf32, #tpu.memory_space<hbm>> -> memref<1x624x128xf32, #tpu.memory_space<hbm>>
      %dma_start3A_37 = tpu.memref_squeeze %dma_start3A_36 : memref<1x624x128xf32, #tpu.memory_space<hbm>> -> memref<624x128xf32, #tpu.memory_space<hbm>>
      %dma_start3A_38 = arith.constant 0 : i32
      %dma_start3A_39 = tpu.memref_slice %arg17[%mul3A_27, %dma_start3A_38] : memref<10000x128xf32, #tpu.memory_space<vmem_shared>> -> memref<624x128xf32, #tpu.memory_space<vmem_shared>>
      tpu.enqueue_dma source(%dma_start3A_39 : memref<624x128xf32, #tpu.memory_space<vmem_shared>>) target(%dma_start3A_37 : memref<624x128xf32, #tpu.memory_space<hbm>>) target_semaphore(%run_scoped3A : memref<!tpu.dma_semaphore, #tpu.memory_space<semaphore_mem>>)
      %dma_wait3A = arith.constant 0 : i32
      %dma_wait3A_40 = tpu.memref_slice %arg6[%arg0, %mul3A_29, %dma_wait3A] : memref<2x10000x128xf32, #tpu.memory_space<hbm>> -> memref<1x624x128xf32, #tpu.memory_space<hbm>>
      %dma_wait3A_41 = tpu.memref_squeeze %dma_wait3A_40 : memref<1x624x128xf32, #tpu.memory_space<hbm>> -> memref<624x128xf32, #tpu.memory_space<hbm>>
      %dma_wait3A_42 = arith.constant 0 : i32
      %dma_wait3A_43 = tpu.memref_slice %arg17[%mul3A_27, %dma_wait3A_42] : memref<10000x128xf32, #tpu.memory_space<vmem_shared>> -> memref<624x128xf32, #tpu.memory_space<vmem_shared>>
      tpu.wait_dma2 semaphore(%run_scoped3A : memref<!tpu.dma_semaphore, #tpu.memory_space<semaphore_mem>>) src(%dma_wait3A_43 : memref<624x128xf32, #tpu.memory_space<vmem_shared>>) dst(%dma_wait3A_41 : memref<624x128xf32, #tpu.memory_space<hbm>>)
      tpu.yield
    }) : () -> ()
    %eq3A_30 = arith.constant 0 : i32
    %eq3A_31 = arith.cmpi eq, %arg1, %eq3A_30 : i32
    %convert_element_type3A_32 = arith.extui %eq3A_31 : i1 to i32
    %cond3A_33 = arith.constant 0 : i32
    %cond3A_34 = arith.cmpi ne, %convert_element_type3A_32, %cond3A_33 : i32
    scf.if %cond3A_34 {
      "tpu.region"() ({
        %run_scoped3A = tpu.sem_alloc : memref<!tpu.dma_semaphore, #tpu.memory_space<semaphore_mem>>
        %dma_start3A_35 = arith.constant 9984 : i32
        %dma_start3A_36 = arith.constant 0 : i32
        %dma_start3A_37 = tpu.memref_slice %arg6[%arg0, %dma_start3A_35, %dma_start3A_36] : memref<2x10000x128xf32, #tpu.memory_space<hbm>> -> memref<1x16x128xf32, #tpu.memory_space<hbm>>
        %dma_start3A_38 = tpu.memref_squeeze %dma_start3A_37 : memref<1x16x128xf32, #tpu.memory_space<hbm>> -> memref<16x128xf32, #tpu.memory_space<hbm>>
        %dma_start3A_39 = arith.constant 9984 : i32
        %dma_start3A_40 = arith.constant 0 : i32
        %dma_start3A_41 = tpu.memref_slice %arg17[%dma_start3A_39, %dma_start3A_40] : memref<10000x128xf32, #tpu.memory_space<vmem_shared>> -> memref<16x128xf32, #tpu.memory_space<vmem_shared>>
        tpu.enqueue_dma source(%dma_start3A_41 : memref<16x128xf32, #tpu.memory_space<vmem_shared>>) target(%dma_start3A_38 : memref<16x128xf32, #tpu.memory_space<hbm>>) target_semaphore(%run_scoped3A : memref<!tpu.dma_semaphore, #tpu.memory_space<semaphore_mem>>)
        %dma_wait3A = arith.constant 9984 : i32
        %dma_wait3A_42 = arith.constant 0 : i32
        %dma_wait3A_43 = tpu.memref_slice %arg6[%arg0, %dma_wait3A, %dma_wait3A_42] : memref<2x10000x128xf32, #tpu.memory_space<hbm>> -> memref<1x16x128xf32, #tpu.memory_space<hbm>>
        %dma_wait3A_44 = tpu.memref_squeeze %dma_wait3A_43 : memref<1x16x128xf32, #tpu.memory_space<hbm>> -> memref<16x128xf32, #tpu.memory_space<hbm>>
        %dma_wait3A_45 = arith.constant 9984 : i32
        %dma_wait3A_46 = arith.constant 0 : i32
        %dma_wait3A_47 = tpu.memref_slice %arg17[%dma_wait3A_45, %dma_wait3A_46] : memref<10000x128xf32, #tpu.memory_space<vmem_shared>> -> memref<16x128xf32, #tpu.memory_space<vmem_shared>>
        tpu.wait_dma2 semaphore(%run_scoped3A : memref<!tpu.dma_semaphore, #tpu.memory_space<semaphore_mem>>) src(%dma_wait3A_47 : memref<16x128xf32, #tpu.memory_space<vmem_shared>>) dst(%dma_wait3A_44 : memref<16x128xf32, #tpu.memory_space<hbm>>)
        tpu.yield
      }) : () -> ()
    } else {
    }
    return
  }
}

#map = affine_map<(d0, d1) -> (0, 0)>
#map1 = affine_map<(d0, d1) -> (0, 0, 0)>
module attributes {stable_mosaic.version = 14 : i64} {
  func.func @_sc_agg_body(%arg0: i32, %arg1: i32, %arg2: memref<10000x128xf32, #tpu.memory_space<hbm>>, %arg3: memref<2560x128xi32, #tpu.memory_space<hbm>>, %arg4: memref<2560x128xi32, #tpu.memory_space<hbm>>, %arg5: memref<10000x128xf32, #tpu.memory_space<hbm>>, %arg6: memref<2x10000x128xf32, #tpu.memory_space<hbm>>, %arg7: memref<128xi32, #tpu.memory_space<vmem>>, %arg8: memref<128xi32, #tpu.memory_space<vmem>>, %arg9: memref<128xi32, #tpu.memory_space<vmem>>, %arg10: memref<128xi32, #tpu.memory_space<vmem>>, %arg11: memref<128x128xf32, #tpu.memory_space<vmem>>, %arg12: memref<128x128xf32, #tpu.memory_space<vmem>>, %arg13: memref<!tpu.dma_semaphore, #tpu.memory_space<semaphore_mem>>, %arg14: memref<!tpu.dma_semaphore, #tpu.memory_space<semaphore_mem>>, %arg15: memref<!tpu.dma_semaphore, #tpu.memory_space<semaphore_mem>>, %arg16: memref<!tpu.dma_semaphore, #tpu.memory_space<semaphore_mem>>, %arg17: memref<10000x128xf32, #tpu.memory_space<vmem_shared>>) attributes {dimension_semantics = [#tpu.dimension_semantics<core_parallel>, #tpu.dimension_semantics<subcore_parallel>], iteration_bounds = array<i64: 2, 16>, scalar_prefetch = 0 : i64, scratch_operands = 11 : i64, tpu.core_type = #tpu.core_type<sc_vector_subcore>, window_params = [{transform_indices = #map}, {transform_indices = #map}, {transform_indices = #map}, {transform_indices = #map}, {transform_indices = #map1}]} {
    %mul3A = arith.constant 2 : i32
    %mul3A_0 = arith.muli %arg1, %mul3A : i32
    %add3A = arith.addi %mul3A_0, %arg0 : i32
    %mul3A_1 = arith.constant 624 : i32
    %mul3A_2 = arith.muli %arg1, %mul3A_1 : i32
    %mul3A_3 = arith.constant 624 : i32
    %mul3A_4 = arith.muli %arg1, %mul3A_3 : i32
    "tpu.region"() ({
      %run_scoped3A = tpu.sem_alloc : memref<!tpu.dma_semaphore, #tpu.memory_space<semaphore_mem>>
      %dma_start3A_35 = arith.constant 0 : i32
      %dma_start3A_36 = tpu.memref_slice %arg17[%mul3A_4, %dma_start3A_35] : memref<10000x128xf32, #tpu.memory_space<vmem_shared>> -> memref<624x128xf32, #tpu.memory_space<vmem_shared>>
      %dma_start3A_37 = arith.constant 0 : i32
      %dma_start3A_38 = tpu.memref_slice %arg5[%mul3A_2, %dma_start3A_37] : memref<10000x128xf32, #tpu.memory_space<hbm>> -> memref<624x128xf32, #tpu.memory_space<hbm>>
      tpu.enqueue_dma source(%dma_start3A_38 : memref<624x128xf32, #tpu.memory_space<hbm>>) target(%dma_start3A_36 : memref<624x128xf32, #tpu.memory_space<vmem_shared>>) target_semaphore(%run_scoped3A : memref<!tpu.dma_semaphore, #tpu.memory_space<semaphore_mem>>)
      %dma_wait3A = arith.constant 0 : i32
      %dma_wait3A_39 = tpu.memref_slice %arg17[%mul3A_4, %dma_wait3A] : memref<10000x128xf32, #tpu.memory_space<vmem_shared>> -> memref<624x128xf32, #tpu.memory_space<vmem_shared>>
      %dma_wait3A_40 = arith.constant 0 : i32
      %dma_wait3A_41 = tpu.memref_slice %arg5[%mul3A_2, %dma_wait3A_40] : memref<10000x128xf32, #tpu.memory_space<hbm>> -> memref<624x128xf32, #tpu.memory_space<hbm>>
      tpu.wait_dma2 semaphore(%run_scoped3A : memref<!tpu.dma_semaphore, #tpu.memory_space<semaphore_mem>>) src(%dma_wait3A_41 : memref<624x128xf32, #tpu.memory_space<hbm>>) dst(%dma_wait3A_39 : memref<624x128xf32, #tpu.memory_space<vmem_shared>>)
      tpu.yield
    }) : () -> ()
    %eq3A = arith.constant 0 : i32
    %eq3A_5 = arith.cmpi eq, %arg1, %eq3A : i32
    %convert_element_type3A = arith.extui %eq3A_5 : i1 to i32
    %cond3A = arith.constant 0 : i32
    %cond3A_6 = arith.cmpi ne, %convert_element_type3A, %cond3A : i32
    scf.if %cond3A_6 {
      "tpu.region"() ({
        %run_scoped3A = tpu.sem_alloc : memref<!tpu.dma_semaphore, #tpu.memory_space<semaphore_mem>>
        %dma_start3A_35 = arith.constant 9984 : i32
        %dma_start3A_36 = arith.constant 0 : i32
        %dma_start3A_37 = tpu.memref_slice %arg17[%dma_start3A_35, %dma_start3A_36] : memref<10000x128xf32, #tpu.memory_space<vmem_shared>> -> memref<16x128xf32, #tpu.memory_space<vmem_shared>>
        %dma_start3A_38 = arith.constant 9984 : i32
        %dma_start3A_39 = arith.constant 0 : i32
        %dma_start3A_40 = tpu.memref_slice %arg5[%dma_start3A_38, %dma_start3A_39] : memref<10000x128xf32, #tpu.memory_space<hbm>> -> memref<16x128xf32, #tpu.memory_space<hbm>>
        tpu.enqueue_dma source(%dma_start3A_40 : memref<16x128xf32, #tpu.memory_space<hbm>>) target(%dma_start3A_37 : memref<16x128xf32, #tpu.memory_space<vmem_shared>>) target_semaphore(%run_scoped3A : memref<!tpu.dma_semaphore, #tpu.memory_space<semaphore_mem>>)
        %dma_wait3A = arith.constant 9984 : i32
        %dma_wait3A_41 = arith.constant 0 : i32
        %dma_wait3A_42 = tpu.memref_slice %arg17[%dma_wait3A, %dma_wait3A_41] : memref<10000x128xf32, #tpu.memory_space<vmem_shared>> -> memref<16x128xf32, #tpu.memory_space<vmem_shared>>
        %dma_wait3A_43 = arith.constant 9984 : i32
        %dma_wait3A_44 = arith.constant 0 : i32
        %dma_wait3A_45 = tpu.memref_slice %arg5[%dma_wait3A_43, %dma_wait3A_44] : memref<10000x128xf32, #tpu.memory_space<hbm>> -> memref<16x128xf32, #tpu.memory_space<hbm>>
        tpu.wait_dma2 semaphore(%run_scoped3A : memref<!tpu.dma_semaphore, #tpu.memory_space<semaphore_mem>>) src(%dma_wait3A_45 : memref<16x128xf32, #tpu.memory_space<hbm>>) dst(%dma_wait3A_42 : memref<16x128xf32, #tpu.memory_space<vmem_shared>>)
        tpu.yield
      }) : () -> ()
    } else {
    }
    %barrier3A = arith.constant 0 : index
    tpu.barrier barrier_id(%barrier3A)
    %add3A_7 = arith.constant 0 : i32
    %add3A_8 = arith.addi %add3A, %add3A_7 : i32
    "tpu.region"() ({
      %run_scoped3A = tpu.sem_alloc : memref<!tpu.dma_semaphore, #tpu.memory_space<semaphore_mem>>
      %dma_start3A_35 = arith.constant 0 : i32
      %dma_start3A_36 = tpu.memref_slice %arg3[%add3A_8, %dma_start3A_35] : memref<2560x128xi32, #tpu.memory_space<hbm>> -> memref<1x128xi32, #tpu.memory_space<hbm>>
      %dma_start3A_37 = tpu.memref_squeeze %dma_start3A_36 : memref<1x128xi32, #tpu.memory_space<hbm>> -> memref<128xi32, #tpu.memory_space<hbm>>
      %dma_start3A_38 = arith.constant 0 : i32
      %dma_start3A_39 = tpu.memref_slice %arg3[%add3A_8, %dma_start3A_38] : memref<2560x128xi32, #tpu.memory_space<hbm>> -> memref<1x128xi32, #tpu.memory_space<hbm>>
      %dma_start3A_40 = tpu.memref_squeeze %dma_start3A_39 : memref<1x128xi32, #tpu.memory_space<hbm>> -> memref<128xi32, #tpu.memory_space<hbm>>
      tpu.enqueue_dma source(%dma_start3A_40 : memref<128xi32, #tpu.memory_space<hbm>>) target(%arg7 : memref<128xi32, #tpu.memory_space<vmem>>) target_semaphore(%run_scoped3A : memref<!tpu.dma_semaphore, #tpu.memory_space<semaphore_mem>>)
      %dma_wait3A = arith.constant 0 : i32
      %dma_wait3A_41 = tpu.memref_slice %arg3[%add3A_8, %dma_wait3A] : memref<2560x128xi32, #tpu.memory_space<hbm>> -> memref<1x128xi32, #tpu.memory_space<hbm>>
      %dma_wait3A_42 = tpu.memref_squeeze %dma_wait3A_41 : memref<1x128xi32, #tpu.memory_space<hbm>> -> memref<128xi32, #tpu.memory_space<hbm>>
      %dma_wait3A_43 = arith.constant 0 : i32
      %dma_wait3A_44 = tpu.memref_slice %arg3[%add3A_8, %dma_wait3A_43] : memref<2560x128xi32, #tpu.memory_space<hbm>> -> memref<1x128xi32, #tpu.memory_space<hbm>>
      %dma_wait3A_45 = tpu.memref_squeeze %dma_wait3A_44 : memref<1x128xi32, #tpu.memory_space<hbm>> -> memref<128xi32, #tpu.memory_space<hbm>>
      tpu.wait_dma2 semaphore(%run_scoped3A : memref<!tpu.dma_semaphore, #tpu.memory_space<semaphore_mem>>) src(%dma_wait3A_45 : memref<128xi32, #tpu.memory_space<hbm>>) dst(%arg7 : memref<128xi32, #tpu.memory_space<vmem>>)
      tpu.yield
    }) : () -> ()
    "tpu.region"() ({
      %run_scoped3A = tpu.sem_alloc : memref<!tpu.dma_semaphore, #tpu.memory_space<semaphore_mem>>
      %dma_start3A_35 = arith.constant 0 : i32
      %dma_start3A_36 = tpu.memref_slice %arg4[%add3A_8, %dma_start3A_35] : memref<2560x128xi32, #tpu.memory_space<hbm>> -> memref<1x128xi32, #tpu.memory_space<hbm>>
      %dma_start3A_37 = tpu.memref_squeeze %dma_start3A_36 : memref<1x128xi32, #tpu.memory_space<hbm>> -> memref<128xi32, #tpu.memory_space<hbm>>
      %dma_start3A_38 = arith.constant 0 : i32
      %dma_start3A_39 = tpu.memref_slice %arg4[%add3A_8, %dma_start3A_38] : memref<2560x128xi32, #tpu.memory_space<hbm>> -> memref<1x128xi32, #tpu.memory_space<hbm>>
      %dma_start3A_40 = tpu.memref_squeeze %dma_start3A_39 : memref<1x128xi32, #tpu.memory_space<hbm>> -> memref<128xi32, #tpu.memory_space<hbm>>
      tpu.enqueue_dma source(%dma_start3A_40 : memref<128xi32, #tpu.memory_space<hbm>>) target(%arg8 : memref<128xi32, #tpu.memory_space<vmem>>) target_semaphore(%run_scoped3A : memref<!tpu.dma_semaphore, #tpu.memory_space<semaphore_mem>>)
      %dma_wait3A = arith.constant 0 : i32
      %dma_wait3A_41 = tpu.memref_slice %arg4[%add3A_8, %dma_wait3A] : memref<2560x128xi32, #tpu.memory_space<hbm>> -> memref<1x128xi32, #tpu.memory_space<hbm>>
      %dma_wait3A_42 = tpu.memref_squeeze %dma_wait3A_41 : memref<1x128xi32, #tpu.memory_space<hbm>> -> memref<128xi32, #tpu.memory_space<hbm>>
      %dma_wait3A_43 = arith.constant 0 : i32
      %dma_wait3A_44 = tpu.memref_slice %arg4[%add3A_8, %dma_wait3A_43] : memref<2560x128xi32, #tpu.memory_space<hbm>> -> memref<1x128xi32, #tpu.memory_space<hbm>>
      %dma_wait3A_45 = tpu.memref_squeeze %dma_wait3A_44 : memref<1x128xi32, #tpu.memory_space<hbm>> -> memref<128xi32, #tpu.memory_space<hbm>>
      tpu.wait_dma2 semaphore(%run_scoped3A : memref<!tpu.dma_semaphore, #tpu.memory_space<semaphore_mem>>) src(%dma_wait3A_45 : memref<128xi32, #tpu.memory_space<hbm>>) dst(%arg8 : memref<128xi32, #tpu.memory_space<vmem>>)
      tpu.yield
    }) : () -> ()
    %dma_start3A = arith.constant 0 : i32
    %dma_start3A_9 = arith.constant 0 : i32
    %dma_start3A_10 = tpu.memref_slice %arg2[%dma_start3A, %dma_start3A_9] : memref<10000x128xf32, #tpu.memory_space<hbm>> -> memref<10000x128xf32, #tpu.memory_space<hbm>>
    tpu.enqueue_indirect_dma source(%dma_start3A_10 : memref<10000x128xf32, #tpu.memory_space<hbm>>) target(%arg11 : memref<128x128xf32, #tpu.memory_space<vmem>>) offsets(%arg7 : memref<128xi32, #tpu.memory_space<vmem>>) semaphore(%arg13 : memref<!tpu.dma_semaphore, #tpu.memory_space<semaphore_mem>>)
    %add3A_11 = arith.constant 32 : i32
    %add3A_12 = arith.addi %add3A, %add3A_11 : i32
    "tpu.region"() ({
      %run_scoped3A = tpu.sem_alloc : memref<!tpu.dma_semaphore, #tpu.memory_space<semaphore_mem>>
      %dma_start3A_35 = arith.constant 0 : i32
      %dma_start3A_36 = tpu.memref_slice %arg3[%add3A_12, %dma_start3A_35] : memref<2560x128xi32, #tpu.memory_space<hbm>> -> memref<1x128xi32, #tpu.memory_space<hbm>>
      %dma_start3A_37 = tpu.memref_squeeze %dma_start3A_36 : memref<1x128xi32, #tpu.memory_space<hbm>> -> memref<128xi32, #tpu.memory_space<hbm>>
      %dma_start3A_38 = arith.constant 0 : i32
      %dma_start3A_39 = tpu.memref_slice %arg3[%add3A_12, %dma_start3A_38] : memref<2560x128xi32, #tpu.memory_space<hbm>> -> memref<1x128xi32, #tpu.memory_space<hbm>>
      %dma_start3A_40 = tpu.memref_squeeze %dma_start3A_39 : memref<1x128xi32, #tpu.memory_space<hbm>> -> memref<128xi32, #tpu.memory_space<hbm>>
      tpu.enqueue_dma source(%dma_start3A_40 : memref<128xi32, #tpu.memory_space<hbm>>) target(%arg9 : memref<128xi32, #tpu.memory_space<vmem>>) target_semaphore(%run_scoped3A : memref<!tpu.dma_semaphore, #tpu.memory_space<semaphore_mem>>)
      %dma_wait3A = arith.constant 0 : i32
      %dma_wait3A_41 = tpu.memref_slice %arg3[%add3A_12, %dma_wait3A] : memref<2560x128xi32, #tpu.memory_space<hbm>> -> memref<1x128xi32, #tpu.memory_space<hbm>>
      %dma_wait3A_42 = tpu.memref_squeeze %dma_wait3A_41 : memref<1x128xi32, #tpu.memory_space<hbm>> -> memref<128xi32, #tpu.memory_space<hbm>>
      %dma_wait3A_43 = arith.constant 0 : i32
      %dma_wait3A_44 = tpu.memref_slice %arg3[%add3A_12, %dma_wait3A_43] : memref<2560x128xi32, #tpu.memory_space<hbm>> -> memref<1x128xi32, #tpu.memory_space<hbm>>
      %dma_wait3A_45 = tpu.memref_squeeze %dma_wait3A_44 : memref<1x128xi32, #tpu.memory_space<hbm>> -> memref<128xi32, #tpu.memory_space<hbm>>
      tpu.wait_dma2 semaphore(%run_scoped3A : memref<!tpu.dma_semaphore, #tpu.memory_space<semaphore_mem>>) src(%dma_wait3A_45 : memref<128xi32, #tpu.memory_space<hbm>>) dst(%arg9 : memref<128xi32, #tpu.memory_space<vmem>>)
      tpu.yield
    }) : () -> ()
    "tpu.region"() ({
      %run_scoped3A = tpu.sem_alloc : memref<!tpu.dma_semaphore, #tpu.memory_space<semaphore_mem>>
      %dma_start3A_35 = arith.constant 0 : i32
      %dma_start3A_36 = tpu.memref_slice %arg4[%add3A_12, %dma_start3A_35] : memref<2560x128xi32, #tpu.memory_space<hbm>> -> memref<1x128xi32, #tpu.memory_space<hbm>>
      %dma_start3A_37 = tpu.memref_squeeze %dma_start3A_36 : memref<1x128xi32, #tpu.memory_space<hbm>> -> memref<128xi32, #tpu.memory_space<hbm>>
      %dma_start3A_38 = arith.constant 0 : i32
      %dma_start3A_39 = tpu.memref_slice %arg4[%add3A_12, %dma_start3A_38] : memref<2560x128xi32, #tpu.memory_space<hbm>> -> memref<1x128xi32, #tpu.memory_space<hbm>>
      %dma_start3A_40 = tpu.memref_squeeze %dma_start3A_39 : memref<1x128xi32, #tpu.memory_space<hbm>> -> memref<128xi32, #tpu.memory_space<hbm>>
      tpu.enqueue_dma source(%dma_start3A_40 : memref<128xi32, #tpu.memory_space<hbm>>) target(%arg10 : memref<128xi32, #tpu.memory_space<vmem>>) target_semaphore(%run_scoped3A : memref<!tpu.dma_semaphore, #tpu.memory_space<semaphore_mem>>)
      %dma_wait3A = arith.constant 0 : i32
      %dma_wait3A_41 = tpu.memref_slice %arg4[%add3A_12, %dma_wait3A] : memref<2560x128xi32, #tpu.memory_space<hbm>> -> memref<1x128xi32, #tpu.memory_space<hbm>>
      %dma_wait3A_42 = tpu.memref_squeeze %dma_wait3A_41 : memref<1x128xi32, #tpu.memory_space<hbm>> -> memref<128xi32, #tpu.memory_space<hbm>>
      %dma_wait3A_43 = arith.constant 0 : i32
      %dma_wait3A_44 = tpu.memref_slice %arg4[%add3A_12, %dma_wait3A_43] : memref<2560x128xi32, #tpu.memory_space<hbm>> -> memref<1x128xi32, #tpu.memory_space<hbm>>
      %dma_wait3A_45 = tpu.memref_squeeze %dma_wait3A_44 : memref<1x128xi32, #tpu.memory_space<hbm>> -> memref<128xi32, #tpu.memory_space<hbm>>
      tpu.wait_dma2 semaphore(%run_scoped3A : memref<!tpu.dma_semaphore, #tpu.memory_space<semaphore_mem>>) src(%dma_wait3A_45 : memref<128xi32, #tpu.memory_space<hbm>>) dst(%arg10 : memref<128xi32, #tpu.memory_space<vmem>>)
      tpu.yield
    }) : () -> ()
    %dma_start3A_13 = arith.constant 0 : i32
    %dma_start3A_14 = arith.constant 0 : i32
    %dma_start3A_15 = tpu.memref_slice %arg2[%dma_start3A_13, %dma_start3A_14] : memref<10000x128xf32, #tpu.memory_space<hbm>> -> memref<10000x128xf32, #tpu.memory_space<hbm>>
    tpu.enqueue_indirect_dma source(%dma_start3A_15 : memref<10000x128xf32, #tpu.memory_space<hbm>>) target(%arg12 : memref<128x128xf32, #tpu.memory_space<vmem>>) offsets(%arg9 : memref<128xi32, #tpu.memory_space<vmem>>) semaphore(%arg14 : memref<!tpu.dma_semaphore, #tpu.memory_space<semaphore_mem>>)
    %scan3A = arith.constant 0 : i32
    %scan3A_16 = arith.constant 0 : i32
    %scan3A_17 = arith.constant 39 : i32
    %scan3A_18 = arith.addi %scan3A_16, %scan3A_17 : i32
    %scan3A_19 = arith.constant 1 : i32
    scf.for %scan3A_35 = %scan3A_16 to %scan3A_18 step %scan3A_19  : i32 {
      %mul3A_36 = arith.constant 2 : i32
      %mul3A_37 = arith.muli %mul3A_36, %scan3A_35 : i32
      %add3A_38 = arith.constant 1 : i32
      %add3A_39 = arith.addi %mul3A_37, %add3A_38 : i32
      %dma_wait3A = arith.constant 0 : i32
      %dma_wait3A_40 = arith.constant 0 : i32
      %dma_wait3A_41 = tpu.memref_slice %arg2[%dma_wait3A, %dma_wait3A_40] : memref<10000x128xf32, #tpu.memory_space<hbm>> -> memref<10000x128xf32, #tpu.memory_space<hbm>>
      tpu.wait_indirect_dma semaphore(%arg13 : memref<!tpu.dma_semaphore, #tpu.memory_space<semaphore_mem>>) src(%dma_wait3A_41 : memref<10000x128xf32, #tpu.memory_space<hbm>>) dst(%arg11 : memref<128x128xf32, #tpu.memory_space<vmem>>)
      %dma_start3A_42 = arith.constant 0 : i32
      %dma_start3A_43 = arith.constant 0 : i32
      %dma_start3A_44 = tpu.memref_slice %arg17[%dma_start3A_42, %dma_start3A_43] : memref<10000x128xf32, #tpu.memory_space<vmem_shared>> -> memref<10000x128xf32, #tpu.memory_space<vmem_shared>>
      tpu.enqueue_indirect_dma source(%arg11 : memref<128x128xf32, #tpu.memory_space<vmem>>) target(%dma_start3A_44 : memref<10000x128xf32, #tpu.memory_space<vmem_shared>>) offsets(%arg8 : memref<128xi32, #tpu.memory_space<vmem>>) semaphore(%arg15 : memref<!tpu.dma_semaphore, #tpu.memory_space<semaphore_mem>>) {add = true}
      %dma_wait3A_45 = arith.constant 0 : i32
      %dma_wait3A_46 = arith.constant 0 : i32
      %dma_wait3A_47 = tpu.memref_slice %arg2[%dma_wait3A_45, %dma_wait3A_46] : memref<10000x128xf32, #tpu.memory_space<hbm>> -> memref<10000x128xf32, #tpu.memory_space<hbm>>
      tpu.wait_indirect_dma semaphore(%arg14 : memref<!tpu.dma_semaphore, #tpu.memory_space<semaphore_mem>>) src(%dma_wait3A_47 : memref<10000x128xf32, #tpu.memory_space<hbm>>) dst(%arg12 : memref<128x128xf32, #tpu.memory_space<vmem>>)
      %dma_start3A_48 = arith.constant 0 : i32
      %dma_start3A_49 = arith.constant 0 : i32
      %dma_start3A_50 = tpu.memref_slice %arg17[%dma_start3A_48, %dma_start3A_49] : memref<10000x128xf32, #tpu.memory_space<vmem_shared>> -> memref<10000x128xf32, #tpu.memory_space<vmem_shared>>
      tpu.enqueue_indirect_dma source(%arg12 : memref<128x128xf32, #tpu.memory_space<vmem>>) target(%dma_start3A_50 : memref<10000x128xf32, #tpu.memory_space<vmem_shared>>) offsets(%arg10 : memref<128xi32, #tpu.memory_space<vmem>>) semaphore(%arg16 : memref<!tpu.dma_semaphore, #tpu.memory_space<semaphore_mem>>) {add = true}
      %lt3A_51 = arith.constant 38 : i32
      %lt3A_52 = arith.cmpi slt, %scan3A_35, %lt3A_51 : i32
      %convert_element_type3A_53 = arith.extui %lt3A_52 : i1 to i32
      %cond3A_54 = arith.constant 0 : i32
      %cond3A_55 = arith.cmpi ne, %convert_element_type3A_53, %cond3A_54 : i32
      scf.if %cond3A_55 {
        %dma_wait3A_61 = arith.constant 0 : i32
        %dma_wait3A_62 = arith.constant 0 : i32
        %dma_wait3A_63 = tpu.memref_slice %arg17[%dma_wait3A_61, %dma_wait3A_62] : memref<10000x128xf32, #tpu.memory_space<vmem_shared>> -> memref<10000x128xf32, #tpu.memory_space<vmem_shared>>
        tpu.wait_indirect_dma semaphore(%arg15 : memref<!tpu.dma_semaphore, #tpu.memory_space<semaphore_mem>>) src(%arg11 : memref<128x128xf32, #tpu.memory_space<vmem>>) dst(%dma_wait3A_63 : memref<10000x128xf32, #tpu.memory_space<vmem_shared>>)
        %add3A_64 = arith.constant 2 : i32
        %add3A_65 = arith.addi %mul3A_37, %add3A_64 : i32
        %mul3A_66 = arith.constant 32 : i32
        %mul3A_67 = arith.muli %add3A_65, %mul3A_66 : i32
        %add3A_68 = arith.addi %add3A, %mul3A_67 : i32
        "tpu.region"() ({
          %run_scoped3A = tpu.sem_alloc : memref<!tpu.dma_semaphore, #tpu.memory_space<semaphore_mem>>
          %dma_start3A_83 = arith.constant 0 : i32
          %dma_start3A_84 = tpu.memref_slice %arg3[%add3A_68, %dma_start3A_83] : memref<2560x128xi32, #tpu.memory_space<hbm>> -> memref<1x128xi32, #tpu.memory_space<hbm>>
          %dma_start3A_85 = tpu.memref_squeeze %dma_start3A_84 : memref<1x128xi32, #tpu.memory_space<hbm>> -> memref<128xi32, #tpu.memory_space<hbm>>
          %dma_start3A_86 = arith.constant 0 : i32
          %dma_start3A_87 = tpu.memref_slice %arg3[%add3A_68, %dma_start3A_86] : memref<2560x128xi32, #tpu.memory_space<hbm>> -> memref<1x128xi32, #tpu.memory_space<hbm>>
          %dma_start3A_88 = tpu.memref_squeeze %dma_start3A_87 : memref<1x128xi32, #tpu.memory_space<hbm>> -> memref<128xi32, #tpu.memory_space<hbm>>
          tpu.enqueue_dma source(%dma_start3A_88 : memref<128xi32, #tpu.memory_space<hbm>>) target(%arg7 : memref<128xi32, #tpu.memory_space<vmem>>) target_semaphore(%run_scoped3A : memref<!tpu.dma_semaphore, #tpu.memory_space<semaphore_mem>>)
          %dma_wait3A_89 = arith.constant 0 : i32
          %dma_wait3A_90 = tpu.memref_slice %arg3[%add3A_68, %dma_wait3A_89] : memref<2560x128xi32, #tpu.memory_space<hbm>> -> memref<1x128xi32, #tpu.memory_space<hbm>>
          %dma_wait3A_91 = tpu.memref_squeeze %dma_wait3A_90 : memref<1x128xi32, #tpu.memory_space<hbm>> -> memref<128xi32, #tpu.memory_space<hbm>>
          %dma_wait3A_92 = arith.constant 0 : i32
          %dma_wait3A_93 = tpu.memref_slice %arg3[%add3A_68, %dma_wait3A_92] : memref<2560x128xi32, #tpu.memory_space<hbm>> -> memref<1x128xi32, #tpu.memory_space<hbm>>
          %dma_wait3A_94 = tpu.memref_squeeze %dma_wait3A_93 : memref<1x128xi32, #tpu.memory_space<hbm>> -> memref<128xi32, #tpu.memory_space<hbm>>
          tpu.wait_dma2 semaphore(%run_scoped3A : memref<!tpu.dma_semaphore, #tpu.memory_space<semaphore_mem>>) src(%dma_wait3A_94 : memref<128xi32, #tpu.memory_space<hbm>>) dst(%arg7 : memref<128xi32, #tpu.memory_space<vmem>>)
          tpu.yield
        }) : () -> ()
        "tpu.region"() ({
          %run_scoped3A = tpu.sem_alloc : memref<!tpu.dma_semaphore, #tpu.memory_space<semaphore_mem>>
          %dma_start3A_83 = arith.constant 0 : i32
          %dma_start3A_84 = tpu.memref_slice %arg4[%add3A_68, %dma_start3A_83] : memref<2560x128xi32, #tpu.memory_space<hbm>> -> memref<1x128xi32, #tpu.memory_space<hbm>>
          %dma_start3A_85 = tpu.memref_squeeze %dma_start3A_84 : memref<1x128xi32, #tpu.memory_space<hbm>> -> memref<128xi32, #tpu.memory_space<hbm>>
          %dma_start3A_86 = arith.constant 0 : i32
          %dma_start3A_87 = tpu.memref_slice %arg4[%add3A_68, %dma_start3A_86] : memref<2560x128xi32, #tpu.memory_space<hbm>> -> memref<1x128xi32, #tpu.memory_space<hbm>>
          %dma_start3A_88 = tpu.memref_squeeze %dma_start3A_87 : memref<1x128xi32, #tpu.memory_space<hbm>> -> memref<128xi32, #tpu.memory_space<hbm>>
          tpu.enqueue_dma source(%dma_start3A_88 : memref<128xi32, #tpu.memory_space<hbm>>) target(%arg8 : memref<128xi32, #tpu.memory_space<vmem>>) target_semaphore(%run_scoped3A : memref<!tpu.dma_semaphore, #tpu.memory_space<semaphore_mem>>)
          %dma_wait3A_89 = arith.constant 0 : i32
          %dma_wait3A_90 = tpu.memref_slice %arg4[%add3A_68, %dma_wait3A_89] : memref<2560x128xi32, #tpu.memory_space<hbm>> -> memref<1x128xi32, #tpu.memory_space<hbm>>
          %dma_wait3A_91 = tpu.memref_squeeze %dma_wait3A_90 : memref<1x128xi32, #tpu.memory_space<hbm>> -> memref<128xi32, #tpu.memory_space<hbm>>
          %dma_wait3A_92 = arith.constant 0 : i32
          %dma_wait3A_93 = tpu.memref_slice %arg4[%add3A_68, %dma_wait3A_92] : memref<2560x128xi32, #tpu.memory_space<hbm>> -> memref<1x128xi32, #tpu.memory_space<hbm>>
          %dma_wait3A_94 = tpu.memref_squeeze %dma_wait3A_93 : memref<1x128xi32, #tpu.memory_space<hbm>> -> memref<128xi32, #tpu.memory_space<hbm>>
          tpu.wait_dma2 semaphore(%run_scoped3A : memref<!tpu.dma_semaphore, #tpu.memory_space<semaphore_mem>>) src(%dma_wait3A_94 : memref<128xi32, #tpu.memory_space<hbm>>) dst(%arg8 : memref<128xi32, #tpu.memory_space<vmem>>)
          tpu.yield
        }) : () -> ()
        %dma_start3A_69 = arith.constant 0 : i32
        %dma_start3A_70 = arith.constant 0 : i32
        %dma_start3A_71 = tpu.memref_slice %arg2[%dma_start3A_69, %dma_start3A_70] : memref<10000x128xf32, #tpu.memory_space<hbm>> -> memref<10000x128xf32, #tpu.memory_space<hbm>>
        tpu.enqueue_indirect_dma source(%dma_start3A_71 : memref<10000x128xf32, #tpu.memory_space<hbm>>) target(%arg11 : memref<128x128xf32, #tpu.memory_space<vmem>>) offsets(%arg7 : memref<128xi32, #tpu.memory_space<vmem>>) semaphore(%arg13 : memref<!tpu.dma_semaphore, #tpu.memory_space<semaphore_mem>>)
        %dma_wait3A_72 = arith.constant 0 : i32
        %dma_wait3A_73 = arith.constant 0 : i32
        %dma_wait3A_74 = tpu.memref_slice %arg17[%dma_wait3A_72, %dma_wait3A_73] : memref<10000x128xf32, #tpu.memory_space<vmem_shared>> -> memref<10000x128xf32, #tpu.memory_space<vmem_shared>>
        tpu.wait_indirect_dma semaphore(%arg16 : memref<!tpu.dma_semaphore, #tpu.memory_space<semaphore_mem>>) src(%arg12 : memref<128x128xf32, #tpu.memory_space<vmem>>) dst(%dma_wait3A_74 : memref<10000x128xf32, #tpu.memory_space<vmem_shared>>)
        %add3A_75 = arith.constant 2 : i32
        %add3A_76 = arith.addi %add3A_39, %add3A_75 : i32
        %mul3A_77 = arith.constant 32 : i32
        %mul3A_78 = arith.muli %add3A_76, %mul3A_77 : i32
        %add3A_79 = arith.addi %add3A, %mul3A_78 : i32
        "tpu.region"() ({
          %run_scoped3A = tpu.sem_alloc : memref<!tpu.dma_semaphore, #tpu.memory_space<semaphore_mem>>
          %dma_start3A_83 = arith.constant 0 : i32
          %dma_start3A_84 = tpu.memref_slice %arg3[%add3A_79, %dma_start3A_83] : memref<2560x128xi32, #tpu.memory_space<hbm>> -> memref<1x128xi32, #tpu.memory_space<hbm>>
          %dma_start3A_85 = tpu.memref_squeeze %dma_start3A_84 : memref<1x128xi32, #tpu.memory_space<hbm>> -> memref<128xi32, #tpu.memory_space<hbm>>
          %dma_start3A_86 = arith.constant 0 : i32
          %dma_start3A_87 = tpu.memref_slice %arg3[%add3A_79, %dma_start3A_86] : memref<2560x128xi32, #tpu.memory_space<hbm>> -> memref<1x128xi32, #tpu.memory_space<hbm>>
          %dma_start3A_88 = tpu.memref_squeeze %dma_start3A_87 : memref<1x128xi32, #tpu.memory_space<hbm>> -> memref<128xi32, #tpu.memory_space<hbm>>
          tpu.enqueue_dma source(%dma_start3A_88 : memref<128xi32, #tpu.memory_space<hbm>>) target(%arg9 : memref<128xi32, #tpu.memory_space<vmem>>) target_semaphore(%run_scoped3A : memref<!tpu.dma_semaphore, #tpu.memory_space<semaphore_mem>>)
          %dma_wait3A_89 = arith.constant 0 : i32
          %dma_wait3A_90 = tpu.memref_slice %arg3[%add3A_79, %dma_wait3A_89] : memref<2560x128xi32, #tpu.memory_space<hbm>> -> memref<1x128xi32, #tpu.memory_space<hbm>>
          %dma_wait3A_91 = tpu.memref_squeeze %dma_wait3A_90 : memref<1x128xi32, #tpu.memory_space<hbm>> -> memref<128xi32, #tpu.memory_space<hbm>>
          %dma_wait3A_92 = arith.constant 0 : i32
          %dma_wait3A_93 = tpu.memref_slice %arg3[%add3A_79, %dma_wait3A_92] : memref<2560x128xi32, #tpu.memory_space<hbm>> -> memref<1x128xi32, #tpu.memory_space<hbm>>
          %dma_wait3A_94 = tpu.memref_squeeze %dma_wait3A_93 : memref<1x128xi32, #tpu.memory_space<hbm>> -> memref<128xi32, #tpu.memory_space<hbm>>
          tpu.wait_dma2 semaphore(%run_scoped3A : memref<!tpu.dma_semaphore, #tpu.memory_space<semaphore_mem>>) src(%dma_wait3A_94 : memref<128xi32, #tpu.memory_space<hbm>>) dst(%arg9 : memref<128xi32, #tpu.memory_space<vmem>>)
          tpu.yield
        }) : () -> ()
        "tpu.region"() ({
          %run_scoped3A = tpu.sem_alloc : memref<!tpu.dma_semaphore, #tpu.memory_space<semaphore_mem>>
          %dma_start3A_83 = arith.constant 0 : i32
          %dma_start3A_84 = tpu.memref_slice %arg4[%add3A_79, %dma_start3A_83] : memref<2560x128xi32, #tpu.memory_space<hbm>> -> memref<1x128xi32, #tpu.memory_space<hbm>>
          %dma_start3A_85 = tpu.memref_squeeze %dma_start3A_84 : memref<1x128xi32, #tpu.memory_space<hbm>> -> memref<128xi32, #tpu.memory_space<hbm>>
          %dma_start3A_86 = arith.constant 0 : i32
          %dma_start3A_87 = tpu.memref_slice %arg4[%add3A_79, %dma_start3A_86] : memref<2560x128xi32, #tpu.memory_space<hbm>> -> memref<1x128xi32, #tpu.memory_space<hbm>>
          %dma_start3A_88 = tpu.memref_squeeze %dma_start3A_87 : memref<1x128xi32, #tpu.memory_space<hbm>> -> memref<128xi32, #tpu.memory_space<hbm>>
          tpu.enqueue_dma source(%dma_start3A_88 : memref<128xi32, #tpu.memory_space<hbm>>) target(%arg10 : memref<128xi32, #tpu.memory_space<vmem>>) target_semaphore(%run_scoped3A : memref<!tpu.dma_semaphore, #tpu.memory_space<semaphore_mem>>)
          %dma_wait3A_89 = arith.constant 0 : i32
          %dma_wait3A_90 = tpu.memref_slice %arg4[%add3A_79, %dma_wait3A_89] : memref<2560x128xi32, #tpu.memory_space<hbm>> -> memref<1x128xi32, #tpu.memory_space<hbm>>
          %dma_wait3A_91 = tpu.memref_squeeze %dma_wait3A_90 : memref<1x128xi32, #tpu.memory_space<hbm>> -> memref<128xi32, #tpu.memory_space<hbm>>
          %dma_wait3A_92 = arith.constant 0 : i32
          %dma_wait3A_93 = tpu.memref_slice %arg4[%add3A_79, %dma_wait3A_92] : memref<2560x128xi32, #tpu.memory_space<hbm>> -> memref<1x128xi32, #tpu.memory_space<hbm>>
          %dma_wait3A_94 = tpu.memref_squeeze %dma_wait3A_93 : memref<1x128xi32, #tpu.memory_space<hbm>> -> memref<128xi32, #tpu.memory_space<hbm>>
          tpu.wait_dma2 semaphore(%run_scoped3A : memref<!tpu.dma_semaphore, #tpu.memory_space<semaphore_mem>>) src(%dma_wait3A_94 : memref<128xi32, #tpu.memory_space<hbm>>) dst(%arg10 : memref<128xi32, #tpu.memory_space<vmem>>)
          tpu.yield
        }) : () -> ()
        %dma_start3A_80 = arith.constant 0 : i32
        %dma_start3A_81 = arith.constant 0 : i32
        %dma_start3A_82 = tpu.memref_slice %arg2[%dma_start3A_80, %dma_start3A_81] : memref<10000x128xf32, #tpu.memory_space<hbm>> -> memref<10000x128xf32, #tpu.memory_space<hbm>>
        tpu.enqueue_indirect_dma source(%dma_start3A_82 : memref<10000x128xf32, #tpu.memory_space<hbm>>) target(%arg12 : memref<128x128xf32, #tpu.memory_space<vmem>>) offsets(%arg9 : memref<128xi32, #tpu.memory_space<vmem>>) semaphore(%arg14 : memref<!tpu.dma_semaphore, #tpu.memory_space<semaphore_mem>>)
      } else {
      }
      %eq3A_56 = arith.constant 38 : i32
      %eq3A_57 = arith.cmpi eq, %scan3A_35, %eq3A_56 : i32
      %convert_element_type3A_58 = arith.extui %eq3A_57 : i1 to i32
      %cond3A_59 = arith.constant 0 : i32
      %cond3A_60 = arith.cmpi ne, %convert_element_type3A_58, %cond3A_59 : i32
      scf.if %cond3A_60 {
        %dma_wait3A_61 = arith.constant 0 : i32
        %dma_wait3A_62 = arith.constant 0 : i32
        %dma_wait3A_63 = tpu.memref_slice %arg17[%dma_wait3A_61, %dma_wait3A_62] : memref<10000x128xf32, #tpu.memory_space<vmem_shared>> -> memref<10000x128xf32, #tpu.memory_space<vmem_shared>>
        tpu.wait_indirect_dma semaphore(%arg15 : memref<!tpu.dma_semaphore, #tpu.memory_space<semaphore_mem>>) src(%arg11 : memref<128x128xf32, #tpu.memory_space<vmem>>) dst(%dma_wait3A_63 : memref<10000x128xf32, #tpu.memory_space<vmem_shared>>)
        %dma_wait3A_64 = arith.constant 0 : i32
        %dma_wait3A_65 = arith.constant 0 : i32
        %dma_wait3A_66 = tpu.memref_slice %arg17[%dma_wait3A_64, %dma_wait3A_65] : memref<10000x128xf32, #tpu.memory_space<vmem_shared>> -> memref<10000x128xf32, #tpu.memory_space<vmem_shared>>
        tpu.wait_indirect_dma semaphore(%arg16 : memref<!tpu.dma_semaphore, #tpu.memory_space<semaphore_mem>>) src(%arg12 : memref<128x128xf32, #tpu.memory_space<vmem>>) dst(%dma_wait3A_66 : memref<10000x128xf32, #tpu.memory_space<vmem_shared>>)
      } else {
      }
    }
    %scan3A_20 = arith.constant 39 : i32
    %lt3A = arith.constant 4 : i32
    %lt3A_21 = arith.cmpi slt, %add3A, %lt3A : i32
    %convert_element_type3A_22 = arith.extui %lt3A_21 : i1 to i32
    %cond3A_23 = arith.constant 0 : i32
    %cond3A_24 = arith.cmpi ne, %convert_element_type3A_22, %cond3A_23 : i32
    scf.if %cond3A_24 {
      %add3A_35 = arith.constant 2496 : i32
      %add3A_36 = arith.addi %add3A, %add3A_35 : i32
      "tpu.region"() ({
        %run_scoped3A = tpu.sem_alloc : memref<!tpu.dma_semaphore, #tpu.memory_space<semaphore_mem>>
        %dma_start3A_42 = arith.constant 0 : i32
        %dma_start3A_43 = tpu.memref_slice %arg3[%add3A_36, %dma_start3A_42] : memref<2560x128xi32, #tpu.memory_space<hbm>> -> memref<1x128xi32, #tpu.memory_space<hbm>>
        %dma_start3A_44 = tpu.memref_squeeze %dma_start3A_43 : memref<1x128xi32, #tpu.memory_space<hbm>> -> memref<128xi32, #tpu.memory_space<hbm>>
        %dma_start3A_45 = arith.constant 0 : i32
        %dma_start3A_46 = tpu.memref_slice %arg3[%add3A_36, %dma_start3A_45] : memref<2560x128xi32, #tpu.memory_space<hbm>> -> memref<1x128xi32, #tpu.memory_space<hbm>>
        %dma_start3A_47 = tpu.memref_squeeze %dma_start3A_46 : memref<1x128xi32, #tpu.memory_space<hbm>> -> memref<128xi32, #tpu.memory_space<hbm>>
        tpu.enqueue_dma source(%dma_start3A_47 : memref<128xi32, #tpu.memory_space<hbm>>) target(%arg7 : memref<128xi32, #tpu.memory_space<vmem>>) target_semaphore(%run_scoped3A : memref<!tpu.dma_semaphore, #tpu.memory_space<semaphore_mem>>)
        %dma_wait3A_48 = arith.constant 0 : i32
        %dma_wait3A_49 = tpu.memref_slice %arg3[%add3A_36, %dma_wait3A_48] : memref<2560x128xi32, #tpu.memory_space<hbm>> -> memref<1x128xi32, #tpu.memory_space<hbm>>
        %dma_wait3A_50 = tpu.memref_squeeze %dma_wait3A_49 : memref<1x128xi32, #tpu.memory_space<hbm>> -> memref<128xi32, #tpu.memory_space<hbm>>
        %dma_wait3A_51 = arith.constant 0 : i32
        %dma_wait3A_52 = tpu.memref_slice %arg3[%add3A_36, %dma_wait3A_51] : memref<2560x128xi32, #tpu.memory_space<hbm>> -> memref<1x128xi32, #tpu.memory_space<hbm>>
        %dma_wait3A_53 = tpu.memref_squeeze %dma_wait3A_52 : memref<1x128xi32, #tpu.memory_space<hbm>> -> memref<128xi32, #tpu.memory_space<hbm>>
        tpu.wait_dma2 semaphore(%run_scoped3A : memref<!tpu.dma_semaphore, #tpu.memory_space<semaphore_mem>>) src(%dma_wait3A_53 : memref<128xi32, #tpu.memory_space<hbm>>) dst(%arg7 : memref<128xi32, #tpu.memory_space<vmem>>)
        tpu.yield
      }) : () -> ()
      "tpu.region"() ({
        %run_scoped3A = tpu.sem_alloc : memref<!tpu.dma_semaphore, #tpu.memory_space<semaphore_mem>>
        %dma_start3A_42 = arith.constant 0 : i32
        %dma_start3A_43 = tpu.memref_slice %arg4[%add3A_36, %dma_start3A_42] : memref<2560x128xi32, #tpu.memory_space<hbm>> -> memref<1x128xi32, #tpu.memory_space<hbm>>
        %dma_start3A_44 = tpu.memref_squeeze %dma_start3A_43 : memref<1x128xi32, #tpu.memory_space<hbm>> -> memref<128xi32, #tpu.memory_space<hbm>>
        %dma_start3A_45 = arith.constant 0 : i32
        %dma_start3A_46 = tpu.memref_slice %arg4[%add3A_36, %dma_start3A_45] : memref<2560x128xi32, #tpu.memory_space<hbm>> -> memref<1x128xi32, #tpu.memory_space<hbm>>
        %dma_start3A_47 = tpu.memref_squeeze %dma_start3A_46 : memref<1x128xi32, #tpu.memory_space<hbm>> -> memref<128xi32, #tpu.memory_space<hbm>>
        tpu.enqueue_dma source(%dma_start3A_47 : memref<128xi32, #tpu.memory_space<hbm>>) target(%arg8 : memref<128xi32, #tpu.memory_space<vmem>>) target_semaphore(%run_scoped3A : memref<!tpu.dma_semaphore, #tpu.memory_space<semaphore_mem>>)
        %dma_wait3A_48 = arith.constant 0 : i32
        %dma_wait3A_49 = tpu.memref_slice %arg4[%add3A_36, %dma_wait3A_48] : memref<2560x128xi32, #tpu.memory_space<hbm>> -> memref<1x128xi32, #tpu.memory_space<hbm>>
        %dma_wait3A_50 = tpu.memref_squeeze %dma_wait3A_49 : memref<1x128xi32, #tpu.memory_space<hbm>> -> memref<128xi32, #tpu.memory_space<hbm>>
        %dma_wait3A_51 = arith.constant 0 : i32
        %dma_wait3A_52 = tpu.memref_slice %arg4[%add3A_36, %dma_wait3A_51] : memref<2560x128xi32, #tpu.memory_space<hbm>> -> memref<1x128xi32, #tpu.memory_space<hbm>>
        %dma_wait3A_53 = tpu.memref_squeeze %dma_wait3A_52 : memref<1x128xi32, #tpu.memory_space<hbm>> -> memref<128xi32, #tpu.memory_space<hbm>>
        tpu.wait_dma2 semaphore(%run_scoped3A : memref<!tpu.dma_semaphore, #tpu.memory_space<semaphore_mem>>) src(%dma_wait3A_53 : memref<128xi32, #tpu.memory_space<hbm>>) dst(%arg8 : memref<128xi32, #tpu.memory_space<vmem>>)
        tpu.yield
      }) : () -> ()
      %dma_start3A_37 = arith.constant 0 : i32
      %dma_start3A_38 = arith.constant 0 : i32
      %dma_start3A_39 = tpu.memref_slice %arg2[%dma_start3A_37, %dma_start3A_38] : memref<10000x128xf32, #tpu.memory_space<hbm>> -> memref<10000x128xf32, #tpu.memory_space<hbm>>
      tpu.enqueue_indirect_dma source(%dma_start3A_39 : memref<10000x128xf32, #tpu.memory_space<hbm>>) target(%arg11 : memref<128x128xf32, #tpu.memory_space<vmem>>) offsets(%arg7 : memref<128xi32, #tpu.memory_space<vmem>>) semaphore(%arg13 : memref<!tpu.dma_semaphore, #tpu.memory_space<semaphore_mem>>)
      %dma_wait3A = arith.constant 0 : i32
      %dma_wait3A_40 = arith.constant 0 : i32
      %dma_wait3A_41 = tpu.memref_slice %arg2[%dma_wait3A, %dma_wait3A_40] : memref<10000x128xf32, #tpu.memory_space<hbm>> -> memref<10000x128xf32, #tpu.memory_space<hbm>>
      tpu.wait_indirect_dma semaphore(%arg13 : memref<!tpu.dma_semaphore, #tpu.memory_space<semaphore_mem>>) src(%dma_wait3A_41 : memref<10000x128xf32, #tpu.memory_space<hbm>>) dst(%arg11 : memref<128x128xf32, #tpu.memory_space<vmem>>)
      "tpu.region"() ({
        %run_scoped3A = tpu.sem_alloc : memref<!tpu.dma_semaphore, #tpu.memory_space<semaphore_mem>>
        %dma_start3A_42 = arith.constant 0 : i32
        %dma_start3A_43 = arith.constant 0 : i32
        %dma_start3A_44 = tpu.memref_slice %arg17[%dma_start3A_42, %dma_start3A_43] : memref<10000x128xf32, #tpu.memory_space<vmem_shared>> -> memref<10000x128xf32, #tpu.memory_space<vmem_shared>>
        tpu.enqueue_indirect_dma source(%arg11 : memref<128x128xf32, #tpu.memory_space<vmem>>) target(%dma_start3A_44 : memref<10000x128xf32, #tpu.memory_space<vmem_shared>>) offsets(%arg8 : memref<128xi32, #tpu.memory_space<vmem>>) semaphore(%run_scoped3A : memref<!tpu.dma_semaphore, #tpu.memory_space<semaphore_mem>>) {add = true}
        %dma_wait3A_45 = arith.constant 0 : i32
        %dma_wait3A_46 = arith.constant 0 : i32
        %dma_wait3A_47 = tpu.memref_slice %arg17[%dma_wait3A_45, %dma_wait3A_46] : memref<10000x128xf32, #tpu.memory_space<vmem_shared>> -> memref<10000x128xf32, #tpu.memory_space<vmem_shared>>
        tpu.wait_indirect_dma semaphore(%run_scoped3A : memref<!tpu.dma_semaphore, #tpu.memory_space<semaphore_mem>>) src(%arg11 : memref<128x128xf32, #tpu.memory_space<vmem>>) dst(%dma_wait3A_47 : memref<10000x128xf32, #tpu.memory_space<vmem_shared>>)
        tpu.yield
      }) : () -> ()
    } else {
    }
    %barrier3A_25 = arith.constant 0 : index
    tpu.barrier barrier_id(%barrier3A_25)
    %mul3A_26 = arith.constant 624 : i32
    %mul3A_27 = arith.muli %arg1, %mul3A_26 : i32
    %mul3A_28 = arith.constant 624 : i32
    %mul3A_29 = arith.muli %arg1, %mul3A_28 : i32
    "tpu.region"() ({
      %run_scoped3A = tpu.sem_alloc : memref<!tpu.dma_semaphore, #tpu.memory_space<semaphore_mem>>
      %dma_start3A_35 = arith.constant 0 : i32
      %dma_start3A_36 = tpu.memref_slice %arg6[%arg0, %mul3A_29, %dma_start3A_35] : memref<2x10000x128xf32, #tpu.memory_space<hbm>> -> memref<1x624x128xf32, #tpu.memory_space<hbm>>
      %dma_start3A_37 = tpu.memref_squeeze %dma_start3A_36 : memref<1x624x128xf32, #tpu.memory_space<hbm>> -> memref<624x128xf32, #tpu.memory_space<hbm>>
      %dma_start3A_38 = arith.constant 0 : i32
      %dma_start3A_39 = tpu.memref_slice %arg17[%mul3A_27, %dma_start3A_38] : memref<10000x128xf32, #tpu.memory_space<vmem_shared>> -> memref<624x128xf32, #tpu.memory_space<vmem_shared>>
      tpu.enqueue_dma source(%dma_start3A_39 : memref<624x128xf32, #tpu.memory_space<vmem_shared>>) target(%dma_start3A_37 : memref<624x128xf32, #tpu.memory_space<hbm>>) target_semaphore(%run_scoped3A : memref<!tpu.dma_semaphore, #tpu.memory_space<semaphore_mem>>)
      %dma_wait3A = arith.constant 0 : i32
      %dma_wait3A_40 = tpu.memref_slice %arg6[%arg0, %mul3A_29, %dma_wait3A] : memref<2x10000x128xf32, #tpu.memory_space<hbm>> -> memref<1x624x128xf32, #tpu.memory_space<hbm>>
      %dma_wait3A_41 = tpu.memref_squeeze %dma_wait3A_40 : memref<1x624x128xf32, #tpu.memory_space<hbm>> -> memref<624x128xf32, #tpu.memory_space<hbm>>
      %dma_wait3A_42 = arith.constant 0 : i32
      %dma_wait3A_43 = tpu.memref_slice %arg17[%mul3A_27, %dma_wait3A_42] : memref<10000x128xf32, #tpu.memory_space<vmem_shared>> -> memref<624x128xf32, #tpu.memory_space<vmem_shared>>
      tpu.wait_dma2 semaphore(%run_scoped3A : memref<!tpu.dma_semaphore, #tpu.memory_space<semaphore_mem>>) src(%dma_wait3A_43 : memref<624x128xf32, #tpu.memory_space<vmem_shared>>) dst(%dma_wait3A_41 : memref<624x128xf32, #tpu.memory_space<hbm>>)
      tpu.yield
    }) : () -> ()
    %eq3A_30 = arith.constant 0 : i32
    %eq3A_31 = arith.cmpi eq, %arg1, %eq3A_30 : i32
    %convert_element_type3A_32 = arith.extui %eq3A_31 : i1 to i32
    %cond3A_33 = arith.constant 0 : i32
    %cond3A_34 = arith.cmpi ne, %convert_element_type3A_32, %cond3A_33 : i32
    scf.if %cond3A_34 {
      "tpu.region"() ({
        %run_scoped3A = tpu.sem_alloc : memref<!tpu.dma_semaphore, #tpu.memory_space<semaphore_mem>>
        %dma_start3A_35 = arith.constant 9984 : i32
        %dma_start3A_36 = arith.constant 0 : i32
        %dma_start3A_37 = tpu.memref_slice %arg6[%arg0, %dma_start3A_35, %dma_start3A_36] : memref<2x10000x128xf32, #tpu.memory_space<hbm>> -> memref<1x16x128xf32, #tpu.memory_space<hbm>>
        %dma_start3A_38 = tpu.memref_squeeze %dma_start3A_37 : memref<1x16x128xf32, #tpu.memory_space<hbm>> -> memref<16x128xf32, #tpu.memory_space<hbm>>
        %dma_start3A_39 = arith.constant 9984 : i32
        %dma_start3A_40 = arith.constant 0 : i32
        %dma_start3A_41 = tpu.memref_slice %arg17[%dma_start3A_39, %dma_start3A_40] : memref<10000x128xf32, #tpu.memory_space<vmem_shared>> -> memref<16x128xf32, #tpu.memory_space<vmem_shared>>
        tpu.enqueue_dma source(%dma_start3A_41 : memref<16x128xf32, #tpu.memory_space<vmem_shared>>) target(%dma_start3A_38 : memref<16x128xf32, #tpu.memory_space<hbm>>) target_semaphore(%run_scoped3A : memref<!tpu.dma_semaphore, #tpu.memory_space<semaphore_mem>>)
        %dma_wait3A = arith.constant 9984 : i32
        %dma_wait3A_42 = arith.constant 0 : i32
        %dma_wait3A_43 = tpu.memref_slice %arg6[%arg0, %dma_wait3A, %dma_wait3A_42] : memref<2x10000x128xf32, #tpu.memory_space<hbm>> -> memref<1x16x128xf32, #tpu.memory_space<hbm>>
        %dma_wait3A_44 = tpu.memref_squeeze %dma_wait3A_43 : memref<1x16x128xf32, #tpu.memory_space<hbm>> -> memref<16x128xf32, #tpu.memory_space<hbm>>
        %dma_wait3A_45 = arith.constant 9984 : i32
        %dma_wait3A_46 = arith.constant 0 : i32
        %dma_wait3A_47 = tpu.memref_slice %arg17[%dma_wait3A_45, %dma_wait3A_46] : memref<10000x128xf32, #tpu.memory_space<vmem_shared>> -> memref<16x128xf32, #tpu.memory_space<vmem_shared>>
        tpu.wait_dma2 semaphore(%run_scoped3A : memref<!tpu.dma_semaphore, #tpu.memory_space<semaphore_mem>>) src(%dma_wait3A_47 : memref<16x128xf32, #tpu.memory_space<vmem_shared>>) dst(%dma_wait3A_44 : memref<16x128xf32, #tpu.memory_space<hbm>>)
        tpu.yield
      }) : () -> ()
    } else {
    }
    return
  }
}

#map = affine_map<(d0, d1) -> (0, 0)>
module attributes {stable_mosaic.version = 14 : i64} {
  func.func @_sc_gather_body(%arg0: i32, %arg1: i32, %arg2: memref<10000x128xf32, #tpu.memory_space<hbm>>, %arg3: memref<2560x128xi32, #tpu.memory_space<hbm>>, %arg4: memref<2560x128xi32, #tpu.memory_space<hbm>>, %arg5: memref<160000x128xf32, #tpu.memory_space<hbm>>, %arg6: memref<128xi32, #tpu.memory_space<vmem>>, %arg7: memref<128xi32, #tpu.memory_space<vmem>>, %arg8: memref<128xi32, #tpu.memory_space<vmem>>, %arg9: memref<128xi32, #tpu.memory_space<vmem>>, %arg10: memref<128x128xf32, #tpu.memory_space<vmem>>, %arg11: memref<128x128xf32, #tpu.memory_space<vmem>>, %arg12: memref<128x128xf32, #tpu.memory_space<vmem>>, %arg13: memref<128x128xf32, #tpu.memory_space<vmem>>, %arg14: memref<64x128xf32, #tpu.memory_space<vmem>>, %arg15: memref<64x128xf32, #tpu.memory_space<vmem>>, %arg16: memref<!tpu.dma_semaphore, #tpu.memory_space<semaphore_mem>>, %arg17: memref<!tpu.dma_semaphore, #tpu.memory_space<semaphore_mem>>, %arg18: memref<!tpu.dma_semaphore, #tpu.memory_space<semaphore_mem>>, %arg19: memref<!tpu.dma_semaphore, #tpu.memory_space<semaphore_mem>>, %arg20: memref<!tpu.dma_semaphore, #tpu.memory_space<semaphore_mem>>, %arg21: memref<!tpu.dma_semaphore, #tpu.memory_space<semaphore_mem>>) attributes {dimension_semantics = [#tpu.dimension_semantics<core_parallel>, #tpu.dimension_semantics<subcore_parallel>], iteration_bounds = array<i64: 2, 16>, scalar_prefetch = 0 : i64, scratch_operands = 16 : i64, tpu.core_type = #tpu.core_type<sc_vector_subcore>, window_params = [{transform_indices = #map}, {transform_indices = #map}, {transform_indices = #map}, {transform_indices = #map}]} {
    %mul3A = arith.constant 2 : i32
    %mul3A_0 = arith.muli %arg1, %mul3A : i32
    %add3A = arith.addi %mul3A_0, %arg0 : i32
    %add3A_1 = arith.constant 0 : i32
    %add3A_2 = arith.addi %add3A, %add3A_1 : i32
    "tpu.region"() ({
      %run_scoped3A = tpu.sem_alloc : memref<!tpu.dma_semaphore, #tpu.memory_space<semaphore_mem>>
      %dma_start3A_38 = arith.constant 0 : i32
      %dma_start3A_39 = tpu.memref_slice %arg3[%add3A_2, %dma_start3A_38] : memref<2560x128xi32, #tpu.memory_space<hbm>> -> memref<1x128xi32, #tpu.memory_space<hbm>>
      %dma_start3A_40 = tpu.memref_squeeze %dma_start3A_39 : memref<1x128xi32, #tpu.memory_space<hbm>> -> memref<128xi32, #tpu.memory_space<hbm>>
      %dma_start3A_41 = arith.constant 0 : i32
      %dma_start3A_42 = tpu.memref_slice %arg3[%add3A_2, %dma_start3A_41] : memref<2560x128xi32, #tpu.memory_space<hbm>> -> memref<1x128xi32, #tpu.memory_space<hbm>>
      %dma_start3A_43 = tpu.memref_squeeze %dma_start3A_42 : memref<1x128xi32, #tpu.memory_space<hbm>> -> memref<128xi32, #tpu.memory_space<hbm>>
      tpu.enqueue_dma source(%dma_start3A_43 : memref<128xi32, #tpu.memory_space<hbm>>) target(%arg6 : memref<128xi32, #tpu.memory_space<vmem>>) target_semaphore(%run_scoped3A : memref<!tpu.dma_semaphore, #tpu.memory_space<semaphore_mem>>)
      %dma_wait3A_44 = arith.constant 0 : i32
      %dma_wait3A_45 = tpu.memref_slice %arg3[%add3A_2, %dma_wait3A_44] : memref<2560x128xi32, #tpu.memory_space<hbm>> -> memref<1x128xi32, #tpu.memory_space<hbm>>
      %dma_wait3A_46 = tpu.memref_squeeze %dma_wait3A_45 : memref<1x128xi32, #tpu.memory_space<hbm>> -> memref<128xi32, #tpu.memory_space<hbm>>
      %dma_wait3A_47 = arith.constant 0 : i32
      %dma_wait3A_48 = tpu.memref_slice %arg3[%add3A_2, %dma_wait3A_47] : memref<2560x128xi32, #tpu.memory_space<hbm>> -> memref<1x128xi32, #tpu.memory_space<hbm>>
      %dma_wait3A_49 = tpu.memref_squeeze %dma_wait3A_48 : memref<1x128xi32, #tpu.memory_space<hbm>> -> memref<128xi32, #tpu.memory_space<hbm>>
      tpu.wait_dma2 semaphore(%run_scoped3A : memref<!tpu.dma_semaphore, #tpu.memory_space<semaphore_mem>>) src(%dma_wait3A_49 : memref<128xi32, #tpu.memory_space<hbm>>) dst(%arg6 : memref<128xi32, #tpu.memory_space<vmem>>)
      tpu.yield
    }) : () -> ()
    "tpu.region"() ({
      %run_scoped3A = tpu.sem_alloc : memref<!tpu.dma_semaphore, #tpu.memory_space<semaphore_mem>>
      %dma_start3A_38 = arith.constant 0 : i32
      %dma_start3A_39 = tpu.memref_slice %arg4[%add3A_2, %dma_start3A_38] : memref<2560x128xi32, #tpu.memory_space<hbm>> -> memref<1x128xi32, #tpu.memory_space<hbm>>
      %dma_start3A_40 = tpu.memref_squeeze %dma_start3A_39 : memref<1x128xi32, #tpu.memory_space<hbm>> -> memref<128xi32, #tpu.memory_space<hbm>>
      %dma_start3A_41 = arith.constant 0 : i32
      %dma_start3A_42 = tpu.memref_slice %arg4[%add3A_2, %dma_start3A_41] : memref<2560x128xi32, #tpu.memory_space<hbm>> -> memref<1x128xi32, #tpu.memory_space<hbm>>
      %dma_start3A_43 = tpu.memref_squeeze %dma_start3A_42 : memref<1x128xi32, #tpu.memory_space<hbm>> -> memref<128xi32, #tpu.memory_space<hbm>>
      tpu.enqueue_dma source(%dma_start3A_43 : memref<128xi32, #tpu.memory_space<hbm>>) target(%arg7 : memref<128xi32, #tpu.memory_space<vmem>>) target_semaphore(%run_scoped3A : memref<!tpu.dma_semaphore, #tpu.memory_space<semaphore_mem>>)
      %dma_wait3A_44 = arith.constant 0 : i32
      %dma_wait3A_45 = tpu.memref_slice %arg4[%add3A_2, %dma_wait3A_44] : memref<2560x128xi32, #tpu.memory_space<hbm>> -> memref<1x128xi32, #tpu.memory_space<hbm>>
      %dma_wait3A_46 = tpu.memref_squeeze %dma_wait3A_45 : memref<1x128xi32, #tpu.memory_space<hbm>> -> memref<128xi32, #tpu.memory_space<hbm>>
      %dma_wait3A_47 = arith.constant 0 : i32
      %dma_wait3A_48 = tpu.memref_slice %arg4[%add3A_2, %dma_wait3A_47] : memref<2560x128xi32, #tpu.memory_space<hbm>> -> memref<1x128xi32, #tpu.memory_space<hbm>>
      %dma_wait3A_49 = tpu.memref_squeeze %dma_wait3A_48 : memref<1x128xi32, #tpu.memory_space<hbm>> -> memref<128xi32, #tpu.memory_space<hbm>>
      tpu.wait_dma2 semaphore(%run_scoped3A : memref<!tpu.dma_semaphore, #tpu.memory_space<semaphore_mem>>) src(%dma_wait3A_49 : memref<128xi32, #tpu.memory_space<hbm>>) dst(%arg7 : memref<128xi32, #tpu.memory_space<vmem>>)
      tpu.yield
    }) : () -> ()
    %dma_start3A = arith.constant 0 : i32
    %dma_start3A_3 = arith.constant 0 : i32
    %dma_start3A_4 = tpu.memref_slice %arg2[%dma_start3A, %dma_start3A_3] : memref<10000x128xf32, #tpu.memory_space<hbm>> -> memref<10000x128xf32, #tpu.memory_space<hbm>>
    tpu.enqueue_indirect_dma source(%dma_start3A_4 : memref<10000x128xf32, #tpu.memory_space<hbm>>) target(%arg10 : memref<128x128xf32, #tpu.memory_space<vmem>>) offsets(%arg6 : memref<128xi32, #tpu.memory_space<vmem>>) semaphore(%arg16 : memref<!tpu.dma_semaphore, #tpu.memory_space<semaphore_mem>>)
    %dma_start3A_5 = arith.constant 0 : i32
    %dma_start3A_6 = arith.constant 0 : i32
    %dma_start3A_7 = tpu.memref_slice %arg2[%dma_start3A_5, %dma_start3A_6] : memref<10000x128xf32, #tpu.memory_space<hbm>> -> memref<10000x128xf32, #tpu.memory_space<hbm>>
    tpu.enqueue_indirect_dma source(%dma_start3A_7 : memref<10000x128xf32, #tpu.memory_space<hbm>>) target(%arg11 : memref<128x128xf32, #tpu.memory_space<vmem>>) offsets(%arg7 : memref<128xi32, #tpu.memory_space<vmem>>) semaphore(%arg17 : memref<!tpu.dma_semaphore, #tpu.memory_space<semaphore_mem>>)
    %add3A_8 = arith.constant 32 : i32
    %add3A_9 = arith.addi %add3A, %add3A_8 : i32
    "tpu.region"() ({
      %run_scoped3A = tpu.sem_alloc : memref<!tpu.dma_semaphore, #tpu.memory_space<semaphore_mem>>
      %dma_start3A_38 = arith.constant 0 : i32
      %dma_start3A_39 = tpu.memref_slice %arg3[%add3A_9, %dma_start3A_38] : memref<2560x128xi32, #tpu.memory_space<hbm>> -> memref<1x128xi32, #tpu.memory_space<hbm>>
      %dma_start3A_40 = tpu.memref_squeeze %dma_start3A_39 : memref<1x128xi32, #tpu.memory_space<hbm>> -> memref<128xi32, #tpu.memory_space<hbm>>
      %dma_start3A_41 = arith.constant 0 : i32
      %dma_start3A_42 = tpu.memref_slice %arg3[%add3A_9, %dma_start3A_41] : memref<2560x128xi32, #tpu.memory_space<hbm>> -> memref<1x128xi32, #tpu.memory_space<hbm>>
      %dma_start3A_43 = tpu.memref_squeeze %dma_start3A_42 : memref<1x128xi32, #tpu.memory_space<hbm>> -> memref<128xi32, #tpu.memory_space<hbm>>
      tpu.enqueue_dma source(%dma_start3A_43 : memref<128xi32, #tpu.memory_space<hbm>>) target(%arg8 : memref<128xi32, #tpu.memory_space<vmem>>) target_semaphore(%run_scoped3A : memref<!tpu.dma_semaphore, #tpu.memory_space<semaphore_mem>>)
      %dma_wait3A_44 = arith.constant 0 : i32
      %dma_wait3A_45 = tpu.memref_slice %arg3[%add3A_9, %dma_wait3A_44] : memref<2560x128xi32, #tpu.memory_space<hbm>> -> memref<1x128xi32, #tpu.memory_space<hbm>>
      %dma_wait3A_46 = tpu.memref_squeeze %dma_wait3A_45 : memref<1x128xi32, #tpu.memory_space<hbm>> -> memref<128xi32, #tpu.memory_space<hbm>>
      %dma_wait3A_47 = arith.constant 0 : i32
      %dma_wait3A_48 = tpu.memref_slice %arg3[%add3A_9, %dma_wait3A_47] : memref<2560x128xi32, #tpu.memory_space<hbm>> -> memref<1x128xi32, #tpu.memory_space<hbm>>
      %dma_wait3A_49 = tpu.memref_squeeze %dma_wait3A_48 : memref<1x128xi32, #tpu.memory_space<hbm>> -> memref<128xi32, #tpu.memory_space<hbm>>
      tpu.wait_dma2 semaphore(%run_scoped3A : memref<!tpu.dma_semaphore, #tpu.memory_space<semaphore_mem>>) src(%dma_wait3A_49 : memref<128xi32, #tpu.memory_space<hbm>>) dst(%arg8 : memref<128xi32, #tpu.memory_space<vmem>>)
      tpu.yield
    }) : () -> ()
    "tpu.region"() ({
      %run_scoped3A = tpu.sem_alloc : memref<!tpu.dma_semaphore, #tpu.memory_space<semaphore_mem>>
      %dma_start3A_38 = arith.constant 0 : i32
      %dma_start3A_39 = tpu.memref_slice %arg4[%add3A_9, %dma_start3A_38] : memref<2560x128xi32, #tpu.memory_space<hbm>> -> memref<1x128xi32, #tpu.memory_space<hbm>>
      %dma_start3A_40 = tpu.memref_squeeze %dma_start3A_39 : memref<1x128xi32, #tpu.memory_space<hbm>> -> memref<128xi32, #tpu.memory_space<hbm>>
      %dma_start3A_41 = arith.constant 0 : i32
      %dma_start3A_42 = tpu.memref_slice %arg4[%add3A_9, %dma_start3A_41] : memref<2560x128xi32, #tpu.memory_space<hbm>> -> memref<1x128xi32, #tpu.memory_space<hbm>>
      %dma_start3A_43 = tpu.memref_squeeze %dma_start3A_42 : memref<1x128xi32, #tpu.memory_space<hbm>> -> memref<128xi32, #tpu.memory_space<hbm>>
      tpu.enqueue_dma source(%dma_start3A_43 : memref<128xi32, #tpu.memory_space<hbm>>) target(%arg9 : memref<128xi32, #tpu.memory_space<vmem>>) target_semaphore(%run_scoped3A : memref<!tpu.dma_semaphore, #tpu.memory_space<semaphore_mem>>)
      %dma_wait3A_44 = arith.constant 0 : i32
      %dma_wait3A_45 = tpu.memref_slice %arg4[%add3A_9, %dma_wait3A_44] : memref<2560x128xi32, #tpu.memory_space<hbm>> -> memref<1x128xi32, #tpu.memory_space<hbm>>
      %dma_wait3A_46 = tpu.memref_squeeze %dma_wait3A_45 : memref<1x128xi32, #tpu.memory_space<hbm>> -> memref<128xi32, #tpu.memory_space<hbm>>
      %dma_wait3A_47 = arith.constant 0 : i32
      %dma_wait3A_48 = tpu.memref_slice %arg4[%add3A_9, %dma_wait3A_47] : memref<2560x128xi32, #tpu.memory_space<hbm>> -> memref<1x128xi32, #tpu.memory_space<hbm>>
      %dma_wait3A_49 = tpu.memref_squeeze %dma_wait3A_48 : memref<1x128xi32, #tpu.memory_space<hbm>> -> memref<128xi32, #tpu.memory_space<hbm>>
      tpu.wait_dma2 semaphore(%run_scoped3A : memref<!tpu.dma_semaphore, #tpu.memory_space<semaphore_mem>>) src(%dma_wait3A_49 : memref<128xi32, #tpu.memory_space<hbm>>) dst(%arg9 : memref<128xi32, #tpu.memory_space<vmem>>)
      tpu.yield
    }) : () -> ()
    %dma_start3A_10 = arith.constant 0 : i32
    %dma_start3A_11 = arith.constant 0 : i32
    %dma_start3A_12 = tpu.memref_slice %arg2[%dma_start3A_10, %dma_start3A_11] : memref<10000x128xf32, #tpu.memory_space<hbm>> -> memref<10000x128xf32, #tpu.memory_space<hbm>>
    tpu.enqueue_indirect_dma source(%dma_start3A_12 : memref<10000x128xf32, #tpu.memory_space<hbm>>) target(%arg12 : memref<128x128xf32, #tpu.memory_space<vmem>>) offsets(%arg8 : memref<128xi32, #tpu.memory_space<vmem>>) semaphore(%arg18 : memref<!tpu.dma_semaphore, #tpu.memory_space<semaphore_mem>>)
    %dma_start3A_13 = arith.constant 0 : i32
    %dma_start3A_14 = arith.constant 0 : i32
    %dma_start3A_15 = tpu.memref_slice %arg2[%dma_start3A_13, %dma_start3A_14] : memref<10000x128xf32, #tpu.memory_space<hbm>> -> memref<10000x128xf32, #tpu.memory_space<hbm>>
    tpu.enqueue_indirect_dma source(%dma_start3A_15 : memref<10000x128xf32, #tpu.memory_space<hbm>>) target(%arg13 : memref<128x128xf32, #tpu.memory_space<vmem>>) offsets(%arg9 : memref<128xi32, #tpu.memory_space<vmem>>) semaphore(%arg19 : memref<!tpu.dma_semaphore, #tpu.memory_space<semaphore_mem>>)
    %scan3A = arith.constant 0 : i32
    %scan3A_16 = arith.constant 0 : i32
    %scan3A_17 = arith.constant 39 : i32
    %scan3A_18 = arith.addi %scan3A_16, %scan3A_17 : i32
    %scan3A_19 = arith.constant 1 : i32
    scf.for %scan3A_38 = %scan3A_16 to %scan3A_18 step %scan3A_19  : i32 {
      %mul3A_39 = arith.constant 2 : i32
      %mul3A_40 = arith.muli %mul3A_39, %scan3A_38 : i32
      %add3A_41 = arith.constant 1 : i32
      %add3A_42 = arith.addi %mul3A_40, %add3A_41 : i32
      %dma_wait3A_43 = arith.constant 0 : i32
      %dma_wait3A_44 = arith.constant 0 : i32
      %dma_wait3A_45 = tpu.memref_slice %arg2[%dma_wait3A_43, %dma_wait3A_44] : memref<10000x128xf32, #tpu.memory_space<hbm>> -> memref<10000x128xf32, #tpu.memory_space<hbm>>
      tpu.wait_indirect_dma semaphore(%arg16 : memref<!tpu.dma_semaphore, #tpu.memory_space<semaphore_mem>>) src(%dma_wait3A_45 : memref<10000x128xf32, #tpu.memory_space<hbm>>) dst(%arg10 : memref<128x128xf32, #tpu.memory_space<vmem>>)
      %dma_wait3A_46 = arith.constant 0 : i32
      %dma_wait3A_47 = arith.constant 0 : i32
      %dma_wait3A_48 = tpu.memref_slice %arg2[%dma_wait3A_46, %dma_wait3A_47] : memref<10000x128xf32, #tpu.memory_space<hbm>> -> memref<10000x128xf32, #tpu.memory_space<hbm>>
      tpu.wait_indirect_dma semaphore(%arg17 : memref<!tpu.dma_semaphore, #tpu.memory_space<semaphore_mem>>) src(%dma_wait3A_48 : memref<10000x128xf32, #tpu.memory_space<hbm>>) dst(%arg11 : memref<128x128xf32, #tpu.memory_space<vmem>>)
      %gt3A = arith.constant 0 : i32
      %gt3A_49 = arith.cmpi sgt, %scan3A_38, %gt3A : i32
      %convert_element_type3A_50 = arith.extui %gt3A_49 : i1 to i32
      %cond3A_51 = arith.constant 0 : i32
      %cond3A_52 = arith.cmpi ne, %convert_element_type3A_50, %cond3A_51 : i32
      scf.if %cond3A_52 {
        %sub3A = arith.constant 2 : i32
        %sub3A_104 = arith.subi %mul3A_40, %sub3A : i32
        %mul3A_105 = arith.constant 32 : i32
        %mul3A_106 = arith.muli %sub3A_104, %mul3A_105 : i32
        %add3A_107 = arith.addi %add3A, %mul3A_106 : i32
        %mul3A_108 = arith.constant 64 : i32
        %mul3A_109 = arith.muli %add3A_107, %mul3A_108 : i32
        %dma_wait3A_110 = arith.constant 0 : i32
        %dma_wait3A_111 = tpu.memref_slice %arg5[%mul3A_109, %dma_wait3A_110] : memref<160000x128xf32, #tpu.memory_space<hbm>> -> memref<64x128xf32, #tpu.memory_space<hbm>>
        %dma_wait3A_112 = arith.constant 0 : i32
        %dma_wait3A_113 = tpu.memref_slice %arg5[%mul3A_109, %dma_wait3A_112] : memref<160000x128xf32, #tpu.memory_space<hbm>> -> memref<64x128xf32, #tpu.memory_space<hbm>>
        tpu.wait_dma2 semaphore(%arg20 : memref<!tpu.dma_semaphore, #tpu.memory_space<semaphore_mem>>) src(%arg14 : memref<64x128xf32, #tpu.memory_space<vmem>>) dst(%dma_wait3A_113 : memref<64x128xf32, #tpu.memory_space<hbm>>)
      } else {
      }
      %scan3A_53 = arith.constant 0 : i32
      %scan3A_54 = arith.constant 0 : i32
      %scan3A_55 = arith.constant 64 : i32
      %scan3A_56 = arith.addi %scan3A_54, %scan3A_55 : i32
      %scan3A_57 = arith.constant 1 : i32
      scf.for %scan3A_104 = %scan3A_54 to %scan3A_56 step %scan3A_57  : i32 {
        %mul3A_105 = arith.constant 2 : i32
        %mul3A_106 = arith.muli %mul3A_105, %scan3A_104 : i32
        %add3A_107 = arith.constant 0 : i32
        %add3A_108 = arith.addi %mul3A_106, %add3A_107 : i32
        %get3A = arith.index_cast %add3A_108 : i32 to index
        %get3A_109 = arith.constant 0 : index
        %get3A_110 = tpu.vector_load %arg10[%get3A, %get3A_109] {strides = array<i32>} : memref<128x128xf32, #tpu.memory_space<vmem>>, vector<1x16xf32>,
        %get3A_111 = vector.shape_cast %get3A_110 : vector<1x16xf32> to vector<16xf32>
        %get3A_112 = arith.index_cast %add3A_108 : i32 to index
        %get3A_113 = arith.constant 64 : index
        %get3A_114 = tpu.vector_load %arg11[%get3A_112, %get3A_113] {strides = array<i32>} : memref<128x128xf32, #tpu.memory_space<vmem>>, vector<1x16xf32>,
        %get3A_115 = vector.shape_cast %get3A_114 : vector<1x16xf32> to vector<16xf32>
        %add3A_116 = arith.addf %get3A_111, %get3A_115 : vector<16xf32>
        %swap3A = arith.index_cast %scan3A_104 : i32 to index
        %swap3A_117 = arith.constant 0 : index
        %swap3A_118 = tpu.vector_load %arg14[%swap3A, %swap3A_117] {strides = array<i32>} : memref<64x128xf32, #tpu.memory_space<vmem>>, vector<1x16xf32>,
        %swap3A_119 = vector.shape_cast %swap3A_118 : vector<1x16xf32> to vector<16xf32>
        %swap3A_120 = vector.shape_cast %add3A_116 : vector<16xf32> to vector<1x16xf32>
        tpu.vector_store %arg14[%swap3A, %swap3A_117], %swap3A_120 {strides = array<i32>} : memref<64x128xf32, #tpu.memory_space<vmem>>, vector<1x16xf32>,
        %mul3A_121 = arith.constant 2 : i32
        %mul3A_122 = arith.muli %mul3A_121, %scan3A_104 : i32
        %add3A_123 = arith.constant 0 : i32
        %add3A_124 = arith.addi %mul3A_122, %add3A_123 : i32
        %get3A_125 = arith.index_cast %add3A_124 : i32 to index
        %get3A_126 = arith.constant 16 : index
        %get3A_127 = tpu.vector_load %arg10[%get3A_125, %get3A_126] {strides = array<i32>} : memref<128x128xf32, #tpu.memory_space<vmem>>, vector<1x16xf32>,
        %get3A_128 = vector.shape_cast %get3A_127 : vector<1x16xf32> to vector<16xf32>
        %get3A_129 = arith.index_cast %add3A_124 : i32 to index
        %get3A_130 = arith.constant 80 : index
        %get3A_131 = tpu.vector_load %arg11[%get3A_129, %get3A_130] {strides = array<i32>} : memref<128x128xf32, #tpu.memory_space<vmem>>, vector<1x16xf32>,
        %get3A_132 = vector.shape_cast %get3A_131 : vector<1x16xf32> to vector<16xf32>
        %add3A_133 = arith.addf %get3A_128, %get3A_132 : vector<16xf32>
        %swap3A_134 = arith.index_cast %scan3A_104 : i32 to index
        %swap3A_135 = arith.constant 16 : index
        %swap3A_136 = tpu.vector_load %arg14[%swap3A_134, %swap3A_135] {strides = array<i32>} : memref<64x128xf32, #tpu.memory_space<vmem>>, vector<1x16xf32>,
        %swap3A_137 = vector.shape_cast %swap3A_136 : vector<1x16xf32> to vector<16xf32>
        %swap3A_138 = vector.shape_cast %add3A_133 : vector<16xf32> to vector<1x16xf32>
        tpu.vector_store %arg14[%swap3A_134, %swap3A_135], %swap3A_138 {strides = array<i32>} : memref<64x128xf32, #tpu.memory_space<vmem>>, vector<1x16xf32>,
        %mul3A_139 = arith.constant 2 : i32
        %mul3A_140 = arith.muli %mul3A_139, %scan3A_104 : i32
        %add3A_141 = arith.constant 0 : i32
        %add3A_142 = arith.addi %mul3A_140, %add3A_141 : i32
        %get3A_143 = arith.index_cast %add3A_142 : i32 to index
        %get3A_144 = arith.constant 32 : index
        %get3A_145 = tpu.vector_load %arg10[%get3A_143, %get3A_144] {strides = array<i32>} : memref<128x128xf32, #tpu.memory_space<vmem>>, vector<1x16xf32>,
        %get3A_146 = vector.shape_cast %get3A_145 : vector<1x16xf32> to vector<16xf32>
        %get3A_147 = arith.index_cast %add3A_142 : i32 to index
        %get3A_148 = arith.constant 96 : index
        %get3A_149 = tpu.vector_load %arg11[%get3A_147, %get3A_148] {strides = array<i32>} : memref<128x128xf32, #tpu.memory_space<vmem>>, vector<1x16xf32>,
        %get3A_150 = vector.shape_cast %get3A_149 : vector<1x16xf32> to vector<16xf32>
        %add3A_151 = arith.addf %get3A_146, %get3A_150 : vector<16xf32>
        %swap3A_152 = arith.index_cast %scan3A_104 : i32 to index
        %swap3A_153 = arith.constant 32 : index
        %swap3A_154 = tpu.vector_load %arg14[%swap3A_152, %swap3A_153] {strides = array<i32>} : memref<64x128xf32, #tpu.memory_space<vmem>>, vector<1x16xf32>,
        %swap3A_155 = vector.shape_cast %swap3A_154 : vector<1x16xf32> to vector<16xf32>
        %swap3A_156 = vector.shape_cast %add3A_151 : vector<16xf32> to vector<1x16xf32>
        tpu.vector_store %arg14[%swap3A_152, %swap3A_153], %swap3A_156 {strides = array<i32>} : memref<64x128xf32, #tpu.memory_space<vmem>>, vector<1x16xf32>,
        %mul3A_157 = arith.constant 2 : i32
        %mul3A_158 = arith.muli %mul3A_157, %scan3A_104 : i32
        %add3A_159 = arith.constant 0 : i32
        %add3A_160 = arith.addi %mul3A_158, %add3A_159 : i32
        %get3A_161 = arith.index_cast %add3A_160 : i32 to index
        %get3A_162 = arith.constant 48 : index
        %get3A_163 = tpu.vector_load %arg10[%get3A_161, %get3A_162] {strides = array<i32>} : memref<128x128xf32, #tpu.memory_space<vmem>>, vector<1x16xf32>,
        %get3A_164 = vector.shape_cast %get3A_163 : vector<1x16xf32> to vector<16xf32>
        %get3A_165 = arith.index_cast %add3A_160 : i32 to index
        %get3A_166 = arith.constant 112 : index
        %get3A_167 = tpu.vector_load %arg11[%get3A_165, %get3A_166] {strides = array<i32>} : memref<128x128xf32, #tpu.memory_space<vmem>>, vector<1x16xf32>,
        %get3A_168 = vector.shape_cast %get3A_167 : vector<1x16xf32> to vector<16xf32>
        %add3A_169 = arith.addf %get3A_164, %get3A_168 : vector<16xf32>
        %swap3A_170 = arith.index_cast %scan3A_104 : i32 to index
        %swap3A_171 = arith.constant 48 : index
        %swap3A_172 = tpu.vector_load %arg14[%swap3A_170, %swap3A_171] {strides = array<i32>} : memref<64x128xf32, #tpu.memory_space<vmem>>, vector<1x16xf32>,
        %swap3A_173 = vector.shape_cast %swap3A_172 : vector<1x16xf32> to vector<16xf32>
        %swap3A_174 = vector.shape_cast %add3A_169 : vector<16xf32> to vector<1x16xf32>
        tpu.vector_store %arg14[%swap3A_170, %swap3A_171], %swap3A_174 {strides = array<i32>} : memref<64x128xf32, #tpu.memory_space<vmem>>, vector<1x16xf32>,
        %mul3A_175 = arith.constant 2 : i32
        %mul3A_176 = arith.muli %mul3A_175, %scan3A_104 : i32
        %add3A_177 = arith.constant 1 : i32
        %add3A_178 = arith.addi %mul3A_176, %add3A_177 : i32
        %get3A_179 = arith.index_cast %add3A_178 : i32 to index
        %get3A_180 = arith.constant 0 : index
        %get3A_181 = tpu.vector_load %arg10[%get3A_179, %get3A_180] {strides = array<i32>} : memref<128x128xf32, #tpu.memory_space<vmem>>, vector<1x16xf32>,
        %get3A_182 = vector.shape_cast %get3A_181 : vector<1x16xf32> to vector<16xf32>
        %get3A_183 = arith.index_cast %add3A_178 : i32 to index
        %get3A_184 = arith.constant 64 : index
        %get3A_185 = tpu.vector_load %arg11[%get3A_183, %get3A_184] {strides = array<i32>} : memref<128x128xf32, #tpu.memory_space<vmem>>, vector<1x16xf32>,
        %get3A_186 = vector.shape_cast %get3A_185 : vector<1x16xf32> to vector<16xf32>
        %add3A_187 = arith.addf %get3A_182, %get3A_186 : vector<16xf32>
        %swap3A_188 = arith.index_cast %scan3A_104 : i32 to index
        %swap3A_189 = arith.constant 64 : index
        %swap3A_190 = tpu.vector_load %arg14[%swap3A_188, %swap3A_189] {strides = array<i32>} : memref<64x128xf32, #tpu.memory_space<vmem>>, vector<1x16xf32>,
        %swap3A_191 = vector.shape_cast %swap3A_190 : vector<1x16xf32> to vector<16xf32>
        %swap3A_192 = vector.shape_cast %add3A_187 : vector<16xf32> to vector<1x16xf32>
        tpu.vector_store %arg14[%swap3A_188, %swap3A_189], %swap3A_192 {strides = array<i32>} : memref<64x128xf32, #tpu.memory_space<vmem>>, vector<1x16xf32>,
        %mul3A_193 = arith.constant 2 : i32
        %mul3A_194 = arith.muli %mul3A_193, %scan3A_104 : i32
        %add3A_195 = arith.constant 1 : i32
        %add3A_196 = arith.addi %mul3A_194, %add3A_195 : i32
        %get3A_197 = arith.index_cast %add3A_196 : i32 to index
        %get3A_198 = arith.constant 16 : index
        %get3A_199 = tpu.vector_load %arg10[%get3A_197, %get3A_198] {strides = array<i32>} : memref<128x128xf32, #tpu.memory_space<vmem>>, vector<1x16xf32>,
        %get3A_200 = vector.shape_cast %get3A_199 : vector<1x16xf32> to vector<16xf32>
        %get3A_201 = arith.index_cast %add3A_196 : i32 to index
        %get3A_202 = arith.constant 80 : index
        %get3A_203 = tpu.vector_load %arg11[%get3A_201, %get3A_202] {strides = array<i32>} : memref<128x128xf32, #tpu.memory_space<vmem>>, vector<1x16xf32>,
        %get3A_204 = vector.shape_cast %get3A_203 : vector<1x16xf32> to vector<16xf32>
        %add3A_205 = arith.addf %get3A_200, %get3A_204 : vector<16xf32>
        %swap3A_206 = arith.index_cast %scan3A_104 : i32 to index
        %swap3A_207 = arith.constant 80 : index
        %swap3A_208 = tpu.vector_load %arg14[%swap3A_206, %swap3A_207] {strides = array<i32>} : memref<64x128xf32, #tpu.memory_space<vmem>>, vector<1x16xf32>,
        %swap3A_209 = vector.shape_cast %swap3A_208 : vector<1x16xf32> to vector<16xf32>
        %swap3A_210 = vector.shape_cast %add3A_205 : vector<16xf32> to vector<1x16xf32>
        tpu.vector_store %arg14[%swap3A_206, %swap3A_207], %swap3A_210 {strides = array<i32>} : memref<64x128xf32, #tpu.memory_space<vmem>>, vector<1x16xf32>,
        %mul3A_211 = arith.constant 2 : i32
        %mul3A_212 = arith.muli %mul3A_211, %scan3A_104 : i32
        %add3A_213 = arith.constant 1 : i32
        %add3A_214 = arith.addi %mul3A_212, %add3A_213 : i32
        %get3A_215 = arith.index_cast %add3A_214 : i32 to index
        %get3A_216 = arith.constant 32 : index
        %get3A_217 = tpu.vector_load %arg10[%get3A_215, %get3A_216] {strides = array<i32>} : memref<128x128xf32, #tpu.memory_space<vmem>>, vector<1x16xf32>,
        %get3A_218 = vector.shape_cast %get3A_217 : vector<1x16xf32> to vector<16xf32>
        %get3A_219 = arith.index_cast %add3A_214 : i32 to index
        %get3A_220 = arith.constant 96 : index
        %get3A_221 = tpu.vector_load %arg11[%get3A_219, %get3A_220] {strides = array<i32>} : memref<128x128xf32, #tpu.memory_space<vmem>>, vector<1x16xf32>,
        %get3A_222 = vector.shape_cast %get3A_221 : vector<1x16xf32> to vector<16xf32>
        %add3A_223 = arith.addf %get3A_218, %get3A_222 : vector<16xf32>
        %swap3A_224 = arith.index_cast %scan3A_104 : i32 to index
        %swap3A_225 = arith.constant 96 : index
        %swap3A_226 = tpu.vector_load %arg14[%swap3A_224, %swap3A_225] {strides = array<i32>} : memref<64x128xf32, #tpu.memory_space<vmem>>, vector<1x16xf32>,
        %swap3A_227 = vector.shape_cast %swap3A_226 : vector<1x16xf32> to vector<16xf32>
        %swap3A_228 = vector.shape_cast %add3A_223 : vector<16xf32> to vector<1x16xf32>
        tpu.vector_store %arg14[%swap3A_224, %swap3A_225], %swap3A_228 {strides = array<i32>} : memref<64x128xf32, #tpu.memory_space<vmem>>, vector<1x16xf32>,
        %mul3A_229 = arith.constant 2 : i32
        %mul3A_230 = arith.muli %mul3A_229, %scan3A_104 : i32
        %add3A_231 = arith.constant 1 : i32
        %add3A_232 = arith.addi %mul3A_230, %add3A_231 : i32
        %get3A_233 = arith.index_cast %add3A_232 : i32 to index
        %get3A_234 = arith.constant 48 : index
        %get3A_235 = tpu.vector_load %arg10[%get3A_233, %get3A_234] {strides = array<i32>} : memref<128x128xf32, #tpu.memory_space<vmem>>, vector<1x16xf32>,
        %get3A_236 = vector.shape_cast %get3A_235 : vector<1x16xf32> to vector<16xf32>
        %get3A_237 = arith.index_cast %add3A_232 : i32 to index
        %get3A_238 = arith.constant 112 : index
        %get3A_239 = tpu.vector_load %arg11[%get3A_237, %get3A_238] {strides = array<i32>} : memref<128x128xf32, #tpu.memory_space<vmem>>, vector<1x16xf32>,
        %get3A_240 = vector.shape_cast %get3A_239 : vector<1x16xf32> to vector<16xf32>
        %add3A_241 = arith.addf %get3A_236, %get3A_240 : vector<16xf32>
        %swap3A_242 = arith.index_cast %scan3A_104 : i32 to index
        %swap3A_243 = arith.constant 112 : index
        %swap3A_244 = tpu.vector_load %arg14[%swap3A_242, %swap3A_243] {strides = array<i32>} : memref<64x128xf32, #tpu.memory_space<vmem>>, vector<1x16xf32>,
        %swap3A_245 = vector.shape_cast %swap3A_244 : vector<1x16xf32> to vector<16xf32>
        %swap3A_246 = vector.shape_cast %add3A_241 : vector<16xf32> to vector<1x16xf32>
        tpu.vector_store %arg14[%swap3A_242, %swap3A_243], %swap3A_246 {strides = array<i32>} : memref<64x128xf32, #tpu.memory_space<vmem>>, vector<1x16xf32>,
      }
      %scan3A_58 = arith.constant 64 : i32
      %mul3A_59 = arith.constant 32 : i32
      %mul3A_60 = arith.muli %mul3A_40, %mul3A_59 : i32
      %add3A_61 = arith.addi %add3A, %mul3A_60 : i32
      %mul3A_62 = arith.constant 64 : i32
      %mul3A_63 = arith.muli %add3A_61, %mul3A_62 : i32
      %dma_start3A_64 = arith.constant 0 : i32
      %dma_start3A_65 = tpu.memref_slice %arg5[%mul3A_63, %dma_start3A_64] : memref<160000x128xf32, #tpu.memory_space<hbm>> -> memref<64x128xf32, #tpu.memory_space<hbm>>
      %dma_start3A_66 = arith.constant 0 : i32
      %dma_start3A_67 = tpu.memref_slice %arg5[%mul3A_63, %dma_start3A_66] : memref<160000x128xf32, #tpu.memory_space<hbm>> -> memref<64x128xf32, #tpu.memory_space<hbm>>
      tpu.enqueue_dma source(%arg14 : memref<64x128xf32, #tpu.memory_space<vmem>>) target(%dma_start3A_67 : memref<64x128xf32, #tpu.memory_space<hbm>>) target_semaphore(%arg20 : memref<!tpu.dma_semaphore, #tpu.memory_space<semaphore_mem>>)
      %lt3A_68 = arith.constant 38 : i32
      %lt3A_69 = arith.cmpi slt, %scan3A_38, %lt3A_68 : i32
      %convert_element_type3A_70 = arith.extui %lt3A_69 : i1 to i32
      %cond3A_71 = arith.constant 0 : i32
      %cond3A_72 = arith.cmpi ne, %convert_element_type3A_70, %cond3A_71 : i32
      scf.if %cond3A_72 {
        %add3A_104 = arith.constant 2 : i32
        %add3A_105 = arith.addi %mul3A_40, %add3A_104 : i32
        %mul3A_106 = arith.constant 32 : i32
        %mul3A_107 = arith.muli %add3A_105, %mul3A_106 : i32
        %add3A_108 = arith.addi %add3A, %mul3A_107 : i32
        "tpu.region"() ({
          %run_scoped3A = tpu.sem_alloc : memref<!tpu.dma_semaphore, #tpu.memory_space<semaphore_mem>>
          %dma_start3A_115 = arith.constant 0 : i32
          %dma_start3A_116 = tpu.memref_slice %arg3[%add3A_108, %dma_start3A_115] : memref<2560x128xi32, #tpu.memory_space<hbm>> -> memref<1x128xi32, #tpu.memory_space<hbm>>
          %dma_start3A_117 = tpu.memref_squeeze %dma_start3A_116 : memref<1x128xi32, #tpu.memory_space<hbm>> -> memref<128xi32, #tpu.memory_space<hbm>>
          %dma_start3A_118 = arith.constant 0 : i32
          %dma_start3A_119 = tpu.memref_slice %arg3[%add3A_108, %dma_start3A_118] : memref<2560x128xi32, #tpu.memory_space<hbm>> -> memref<1x128xi32, #tpu.memory_space<hbm>>
          %dma_start3A_120 = tpu.memref_squeeze %dma_start3A_119 : memref<1x128xi32, #tpu.memory_space<hbm>> -> memref<128xi32, #tpu.memory_space<hbm>>
          tpu.enqueue_dma source(%dma_start3A_120 : memref<128xi32, #tpu.memory_space<hbm>>) target(%arg6 : memref<128xi32, #tpu.memory_space<vmem>>) target_semaphore(%run_scoped3A : memref<!tpu.dma_semaphore, #tpu.memory_space<semaphore_mem>>)
          %dma_wait3A_121 = arith.constant 0 : i32
          %dma_wait3A_122 = tpu.memref_slice %arg3[%add3A_108, %dma_wait3A_121] : memref<2560x128xi32, #tpu.memory_space<hbm>> -> memref<1x128xi32, #tpu.memory_space<hbm>>
          %dma_wait3A_123 = tpu.memref_squeeze %dma_wait3A_122 : memref<1x128xi32, #tpu.memory_space<hbm>> -> memref<128xi32, #tpu.memory_space<hbm>>
          %dma_wait3A_124 = arith.constant 0 : i32
          %dma_wait3A_125 = tpu.memref_slice %arg3[%add3A_108, %dma_wait3A_124] : memref<2560x128xi32, #tpu.memory_space<hbm>> -> memref<1x128xi32, #tpu.memory_space<hbm>>
          %dma_wait3A_126 = tpu.memref_squeeze %dma_wait3A_125 : memref<1x128xi32, #tpu.memory_space<hbm>> -> memref<128xi32, #tpu.memory_space<hbm>>
          tpu.wait_dma2 semaphore(%run_scoped3A : memref<!tpu.dma_semaphore, #tpu.memory_space<semaphore_mem>>) src(%dma_wait3A_126 : memref<128xi32, #tpu.memory_space<hbm>>) dst(%arg6 : memref<128xi32, #tpu.memory_space<vmem>>)
          tpu.yield
        }) : () -> ()
        "tpu.region"() ({
          %run_scoped3A = tpu.sem_alloc : memref<!tpu.dma_semaphore, #tpu.memory_space<semaphore_mem>>
          %dma_start3A_115 = arith.constant 0 : i32
          %dma_start3A_116 = tpu.memref_slice %arg4[%add3A_108, %dma_start3A_115] : memref<2560x128xi32, #tpu.memory_space<hbm>> -> memref<1x128xi32, #tpu.memory_space<hbm>>
          %dma_start3A_117 = tpu.memref_squeeze %dma_start3A_116 : memref<1x128xi32, #tpu.memory_space<hbm>> -> memref<128xi32, #tpu.memory_space<hbm>>
          %dma_start3A_118 = arith.constant 0 : i32
          %dma_start3A_119 = tpu.memref_slice %arg4[%add3A_108, %dma_start3A_118] : memref<2560x128xi32, #tpu.memory_space<hbm>> -> memref<1x128xi32, #tpu.memory_space<hbm>>
          %dma_start3A_120 = tpu.memref_squeeze %dma_start3A_119 : memref<1x128xi32, #tpu.memory_space<hbm>> -> memref<128xi32, #tpu.memory_space<hbm>>
          tpu.enqueue_dma source(%dma_start3A_120 : memref<128xi32, #tpu.memory_space<hbm>>) target(%arg7 : memref<128xi32, #tpu.memory_space<vmem>>) target_semaphore(%run_scoped3A : memref<!tpu.dma_semaphore, #tpu.memory_space<semaphore_mem>>)
          %dma_wait3A_121 = arith.constant 0 : i32
          %dma_wait3A_122 = tpu.memref_slice %arg4[%add3A_108, %dma_wait3A_121] : memref<2560x128xi32, #tpu.memory_space<hbm>> -> memref<1x128xi32, #tpu.memory_space<hbm>>
          %dma_wait3A_123 = tpu.memref_squeeze %dma_wait3A_122 : memref<1x128xi32, #tpu.memory_space<hbm>> -> memref<128xi32, #tpu.memory_space<hbm>>
          %dma_wait3A_124 = arith.constant 0 : i32
          %dma_wait3A_125 = tpu.memref_slice %arg4[%add3A_108, %dma_wait3A_124] : memref<2560x128xi32, #tpu.memory_space<hbm>> -> memref<1x128xi32, #tpu.memory_space<hbm>>
          %dma_wait3A_126 = tpu.memref_squeeze %dma_wait3A_125 : memref<1x128xi32, #tpu.memory_space<hbm>> -> memref<128xi32, #tpu.memory_space<hbm>>
          tpu.wait_dma2 semaphore(%run_scoped3A : memref<!tpu.dma_semaphore, #tpu.memory_space<semaphore_mem>>) src(%dma_wait3A_126 : memref<128xi32, #tpu.memory_space<hbm>>) dst(%arg7 : memref<128xi32, #tpu.memory_space<vmem>>)
          tpu.yield
        }) : () -> ()
        %dma_start3A_109 = arith.constant 0 : i32
        %dma_start3A_110 = arith.constant 0 : i32
        %dma_start3A_111 = tpu.memref_slice %arg2[%dma_start3A_109, %dma_start3A_110] : memref<10000x128xf32, #tpu.memory_space<hbm>> -> memref<10000x128xf32, #tpu.memory_space<hbm>>
        tpu.enqueue_indirect_dma source(%dma_start3A_111 : memref<10000x128xf32, #tpu.memory_space<hbm>>) target(%arg10 : memref<128x128xf32, #tpu.memory_space<vmem>>) offsets(%arg6 : memref<128xi32, #tpu.memory_space<vmem>>) semaphore(%arg16 : memref<!tpu.dma_semaphore, #tpu.memory_space<semaphore_mem>>)
        %dma_start3A_112 = arith.constant 0 : i32
        %dma_start3A_113 = arith.constant 0 : i32
        %dma_start3A_114 = tpu.memref_slice %arg2[%dma_start3A_112, %dma_start3A_113] : memref<10000x128xf32, #tpu.memory_space<hbm>> -> memref<10000x128xf32, #tpu.memory_space<hbm>>
        tpu.enqueue_indirect_dma source(%dma_start3A_114 : memref<10000x128xf32, #tpu.memory_space<hbm>>) target(%arg11 : memref<128x128xf32, #tpu.memory_space<vmem>>) offsets(%arg7 : memref<128xi32, #tpu.memory_space<vmem>>) semaphore(%arg17 : memref<!tpu.dma_semaphore, #tpu.memory_space<semaphore_mem>>)
      } else {
      }
      %dma_wait3A_73 = arith.constant 0 : i32
      %dma_wait3A_74 = arith.constant 0 : i32
      %dma_wait3A_75 = tpu.memref_slice %arg2[%dma_wait3A_73, %dma_wait3A_74] : memref<10000x128xf32, #tpu.memory_space<hbm>> -> memref<10000x128xf32, #tpu.memory_space<hbm>>
      tpu.wait_indirect_dma semaphore(%arg18 : memref<!tpu.dma_semaphore, #tpu.memory_space<semaphore_mem>>) src(%dma_wait3A_75 : memref<10000x128xf32, #tpu.memory_space<hbm>>) dst(%arg12 : memref<128x128xf32, #tpu.memory_space<vmem>>)
      %dma_wait3A_76 = arith.constant 0 : i32
      %dma_wait3A_77 = arith.constant 0 : i32
      %dma_wait3A_78 = tpu.memref_slice %arg2[%dma_wait3A_76, %dma_wait3A_77] : memref<10000x128xf32, #tpu.memory_space<hbm>> -> memref<10000x128xf32, #tpu.memory_space<hbm>>
      tpu.wait_indirect_dma semaphore(%arg19 : memref<!tpu.dma_semaphore, #tpu.memory_space<semaphore_mem>>) src(%dma_wait3A_78 : memref<10000x128xf32, #tpu.memory_space<hbm>>) dst(%arg13 : memref<128x128xf32, #tpu.memory_space<vmem>>)
      %gt3A_79 = arith.constant 0 : i32
      %gt3A_80 = arith.cmpi sgt, %scan3A_38, %gt3A_79 : i32
      %convert_element_type3A_81 = arith.extui %gt3A_80 : i1 to i32
      %cond3A_82 = arith.constant 0 : i32
      %cond3A_83 = arith.cmpi ne, %convert_element_type3A_81, %cond3A_82 : i32
      scf.if %cond3A_83 {
        %sub3A = arith.constant 2 : i32
        %sub3A_104 = arith.subi %add3A_42, %sub3A : i32
        %mul3A_105 = arith.constant 32 : i32
        %mul3A_106 = arith.muli %sub3A_104, %mul3A_105 : i32
        %add3A_107 = arith.addi %add3A, %mul3A_106 : i32
        %mul3A_108 = arith.constant 64 : i32
        %mul3A_109 = arith.muli %add3A_107, %mul3A_108 : i32
        %dma_wait3A_110 = arith.constant 0 : i32
        %dma_wait3A_111 = tpu.memref_slice %arg5[%mul3A_109, %dma_wait3A_110] : memref<160000x128xf32, #tpu.memory_space<hbm>> -> memref<64x128xf32, #tpu.memory_space<hbm>>
        %dma_wait3A_112 = arith.constant 0 : i32
        %dma_wait3A_113 = tpu.memref_slice %arg5[%mul3A_109, %dma_wait3A_112] : memref<160000x128xf32, #tpu.memory_space<hbm>> -> memref<64x128xf32, #tpu.memory_space<hbm>>
        tpu.wait_dma2 semaphore(%arg21 : memref<!tpu.dma_semaphore, #tpu.memory_space<semaphore_mem>>) src(%arg15 : memref<64x128xf32, #tpu.memory_space<vmem>>) dst(%dma_wait3A_113 : memref<64x128xf32, #tpu.memory_space<hbm>>)
      } else {
      }
      %scan3A_84 = arith.constant 0 : i32
      %scan3A_85 = arith.constant 0 : i32
      %scan3A_86 = arith.constant 64 : i32
      %scan3A_87 = arith.addi %scan3A_85, %scan3A_86 : i32
      %scan3A_88 = arith.constant 1 : i32
      scf.for %scan3A_104 = %scan3A_85 to %scan3A_87 step %scan3A_88  : i32 {
        %mul3A_105 = arith.constant 2 : i32
        %mul3A_106 = arith.muli %mul3A_105, %scan3A_104 : i32
        %add3A_107 = arith.constant 0 : i32
        %add3A_108 = arith.addi %mul3A_106, %add3A_107 : i32
        %get3A = arith.index_cast %add3A_108 : i32 to index
        %get3A_109 = arith.constant 0 : index
        %get3A_110 = tpu.vector_load %arg12[%get3A, %get3A_109] {strides = array<i32>} : memref<128x128xf32, #tpu.memory_space<vmem>>, vector<1x16xf32>,
        %get3A_111 = vector.shape_cast %get3A_110 : vector<1x16xf32> to vector<16xf32>
        %get3A_112 = arith.index_cast %add3A_108 : i32 to index
        %get3A_113 = arith.constant 64 : index
        %get3A_114 = tpu.vector_load %arg13[%get3A_112, %get3A_113] {strides = array<i32>} : memref<128x128xf32, #tpu.memory_space<vmem>>, vector<1x16xf32>,
        %get3A_115 = vector.shape_cast %get3A_114 : vector<1x16xf32> to vector<16xf32>
        %add3A_116 = arith.addf %get3A_111, %get3A_115 : vector<16xf32>
        %swap3A = arith.index_cast %scan3A_104 : i32 to index
        %swap3A_117 = arith.constant 0 : index
        %swap3A_118 = tpu.vector_load %arg15[%swap3A, %swap3A_117] {strides = array<i32>} : memref<64x128xf32, #tpu.memory_space<vmem>>, vector<1x16xf32>,
        %swap3A_119 = vector.shape_cast %swap3A_118 : vector<1x16xf32> to vector<16xf32>
        %swap3A_120 = vector.shape_cast %add3A_116 : vector<16xf32> to vector<1x16xf32>
        tpu.vector_store %arg15[%swap3A, %swap3A_117], %swap3A_120 {strides = array<i32>} : memref<64x128xf32, #tpu.memory_space<vmem>>, vector<1x16xf32>,
        %mul3A_121 = arith.constant 2 : i32
        %mul3A_122 = arith.muli %mul3A_121, %scan3A_104 : i32
        %add3A_123 = arith.constant 0 : i32
        %add3A_124 = arith.addi %mul3A_122, %add3A_123 : i32
        %get3A_125 = arith.index_cast %add3A_124 : i32 to index
        %get3A_126 = arith.constant 16 : index
        %get3A_127 = tpu.vector_load %arg12[%get3A_125, %get3A_126] {strides = array<i32>} : memref<128x128xf32, #tpu.memory_space<vmem>>, vector<1x16xf32>,
        %get3A_128 = vector.shape_cast %get3A_127 : vector<1x16xf32> to vector<16xf32>
        %get3A_129 = arith.index_cast %add3A_124 : i32 to index
        %get3A_130 = arith.constant 80 : index
        %get3A_131 = tpu.vector_load %arg13[%get3A_129, %get3A_130] {strides = array<i32>} : memref<128x128xf32, #tpu.memory_space<vmem>>, vector<1x16xf32>,
        %get3A_132 = vector.shape_cast %get3A_131 : vector<1x16xf32> to vector<16xf32>
        %add3A_133 = arith.addf %get3A_128, %get3A_132 : vector<16xf32>
        %swap3A_134 = arith.index_cast %scan3A_104 : i32 to index
        %swap3A_135 = arith.constant 16 : index
        %swap3A_136 = tpu.vector_load %arg15[%swap3A_134, %swap3A_135] {strides = array<i32>} : memref<64x128xf32, #tpu.memory_space<vmem>>, vector<1x16xf32>,
        %swap3A_137 = vector.shape_cast %swap3A_136 : vector<1x16xf32> to vector<16xf32>
        %swap3A_138 = vector.shape_cast %add3A_133 : vector<16xf32> to vector<1x16xf32>
        tpu.vector_store %arg15[%swap3A_134, %swap3A_135], %swap3A_138 {strides = array<i32>} : memref<64x128xf32, #tpu.memory_space<vmem>>, vector<1x16xf32>,
        %mul3A_139 = arith.constant 2 : i32
        %mul3A_140 = arith.muli %mul3A_139, %scan3A_104 : i32
        %add3A_141 = arith.constant 0 : i32
        %add3A_142 = arith.addi %mul3A_140, %add3A_141 : i32
        %get3A_143 = arith.index_cast %add3A_142 : i32 to index
        %get3A_144 = arith.constant 32 : index
        %get3A_145 = tpu.vector_load %arg12[%get3A_143, %get3A_144] {strides = array<i32>} : memref<128x128xf32, #tpu.memory_space<vmem>>, vector<1x16xf32>,
        %get3A_146 = vector.shape_cast %get3A_145 : vector<1x16xf32> to vector<16xf32>
        %get3A_147 = arith.index_cast %add3A_142 : i32 to index
        %get3A_148 = arith.constant 96 : index
        %get3A_149 = tpu.vector_load %arg13[%get3A_147, %get3A_148] {strides = array<i32>} : memref<128x128xf32, #tpu.memory_space<vmem>>, vector<1x16xf32>,
        %get3A_150 = vector.shape_cast %get3A_149 : vector<1x16xf32> to vector<16xf32>
        %add3A_151 = arith.addf %get3A_146, %get3A_150 : vector<16xf32>
        %swap3A_152 = arith.index_cast %scan3A_104 : i32 to index
        %swap3A_153 = arith.constant 32 : index
        %swap3A_154 = tpu.vector_load %arg15[%swap3A_152, %swap3A_153] {strides = array<i32>} : memref<64x128xf32, #tpu.memory_space<vmem>>, vector<1x16xf32>,
        %swap3A_155 = vector.shape_cast %swap3A_154 : vector<1x16xf32> to vector<16xf32>
        %swap3A_156 = vector.shape_cast %add3A_151 : vector<16xf32> to vector<1x16xf32>
        tpu.vector_store %arg15[%swap3A_152, %swap3A_153], %swap3A_156 {strides = array<i32>} : memref<64x128xf32, #tpu.memory_space<vmem>>, vector<1x16xf32>,
        %mul3A_157 = arith.constant 2 : i32
        %mul3A_158 = arith.muli %mul3A_157, %scan3A_104 : i32
        %add3A_159 = arith.constant 0 : i32
        %add3A_160 = arith.addi %mul3A_158, %add3A_159 : i32
        %get3A_161 = arith.index_cast %add3A_160 : i32 to index
        %get3A_162 = arith.constant 48 : index
        %get3A_163 = tpu.vector_load %arg12[%get3A_161, %get3A_162] {strides = array<i32>} : memref<128x128xf32, #tpu.memory_space<vmem>>, vector<1x16xf32>,
        %get3A_164 = vector.shape_cast %get3A_163 : vector<1x16xf32> to vector<16xf32>
        %get3A_165 = arith.index_cast %add3A_160 : i32 to index
        %get3A_166 = arith.constant 112 : index
        %get3A_167 = tpu.vector_load %arg13[%get3A_165, %get3A_166] {strides = array<i32>} : memref<128x128xf32, #tpu.memory_space<vmem>>, vector<1x16xf32>,
        %get3A_168 = vector.shape_cast %get3A_167 : vector<1x16xf32> to vector<16xf32>
        %add3A_169 = arith.addf %get3A_164, %get3A_168 : vector<16xf32>
        %swap3A_170 = arith.index_cast %scan3A_104 : i32 to index
        %swap3A_171 = arith.constant 48 : index
        %swap3A_172 = tpu.vector_load %arg15[%swap3A_170, %swap3A_171] {strides = array<i32>} : memref<64x128xf32, #tpu.memory_space<vmem>>, vector<1x16xf32>,
        %swap3A_173 = vector.shape_cast %swap3A_172 : vector<1x16xf32> to vector<16xf32>
        %swap3A_174 = vector.shape_cast %add3A_169 : vector<16xf32> to vector<1x16xf32>
        tpu.vector_store %arg15[%swap3A_170, %swap3A_171], %swap3A_174 {strides = array<i32>} : memref<64x128xf32, #tpu.memory_space<vmem>>, vector<1x16xf32>,
        %mul3A_175 = arith.constant 2 : i32
        %mul3A_176 = arith.muli %mul3A_175, %scan3A_104 : i32
        %add3A_177 = arith.constant 1 : i32
        %add3A_178 = arith.addi %mul3A_176, %add3A_177 : i32
        %get3A_179 = arith.index_cast %add3A_178 : i32 to index
        %get3A_180 = arith.constant 0 : index
        %get3A_181 = tpu.vector_load %arg12[%get3A_179, %get3A_180] {strides = array<i32>} : memref<128x128xf32, #tpu.memory_space<vmem>>, vector<1x16xf32>,
        %get3A_182 = vector.shape_cast %get3A_181 : vector<1x16xf32> to vector<16xf32>
        %get3A_183 = arith.index_cast %add3A_178 : i32 to index
        %get3A_184 = arith.constant 64 : index
        %get3A_185 = tpu.vector_load %arg13[%get3A_183, %get3A_184] {strides = array<i32>} : memref<128x128xf32, #tpu.memory_space<vmem>>, vector<1x16xf32>,
        %get3A_186 = vector.shape_cast %get3A_185 : vector<1x16xf32> to vector<16xf32>
        %add3A_187 = arith.addf %get3A_182, %get3A_186 : vector<16xf32>
        %swap3A_188 = arith.index_cast %scan3A_104 : i32 to index
        %swap3A_189 = arith.constant 64 : index
        %swap3A_190 = tpu.vector_load %arg15[%swap3A_188, %swap3A_189] {strides = array<i32>} : memref<64x128xf32, #tpu.memory_space<vmem>>, vector<1x16xf32>,
        %swap3A_191 = vector.shape_cast %swap3A_190 : vector<1x16xf32> to vector<16xf32>
        %swap3A_192 = vector.shape_cast %add3A_187 : vector<16xf32> to vector<1x16xf32>
        tpu.vector_store %arg15[%swap3A_188, %swap3A_189], %swap3A_192 {strides = array<i32>} : memref<64x128xf32, #tpu.memory_space<vmem>>, vector<1x16xf32>,
        %mul3A_193 = arith.constant 2 : i32
        %mul3A_194 = arith.muli %mul3A_193, %scan3A_104 : i32
        %add3A_195 = arith.constant 1 : i32
        %add3A_196 = arith.addi %mul3A_194, %add3A_195 : i32
        %get3A_197 = arith.index_cast %add3A_196 : i32 to index
        %get3A_198 = arith.constant 16 : index
        %get3A_199 = tpu.vector_load %arg12[%get3A_197, %get3A_198] {strides = array<i32>} : memref<128x128xf32, #tpu.memory_space<vmem>>, vector<1x16xf32>,
        %get3A_200 = vector.shape_cast %get3A_199 : vector<1x16xf32> to vector<16xf32>
        %get3A_201 = arith.index_cast %add3A_196 : i32 to index
        %get3A_202 = arith.constant 80 : index
        %get3A_203 = tpu.vector_load %arg13[%get3A_201, %get3A_202] {strides = array<i32>} : memref<128x128xf32, #tpu.memory_space<vmem>>, vector<1x16xf32>,
        %get3A_204 = vector.shape_cast %get3A_203 : vector<1x16xf32> to vector<16xf32>
        %add3A_205 = arith.addf %get3A_200, %get3A_204 : vector<16xf32>
        %swap3A_206 = arith.index_cast %scan3A_104 : i32 to index
        %swap3A_207 = arith.constant 80 : index
        %swap3A_208 = tpu.vector_load %arg15[%swap3A_206, %swap3A_207] {strides = array<i32>} : memref<64x128xf32, #tpu.memory_space<vmem>>, vector<1x16xf32>,
        %swap3A_209 = vector.shape_cast %swap3A_208 : vector<1x16xf32> to vector<16xf32>
        %swap3A_210 = vector.shape_cast %add3A_205 : vector<16xf32> to vector<1x16xf32>
        tpu.vector_store %arg15[%swap3A_206, %swap3A_207], %swap3A_210 {strides = array<i32>} : memref<64x128xf32, #tpu.memory_space<vmem>>, vector<1x16xf32>,
        %mul3A_211 = arith.constant 2 : i32
        %mul3A_212 = arith.muli %mul3A_211, %scan3A_104 : i32
        %add3A_213 = arith.constant 1 : i32
        %add3A_214 = arith.addi %mul3A_212, %add3A_213 : i32
        %get3A_215 = arith.index_cast %add3A_214 : i32 to index
        %get3A_216 = arith.constant 32 : index
        %get3A_217 = tpu.vector_load %arg12[%get3A_215, %get3A_216] {strides = array<i32>} : memref<128x128xf32, #tpu.memory_space<vmem>>, vector<1x16xf32>,
        %get3A_218 = vector.shape_cast %get3A_217 : vector<1x16xf32> to vector<16xf32>
        %get3A_219 = arith.index_cast %add3A_214 : i32 to index
        %get3A_220 = arith.constant 96 : index
        %get3A_221 = tpu.vector_load %arg13[%get3A_219, %get3A_220] {strides = array<i32>} : memref<128x128xf32, #tpu.memory_space<vmem>>, vector<1x16xf32>,
        %get3A_222 = vector.shape_cast %get3A_221 : vector<1x16xf32> to vector<16xf32>
        %add3A_223 = arith.addf %get3A_218, %get3A_222 : vector<16xf32>
        %swap3A_224 = arith.index_cast %scan3A_104 : i32 to index
        %swap3A_225 = arith.constant 96 : index
        %swap3A_226 = tpu.vector_load %arg15[%swap3A_224, %swap3A_225] {strides = array<i32>} : memref<64x128xf32, #tpu.memory_space<vmem>>, vector<1x16xf32>,
        %swap3A_227 = vector.shape_cast %swap3A_226 : vector<1x16xf32> to vector<16xf32>
        %swap3A_228 = vector.shape_cast %add3A_223 : vector<16xf32> to vector<1x16xf32>
        tpu.vector_store %arg15[%swap3A_224, %swap3A_225], %swap3A_228 {strides = array<i32>} : memref<64x128xf32, #tpu.memory_space<vmem>>, vector<1x16xf32>,
        %mul3A_229 = arith.constant 2 : i32
        %mul3A_230 = arith.muli %mul3A_229, %scan3A_104 : i32
        %add3A_231 = arith.constant 1 : i32
        %add3A_232 = arith.addi %mul3A_230, %add3A_231 : i32
        %get3A_233 = arith.index_cast %add3A_232 : i32 to index
        %get3A_234 = arith.constant 48 : index
        %get3A_235 = tpu.vector_load %arg12[%get3A_233, %get3A_234] {strides = array<i32>} : memref<128x128xf32, #tpu.memory_space<vmem>>, vector<1x16xf32>,
        %get3A_236 = vector.shape_cast %get3A_235 : vector<1x16xf32> to vector<16xf32>
        %get3A_237 = arith.index_cast %add3A_232 : i32 to index
        %get3A_238 = arith.constant 112 : index
        %get3A_239 = tpu.vector_load %arg13[%get3A_237, %get3A_238] {strides = array<i32>} : memref<128x128xf32, #tpu.memory_space<vmem>>, vector<1x16xf32>,
        %get3A_240 = vector.shape_cast %get3A_239 : vector<1x16xf32> to vector<16xf32>
        %add3A_241 = arith.addf %get3A_236, %get3A_240 : vector<16xf32>
        %swap3A_242 = arith.index_cast %scan3A_104 : i32 to index
        %swap3A_243 = arith.constant 112 : index
        %swap3A_244 = tpu.vector_load %arg15[%swap3A_242, %swap3A_243] {strides = array<i32>} : memref<64x128xf32, #tpu.memory_space<vmem>>, vector<1x16xf32>,
        %swap3A_245 = vector.shape_cast %swap3A_244 : vector<1x16xf32> to vector<16xf32>
        %swap3A_246 = vector.shape_cast %add3A_241 : vector<16xf32> to vector<1x16xf32>
        tpu.vector_store %arg15[%swap3A_242, %swap3A_243], %swap3A_246 {strides = array<i32>} : memref<64x128xf32, #tpu.memory_space<vmem>>, vector<1x16xf32>,
      }
      %scan3A_89 = arith.constant 64 : i32
      %mul3A_90 = arith.constant 32 : i32
      %mul3A_91 = arith.muli %add3A_42, %mul3A_90 : i32
      %add3A_92 = arith.addi %add3A, %mul3A_91 : i32
      %mul3A_93 = arith.constant 64 : i32
      %mul3A_94 = arith.muli %add3A_92, %mul3A_93 : i32
      %dma_start3A_95 = arith.constant 0 : i32
      %dma_start3A_96 = tpu.memref_slice %arg5[%mul3A_94, %dma_start3A_95] : memref<160000x128xf32, #tpu.memory_space<hbm>> -> memref<64x128xf32, #tpu.memory_space<hbm>>
      %dma_start3A_97 = arith.constant 0 : i32
      %dma_start3A_98 = tpu.memref_slice %arg5[%mul3A_94, %dma_start3A_97] : memref<160000x128xf32, #tpu.memory_space<hbm>> -> memref<64x128xf32, #tpu.memory_space<hbm>>
      tpu.enqueue_dma source(%arg15 : memref<64x128xf32, #tpu.memory_space<vmem>>) target(%dma_start3A_98 : memref<64x128xf32, #tpu.memory_space<hbm>>) target_semaphore(%arg21 : memref<!tpu.dma_semaphore, #tpu.memory_space<semaphore_mem>>)
      %lt3A_99 = arith.constant 38 : i32
      %lt3A_100 = arith.cmpi slt, %scan3A_38, %lt3A_99 : i32
      %convert_element_type3A_101 = arith.extui %lt3A_100 : i1 to i32
      %cond3A_102 = arith.constant 0 : i32
      %cond3A_103 = arith.cmpi ne, %convert_element_type3A_101, %cond3A_102 : i32
      scf.if %cond3A_103 {
        %add3A_104 = arith.constant 2 : i32
        %add3A_105 = arith.addi %add3A_42, %add3A_104 : i32
        %mul3A_106 = arith.constant 32 : i32
        %mul3A_107 = arith.muli %add3A_105, %mul3A_106 : i32
        %add3A_108 = arith.addi %add3A, %mul3A_107 : i32
        "tpu.region"() ({
          %run_scoped3A = tpu.sem_alloc : memref<!tpu.dma_semaphore, #tpu.memory_space<semaphore_mem>>
          %dma_start3A_115 = arith.constant 0 : i32
          %dma_start3A_116 = tpu.memref_slice %arg3[%add3A_108, %dma_start3A_115] : memref<2560x128xi32, #tpu.memory_space<hbm>> -> memref<1x128xi32, #tpu.memory_space<hbm>>
          %dma_start3A_117 = tpu.memref_squeeze %dma_start3A_116 : memref<1x128xi32, #tpu.memory_space<hbm>> -> memref<128xi32, #tpu.memory_space<hbm>>
          %dma_start3A_118 = arith.constant 0 : i32
          %dma_start3A_119 = tpu.memref_slice %arg3[%add3A_108, %dma_start3A_118] : memref<2560x128xi32, #tpu.memory_space<hbm>> -> memref<1x128xi32, #tpu.memory_space<hbm>>
          %dma_start3A_120 = tpu.memref_squeeze %dma_start3A_119 : memref<1x128xi32, #tpu.memory_space<hbm>> -> memref<128xi32, #tpu.memory_space<hbm>>
          tpu.enqueue_dma source(%dma_start3A_120 : memref<128xi32, #tpu.memory_space<hbm>>) target(%arg8 : memref<128xi32, #tpu.memory_space<vmem>>) target_semaphore(%run_scoped3A : memref<!tpu.dma_semaphore, #tpu.memory_space<semaphore_mem>>)
          %dma_wait3A_121 = arith.constant 0 : i32
          %dma_wait3A_122 = tpu.memref_slice %arg3[%add3A_108, %dma_wait3A_121] : memref<2560x128xi32, #tpu.memory_space<hbm>> -> memref<1x128xi32, #tpu.memory_space<hbm>>
          %dma_wait3A_123 = tpu.memref_squeeze %dma_wait3A_122 : memref<1x128xi32, #tpu.memory_space<hbm>> -> memref<128xi32, #tpu.memory_space<hbm>>
          %dma_wait3A_124 = arith.constant 0 : i32
          %dma_wait3A_125 = tpu.memref_slice %arg3[%add3A_108, %dma_wait3A_124] : memref<2560x128xi32, #tpu.memory_space<hbm>> -> memref<1x128xi32, #tpu.memory_space<hbm>>
          %dma_wait3A_126 = tpu.memref_squeeze %dma_wait3A_125 : memref<1x128xi32, #tpu.memory_space<hbm>> -> memref<128xi32, #tpu.memory_space<hbm>>
          tpu.wait_dma2 semaphore(%run_scoped3A : memref<!tpu.dma_semaphore, #tpu.memory_space<semaphore_mem>>) src(%dma_wait3A_126 : memref<128xi32, #tpu.memory_space<hbm>>) dst(%arg8 : memref<128xi32, #tpu.memory_space<vmem>>)
          tpu.yield
        }) : () -> ()
        "tpu.region"() ({
          %run_scoped3A = tpu.sem_alloc : memref<!tpu.dma_semaphore, #tpu.memory_space<semaphore_mem>>
          %dma_start3A_115 = arith.constant 0 : i32
          %dma_start3A_116 = tpu.memref_slice %arg4[%add3A_108, %dma_start3A_115] : memref<2560x128xi32, #tpu.memory_space<hbm>> -> memref<1x128xi32, #tpu.memory_space<hbm>>
          %dma_start3A_117 = tpu.memref_squeeze %dma_start3A_116 : memref<1x128xi32, #tpu.memory_space<hbm>> -> memref<128xi32, #tpu.memory_space<hbm>>
          %dma_start3A_118 = arith.constant 0 : i32
          %dma_start3A_119 = tpu.memref_slice %arg4[%add3A_108, %dma_start3A_118] : memref<2560x128xi32, #tpu.memory_space<hbm>> -> memref<1x128xi32, #tpu.memory_space<hbm>>
          %dma_start3A_120 = tpu.memref_squeeze %dma_start3A_119 : memref<1x128xi32, #tpu.memory_space<hbm>> -> memref<128xi32, #tpu.memory_space<hbm>>
          tpu.enqueue_dma source(%dma_start3A_120 : memref<128xi32, #tpu.memory_space<hbm>>) target(%arg9 : memref<128xi32, #tpu.memory_space<vmem>>) target_semaphore(%run_scoped3A : memref<!tpu.dma_semaphore, #tpu.memory_space<semaphore_mem>>)
          %dma_wait3A_121 = arith.constant 0 : i32
          %dma_wait3A_122 = tpu.memref_slice %arg4[%add3A_108, %dma_wait3A_121] : memref<2560x128xi32, #tpu.memory_space<hbm>> -> memref<1x128xi32, #tpu.memory_space<hbm>>
          %dma_wait3A_123 = tpu.memref_squeeze %dma_wait3A_122 : memref<1x128xi32, #tpu.memory_space<hbm>> -> memref<128xi32, #tpu.memory_space<hbm>>
          %dma_wait3A_124 = arith.constant 0 : i32
          %dma_wait3A_125 = tpu.memref_slice %arg4[%add3A_108, %dma_wait3A_124] : memref<2560x128xi32, #tpu.memory_space<hbm>> -> memref<1x128xi32, #tpu.memory_space<hbm>>
          %dma_wait3A_126 = tpu.memref_squeeze %dma_wait3A_125 : memref<1x128xi32, #tpu.memory_space<hbm>> -> memref<128xi32, #tpu.memory_space<hbm>>
          tpu.wait_dma2 semaphore(%run_scoped3A : memref<!tpu.dma_semaphore, #tpu.memory_space<semaphore_mem>>) src(%dma_wait3A_126 : memref<128xi32, #tpu.memory_space<hbm>>) dst(%arg9 : memref<128xi32, #tpu.memory_space<vmem>>)
          tpu.yield
        }) : () -> ()
        %dma_start3A_109 = arith.constant 0 : i32
        %dma_start3A_110 = arith.constant 0 : i32
        %dma_start3A_111 = tpu.memref_slice %arg2[%dma_start3A_109, %dma_start3A_110] : memref<10000x128xf32, #tpu.memory_space<hbm>> -> memref<10000x128xf32, #tpu.memory_space<hbm>>
        tpu.enqueue_indirect_dma source(%dma_start3A_111 : memref<10000x128xf32, #tpu.memory_space<hbm>>) target(%arg12 : memref<128x128xf32, #tpu.memory_space<vmem>>) offsets(%arg8 : memref<128xi32, #tpu.memory_space<vmem>>) semaphore(%arg18 : memref<!tpu.dma_semaphore, #tpu.memory_space<semaphore_mem>>)
        %dma_start3A_112 = arith.constant 0 : i32
        %dma_start3A_113 = arith.constant 0 : i32
        %dma_start3A_114 = tpu.memref_slice %arg2[%dma_start3A_112, %dma_start3A_113] : memref<10000x128xf32, #tpu.memory_space<hbm>> -> memref<10000x128xf32, #tpu.memory_space<hbm>>
        tpu.enqueue_indirect_dma source(%dma_start3A_114 : memref<10000x128xf32, #tpu.memory_space<hbm>>) target(%arg13 : memref<128x128xf32, #tpu.memory_space<vmem>>) offsets(%arg9 : memref<128xi32, #tpu.memory_space<vmem>>) semaphore(%arg19 : memref<!tpu.dma_semaphore, #tpu.memory_space<semaphore_mem>>)
      } else {
      }
    }
    %scan3A_20 = arith.constant 39 : i32
    %add3A_21 = arith.constant 2432 : i32
    %add3A_22 = arith.addi %add3A, %add3A_21 : i32
    %mul3A_23 = arith.constant 64 : i32
    %mul3A_24 = arith.muli %add3A_22, %mul3A_23 : i32
    %dma_wait3A = arith.constant 0 : i32
    %dma_wait3A_25 = tpu.memref_slice %arg5[%mul3A_24, %dma_wait3A] : memref<160000x128xf32, #tpu.memory_space<hbm>> -> memref<64x128xf32, #tpu.memory_space<hbm>>
    %dma_wait3A_26 = arith.constant 0 : i32
    %dma_wait3A_27 = tpu.memref_slice %arg5[%mul3A_24, %dma_wait3A_26] : memref<160000x128xf32, #tpu.memory_space<hbm>> -> memref<64x128xf32, #tpu.memory_space<hbm>>
    tpu.wait_dma2 semaphore(%arg20 : memref<!tpu.dma_semaphore, #tpu.memory_space<semaphore_mem>>) src(%arg14 : memref<64x128xf32, #tpu.memory_space<vmem>>) dst(%dma_wait3A_27 : memref<64x128xf32, #tpu.memory_space<hbm>>)
    %add3A_28 = arith.constant 2464 : i32
    %add3A_29 = arith.addi %add3A, %add3A_28 : i32
    %mul3A_30 = arith.constant 64 : i32
    %mul3A_31 = arith.muli %add3A_29, %mul3A_30 : i32
    %dma_wait3A_32 = arith.constant 0 : i32
    %dma_wait3A_33 = tpu.memref_slice %arg5[%mul3A_31, %dma_wait3A_32] : memref<160000x128xf32, #tpu.memory_space<hbm>> -> memref<64x128xf32, #tpu.memory_space<hbm>>
    %dma_wait3A_34 = arith.constant 0 : i32
    %dma_wait3A_35 = tpu.memref_slice %arg5[%mul3A_31, %dma_wait3A_34] : memref<160000x128xf32, #tpu.memory_space<hbm>> -> memref<64x128xf32, #tpu.memory_space<hbm>>
    tpu.wait_dma2 semaphore(%arg21 : memref<!tpu.dma_semaphore, #tpu.memory_space<semaphore_mem>>) src(%arg15 : memref<64x128xf32, #tpu.memory_space<vmem>>) dst(%dma_wait3A_35 : memref<64x128xf32, #tpu.memory_space<hbm>>)
    %lt3A = arith.constant 4 : i32
    %lt3A_36 = arith.cmpi slt, %add3A, %lt3A : i32
    %convert_element_type3A = arith.extui %lt3A_36 : i1 to i32
    %cond3A = arith.constant 0 : i32
    %cond3A_37 = arith.cmpi ne, %convert_element_type3A, %cond3A : i32
    scf.if %cond3A_37 {
      %add3A_38 = arith.constant 2496 : i32
      %add3A_39 = arith.addi %add3A, %add3A_38 : i32
      "tpu.region"() ({
        %run_scoped3A = tpu.sem_alloc : memref<!tpu.dma_semaphore, #tpu.memory_space<semaphore_mem>>
        %dma_start3A_62 = arith.constant 0 : i32
        %dma_start3A_63 = tpu.memref_slice %arg3[%add3A_39, %dma_start3A_62] : memref<2560x128xi32, #tpu.memory_space<hbm>> -> memref<1x128xi32, #tpu.memory_space<hbm>>
        %dma_start3A_64 = tpu.memref_squeeze %dma_start3A_63 : memref<1x128xi32, #tpu.memory_space<hbm>> -> memref<128xi32, #tpu.memory_space<hbm>>
        %dma_start3A_65 = arith.constant 0 : i32
        %dma_start3A_66 = tpu.memref_slice %arg3[%add3A_39, %dma_start3A_65] : memref<2560x128xi32, #tpu.memory_space<hbm>> -> memref<1x128xi32, #tpu.memory_space<hbm>>
        %dma_start3A_67 = tpu.memref_squeeze %dma_start3A_66 : memref<1x128xi32, #tpu.memory_space<hbm>> -> memref<128xi32, #tpu.memory_space<hbm>>
        tpu.enqueue_dma source(%dma_start3A_67 : memref<128xi32, #tpu.memory_space<hbm>>) target(%arg6 : memref<128xi32, #tpu.memory_space<vmem>>) target_semaphore(%run_scoped3A : memref<!tpu.dma_semaphore, #tpu.memory_space<semaphore_mem>>)
        %dma_wait3A_68 = arith.constant 0 : i32
        %dma_wait3A_69 = tpu.memref_slice %arg3[%add3A_39, %dma_wait3A_68] : memref<2560x128xi32, #tpu.memory_space<hbm>> -> memref<1x128xi32, #tpu.memory_space<hbm>>
        %dma_wait3A_70 = tpu.memref_squeeze %dma_wait3A_69 : memref<1x128xi32, #tpu.memory_space<hbm>> -> memref<128xi32, #tpu.memory_space<hbm>>
        %dma_wait3A_71 = arith.constant 0 : i32
        %dma_wait3A_72 = tpu.memref_slice %arg3[%add3A_39, %dma_wait3A_71] : memref<2560x128xi32, #tpu.memory_space<hbm>> -> memref<1x128xi32, #tpu.memory_space<hbm>>
        %dma_wait3A_73 = tpu.memref_squeeze %dma_wait3A_72 : memref<1x128xi32, #tpu.memory_space<hbm>> -> memref<128xi32, #tpu.memory_space<hbm>>
        tpu.wait_dma2 semaphore(%run_scoped3A : memref<!tpu.dma_semaphore, #tpu.memory_space<semaphore_mem>>) src(%dma_wait3A_73 : memref<128xi32, #tpu.memory_space<hbm>>) dst(%arg6 : memref<128xi32, #tpu.memory_space<vmem>>)
        tpu.yield
      }) : () -> ()
      "tpu.region"() ({
        %run_scoped3A = tpu.sem_alloc : memref<!tpu.dma_semaphore, #tpu.memory_space<semaphore_mem>>
        %dma_start3A_62 = arith.constant 0 : i32
        %dma_start3A_63 = tpu.memref_slice %arg4[%add3A_39, %dma_start3A_62] : memref<2560x128xi32, #tpu.memory_space<hbm>> -> memref<1x128xi32, #tpu.memory_space<hbm>>
        %dma_start3A_64 = tpu.memref_squeeze %dma_start3A_63 : memref<1x128xi32, #tpu.memory_space<hbm>> -> memref<128xi32, #tpu.memory_space<hbm>>
        %dma_start3A_65 = arith.constant 0 : i32
        %dma_start3A_66 = tpu.memref_slice %arg4[%add3A_39, %dma_start3A_65] : memref<2560x128xi32, #tpu.memory_space<hbm>> -> memref<1x128xi32, #tpu.memory_space<hbm>>
        %dma_start3A_67 = tpu.memref_squeeze %dma_start3A_66 : memref<1x128xi32, #tpu.memory_space<hbm>> -> memref<128xi32, #tpu.memory_space<hbm>>
        tpu.enqueue_dma source(%dma_start3A_67 : memref<128xi32, #tpu.memory_space<hbm>>) target(%arg7 : memref<128xi32, #tpu.memory_space<vmem>>) target_semaphore(%run_scoped3A : memref<!tpu.dma_semaphore, #tpu.memory_space<semaphore_mem>>)
        %dma_wait3A_68 = arith.constant 0 : i32
        %dma_wait3A_69 = tpu.memref_slice %arg4[%add3A_39, %dma_wait3A_68] : memref<2560x128xi32, #tpu.memory_space<hbm>> -> memref<1x128xi32, #tpu.memory_space<hbm>>
        %dma_wait3A_70 = tpu.memref_squeeze %dma_wait3A_69 : memref<1x128xi32, #tpu.memory_space<hbm>> -> memref<128xi32, #tpu.memory_space<hbm>>
        %dma_wait3A_71 = arith.constant 0 : i32
        %dma_wait3A_72 = tpu.memref_slice %arg4[%add3A_39, %dma_wait3A_71] : memref<2560x128xi32, #tpu.memory_space<hbm>> -> memref<1x128xi32, #tpu.memory_space<hbm>>
        %dma_wait3A_73 = tpu.memref_squeeze %dma_wait3A_72 : memref<1x128xi32, #tpu.memory_space<hbm>> -> memref<128xi32, #tpu.memory_space<hbm>>
        tpu.wait_dma2 semaphore(%run_scoped3A : memref<!tpu.dma_semaphore, #tpu.memory_space<semaphore_mem>>) src(%dma_wait3A_73 : memref<128xi32, #tpu.memory_space<hbm>>) dst(%arg7 : memref<128xi32, #tpu.memory_space<vmem>>)
        tpu.yield
      }) : () -> ()
      %dma_start3A_40 = arith.constant 0 : i32
      %dma_start3A_41 = arith.constant 0 : i32
      %dma_start3A_42 = tpu.memref_slice %arg2[%dma_start3A_40, %dma_start3A_41] : memref<10000x128xf32, #tpu.memory_space<hbm>> -> memref<10000x128xf32, #tpu.memory_space<hbm>>
      tpu.enqueue_indirect_dma source(%dma_start3A_42 : memref<10000x128xf32, #tpu.memory_space<hbm>>) target(%arg10 : memref<128x128xf32, #tpu.memory_space<vmem>>) offsets(%arg6 : memref<128xi32, #tpu.memory_space<vmem>>) semaphore(%arg16 : memref<!tpu.dma_semaphore, #tpu.memory_space<semaphore_mem>>)
      %dma_wait3A_43 = arith.constant 0 : i32
      %dma_wait3A_44 = arith.constant 0 : i32
      %dma_wait3A_45 = tpu.memref_slice %arg2[%dma_wait3A_43, %dma_wait3A_44] : memref<10000x128xf32, #tpu.memory_space<hbm>> -> memref<10000x128xf32, #tpu.memory_space<hbm>>
      tpu.wait_indirect_dma semaphore(%arg16 : memref<!tpu.dma_semaphore, #tpu.memory_space<semaphore_mem>>) src(%dma_wait3A_45 : memref<10000x128xf32, #tpu.memory_space<hbm>>) dst(%arg10 : memref<128x128xf32, #tpu.memory_space<vmem>>)
      %dma_start3A_46 = arith.constant 0 : i32
      %dma_start3A_47 = arith.constant 0 : i32
      %dma_start3A_48 = tpu.memref_slice %arg2[%dma_start3A_46, %dma_start3A_47] : memref<10000x128xf32, #tpu.memory_space<hbm>> -> memref<10000x128xf32, #tpu.memory_space<hbm>>
      tpu.enqueue_indirect_dma source(%dma_start3A_48 : memref<10000x128xf32, #tpu.memory_space<hbm>>) target(%arg11 : memref<128x128xf32, #tpu.memory_space<vmem>>) offsets(%arg7 : memref<128xi32, #tpu.memory_space<vmem>>) semaphore(%arg17 : memref<!tpu.dma_semaphore, #tpu.memory_space<semaphore_mem>>)
      %dma_wait3A_49 = arith.constant 0 : i32
      %dma_wait3A_50 = arith.constant 0 : i32
      %dma_wait3A_51 = tpu.memref_slice %arg2[%dma_wait3A_49, %dma_wait3A_50] : memref<10000x128xf32, #tpu.memory_space<hbm>> -> memref<10000x128xf32, #tpu.memory_space<hbm>>
      tpu.wait_indirect_dma semaphore(%arg17 : memref<!tpu.dma_semaphore, #tpu.memory_space<semaphore_mem>>) src(%dma_wait3A_51 : memref<10000x128xf32, #tpu.memory_space<hbm>>) dst(%arg11 : memref<128x128xf32, #tpu.memory_space<vmem>>)
      %scan3A_52 = arith.constant 0 : i32
      %scan3A_53 = arith.constant 0 : i32
      %scan3A_54 = arith.constant 64 : i32
      %scan3A_55 = arith.addi %scan3A_53, %scan3A_54 : i32
      %scan3A_56 = arith.constant 1 : i32
      scf.for %scan3A_62 = %scan3A_53 to %scan3A_55 step %scan3A_56  : i32 {
        %mul3A_63 = arith.constant 2 : i32
        %mul3A_64 = arith.muli %mul3A_63, %scan3A_62 : i32
        %add3A_65 = arith.constant 0 : i32
        %add3A_66 = arith.addi %mul3A_64, %add3A_65 : i32
        %get3A = arith.index_cast %add3A_66 : i32 to index
        %get3A_67 = arith.constant 0 : index
        %get3A_68 = tpu.vector_load %arg10[%get3A, %get3A_67] {strides = array<i32>} : memref<128x128xf32, #tpu.memory_space<vmem>>, vector<1x16xf32>,
        %get3A_69 = vector.shape_cast %get3A_68 : vector<1x16xf32> to vector<16xf32>
        %get3A_70 = arith.index_cast %add3A_66 : i32 to index
        %get3A_71 = arith.constant 64 : index
        %get3A_72 = tpu.vector_load %arg11[%get3A_70, %get3A_71] {strides = array<i32>} : memref<128x128xf32, #tpu.memory_space<vmem>>, vector<1x16xf32>,
        %get3A_73 = vector.shape_cast %get3A_72 : vector<1x16xf32> to vector<16xf32>
        %add3A_74 = arith.addf %get3A_69, %get3A_73 : vector<16xf32>
        %swap3A = arith.index_cast %scan3A_62 : i32 to index
        %swap3A_75 = arith.constant 0 : index
        %swap3A_76 = tpu.vector_load %arg14[%swap3A, %swap3A_75] {strides = array<i32>} : memref<64x128xf32, #tpu.memory_space<vmem>>, vector<1x16xf32>,
        %swap3A_77 = vector.shape_cast %swap3A_76 : vector<1x16xf32> to vector<16xf32>
        %swap3A_78 = vector.shape_cast %add3A_74 : vector<16xf32> to vector<1x16xf32>
        tpu.vector_store %arg14[%swap3A, %swap3A_75], %swap3A_78 {strides = array<i32>} : memref<64x128xf32, #tpu.memory_space<vmem>>, vector<1x16xf32>,
        %mul3A_79 = arith.constant 2 : i32
        %mul3A_80 = arith.muli %mul3A_79, %scan3A_62 : i32
        %add3A_81 = arith.constant 0 : i32
        %add3A_82 = arith.addi %mul3A_80, %add3A_81 : i32
        %get3A_83 = arith.index_cast %add3A_82 : i32 to index
        %get3A_84 = arith.constant 16 : index
        %get3A_85 = tpu.vector_load %arg10[%get3A_83, %get3A_84] {strides = array<i32>} : memref<128x128xf32, #tpu.memory_space<vmem>>, vector<1x16xf32>,
        %get3A_86 = vector.shape_cast %get3A_85 : vector<1x16xf32> to vector<16xf32>
        %get3A_87 = arith.index_cast %add3A_82 : i32 to index
        %get3A_88 = arith.constant 80 : index
        %get3A_89 = tpu.vector_load %arg11[%get3A_87, %get3A_88] {strides = array<i32>} : memref<128x128xf32, #tpu.memory_space<vmem>>, vector<1x16xf32>,
        %get3A_90 = vector.shape_cast %get3A_89 : vector<1x16xf32> to vector<16xf32>
        %add3A_91 = arith.addf %get3A_86, %get3A_90 : vector<16xf32>
        %swap3A_92 = arith.index_cast %scan3A_62 : i32 to index
        %swap3A_93 = arith.constant 16 : index
        %swap3A_94 = tpu.vector_load %arg14[%swap3A_92, %swap3A_93] {strides = array<i32>} : memref<64x128xf32, #tpu.memory_space<vmem>>, vector<1x16xf32>,
        %swap3A_95 = vector.shape_cast %swap3A_94 : vector<1x16xf32> to vector<16xf32>
        %swap3A_96 = vector.shape_cast %add3A_91 : vector<16xf32> to vector<1x16xf32>
        tpu.vector_store %arg14[%swap3A_92, %swap3A_93], %swap3A_96 {strides = array<i32>} : memref<64x128xf32, #tpu.memory_space<vmem>>, vector<1x16xf32>,
        %mul3A_97 = arith.constant 2 : i32
        %mul3A_98 = arith.muli %mul3A_97, %scan3A_62 : i32
        %add3A_99 = arith.constant 0 : i32
        %add3A_100 = arith.addi %mul3A_98, %add3A_99 : i32
        %get3A_101 = arith.index_cast %add3A_100 : i32 to index
        %get3A_102 = arith.constant 32 : index
        %get3A_103 = tpu.vector_load %arg10[%get3A_101, %get3A_102] {strides = array<i32>} : memref<128x128xf32, #tpu.memory_space<vmem>>, vector<1x16xf32>,
        %get3A_104 = vector.shape_cast %get3A_103 : vector<1x16xf32> to vector<16xf32>
        %get3A_105 = arith.index_cast %add3A_100 : i32 to index
        %get3A_106 = arith.constant 96 : index
        %get3A_107 = tpu.vector_load %arg11[%get3A_105, %get3A_106] {strides = array<i32>} : memref<128x128xf32, #tpu.memory_space<vmem>>, vector<1x16xf32>,
        %get3A_108 = vector.shape_cast %get3A_107 : vector<1x16xf32> to vector<16xf32>
        %add3A_109 = arith.addf %get3A_104, %get3A_108 : vector<16xf32>
        %swap3A_110 = arith.index_cast %scan3A_62 : i32 to index
        %swap3A_111 = arith.constant 32 : index
        %swap3A_112 = tpu.vector_load %arg14[%swap3A_110, %swap3A_111] {strides = array<i32>} : memref<64x128xf32, #tpu.memory_space<vmem>>, vector<1x16xf32>,
        %swap3A_113 = vector.shape_cast %swap3A_112 : vector<1x16xf32> to vector<16xf32>
        %swap3A_114 = vector.shape_cast %add3A_109 : vector<16xf32> to vector<1x16xf32>
        tpu.vector_store %arg14[%swap3A_110, %swap3A_111], %swap3A_114 {strides = array<i32>} : memref<64x128xf32, #tpu.memory_space<vmem>>, vector<1x16xf32>,
        %mul3A_115 = arith.constant 2 : i32
        %mul3A_116 = arith.muli %mul3A_115, %scan3A_62 : i32
        %add3A_117 = arith.constant 0 : i32
        %add3A_118 = arith.addi %mul3A_116, %add3A_117 : i32
        %get3A_119 = arith.index_cast %add3A_118 : i32 to index
        %get3A_120 = arith.constant 48 : index
        %get3A_121 = tpu.vector_load %arg10[%get3A_119, %get3A_120] {strides = array<i32>} : memref<128x128xf32, #tpu.memory_space<vmem>>, vector<1x16xf32>,
        %get3A_122 = vector.shape_cast %get3A_121 : vector<1x16xf32> to vector<16xf32>
        %get3A_123 = arith.index_cast %add3A_118 : i32 to index
        %get3A_124 = arith.constant 112 : index
        %get3A_125 = tpu.vector_load %arg11[%get3A_123, %get3A_124] {strides = array<i32>} : memref<128x128xf32, #tpu.memory_space<vmem>>, vector<1x16xf32>,
        %get3A_126 = vector.shape_cast %get3A_125 : vector<1x16xf32> to vector<16xf32>
        %add3A_127 = arith.addf %get3A_122, %get3A_126 : vector<16xf32>
        %swap3A_128 = arith.index_cast %scan3A_62 : i32 to index
        %swap3A_129 = arith.constant 48 : index
        %swap3A_130 = tpu.vector_load %arg14[%swap3A_128, %swap3A_129] {strides = array<i32>} : memref<64x128xf32, #tpu.memory_space<vmem>>, vector<1x16xf32>,
        %swap3A_131 = vector.shape_cast %swap3A_130 : vector<1x16xf32> to vector<16xf32>
        %swap3A_132 = vector.shape_cast %add3A_127 : vector<16xf32> to vector<1x16xf32>
        tpu.vector_store %arg14[%swap3A_128, %swap3A_129], %swap3A_132 {strides = array<i32>} : memref<64x128xf32, #tpu.memory_space<vmem>>, vector<1x16xf32>,
        %mul3A_133 = arith.constant 2 : i32
        %mul3A_134 = arith.muli %mul3A_133, %scan3A_62 : i32
        %add3A_135 = arith.constant 1 : i32
        %add3A_136 = arith.addi %mul3A_134, %add3A_135 : i32
        %get3A_137 = arith.index_cast %add3A_136 : i32 to index
        %get3A_138 = arith.constant 0 : index
        %get3A_139 = tpu.vector_load %arg10[%get3A_137, %get3A_138] {strides = array<i32>} : memref<128x128xf32, #tpu.memory_space<vmem>>, vector<1x16xf32>,
        %get3A_140 = vector.shape_cast %get3A_139 : vector<1x16xf32> to vector<16xf32>
        %get3A_141 = arith.index_cast %add3A_136 : i32 to index
        %get3A_142 = arith.constant 64 : index
        %get3A_143 = tpu.vector_load %arg11[%get3A_141, %get3A_142] {strides = array<i32>} : memref<128x128xf32, #tpu.memory_space<vmem>>, vector<1x16xf32>,
        %get3A_144 = vector.shape_cast %get3A_143 : vector<1x16xf32> to vector<16xf32>
        %add3A_145 = arith.addf %get3A_140, %get3A_144 : vector<16xf32>
        %swap3A_146 = arith.index_cast %scan3A_62 : i32 to index
        %swap3A_147 = arith.constant 64 : index
        %swap3A_148 = tpu.vector_load %arg14[%swap3A_146, %swap3A_147] {strides = array<i32>} : memref<64x128xf32, #tpu.memory_space<vmem>>, vector<1x16xf32>,
        %swap3A_149 = vector.shape_cast %swap3A_148 : vector<1x16xf32> to vector<16xf32>
        %swap3A_150 = vector.shape_cast %add3A_145 : vector<16xf32> to vector<1x16xf32>
        tpu.vector_store %arg14[%swap3A_146, %swap3A_147], %swap3A_150 {strides = array<i32>} : memref<64x128xf32, #tpu.memory_space<vmem>>, vector<1x16xf32>,
        %mul3A_151 = arith.constant 2 : i32
        %mul3A_152 = arith.muli %mul3A_151, %scan3A_62 : i32
        %add3A_153 = arith.constant 1 : i32
        %add3A_154 = arith.addi %mul3A_152, %add3A_153 : i32
        %get3A_155 = arith.index_cast %add3A_154 : i32 to index
        %get3A_156 = arith.constant 16 : index
        %get3A_157 = tpu.vector_load %arg10[%get3A_155, %get3A_156] {strides = array<i32>} : memref<128x128xf32, #tpu.memory_space<vmem>>, vector<1x16xf32>,
        %get3A_158 = vector.shape_cast %get3A_157 : vector<1x16xf32> to vector<16xf32>
        %get3A_159 = arith.index_cast %add3A_154 : i32 to index
        %get3A_160 = arith.constant 80 : index
        %get3A_161 = tpu.vector_load %arg11[%get3A_159, %get3A_160] {strides = array<i32>} : memref<128x128xf32, #tpu.memory_space<vmem>>, vector<1x16xf32>,
        %get3A_162 = vector.shape_cast %get3A_161 : vector<1x16xf32> to vector<16xf32>
        %add3A_163 = arith.addf %get3A_158, %get3A_162 : vector<16xf32>
        %swap3A_164 = arith.index_cast %scan3A_62 : i32 to index
        %swap3A_165 = arith.constant 80 : index
        %swap3A_166 = tpu.vector_load %arg14[%swap3A_164, %swap3A_165] {strides = array<i32>} : memref<64x128xf32, #tpu.memory_space<vmem>>, vector<1x16xf32>,
        %swap3A_167 = vector.shape_cast %swap3A_166 : vector<1x16xf32> to vector<16xf32>
        %swap3A_168 = vector.shape_cast %add3A_163 : vector<16xf32> to vector<1x16xf32>
        tpu.vector_store %arg14[%swap3A_164, %swap3A_165], %swap3A_168 {strides = array<i32>} : memref<64x128xf32, #tpu.memory_space<vmem>>, vector<1x16xf32>,
        %mul3A_169 = arith.constant 2 : i32
        %mul3A_170 = arith.muli %mul3A_169, %scan3A_62 : i32
        %add3A_171 = arith.constant 1 : i32
        %add3A_172 = arith.addi %mul3A_170, %add3A_171 : i32
        %get3A_173 = arith.index_cast %add3A_172 : i32 to index
        %get3A_174 = arith.constant 32 : index
        %get3A_175 = tpu.vector_load %arg10[%get3A_173, %get3A_174] {strides = array<i32>} : memref<128x128xf32, #tpu.memory_space<vmem>>, vector<1x16xf32>,
        %get3A_176 = vector.shape_cast %get3A_175 : vector<1x16xf32> to vector<16xf32>
        %get3A_177 = arith.index_cast %add3A_172 : i32 to index
        %get3A_178 = arith.constant 96 : index
        %get3A_179 = tpu.vector_load %arg11[%get3A_177, %get3A_178] {strides = array<i32>} : memref<128x128xf32, #tpu.memory_space<vmem>>, vector<1x16xf32>,
        %get3A_180 = vector.shape_cast %get3A_179 : vector<1x16xf32> to vector<16xf32>
        %add3A_181 = arith.addf %get3A_176, %get3A_180 : vector<16xf32>
        %swap3A_182 = arith.index_cast %scan3A_62 : i32 to index
        %swap3A_183 = arith.constant 96 : index
        %swap3A_184 = tpu.vector_load %arg14[%swap3A_182, %swap3A_183] {strides = array<i32>} : memref<64x128xf32, #tpu.memory_space<vmem>>, vector<1x16xf32>,
        %swap3A_185 = vector.shape_cast %swap3A_184 : vector<1x16xf32> to vector<16xf32>
        %swap3A_186 = vector.shape_cast %add3A_181 : vector<16xf32> to vector<1x16xf32>
        tpu.vector_store %arg14[%swap3A_182, %swap3A_183], %swap3A_186 {strides = array<i32>} : memref<64x128xf32, #tpu.memory_space<vmem>>, vector<1x16xf32>,
        %mul3A_187 = arith.constant 2 : i32
        %mul3A_188 = arith.muli %mul3A_187, %scan3A_62 : i32
        %add3A_189 = arith.constant 1 : i32
        %add3A_190 = arith.addi %mul3A_188, %add3A_189 : i32
        %get3A_191 = arith.index_cast %add3A_190 : i32 to index
        %get3A_192 = arith.constant 48 : index
        %get3A_193 = tpu.vector_load %arg10[%get3A_191, %get3A_192] {strides = array<i32>} : memref<128x128xf32, #tpu.memory_space<vmem>>, vector<1x16xf32>,
        %get3A_194 = vector.shape_cast %get3A_193 : vector<1x16xf32> to vector<16xf32>
        %get3A_195 = arith.index_cast %add3A_190 : i32 to index
        %get3A_196 = arith.constant 112 : index
        %get3A_197 = tpu.vector_load %arg11[%get3A_195, %get3A_196] {strides = array<i32>} : memref<128x128xf32, #tpu.memory_space<vmem>>, vector<1x16xf32>,
        %get3A_198 = vector.shape_cast %get3A_197 : vector<1x16xf32> to vector<16xf32>
        %add3A_199 = arith.addf %get3A_194, %get3A_198 : vector<16xf32>
        %swap3A_200 = arith.index_cast %scan3A_62 : i32 to index
        %swap3A_201 = arith.constant 112 : index
        %swap3A_202 = tpu.vector_load %arg14[%swap3A_200, %swap3A_201] {strides = array<i32>} : memref<64x128xf32, #tpu.memory_space<vmem>>, vector<1x16xf32>,
        %swap3A_203 = vector.shape_cast %swap3A_202 : vector<1x16xf32> to vector<16xf32>
        %swap3A_204 = vector.shape_cast %add3A_199 : vector<16xf32> to vector<1x16xf32>
        tpu.vector_store %arg14[%swap3A_200, %swap3A_201], %swap3A_204 {strides = array<i32>} : memref<64x128xf32, #tpu.memory_space<vmem>>, vector<1x16xf32>,
      }
      %scan3A_57 = arith.constant 64 : i32
      %add3A_58 = arith.constant 2496 : i32
      %add3A_59 = arith.addi %add3A, %add3A_58 : i32
      %mul3A_60 = arith.constant 64 : i32
      %mul3A_61 = arith.muli %add3A_59, %mul3A_60 : i32
      "tpu.region"() ({
        %run_scoped3A = tpu.sem_alloc : memref<!tpu.dma_semaphore, #tpu.memory_space<semaphore_mem>>
        %dma_start3A_62 = arith.constant 0 : i32
        %dma_start3A_63 = tpu.memref_slice %arg5[%mul3A_61, %dma_start3A_62] : memref<160000x128xf32, #tpu.memory_space<hbm>> -> memref<64x128xf32, #tpu.memory_space<hbm>>
        %dma_start3A_64 = arith.constant 0 : i32
        %dma_start3A_65 = tpu.memref_slice %arg5[%mul3A_61, %dma_start3A_64] : memref<160000x128xf32, #tpu.memory_space<hbm>> -> memref<64x128xf32, #tpu.memory_space<hbm>>
        tpu.enqueue_dma source(%arg14 : memref<64x128xf32, #tpu.memory_space<vmem>>) target(%dma_start3A_65 : memref<64x128xf32, #tpu.memory_space<hbm>>) target_semaphore(%run_scoped3A : memref<!tpu.dma_semaphore, #tpu.memory_space<semaphore_mem>>)
        %dma_wait3A_66 = arith.constant 0 : i32
        %dma_wait3A_67 = tpu.memref_slice %arg5[%mul3A_61, %dma_wait3A_66] : memref<160000x128xf32, #tpu.memory_space<hbm>> -> memref<64x128xf32, #tpu.memory_space<hbm>>
        %dma_wait3A_68 = arith.constant 0 : i32
        %dma_wait3A_69 = tpu.memref_slice %arg5[%mul3A_61, %dma_wait3A_68] : memref<160000x128xf32, #tpu.memory_space<hbm>> -> memref<64x128xf32, #tpu.memory_space<hbm>>
        tpu.wait_dma2 semaphore(%run_scoped3A : memref<!tpu.dma_semaphore, #tpu.memory_space<semaphore_mem>>) src(%arg14 : memref<64x128xf32, #tpu.memory_space<vmem>>) dst(%dma_wait3A_69 : memref<64x128xf32, #tpu.memory_space<hbm>>)
        tpu.yield
      }) : () -> ()
    } else {
    }
    return
  }
}

module attributes {stable_mosaic.version = 14 : i64} {
  func.func @_mm0_body(%arg0: memref<10000x128xf32, #tpu.memory_space<vmem>>, %arg1: memref<128x128xf32, #tpu.memory_space<vmem>>, %arg2: memref<1x128xf32, #tpu.memory_space<vmem>>, %arg3: memref<128x64xf32, #tpu.memory_space<vmem>>, %arg4: memref<1x64xf32, #tpu.memory_space<vmem>>, %arg5: memref<10000x128xf32, #tpu.memory_space<vmem>>, %arg6: memref<10000x64xf32, #tpu.memory_space<vmem>>) attributes {dimension_semantics = [], scalar_prefetch = 0 : i64, scratch_operands = 0 : i64, tpu.core_type = #tpu.core_type<tc>} {
    %get3A = arith.constant 0 : index
    %get3A_0 = arith.constant 0 : index
    %get3A_1 = vector.load %arg0[%get3A, %get3A_0] : memref<10000x128xf32, #tpu.memory_space<vmem>>, vector<10000x128xf32>
    %get3A_2 = arith.constant 0 : index
    %get3A_3 = arith.constant 0 : index
    %get3A_4 = vector.load %arg1[%get3A_2, %get3A_3] : memref<128x128xf32, #tpu.memory_space<vmem>>, vector<128x128xf32>
    %dot_general3A = arith.constant dense<0.000000e+00> : vector<10000x128xf32>
    %dot_general3A_5 = tpu.matmul %get3A_1, %get3A_4, %dot_general3A {dimension_numbers = #tpu.dot_dimension_numbers<[1], [0], [0], [1], [0, 0, 1, 1], [], []>, transpose_lhs_hint = false} : vector<10000x128xf32>, vector<128x128xf32>, vector<10000x128xf32> -> vector<10000x128xf32>
    %get3A_6 = arith.constant 0 : index
    %get3A_7 = arith.constant 0 : index
    %get3A_8 = vector.load %arg2[%get3A_6, %get3A_7] : memref<1x128xf32, #tpu.memory_space<vmem>>, vector<1x128xf32>
    %add3A = vector.broadcast %get3A_8 : vector<1x128xf32> to vector<10000x128xf32>
    %add3A_9 = arith.addf %dot_general3A_5, %add3A : vector<10000x128xf32>
    %swap3A = arith.constant 0 : index
    %swap3A_10 = arith.constant 0 : index
    %swap3A_11 = vector.load %arg5[%swap3A, %swap3A_10] : memref<10000x128xf32, #tpu.memory_space<vmem>>, vector<10000x128xf32>
    tpu.vector_store %arg5[%swap3A, %swap3A_10], %add3A_9 {strides = array<i32>} : memref<10000x128xf32, #tpu.memory_space<vmem>>, vector<10000x128xf32>,
    %get3A_12 = arith.constant 0 : index
    %get3A_13 = arith.constant 0 : index
    %get3A_14 = vector.load %arg3[%get3A_12, %get3A_13] : memref<128x64xf32, #tpu.memory_space<vmem>>, vector<128x64xf32>
    %dot_general3A_15 = arith.constant dense<0.000000e+00> : vector<10000x64xf32>
    %dot_general3A_16 = tpu.matmul %get3A_1, %get3A_14, %dot_general3A_15 {dimension_numbers = #tpu.dot_dimension_numbers<[1], [0], [0], [1], [0, 0, 1, 1], [], []>, transpose_lhs_hint = false} : vector<10000x128xf32>, vector<128x64xf32>, vector<10000x64xf32> -> vector<10000x64xf32>
    %get3A_17 = arith.constant 0 : index
    %get3A_18 = arith.constant 0 : index
    %get3A_19 = vector.load %arg4[%get3A_17, %get3A_18] : memref<1x64xf32, #tpu.memory_space<vmem>>, vector<1x64xf32>
    %add3A_20 = vector.broadcast %get3A_19 : vector<1x64xf32> to vector<10000x64xf32>
    %add3A_21 = arith.addf %dot_general3A_16, %add3A_20 : vector<10000x64xf32>
    %swap3A_22 = arith.constant 0 : index
    %swap3A_23 = arith.constant 0 : index
    %swap3A_24 = vector.load %arg6[%swap3A_22, %swap3A_23] : memref<10000x64xf32, #tpu.memory_space<vmem>>, vector<10000x64xf32>
    tpu.vector_store %arg6[%swap3A_22, %swap3A_23], %add3A_21 {strides = array<i32>} : memref<10000x64xf32, #tpu.memory_space<vmem>>, vector<10000x64xf32>,
    return
  }
}

module attributes {stable_mosaic.version = 14 : i64} {
  func.func @_combine_mid_body(%arg0: memref<2x10000x128xf32, #tpu.memory_space<vmem>>, %arg1: memref<10000x1xf32, #tpu.memory_space<vmem>>, %arg2: memref<10000x64xf32, #tpu.memory_space<vmem>>, %arg3: memref<64x128xf32, #tpu.memory_space<vmem>>, %arg4: memref<64x64xf32, #tpu.memory_space<vmem>>, %arg5: memref<1x64xf32, #tpu.memory_space<vmem>>, %arg6: memref<10000x128xf32, #tpu.memory_space<vmem>>, %arg7: memref<10000x64xf32, #tpu.memory_space<vmem>>) attributes {dimension_semantics = [], scalar_prefetch = 0 : i64, scratch_operands = 0 : i64, tpu.core_type = #tpu.core_type<tc>} {
    %get3A = arith.constant 0 : index
    %get3A_0 = arith.constant 0 : index
    %get3A_1 = arith.constant 0 : index
    %get3A_2 = vector.load %arg0[%get3A, %get3A_0, %get3A_1] : memref<2x10000x128xf32, #tpu.memory_space<vmem>>, vector<1x10000x128xf32>
    %get3A_3 = vector.shape_cast %get3A_2 : vector<1x10000x128xf32> to vector<10000x128xf32>
    %get3A_4 = arith.constant 1 : index
    %get3A_5 = arith.constant 0 : index
    %get3A_6 = arith.constant 0 : index
    %get3A_7 = vector.load %arg0[%get3A_4, %get3A_5, %get3A_6] : memref<2x10000x128xf32, #tpu.memory_space<vmem>>, vector<1x10000x128xf32>
    %get3A_8 = vector.shape_cast %get3A_7 : vector<1x10000x128xf32> to vector<10000x128xf32>
    %add3A = arith.addf %get3A_3, %get3A_8 : vector<10000x128xf32>
    %slice3A = vector.extract_strided_slice %add3A {offsets = [0, 0], sizes = [10000, 64], strides = [1, 1]} : vector<10000x128xf32> to vector<10000x64xf32>
    %get3A_9 = arith.constant 0 : index
    %get3A_10 = arith.constant 0 : index
    %get3A_11 = vector.load %arg1[%get3A_9, %get3A_10] : memref<10000x1xf32, #tpu.memory_space<vmem>>, vector<10000x1xf32>
    %mul3A = vector.broadcast %get3A_11 : vector<10000x1xf32> to vector<10000x64xf32>
    %mul3A_12 = arith.mulf %slice3A, %mul3A : vector<10000x64xf32>
    %get3A_13 = arith.constant 0 : index
    %get3A_14 = arith.constant 0 : index
    %get3A_15 = vector.load %arg2[%get3A_13, %get3A_14] : memref<10000x64xf32, #tpu.memory_space<vmem>>, vector<10000x64xf32>
    %add3A_16 = arith.addf %mul3A_12, %get3A_15 : vector<10000x64xf32>
    %max3A = arith.constant 0.000000e+00 : f32
    %max3A_17 = vector.broadcast %max3A : f32 to vector<10000x64xf32>
    %max3A_18 = arith.maximumf %add3A_16, %max3A_17 : vector<10000x64xf32>
    %get3A_19 = arith.constant 0 : index
    %get3A_20 = arith.constant 0 : index
    %get3A_21 = vector.load %arg3[%get3A_19, %get3A_20] : memref<64x128xf32, #tpu.memory_space<vmem>>, vector<64x128xf32>
    %dot_general3A = arith.constant dense<0.000000e+00> : vector<10000x128xf32>
    %dot_general3A_22 = tpu.matmul %max3A_18, %get3A_21, %dot_general3A {dimension_numbers = #tpu.dot_dimension_numbers<[1], [0], [0], [1], [0, 0, 1, 1], [], []>, transpose_lhs_hint = false} : vector<10000x64xf32>, vector<64x128xf32>, vector<10000x128xf32> -> vector<10000x128xf32>
    %swap3A = arith.constant 0 : index
    %swap3A_23 = arith.constant 0 : index
    %swap3A_24 = vector.load %arg6[%swap3A, %swap3A_23] : memref<10000x128xf32, #tpu.memory_space<vmem>>, vector<10000x128xf32>
    tpu.vector_store %arg6[%swap3A, %swap3A_23], %dot_general3A_22 {strides = array<i32>} : memref<10000x128xf32, #tpu.memory_space<vmem>>, vector<10000x128xf32>,
    %get3A_25 = arith.constant 0 : index
    %get3A_26 = arith.constant 0 : index
    %get3A_27 = vector.load %arg4[%get3A_25, %get3A_26] : memref<64x64xf32, #tpu.memory_space<vmem>>, vector<64x64xf32>
    %dot_general3A_28 = arith.constant dense<0.000000e+00> : vector<10000x64xf32>
    %dot_general3A_29 = tpu.matmul %max3A_18, %get3A_27, %dot_general3A_28 {dimension_numbers = #tpu.dot_dimension_numbers<[1], [0], [0], [1], [0, 0, 1, 1], [], []>, transpose_lhs_hint = false} : vector<10000x64xf32>, vector<64x64xf32>, vector<10000x64xf32> -> vector<10000x64xf32>
    %get3A_30 = arith.constant 0 : index
    %get3A_31 = arith.constant 0 : index
    %get3A_32 = vector.load %arg5[%get3A_30, %get3A_31] : memref<1x64xf32, #tpu.memory_space<vmem>>, vector<1x64xf32>
    %add3A_33 = vector.broadcast %get3A_32 : vector<1x64xf32> to vector<10000x64xf32>
    %add3A_34 = arith.addf %dot_general3A_29, %add3A_33 : vector<10000x64xf32>
    %swap3A_35 = arith.constant 0 : index
    %swap3A_36 = arith.constant 0 : index
    %swap3A_37 = vector.load %arg7[%swap3A_35, %swap3A_36] : memref<10000x64xf32, #tpu.memory_space<vmem>>, vector<10000x64xf32>
    tpu.vector_store %arg7[%swap3A_35, %swap3A_36], %add3A_34 {strides = array<i32>} : memref<10000x64xf32, #tpu.memory_space<vmem>>, vector<10000x64xf32>,
    return
  }
}

module attributes {stable_mosaic.version = 14 : i64} {
  func.func @_combine_first_body(%arg0: memref<2x10000x128xf32, #tpu.memory_space<vmem>>, %arg1: memref<10000x64xf32, #tpu.memory_space<vmem>>, %arg2: memref<64x128xf32, #tpu.memory_space<vmem>>, %arg3: memref<64x64xf32, #tpu.memory_space<vmem>>, %arg4: memref<1x64xf32, #tpu.memory_space<vmem>>, %arg5: memref<10000x128xf32, #tpu.memory_space<vmem>>, %arg6: memref<10000x64xf32, #tpu.memory_space<vmem>>, %arg7: memref<10000x1xf32, #tpu.memory_space<vmem>>) attributes {dimension_semantics = [], scalar_prefetch = 0 : i64, scratch_operands = 0 : i64, tpu.core_type = #tpu.core_type<tc>} {
    %get3A = arith.constant 0 : index
    %get3A_0 = arith.constant 0 : index
    %get3A_1 = arith.constant 0 : index
    %get3A_2 = vector.load %arg0[%get3A, %get3A_0, %get3A_1] : memref<2x10000x128xf32, #tpu.memory_space<vmem>>, vector<1x10000x128xf32>
    %get3A_3 = vector.shape_cast %get3A_2 : vector<1x10000x128xf32> to vector<10000x128xf32>
    %get3A_4 = arith.constant 1 : index
    %get3A_5 = arith.constant 0 : index
    %get3A_6 = arith.constant 0 : index
    %get3A_7 = vector.load %arg0[%get3A_4, %get3A_5, %get3A_6] : memref<2x10000x128xf32, #tpu.memory_space<vmem>>, vector<1x10000x128xf32>
    %get3A_8 = vector.shape_cast %get3A_7 : vector<1x10000x128xf32> to vector<10000x128xf32>
    %add3A = arith.addf %get3A_3, %get3A_8 : vector<10000x128xf32>
    %slice3A = vector.extract_strided_slice %add3A {offsets = [0, 64], sizes = [10000, 1], strides = [1, 1]} : vector<10000x128xf32> to vector<10000x1xf32>
    %max3A = arith.constant 1.000000e+00 : f32
    %max3A_9 = vector.broadcast %max3A : f32 to vector<10000x1xf32>
    %max3A_10 = arith.maximumf %slice3A, %max3A_9 : vector<10000x1xf32>
    %div3A = arith.constant 1.000000e+00 : f32
    %div3A_11 = vector.broadcast %div3A : f32 to vector<10000x1xf32>
    %div3A_12 = arith.divf %div3A_11, %max3A_10 : vector<10000x1xf32>
    %slice3A_13 = vector.extract_strided_slice %add3A {offsets = [0, 0], sizes = [10000, 64], strides = [1, 1]} : vector<10000x128xf32> to vector<10000x64xf32>
    %mul3A = vector.broadcast %div3A_12 : vector<10000x1xf32> to vector<10000x64xf32>
    %mul3A_14 = arith.mulf %slice3A_13, %mul3A : vector<10000x64xf32>
    %get3A_15 = arith.constant 0 : index
    %get3A_16 = arith.constant 0 : index
    %get3A_17 = vector.load %arg1[%get3A_15, %get3A_16] : memref<10000x64xf32, #tpu.memory_space<vmem>>, vector<10000x64xf32>
    %add3A_18 = arith.addf %mul3A_14, %get3A_17 : vector<10000x64xf32>
    %max3A_19 = arith.constant 0.000000e+00 : f32
    %max3A_20 = vector.broadcast %max3A_19 : f32 to vector<10000x64xf32>
    %max3A_21 = arith.maximumf %add3A_18, %max3A_20 : vector<10000x64xf32>
    %get3A_22 = arith.constant 0 : index
    %get3A_23 = arith.constant 0 : index
    %get3A_24 = vector.load %arg2[%get3A_22, %get3A_23] : memref<64x128xf32, #tpu.memory_space<vmem>>, vector<64x128xf32>
    %dot_general3A = arith.constant dense<0.000000e+00> : vector<10000x128xf32>
    %dot_general3A_25 = tpu.matmul %max3A_21, %get3A_24, %dot_general3A {dimension_numbers = #tpu.dot_dimension_numbers<[1], [0], [0], [1], [0, 0, 1, 1], [], []>, transpose_lhs_hint = false} : vector<10000x64xf32>, vector<64x128xf32>, vector<10000x128xf32> -> vector<10000x128xf32>
    %swap3A = arith.constant 0 : index
    %swap3A_26 = arith.constant 0 : index
    %swap3A_27 = vector.load %arg5[%swap3A, %swap3A_26] : memref<10000x128xf32, #tpu.memory_space<vmem>>, vector<10000x128xf32>
    tpu.vector_store %arg5[%swap3A, %swap3A_26], %dot_general3A_25 {strides = array<i32>} : memref<10000x128xf32, #tpu.memory_space<vmem>>, vector<10000x128xf32>,
    %get3A_28 = arith.constant 0 : index
    %get3A_29 = arith.constant 0 : index
    %get3A_30 = vector.load %arg3[%get3A_28, %get3A_29] : memref<64x64xf32, #tpu.memory_space<vmem>>, vector<64x64xf32>
    %dot_general3A_31 = arith.constant dense<0.000000e+00> : vector<10000x64xf32>
    %dot_general3A_32 = tpu.matmul %max3A_21, %get3A_30, %dot_general3A_31 {dimension_numbers = #tpu.dot_dimension_numbers<[1], [0], [0], [1], [0, 0, 1, 1], [], []>, transpose_lhs_hint = false} : vector<10000x64xf32>, vector<64x64xf32>, vector<10000x64xf32> -> vector<10000x64xf32>
    %get3A_33 = arith.constant 0 : index
    %get3A_34 = arith.constant 0 : index
    %get3A_35 = vector.load %arg4[%get3A_33, %get3A_34] : memref<1x64xf32, #tpu.memory_space<vmem>>, vector<1x64xf32>
    %add3A_36 = vector.broadcast %get3A_35 : vector<1x64xf32> to vector<10000x64xf32>
    %add3A_37 = arith.addf %dot_general3A_32, %add3A_36 : vector<10000x64xf32>
    %swap3A_38 = arith.constant 0 : index
    %swap3A_39 = arith.constant 0 : index
    %swap3A_40 = vector.load %arg6[%swap3A_38, %swap3A_39] : memref<10000x64xf32, #tpu.memory_space<vmem>>, vector<10000x64xf32>
    tpu.vector_store %arg6[%swap3A_38, %swap3A_39], %add3A_37 {strides = array<i32>} : memref<10000x64xf32, #tpu.memory_space<vmem>>, vector<10000x64xf32>,
    %swap3A_41 = arith.constant 0 : index
    %swap3A_42 = arith.constant 0 : index
    %swap3A_43 = vector.load %arg7[%swap3A_41, %swap3A_42] : memref<10000x1xf32, #tpu.memory_space<vmem>>, vector<10000x1xf32>
    tpu.vector_store %arg7[%swap3A_41, %swap3A_42], %div3A_12 {strides = array<i32>} : memref<10000x1xf32, #tpu.memory_space<vmem>>, vector<10000x1xf32>,
    return
  }
}

module attributes {stable_mosaic.version = 14 : i64} {
  func.func @_combine_last_body(%arg0: memref<2x10000x128xf32, #tpu.memory_space<vmem>>, %arg1: memref<10000x1xf32, #tpu.memory_space<vmem>>, %arg2: memref<10000x64xf32, #tpu.memory_space<vmem>>, %arg3: memref<64x128xf32, #tpu.memory_space<vmem>>, %arg4: memref<10000x128xf32, #tpu.memory_space<vmem>>) attributes {dimension_semantics = [], scalar_prefetch = 0 : i64, scratch_operands = 0 : i64, tpu.core_type = #tpu.core_type<tc>} {
    %get3A = arith.constant 0 : index
    %get3A_0 = arith.constant 0 : index
    %get3A_1 = arith.constant 0 : index
    %get3A_2 = vector.load %arg0[%get3A, %get3A_0, %get3A_1] : memref<2x10000x128xf32, #tpu.memory_space<vmem>>, vector<1x10000x128xf32>
    %get3A_3 = vector.shape_cast %get3A_2 : vector<1x10000x128xf32> to vector<10000x128xf32>
    %get3A_4 = arith.constant 1 : index
    %get3A_5 = arith.constant 0 : index
    %get3A_6 = arith.constant 0 : index
    %get3A_7 = vector.load %arg0[%get3A_4, %get3A_5, %get3A_6] : memref<2x10000x128xf32, #tpu.memory_space<vmem>>, vector<1x10000x128xf32>
    %get3A_8 = vector.shape_cast %get3A_7 : vector<1x10000x128xf32> to vector<10000x128xf32>
    %add3A = arith.addf %get3A_3, %get3A_8 : vector<10000x128xf32>
    %slice3A = vector.extract_strided_slice %add3A {offsets = [0, 0], sizes = [10000, 64], strides = [1, 1]} : vector<10000x128xf32> to vector<10000x64xf32>
    %get3A_9 = arith.constant 0 : index
    %get3A_10 = arith.constant 0 : index
    %get3A_11 = vector.load %arg1[%get3A_9, %get3A_10] : memref<10000x1xf32, #tpu.memory_space<vmem>>, vector<10000x1xf32>
    %mul3A = vector.broadcast %get3A_11 : vector<10000x1xf32> to vector<10000x64xf32>
    %mul3A_12 = arith.mulf %slice3A, %mul3A : vector<10000x64xf32>
    %get3A_13 = arith.constant 0 : index
    %get3A_14 = arith.constant 0 : index
    %get3A_15 = vector.load %arg2[%get3A_13, %get3A_14] : memref<10000x64xf32, #tpu.memory_space<vmem>>, vector<10000x64xf32>
    %add3A_16 = arith.addf %mul3A_12, %get3A_15 : vector<10000x64xf32>
    %get3A_17 = arith.constant 0 : index
    %get3A_18 = arith.constant 0 : index
    %get3A_19 = vector.load %arg3[%get3A_17, %get3A_18] : memref<64x128xf32, #tpu.memory_space<vmem>>, vector<64x128xf32>
    %dot_general3A = arith.constant dense<0.000000e+00> : vector<10000x128xf32>
    %dot_general3A_20 = tpu.matmul %add3A_16, %get3A_19, %dot_general3A {dimension_numbers = #tpu.dot_dimension_numbers<[1], [0], [0], [1], [0, 0, 1, 1], [], []>, transpose_lhs_hint = false} : vector<10000x64xf32>, vector<64x128xf32>, vector<10000x128xf32> -> vector<10000x128xf32>
    %swap3A = arith.constant 0 : index
    %swap3A_21 = arith.constant 0 : index
    %swap3A_22 = vector.load %arg4[%swap3A, %swap3A_21] : memref<10000x128xf32, #tpu.memory_space<vmem>>, vector<10000x128xf32>
    tpu.vector_store %arg4[%swap3A, %swap3A_21], %dot_general3A_20 {strides = array<i32>} : memref<10000x128xf32, #tpu.memory_space<vmem>>, vector<10000x128xf32>,
    return
  }
}

module attributes {stable_mosaic.version = 14 : i64} {
  func.func @_edge_mlp_body(%arg0: i32, %arg1: memref<4000x128xf32, #tpu.memory_space<vmem>>, %arg2: memref<4000x32xf32, #tpu.memory_space<vmem>>, %arg3: memref<32x128xf32, #tpu.memory_space<vmem>>, %arg4: memref<1x128xf32, #tpu.memory_space<vmem>>, %arg5: memref<128x64xf32, #tpu.memory_space<vmem>>, %arg6: memref<1x64xf32, #tpu.memory_space<vmem>>, %arg7: memref<64x2xf32, #tpu.memory_space<vmem>>, %arg8: memref<1x2xf32, #tpu.memory_space<vmem>>, %arg9: memref<4000x2xf32, #tpu.memory_space<vmem>>) attributes {dimension_semantics = [#tpu.dimension_semantics<arbitrary>], iteration_bounds = array<i64: 40>, scalar_prefetch = 0 : i64, scratch_operands = 0 : i64, tpu.core_type = #tpu.core_type<tc>, window_params = [{transform_indices = @transform_0, window_bounds = array<i64: 4000, 128>}, {transform_indices = @transform_1, window_bounds = array<i64: 4000, 32>}, {pipeline_mode = #tpu.pipeline_mode<synchronous>, transform_indices = @transform_2, window_bounds = array<i64: 32, 128>}, {pipeline_mode = #tpu.pipeline_mode<synchronous>, transform_indices = @transform_3, window_bounds = array<i64: 1, 128>}, {pipeline_mode = #tpu.pipeline_mode<synchronous>, transform_indices = @transform_4, window_bounds = array<i64: 128, 64>}, {pipeline_mode = #tpu.pipeline_mode<synchronous>, transform_indices = @transform_5, window_bounds = array<i64: 1, 64>}, {pipeline_mode = #tpu.pipeline_mode<synchronous>, transform_indices = @transform_6, window_bounds = array<i64: 64, 2>}, {pipeline_mode = #tpu.pipeline_mode<synchronous>, transform_indices = @transform_7, window_bounds = array<i64: 1, 2>}, {transform_indices = @transform_8, window_bounds = array<i64: 4000, 2>}]} {
    %get3A = arith.constant 0 : index
    %get3A_0 = arith.constant 0 : index
    %get3A_1 = vector.load %arg1[%get3A, %get3A_0] : memref<4000x128xf32, #tpu.memory_space<vmem>>, vector<4000x128xf32>
    %get3A_2 = arith.constant 0 : index
    %get3A_3 = arith.constant 0 : index
    %get3A_4 = vector.load %arg2[%get3A_2, %get3A_3] : memref<4000x32xf32, #tpu.memory_space<vmem>>, vector<4000x32xf32>
    %get3A_5 = arith.constant 0 : index
    %get3A_6 = arith.constant 0 : index
    %get3A_7 = vector.load %arg3[%get3A_5, %get3A_6] : memref<32x128xf32, #tpu.memory_space<vmem>>, vector<32x128xf32>
    %dot_general3A = arith.constant dense<0.000000e+00> : vector<4000x128xf32>
    %dot_general3A_8 = tpu.matmul %get3A_4, %get3A_7, %dot_general3A {dimension_numbers = #tpu.dot_dimension_numbers<[1], [0], [0], [1], [0, 0, 1, 1], [], []>, transpose_lhs_hint = false} : vector<4000x32xf32>, vector<32x128xf32>, vector<4000x128xf32> -> vector<4000x128xf32>
    %add3A = arith.addf %get3A_1, %dot_general3A_8 : vector<4000x128xf32>
    %get3A_9 = arith.constant 0 : index
    %get3A_10 = arith.constant 0 : index
    %get3A_11 = vector.load %arg4[%get3A_9, %get3A_10] : memref<1x128xf32, #tpu.memory_space<vmem>>, vector<1x128xf32>
    %add3A_12 = vector.broadcast %get3A_11 : vector<1x128xf32> to vector<4000x128xf32>
    %add3A_13 = arith.addf %add3A, %add3A_12 : vector<4000x128xf32>
    %max3A = arith.constant 0.000000e+00 : f32
    %max3A_14 = vector.broadcast %max3A : f32 to vector<4000x128xf32>
    %max3A_15 = arith.maximumf %add3A_13, %max3A_14 : vector<4000x128xf32>
    %get3A_16 = arith.constant 0 : index
    %get3A_17 = arith.constant 0 : index
    %get3A_18 = vector.load %arg5[%get3A_16, %get3A_17] : memref<128x64xf32, #tpu.memory_space<vmem>>, vector<128x64xf32>
    %dot_general3A_19 = arith.constant dense<0.000000e+00> : vector<4000x64xf32>
    %dot_general3A_20 = tpu.matmul %max3A_15, %get3A_18, %dot_general3A_19 {dimension_numbers = #tpu.dot_dimension_numbers<[1], [0], [0], [1], [0, 0, 1, 1], [], []>, transpose_lhs_hint = false} : vector<4000x128xf32>, vector<128x64xf32>, vector<4000x64xf32> -> vector<4000x64xf32>
    %get3A_21 = arith.constant 0 : index
    %get3A_22 = arith.constant 0 : index
    %get3A_23 = vector.load %arg6[%get3A_21, %get3A_22] : memref<1x64xf32, #tpu.memory_space<vmem>>, vector<1x64xf32>
    %add3A_24 = vector.broadcast %get3A_23 : vector<1x64xf32> to vector<4000x64xf32>
    %add3A_25 = arith.addf %dot_general3A_20, %add3A_24 : vector<4000x64xf32>
    %max3A_26 = arith.constant 0.000000e+00 : f32
    %max3A_27 = vector.broadcast %max3A_26 : f32 to vector<4000x64xf32>
    %max3A_28 = arith.maximumf %add3A_25, %max3A_27 : vector<4000x64xf32>
    %get3A_29 = arith.constant 0 : index
    %get3A_30 = arith.constant 0 : index
    %get3A_31 = vector.load %arg7[%get3A_29, %get3A_30] : memref<64x2xf32, #tpu.memory_space<vmem>>, vector<64x2xf32>
    %dot_general3A_32 = arith.constant dense<0.000000e+00> : vector<4000x2xf32>
    %dot_general3A_33 = tpu.matmul %max3A_28, %get3A_31, %dot_general3A_32 {dimension_numbers = #tpu.dot_dimension_numbers<[1], [0], [0], [1], [0, 0, 1, 1], [], []>, transpose_lhs_hint = false} : vector<4000x64xf32>, vector<64x2xf32>, vector<4000x2xf32> -> vector<4000x2xf32>
    %get3A_34 = arith.constant 0 : index
    %get3A_35 = arith.constant 0 : index
    %get3A_36 = vector.load %arg8[%get3A_34, %get3A_35] : memref<1x2xf32, #tpu.memory_space<vmem>>, vector<1x2xf32>
    %add3A_37 = vector.broadcast %get3A_36 : vector<1x2xf32> to vector<4000x2xf32>
    %add3A_38 = arith.addf %dot_general3A_33, %add3A_37 : vector<4000x2xf32>
    %neg3A = arith.constant 0.000000e+00 : f32
    %neg3A_39 = vector.broadcast %neg3A : f32 to vector<4000x2xf32>
    %neg3A_40 = arith.subf %neg3A_39, %add3A_38 : vector<4000x2xf32>
    %exp3A = math.exp %neg3A_40 : vector<4000x2xf32>
    %add3A_41 = arith.constant 1.000000e+00 : f32
    %add3A_42 = vector.broadcast %add3A_41 : f32 to vector<4000x2xf32>
    %add3A_43 = arith.addf %add3A_42, %exp3A : vector<4000x2xf32>
    %div3A = arith.constant 1.000000e+00 : f32
    %div3A_44 = vector.broadcast %div3A : f32 to vector<4000x2xf32>
    %div3A_45 = arith.divf %div3A_44, %add3A_43 : vector<4000x2xf32>
    %swap3A = arith.constant 0 : index
    %swap3A_46 = arith.constant 0 : index
    %swap3A_47 = vector.load %arg9[%swap3A, %swap3A_46] : memref<4000x2xf32, #tpu.memory_space<vmem>>, vector<4000x2xf32>
    tpu.vector_store %arg9[%swap3A, %swap3A_46], %div3A_45 {strides = array<i32>} : memref<4000x2xf32, #tpu.memory_space<vmem>>, vector<4000x2xf32>,
    return
  }
  func.func @transform_0(%arg0: i32) -> (i32, i32) {
    %c0_i32 = arith.constant 0 : i32
    %c0_i32_0 = arith.constant 0 : i32
    return %arg0, %c0_i32 : i32, i32
  }
  func.func @transform_1(%arg0: i32) -> (i32, i32) {
    %c0_i32 = arith.constant 0 : i32
    %c0_i32_0 = arith.constant 0 : i32
    return %arg0, %c0_i32 : i32, i32
  }
  func.func @transform_2(%arg0: i32) -> (i32, i32) {
    %c0_i32 = arith.constant 0 : i32
    %c0_i32_0 = arith.constant 0 : i32
    %c0_i32_1 = arith.constant 0 : i32
    return %c0_i32, %c0_i32_0 : i32, i32
  }
  func.func @transform_3(%arg0: i32) -> (i32, i32) {
    %c0_i32 = arith.constant 0 : i32
    %c0_i32_0 = arith.constant 0 : i32
    %c0_i32_1 = arith.constant 0 : i32
    return %c0_i32, %c0_i32_0 : i32, i32
  }
  func.func @transform_4(%arg0: i32) -> (i32, i32) {
    %c0_i32 = arith.constant 0 : i32
    %c0_i32_0 = arith.constant 0 : i32
    %c0_i32_1 = arith.constant 0 : i32
    return %c0_i32, %c0_i32_0 : i32, i32
  }
  func.func @transform_5(%arg0: i32) -> (i32, i32) {
    %c0_i32 = arith.constant 0 : i32
    %c0_i32_0 = arith.constant 0 : i32
    %c0_i32_1 = arith.constant 0 : i32
    return %c0_i32, %c0_i32_0 : i32, i32
  }
  func.func @transform_6(%arg0: i32) -> (i32, i32) {
    %c0_i32 = arith.constant 0 : i32
    %c0_i32_0 = arith.constant 0 : i32
    %c0_i32_1 = arith.constant 0 : i32
    return %c0_i32, %c0_i32_0 : i32, i32
  }
  func.func @transform_7(%arg0: i32) -> (i32, i32) {
    %c0_i32 = arith.constant 0 : i32
    %c0_i32_0 = arith.constant 0 : i32
    %c0_i32_1 = arith.constant 0 : i32
    return %c0_i32, %c0_i32_0 : i32, i32
  }
  func.func @transform_8(%arg0: i32) -> (i32, i32) {
    %c0_i32 = arith.constant 0 : i32
    %c0_i32_0 = arith.constant 0 : i32
    return %arg0, %c0_i32 : i32, i32
  }
}

</mosaic_0001>

<sc_bundles>
// kernel: kernel.11.cloned.1.call-start
scs
__scs_entry_jumppad:
0x0: {  	(pc) =	sbr.rel $0x88, $3  }
0x1: {  	(tag) =	ssettag $0x0;
	lr =	simm.s32 $0x1  }
0x2: {  	[smem:$0x3F8F] =	sst lr;
	_ =	strace $0xD0000000  }
0x3: {  	_ = 	snop  }
0x4: {  	_ = 	snop  }
0x5: {  	_ = 	snop  }
0x6: {  	_ = 	snop  }
0x7: {  	_ = 	snop  }
__scs_overlays_trampoline_lowered:
0x8: {  	[smem:$0x3F9E] =	sst s0  }
0x9: {  	[smem:$0x3F9F] =	sst s1  }
0xa: {  	[smem:$0x3FA0] =	sst s2  }
0xb: {  	[smem:$0x3FA1] =	sst s3  }
0xc: {  	[smem:$0x3FA2] =	sst s4  }
0xd: {  	[smem:$0x3FA3] =	sst s5  }
0xe: {  	[smem:$0x3FA4] =	sst s6  }
0xf: {  	[smem:$0x3FA5] =	sst s7  }
0x10: {  	[smem:$0x3FA6] =	sst s8  }
0x11: {  	[smem:$0x3FA7] =	sst s9;
	s0 =	simm.s32 @!p0 $0x0  }
0x12: {  	s1 =	sld [smem:$0x3F8D];
	s0 =	simm.s32 @p0 $0x1  }
0x13: {  	[smem:$0x3FA8] =	sst s0;
	s0 =	simm.s32 @!p1 $0x0  }
0x14: {  	s2 =	sld [smem:$0x3F8C];
	s0 =	simm.s32 @p1 $0x1  }
0x15: {  	[smem:$0x3FA9] =	sst s0;
	s0 =	simm.s32 @!p2 $0x0  }
0x16: {  	s3 =	sld [smem:$0x3FDB];
	s0 =	simm.s32 @p2 $0x1  }
0x17: {  	s4 =	simm.s32 $0x1BF5;
	[smem:$0x3FAB] =	sst s0  }
0x18: {  	s0 =	sld [smem:$0x3F8E];
	_ =	swait.ge [sflag:s4], $0x0  }
0x19: {  	s7 =	sld [smem:$0x3F8F]  }
0x1a: {  	s8 =	sadd.s32 $0xFFFFE003, lr  }
0x1b: {  	s9 =	sadd.s32 $0xFFFFFEF7, lr;
	s5 =	simm.s32 $0xFFFFFFFF;
	p2 =	slt.u32 s8, $0xFFFFF086  }
0x1c: {  	p1 =	slt.u32 s9, $0xF7A;
	s5 =	simm.s32 @!p2 $0x0  }
0x1d: {  	s5 =	simm.s32 @p1 $0x1;
	p0 =	seq.s32 s7, s2  }
0x1e: {  	s7 =	smul.u32 @!p0 $0xF7A, s2;
	p2 =	seq.s32 @!p0 s5, $0x0  }
0x1f: {  	s9 =	smul.u32 $0xF7A, s1;
	s8 =	simm.s32 @!p0 $0x1BF5;
	p2 =	por !p2, p0  }
0x20: {  	[sflag:s8] =	ssyncset.s32 @!p0 $0xFFFFF086;
	s6 =	sadd.s32 @!p0 s3, s7;
	s7 =	simm.s32 @!p0 $0x108  }
0x21: {  	s3 =	sadd.s32 s3, s9;
	s6 =	sadd.s32 @!p0 $0x88, s6;
	s7 =	simm.s32 @p2 $0x1082  }
0x22: {  	[simem:s7], [sflag:s8] =	dma.local @!p0 [hbm:s6], $0xF7A  }
0x23: {  	s9 =	sor.u32 $0xD0000000, s2;
	s6 =	simm.s32 $0x108;
	_ =	swait.ge @!p0 [sflag:s8], $0x0  }
0x24: {  	s3 =	sadd.s32 $0x88, s3;
	s6 =	simm.s32 @!p1 $0x1082;
	[sflag:s4] =	ssyncset.s32 $0xFFFFF086  }
0x25: {  	[simem:s6], [sflag:s4] =	dma.local [hbm:s3], $0xF7A  }
0x26: {  	[smem:$0x3F8F] =	sst s1;
	(tag) =	ssettag s2;
	_ =	strace s9  }
0x27: {  	s1 =	sld [smem:$0x3F9F]  }
0x28: {  	s2 =	sld [smem:$0x3FA0]  }
0x29: {  	s4 =	sld [smem:$0x3FA2]  }
0x2a: {  	p0 =	seq.s32 s5, $0x0;
	s5 =	sld [smem:$0x3FA3]  }
0x2b: {  	s6 =	sld [smem:$0x3FA4]  }
0x2c: {  	s7 =	sld [smem:$0x3FA5]  }
0x2d: {  	s3 =	simm.s32 $0x108;
	s8 =	sld [smem:$0x3FA6]  }
0x2e: {  	s3 =	simm.s32 @!p0 $0x1082;
	s9 =	sld [smem:$0x3FA7]  }
0x2f: {  	lr =	sadd.s32 s0, s3;
	s0 =	sld [smem:$0x3F9E]  }
0x30: {  	s3 =	sld [smem:$0x3FA1]  }
0x31: {  	[smem:$0x3FAA] =	sst s10  }
0x32: {  	s10 =	sld [smem:$0x3FA8];
	_ =	sdelay $0x3  }
0x33: {  	p0 =	seq.s32 s10, $0x1;
	s10 =	sld [smem:$0x3FAA];
	_ =	sdelay $0x3  }
0x34: {  	[smem:$0x3FAA] =	sst s10  }
0x35: {  	s10 =	sld [smem:$0x3FA9];
	_ =	sdelay $0x3  }
0x36: {  	p1 =	seq.s32 s10, $0x1;
	s10 =	sld [smem:$0x3FAA];
	_ =	sdelay $0x3  }
0x37: {  	[smem:$0x3FAA] =	sst s10  }
0x38: {  	s10 =	sld [smem:$0x3FAB]  }
0x39: {  	_ = 	snop;
	(pc) =	sbr.ind lr, $3  }
0x3a: {  	_ = 	snop  }
0x3b: {  	_ = 	snop  }
0x3c: {  	p2 =	seq.s32 s10, $0x1;
	s10 =	sld [smem:$0x3FAA]  }
0x3d: {  	_ =	shalt  }
0x3e: {  	_ =	shalt  }
0x3f: {  	_ =	shalt  }
0x40: {  	_ =	shalt  }
0x41: {  	_ =	shalt  }
0x42: {  	_ =	shalt  }
0x43: {  	_ =	shalt  }
0x44: {  	_ =	shalt  }
0x45: {  	_ =	shalt  }
0x46: {  	_ =	shalt  }
0x47: {  	_ =	shalt  }
0x48: {  	_ =	shalt  }
0x49: {  	_ =	shalt  }
0x4a: {  	_ =	shalt  }
0x4b: {  	_ =	shalt  }
0x4c: {  	_ =	shalt  }
0x4d: {  	_ =	shalt  }
0x4e: {  	_ =	shalt  }
0x4f: {  	_ =	shalt  }
0x50: {  	_ =	shalt  }
0x51: {  	_ =	shalt  }
0x52: {  	_ =	shalt  }
0x53: {  	_ =	shalt  }
0x54: {  	_ =	shalt  }
0x55: {  	_ =	shalt  }
0x56: {  	_ =	shalt  }
0x57: {  	_ =	shalt  }
0x58: {  	_ =	shalt  }
0x59: {  	_ =	shalt  }
0x5a: {  	_ =	shalt  }
0x5b: {  	_ =	shalt  }
0x5c: {  	_ =	shalt  }
0x5d: {  	_ =	shalt  }
0x5e: {  	_ =	shalt  }
0x5f: {  	_ =	shalt  }
0x60: {  	_ =	shalt  }
0x61: {  	_ =	shalt  }
0x62: {  	_ =	shalt  }
0x63: {  	_ =	shalt  }
0x64: {  	_ =	shalt  }
0x65: {  	_ =	shalt  }
0x66: {  	_ =	shalt  }
0x67: {  	_ =	shalt  }
0x68: {  	_ =	shalt  }
0x69: {  	_ =	shalt  }
0x6a: {  	_ =	shalt  }
0x6b: {  	_ =	shalt  }
0x6c: {  	_ =	shalt  }
0x6d: {  	_ =	shalt  }
0x6e: {  	_ =	shalt  }
0x6f: {  	_ =	shalt  }
0x70: {  	_ =	shalt  }
0x71: {  	_ =	shalt  }
0x72: {  	_ =	shalt  }
0x73: {  	_ =	shalt  }
0x74: {  	_ =	shalt  }
0x75: {  	_ =	shalt  }
0x76: {  	_ =	shalt  }
0x77: {  	_ =	shalt  }
0x78: {  	_ =	shalt  }
0x79: {  	_ =	shalt  }
0x7a: {  	_ =	shalt  }
0x7b: {  	_ =	shalt  }
0x7c: {  	_ =	shalt  }
0x7d: {  	_ =	shalt  }
0x7e: {  	_ =	shalt  }
0x7f: {  	_ =	shalt  }
0x80: {  	_ =	shalt  }
0x81: {  	_ =	shalt  }
0x82: {  	_ =	shalt  }
0x83: {  	_ =	shalt  }
0x84: {  	_ =	shalt  }
0x85: {  	_ =	shalt  }
0x86: {  	_ =	shalt  }
0x87: {  	_ =	shalt  }
.Lfunc_end0:
.L_simem_size_0:
called_computation_lowered:
.L_overlay_start_0:
0x88: {  	s2 =	sld [smem:$0x3FD9]  }
0x89: {  	s3 =	sld [smem:$0x3FFE];
	_ =	sdelay $0x1  }
0x8a: {  	s1 =	srdreg.scid  }
0x8b: {  	s0 =	sand.u32 $0x1, s1  }
0x8c: {  	s16 =	sshll.u32 s0, $0xA;
	s2 =	sadd.s32 s3, s2  }
0x8d: {  	s2 =	sadd.s32 s2, s16  }
0x8e: {  	[smem:$0x3FB6] =	sst s2  }
0x8f: {  	_ = 	snop  }
0x90: {  	(tm) =	ssettm $0x1  }
0x91: {  	s17 =	sld [smem:$0x3FFB];
	_ =	sdelay $0x3  }
0x92: {  	_ =	strace s17  }
0x93: {  	s2 =	sld [smem:$0x3FFC];
	_ =	sdelay $0x3  }
0x94: {  	_ =	strace s2  }
0x95: {  	s2 =	sld [smem:$0x3FFD];
	_ =	sdelay $0x3  }
0x96: {  	_ =	strace s2  }
0x97: {  	_ =	strace $0x8FFFFFFF  }
0x98: {  	s18 =	sld [smem:$0x3FDB];
	_ =	sdelay $0x1  }
0x99: {  	s19 =	simm.s32 $_scs_section_size  }
0x9a: {  	s4 =	simm.s32 $_size__tile_overlayer_lowered;
	s5 =	simm.s32 $_tile_overlayer_lowered  }
0x9b: {  	s22 =	simm.s32 $0x1BFF;
	s21 =	sshll.u32 s5, $0x1;
	s2 =	sadd.s32 s19, s18  }
0x9c: {  	s6 =	simm.s32 $0x0;
	s20 =	sshll.u32 s4, $0x1;
	s4 =	sadd.s32 s21, s2  }
0x9d: {  	[timem:s6], [sflag:s22] =	dma.local [hbm:s4], s20  }
0x9e: {  	_ =	swait.ge [sflag:s22], s20  }
0x9f: {  	s3 =	ssub.s32 $0x0, s20;
	[sflag:s22] =	ssyncset.done $0x0  }
0xa0: {  	[sflag:s22] =	ssyncadd.s32 s3;
	_ =	sdelay $0x1  }
0xa1: {  	s23 =	simm.s32 $0x1B8B  }
0xa2: {  	_ =	swait.ge [sflag:s23], $0x1  }
0xa3: {  	[sflag:s23] =	ssyncset.done $0x0  }
0xa4: {  	s25 =	simm.s32 $0x1B8E;
	s24 =	sld [smem:$0x3FFE];
	[sflag:s23] =	ssyncadd.s32 $0xFFFFFFFF  }
0xa5: {  	s26 =	simm.s32 $execute0_lowered;
	[smem:$0x3FD2] =	sst s25  }
0xa6: {  	s4 =	sshll.u32 s26, $0x1;
	_ =	strace $0x80000046;
	[dreg:$0x1] =	wrdreg $0xFFFFFFFF  }
0xa7: {  	s28 =	simm.s32 $_size_execute0_lowered;
	s2 =	sadd.s32 s2, s4;
	[dreg:$0x0] =	wrdreg $0x0  }
0xa8: {  	s4 =	sshll.u32 s28, $0x1;
	[dreg:$0x2] =	wrdreg s2  }
0xa9: {  	[dreg:$0x3] =	wrdreg s4  }
0xaa: {  	[dreg:$0x4] =	wrdreg $0xC0  }
0xab: {  	_ =	task [dreg:s6], $0x5FFFF  }
0xac: {  	[dreg:$0x1] =	wrdreg $0xFFFFFFFF  }
0xad: {  	[dreg:$0x0] =	wrdreg $0x60  }
0xae: {  	[dreg:$0x2] =	wrdreg s24  }
0xaf: {  	[dreg:$0x3] =	wrdreg $0x82000  }
0xb0: {  	[dreg:$0x4] =	wrdreg $0x9  }
0xb1: {  	_ =	task.clear_ibuf [dreg:s6], $0x5FFFF;
	_ =	strace $0x90000046  }
0xb2: {  	s29 =	simm.s32 $0x9;
	_ =	strace $0x80000048  }
0xb3: {  	_ =	swait.ge [sflag:s29], $0x1  }
0xb4: {  	[sflag:s29] =	ssyncadd.s32 $0xFFFFFFFF  }
0xb5: {  	_ =	strace $0x90000048  }
0xb6: {  	_ =	sfence  }
0xb7: {  	s30 =	sld [smem:$0x0];
	_ =	sdelay $0x2  }
0xb8: {  	s31 =	sshll.u32 s1, $0xD;
	s1 =	sshrl.u32 s1, $0x2  }
0xb9: {  	s3 =	sand.u32 $0x4000, s31;
	s1 =	sadd.s32 s1, s30  }
0xba: {  	s0 =	sor.u32 s3, s0;
	s1 =	sshll.u32 s1, $0x11  }
0xbb: {  	s0 =	sor.u32 s1, s0  }
0xbc: {  	s0 =	sadd.s32 $0x8F2B, s0  }
0xbd: {  	[sflag:s0] =	ssyncadd.remote.s32 $0x1  }
0xbe: {  	_ =	sfence.sel $0xFFFF  }
0xbf: {  	[dreg:$0x0] =	wrdreg $0xFFFFFFFF;
	(pc) =	sbr.abs _section_cstart, $3  }
0xc0: {  	[dreg:$0x1] =	wrdreg $0xFFFFFFFF  }
0xc1: {  	_ =	task.clear_ibuf [dreg:s6], $0x2FFFF;
	_ =	strace $0x9FFFFFFF  }
0xc2: {  	(tm) =	ssettm $0x7FFFFFFF  }
0xc3: {  	_ =	shalt  }
tec
execute0_lowered:
.L_overlay_start_1:
0x0: {  	(tag) =	ssettag $0x1  }
0x1: {  	s0 =	rddreg [dreg:$0x0]  }
0x2: {  	s1 =	rddreg [dreg:$0x1];
	s2 =	simm.s32 $0x0  }
0x3: {  	s4 =	stileid.u32;
	s6 =	srdreg.scid;
	s28 =	simm.s32 $0x4200  }
0x4: {  	s29 =	simm.s32 $0x1;
	s30 =	simm.s32 $0x2;
	s31 =	simm.s32 $0x3  }
0x5: {  	[smem:$0x7FF] =	sst s2;
	s5 =	smul.u32 $0x13800, s4;
	s3 =	sadd.s32 $0x18C00, s0  }
0x6: {  	s7 =	sadd.s32 $0xEC00, s0;
	s8 =	sand.u32 $0x1, s6;
	s10 =	smul.u32 $0x4E000, s4  }
0x7: {  	s20 =	sadd.s32 $0x4C00, s0;
	s16 =	sadd.s32 $0x67000, s0;
	s24 =	sshll.u32 s4, $0x6  }
0x8: {  	s18 =	sshll.u32 s4, $0x5;
	s26 =	sadd.s32 $0x138000, s1;
	p0 =	sne.s32 s4, $0x0  }
0x9: {  	p1 =	sgt.u32 s4, $0x1;
	s4 =	simm.s32 $0x0;
	_ =	strace $0x80000047  }
0xa: {  	s9 =	ssub.s32 $0x2, s8;
	s25 =	sshll.u32 s8, $0x4;
	[dreg:$0x5] =	wrdreg s26  }
0xb: {  	s8 =	smul.u32 $0x138800, s8;
	s22 =	sshrl.u32 s5, $0x3;
	s11 =	sshrl.u32 s9, $0x1  }
0xc: {  	s23 =	sshrl.u32 s10, $0x2;
	s6 =	sadd.s32 s22, s0;
	s17 =	ssub.s32 s9, s11  }
0xd: {  	s9 =	sadd.s32 s23, s1;
	s0 =	sadd.s32 $0x66E00, s0;
	s11 =	sor.u32 s25, s18  }
0xe: {  	s5 =	sadd.s32 s5, s8;
	s8 =	sshrl.u32 s8, $0x3;
	[dreg:$0x3] =	wrdreg s9  }
0xf: {  	s22 =	sor.u32 $0x600, s18;
	s6 =	sadd.s32 $0x3FE00, s6;
	[dreg:$0x6] =	wrdreg s0  }
0x10: {  	s9 =	sadd.s32 s7, s11;
	s12 =	sor.u32 $0x200, s11;
	s15 =	sadd.s32 s20, s11  }
0x11: {  	s14 =	sor.u32 $0x9C00, s11;
	s5 =	sshrl.u32 s5, $0x3;
	s21 =	sadd.s32 s16, s8  }
0x12: {  	s17 =	smax.u32 s17, $0x1;
	s23 =	sand.u32 $0x780, s22;
	[dreg:$0x4] =	wrdreg s6  }
0x13: {  	s0 =	sand.u32 $0x70, s11;
	s22 =	simm.s32 $0x5;
	[dreg:$0x7] =	wrdreg s9  }
0x14: {  	s6 =	sor.u32 $0x1C05, s24;
	[dreg:$0x8] =	wrdreg s15;
	s19 =	sadd.s32 s7, s12  }
0x15: {  	s12 =	sadd.s32 s20, s12;
	s13 =	sadd.s32 s7, s14;
	s14 =	sadd.s32 s20, s14  }
0x16: {  	s15 =	sadd.s32 s16, s5;
	s16 =	sadd.s32 $0x27000, s21;
	s8 =	sadd.s32 s23, s7  }
0x17: {  	s5 =	sadd.s32 s23, s20;
	[dreg:$0x9] =	wrdreg s19;
	s19 =	sor.u32 $0x400, s18  }
0x18: {  	s23 =	simm.s32 $0x80;
	s18 =	sadd.s32 s0, s8;
	s24 =	sand.u32 $0x580, s19  }
0x19: {  	s19 =	sadd.s32 s0, s5;
	s25 =	sadd.s32 s24, s7;
	s26 =	sadd.s32 s24, s20  }
0x1a: {  	s24 =	simm.s32 $0x200;
	s20 =	sadd.s32 s0, s25;
	s21 =	sadd.s32 s0, s26  }
0x1b: {  	s25 =	simm.s32 $0x100;
	s26 =	simm.s32 $0x180;
	s0 =	simm.s32 $0x4  }
.LBB2_1:
0x1c: {  	s5 =	rddreg [dreg:$0x3]  }
0x1d: {  	s7 =	rddreg [dreg:$0x4];
	s5 =	sshrl.u32 s5, $0x3  }
0x1e: {  	[spmem:s5], [sflag:s6] =	dma.local [hbm:s7], $0x2700  }
0x1f: {  	_ =	swait.ge [sflag:s22], $0x2700  }
0x20: {  	[sflag:s22] =	ssyncset.done $0x0;
	s7 =	rddreg [dreg:$0x5]  }
0x21: {  	s8 =	rddreg [dreg:$0x6];
	[sflag:s22] =	ssyncadd.s32 $0xFFFFD900;
	s7 =	sshrl.u32 @!p0 s7, $0x3  }
0x22: {  	[spmem:s7], [sflag:s6] =	dma.local @!p0 [hbm:s8], $0x100  }
0x23: {  	s8 =	simm.s32 @!p0 $0x5  }
0x24: {  	_ =	swait.ge @!p0 [sflag:s8], $0x100  }
0x25: {  	[sflag:s8] =	ssyncset.done @!p0 $0x0  }
0x26: {  	[sflag:s8] =	ssyncadd.s32 @!p0 $0xFFFFFF00  }
0x27: {  	[bflag:$0x0] =	sbarrier.arrive $0xFFFF  }
0x28: {  	s11 =	rddreg [dreg:$0x7]  }
0x29: {  	[tilespmem:s2], [sflag:$0x5] =	stream.linear.gather [hbm4b:s11+s2], $0x80, $0x38;
	[tilespmem:$0x1BA80] =	vst v63  }
0x2a: {  	_ =	swait.ge [sflag:s22], $0x80  }
0x2b: {  	[sflag:s22] =	ssyncset.done $0x0  }
0x2c: {  	s9 =	rddreg [dreg:$0x8];
	[sflag:s22] =	ssyncadd.s32 $0xFFFFFF80  }
0x2d: {  	[tilespmem:s23], [sflag:$0x5] =	stream.linear.gather [hbm4b:s9+s2], $0x80, $0x38;
	[tilespmem:$0x1BA80] =	vst v63  }
0x2e: {  	_ =	swait.ge [sflag:s22], $0x80  }
0x2f: {  	[sflag:s22] =	ssyncset.done $0x0  }
0x30: {  	[sflag:s22] =	ssyncadd.s32 $0xFFFFFF80  }
0x31: {  	[tilespmem:s24], [sflag:$0x1] =	stream.indirect.gather [hbm4b:s3+s23], $0x80, s2, s23, $0xb8;
	[tilespmem:$0x1BA80] =	vst v63  }
0x32: {  	s10 =	rddreg [dreg:$0x9]  }
0x33: {  	[tilespmem:s25], [sflag:$0x5] =	stream.linear.gather [hbm4b:s10+s2], $0x80, $0x38;
	[tilespmem:$0x1BA80] =	vst v63  }
0x34: {  	_ =	swait.ge [sflag:s22], $0x80  }
0x35: {  	[sflag:s22] =	ssyncset.done $0x0  }
0x36: {  	[sflag:s22] =	ssyncadd.s32 $0xFFFFFF80  }
0x37: {  	[tilespmem:s26], [sflag:$0x5] =	stream.linear.gather [hbm4b:s12+s2], $0x80, $0x38;
	[tilespmem:$0x1BA80] =	vst v63  }
0x38: {  	_ =	swait.ge [sflag:s22], $0x80  }
0x39: {  	[sflag:s22] =	ssyncset.done $0x0  }
0x3a: {  	[sflag:s22] =	ssyncadd.s32 $0xFFFFFF80  }
0x3b: {  	[tilespmem:s28], [sflag:$0x2] =	stream.indirect.gather [hbm4b:s3+s23], $0x80, s25, s23, $0xb8;
	[tilespmem:$0x1BA80] =	vst v63  }
0x3c: {  	_ =	swait.ge [sflag:s29], $0x4000  }
0x3d: {  	[sflag:s29] =	ssyncset.done $0x0  }
0x3e: {  	[sflag:s29] =	ssyncadd.s32 $0xFFFFC000  }
0x3f: {  	[spmem:s1] =	stream.indirect.scatter.add.f32 [tilespmem:s24], [sflag:$0x3], $0x80, s23, s23, $0xb8;
	[tilespmem:$0x1BA80] =	vst v63  }
0x40: {  	_ =	swait.ge [sflag:s30], $0x4000  }
0x41: {  	[sflag:s30] =	ssyncset.done $0x0  }
0x42: {  	[sflag:s30] =	ssyncadd.s32 $0xFFFFC000  }
0x43: {  	[spmem:s1] =	stream.indirect.scatter.add.f32 [tilespmem:s28], [sflag:$0x4], $0x80, s26, s23, $0xb8;
	[tilespmem:$0x1BA80] =	vst v63  }
0x44: {  	_ =	swait.ge [sflag:s31], $0x4000  }
0x45: {  	[sflag:s31] =	ssyncset.done $0x0  }
0x46: {  	s11 =	sadd.s32 $0x0, s20;
	[sflag:s31] =	ssyncadd.s32 $0xFFFFC000  }
0x47: {  	[tilespmem:s2], [sflag:$0x5] =	stream.linear.gather [hbm4b:s11+s2], $0x80, $0x38;
	[tilespmem:$0x1BA80] =	vst v63  }
0x48: {  	_ =	swait.ge [sflag:s22], $0x80  }
0x49: {  	[sflag:s22] =	ssyncset.done $0x0  }
0x4a: {  	s9 =	sadd.s32 $0x0, s21;
	[sflag:s22] =	ssyncadd.s32 $0xFFFFFF80  }
0x4b: {  	[tilespmem:s23], [sflag:$0x5] =	stream.linear.gather [hbm4b:s9+s2], $0x80, $0x38;
	[tilespmem:$0x1BA80] =	vst v63  }
0x4c: {  	_ =	swait.ge [sflag:s22], $0x80  }
0x4d: {  	[sflag:s22] =	ssyncset.done $0x0  }
0x4e: {  	[sflag:s22] =	ssyncadd.s32 $0xFFFFFF80  }
0x4f: {  	[tilespmem:s24], [sflag:$0x1] =	stream.indirect.gather [hbm4b:s3+s23], $0x80, s2, s23, $0xb8;
	[tilespmem:$0x1BA80] =	vst v63  }
0x50: {  	_ =	swait.ge [sflag:s0], $0x4000  }
0x51: {  	[sflag:s0] =	ssyncset.done $0x0  }
0x52: {  	s10 =	sadd.s32 $0x0, s18;
	[sflag:s0] =	ssyncadd.s32 $0xFFFFC000  }
0x53: {  	[tilespmem:s25], [sflag:$0x5] =	stream.linear.gather [hbm4b:s10+s2], $0x80, $0x38;
	[tilespmem:$0x1BA80] =	vst v63  }
0x54: {  	_ =	swait.ge [sflag:s22], $0x80  }
0x55: {  	[sflag:s22] =	ssyncset.done $0x0  }
0x56: {  	s11 =	sadd.s32 $0x0, s19;
	[sflag:s22] =	ssyncadd.s32 $0xFFFFFF80  }
0x57: {  	[tilespmem:s26], [sflag:$0x5] =	stream.linear.gather [hbm4b:s11+s2], $0x80, $0x38;
	[tilespmem:$0x1BA80] =	vst v63  }
0x58: {  	_ =	swait.ge [sflag:s22], $0x80  }
0x59: {  	[sflag:s22] =	ssyncset.done $0x0  }
0x5a: {  	s8 =	simm.s32 $0x400;
	[sflag:s22] =	ssyncadd.s32 $0xFFFFFF80  }
.LBB2_2:
0x5b: {  	[tilespmem:s28], [sflag:$0x2] =	stream.indirect.gather [hbm4b:s3+s23], $0x80, s25, s23, $0xb8;
	[tilespmem:$0x1BA80] =	vst v63  }
0x5c: {  	s9 =	smov.u32 s8  }
0x5d: {  	p2 =	sne.s32 s8, $0x9400;
	s8 =	sadd.s32 $0x400, s8;
	_ =	swait.ge [sflag:s29], $0x4000  }
0x5e: {  	[sflag:s29] =	ssyncset.done $0x0  }
0x5f: {  	[sflag:s29] =	ssyncadd.s32 $0xFFFFC000  }
0x60: {  	[spmem:s1] =	stream.indirect.scatter.add.f32 [tilespmem:s24], [sflag:$0x3], $0x80, s23, s23, $0xb8;
	[tilespmem:$0x1BA80] =	vst v63  }
0x61: {  	_ =	swait.ge [sflag:s30], $0x4000  }
0x62: {  	[sflag:s30] =	ssyncset.done $0x0  }
0x63: {  	[sflag:s30] =	ssyncadd.s32 $0xFFFFC000  }
0x64: {  	[spmem:s1] =	stream.indirect.scatter.add.f32 [tilespmem:s28], [sflag:$0x4], $0x80, s26, s23, $0xb8;
	[tilespmem:$0x1BA80] =	vst v63  }
0x65: {  	_ =	swait.ge [sflag:s31], $0x4000  }
0x66: {  	[sflag:s31] =	ssyncset.done $0x0  }
0x67: {  	s10 =	sadd.s32 s9, s20;
	[sflag:s31] =	ssyncadd.s32 $0xFFFFC000  }
0x68: {  	[tilespmem:s2], [sflag:$0x5] =	stream.linear.gather [hbm4b:s10+s2], $0x80, $0x38;
	[tilespmem:$0x1BA80] =	vst v63  }
0x69: {  	_ =	swait.ge [sflag:s22], $0x80  }
0x6a: {  	[sflag:s22] =	ssyncset.done $0x0  }
0x6b: {  	s10 =	sadd.s32 s9, s21;
	[sflag:s22] =	ssyncadd.s32 $0xFFFFFF80  }
0x6c: {  	[tilespmem:s23], [sflag:$0x5] =	stream.linear.gather [hbm4b:s10+s2], $0x80, $0x38;
	[tilespmem:$0x1BA80] =	vst v63  }
0x6d: {  	_ =	swait.ge [sflag:s22], $0x80  }
0x6e: {  	[sflag:s22] =	ssyncset.done $0x0  }
0x6f: {  	[sflag:s22] =	ssyncadd.s32 $0xFFFFFF80  }
0x70: {  	[tilespmem:s24], [sflag:$0x1] =	stream.indirect.gather [hbm4b:s3+s23], $0x80, s2, s23, $0xb8;
	[tilespmem:$0x1BA80] =	vst v63  }
0x71: {  	_ =	swait.ge [sflag:s0], $0x4000  }
0x72: {  	[sflag:s0] =	ssyncset.done $0x0  }
0x73: {  	s10 =	sadd.s32 s9, s18;
	[sflag:s0] =	ssyncadd.s32 $0xFFFFC000  }
0x74: {  	[tilespmem:s25], [sflag:$0x5] =	stream.linear.gather [hbm4b:s10+s2], $0x80, $0x38;
	[tilespmem:$0x1BA80] =	vst v63  }
0x75: {  	_ =	swait.ge [sflag:s22], $0x80  }
0x76: {  	[sflag:s22] =	ssyncset.done $0x0  }
.Ltmp0:
0x77: {  	s9 =	sadd.s32 s9, s19;
	[sflag:s22] =	ssyncadd.s32 $0xFFFFFF80;
	(pc) =	sbr.rel @p2 .LBB2_2-.Ltmp0, $4  }
0x78: {  	[tilespmem:s26], [sflag:$0x5] =	stream.linear.gather [hbm4b:s9+s2], $0x80, $0x38;
	[tilespmem:$0x1BA80] =	vst v63  }
0x79: {  	_ =	swait.ge [sflag:s22], $0x80  }
0x7a: {  	[sflag:s22] =	ssyncset.done $0x0  }
0x7b: {  	[sflag:s22] =	ssyncadd.s32 $0xFFFFFF80  }
0x7c: {  	[tilespmem:s28], [sflag:$0x2] =	stream.indirect.gather [hbm4b:s3+s23], $0x80, s25, s23, $0xb8;
	[tilespmem:$0x1BA80] =	vst v63  }
0x7d: {  	_ =	swait.ge [sflag:s29], $0x4000  }
0x7e: {  	[sflag:s29] =	ssyncset.done $0x0  }
0x7f: {  	[sflag:s29] =	ssyncadd.s32 $0xFFFFC000  }
0x80: {  	[spmem:s1] =	stream.indirect.scatter.add.f32 [tilespmem:s24], [sflag:$0x3], $0x80, s23, s23, $0xb8;
	[tilespmem:$0x1BA80] =	vst v63  }
0x81: {  	_ =	swait.ge [sflag:s30], $0x4000  }
0x82: {  	[sflag:s30] =	ssyncset.done $0x0  }
0x83: {  	[sflag:s30] =	ssyncadd.s32 $0xFFFFC000  }
0x84: {  	[spmem:s1] =	stream.indirect.scatter.add.f32 [tilespmem:s28], [sflag:$0x4], $0x80, s26, s23, $0xb8;
	[tilespmem:$0x1BA80] =	vst v63  }
0x85: {  	_ =	swait.ge [sflag:s31], $0x4000  }
0x86: {  	[sflag:s31] =	ssyncset.done $0x0  }
0x87: {  	[sflag:s31] =	ssyncadd.s32 $0xFFFFC000  }
0x88: {  	_ =	swait.ge [sflag:s0], $0x4000  }
0x89: {  	[sflag:s0] =	ssyncset.done $0x0  }
0x8a: {  	s8 =	simm.s32 @!p1 $0x0;
	s9 =	simm.s32 @!p1 $0x5;
	[sflag:s0] =	ssyncadd.s32 $0xFFFFC000  }
0x8b: {  	[tilespmem:s8], [sflag:$0x5] =	stream.linear.gather @!p1 [hbm4b:s13+s8], $0x80, $0x38;
	[tilespmem:$0x1BA80] =	vst v63  }
0x8c: {  	_ =	swait.ge @!p1 [sflag:s9], $0x80  }
0x8d: {  	[sflag:s9] =	ssyncset.done @!p1 $0x0  }
0x8e: {  	s10 =	simm.s32 @!p1 $0x80;
	[sflag:s9] =	ssyncadd.s32 @!p1 $0xFFFFFF80  }
0x8f: {  	[tilespmem:s10], [sflag:$0x5] =	stream.linear.gather @!p1 [hbm4b:s14+s8], $0x80, $0x38;
	[tilespmem:$0x1BA80] =	vst v63  }
0x90: {  	_ =	swait.ge @!p1 [sflag:s9], $0x80  }
0x91: {  	[sflag:s9] =	ssyncset.done @!p1 $0x0  }
0x92: {  	s11 =	simm.s32 @!p1 $0x200;
	[sflag:s9] =	ssyncadd.s32 @!p1 $0xFFFFFF80  }
0x93: {  	[tilespmem:s11], [sflag:$0x1] =	stream.indirect.gather @!p1 [hbm4b:s3+s10], $0x80, s8, s10, $0xb8;
	[tilespmem:$0x1BA80] =	vst v63  }
0x94: {  	s8 =	simm.s32 @!p1 $0x1  }
0x95: {  	_ =	swait.ge @!p1 [sflag:s8], $0x4000  }
0x96: {  	[sflag:s8] =	ssyncset.done @!p1 $0x0  }
0x97: {  	[sflag:s8] =	ssyncadd.s32 @!p1 $0xFFFFC000  }
0x98: {  	[spmem:s1] =	stream.indirect.scatter.add.f32 @!p1 [tilespmem:s11], [sflag:$0x5], $0x80, s10, s10, $0xb8;
	[tilespmem:$0x1BA80] =	vst v63  }
0x99: {  	_ =	swait.ge @!p1 [sflag:s9], $0x4000  }
0x9a: {  	[sflag:s9] =	ssyncset.done @!p1 $0x0  }
0x9b: {  	[sflag:s9] =	ssyncadd.s32 @!p1 $0xFFFFC000  }
0x9c: {  	[bflag:$0x0] =	sbarrier.arrive $0xFFFF  }
0x9d: {  	[hbm:s15], [sflag:s6] =	dma.local [spmem:s5], $0x2700  }
0x9e: {  	s4 =	sadd.s32 $0x1, s4;
	_ =	swait.ge [sflag:s22], $0x2700  }
0x9f: {  	p2 =	sne.s32 s4, s17;
	[sflag:s22] =	ssyncset.done $0x0  }
.Ltmp1:
0xa0: {  	s5 =	simm.s32 @!p0 $0x5;
	[sflag:s22] =	ssyncadd.s32 $0xFFFFD900;
	(pc) =	sbr.rel @p2 .LBB2_1-.Ltmp1, $4  }
0xa1: {  	[hbm:s16], [sflag:s6] =	dma.local @!p0 [spmem:s7], $0x100  }
0xa2: {  	_ =	swait.ge @!p0 [sflag:s5], $0x100  }
0xa3: {  	[sflag:s5] =	ssyncset.done @!p0 $0x0  }
0xa4: {  	[sflag:s5] =	ssyncadd.s32 @!p0 $0xFFFFFF00  }
0xa5: {  	_ =	sfence.sel $0x180000  }
0xa6: {  	[bflag:$0x0] =	sbarrier.arrive $0xFFFF  }
0xa7: {  	_ =	strace $0x90000047  }
0xa8: {  	[bflag:$0x2] =	sbarrier.arrive $0xFFFF  }
0xa9: {  	s0 =	rddreg [dreg:$0x2]  }
0xaa: {  	s0 =	sadd.s32 @!p0 $0x100000, s0  }
0xab: {  	[sflag:s0] =	ssyncadd.tile.s32 @!p0 $0x1;
	_ =	shalt  }
.Lfunc_end2:
_tile_overlayer_lowered:
.L_overlay_start_2:
0xac: {  	(tag) =	ssettag $0x2  }
0xad: {  	s0 =	rddreg [dreg:$0x0];
	s2 =	stileid.u32  }
0xae: {  	s1 =	rddreg [dreg:$0x1];
	p0 =	sne.s32 s2, $0x0  }
0xaf: {  	s3 =	rddreg [dreg:$0x2];
	[bflag:$0x3] =	sbarrier.arrive $0xFFFF;
	s2 =	simm.s32 @!p0 $0x1C05  }
0xb0: {  	[timem:s3], [sflag:s2] =	dma.local @!p0 [hbm:s0], s1  }
0xb1: {  	s0 =	simm.s32 @!p0 $0x5  }
0xb2: {  	_ =	swait.ge @!p0 [sflag:s0], s1  }
0xb3: {  	s1 =	ssub.s32 @!p0 $0x0, s1;
	[sflag:s0] =	ssyncset.done @!p0 $0x0  }
0xb4: {  	[sflag:s0] =	ssyncadd.s32 @!p0 s1  }
0xb5: {  	[bflag:$0x3] =	sbarrier.arrive $0xFFFF  }
0xb6: {  	_ =	shalt  }

// kernel: kernel.14.cloned.1.call-start
scs
__scs_entry_jumppad:
0x0: {  	(pc) =	sbr.rel $0x88, $3  }
0x1: {  	(tag) =	ssettag $0x0;
	lr =	simm.s32 $0x1  }
0x2: {  	[smem:$0x3F8F] =	sst lr;
	_ =	strace $0xD0000000  }
0x3: {  	_ = 	snop  }
0x4: {  	_ = 	snop  }
0x5: {  	_ = 	snop  }
0x6: {  	_ = 	snop  }
0x7: {  	_ = 	snop  }
__scs_overlays_trampoline_lowered:
0x8: {  	[smem:$0x3F9E] =	sst s0  }
0x9: {  	[smem:$0x3F9F] =	sst s1  }
0xa: {  	[smem:$0x3FA0] =	sst s2  }
0xb: {  	[smem:$0x3FA1] =	sst s3  }
0xc: {  	[smem:$0x3FA2] =	sst s4  }
0xd: {  	[smem:$0x3FA3] =	sst s5  }
0xe: {  	[smem:$0x3FA4] =	sst s6  }
0xf: {  	[smem:$0x3FA5] =	sst s7  }
0x10: {  	[smem:$0x3FA6] =	sst s8  }
0x11: {  	[smem:$0x3FA7] =	sst s9;
	s0 =	simm.s32 @!p0 $0x0  }
0x12: {  	s1 =	sld [smem:$0x3F8D];
	s0 =	simm.s32 @p0 $0x1  }
0x13: {  	[smem:$0x3FA8] =	sst s0;
	s0 =	simm.s32 @!p1 $0x0  }
0x14: {  	s2 =	sld [smem:$0x3F8C];
	s0 =	simm.s32 @p1 $0x1  }
0x15: {  	[smem:$0x3FA9] =	sst s0;
	s0 =	simm.s32 @!p2 $0x0  }
0x16: {  	s3 =	sld [smem:$0x3FDB];
	s0 =	simm.s32 @p2 $0x1  }
0x17: {  	s4 =	simm.s32 $0x1BF5;
	[smem:$0x3FAB] =	sst s0  }
0x18: {  	s0 =	sld [smem:$0x3F8E];
	_ =	swait.ge [sflag:s4], $0x0  }
0x19: {  	s7 =	sld [smem:$0x3F8F]  }
0x1a: {  	s8 =	sadd.s32 $0xFFFFE003, lr  }
0x1b: {  	s9 =	sadd.s32 $0xFFFFFEF7, lr;
	s5 =	simm.s32 $0xFFFFFFFF;
	p2 =	slt.u32 s8, $0xFFFFF086  }
0x1c: {  	p1 =	slt.u32 s9, $0xF7A;
	s5 =	simm.s32 @!p2 $0x0  }
0x1d: {  	s5 =	simm.s32 @p1 $0x1;
	p0 =	seq.s32 s7, s2  }
0x1e: {  	s7 =	smul.u32 @!p0 $0xF7A, s2;
	p2 =	seq.s32 @!p0 s5, $0x0  }
0x1f: {  	s9 =	smul.u32 $0xF7A, s1;
	s8 =	simm.s32 @!p0 $0x1BF5;
	p2 =	por !p2, p0  }
0x20: {  	[sflag:s8] =	ssyncset.s32 @!p0 $0xFFFFF086;
	s6 =	sadd.s32 @!p0 s3, s7;
	s7 =	simm.s32 @!p0 $0x108  }
0x21: {  	s3 =	sadd.s32 s3, s9;
	s6 =	sadd.s32 @!p0 $0x88, s6;
	s7 =	simm.s32 @p2 $0x1082  }
0x22: {  	[simem:s7], [sflag:s8] =	dma.local @!p0 [hbm:s6], $0xF7A  }
0x23: {  	s9 =	sor.u32 $0xD0000000, s2;
	s6 =	simm.s32 $0x108;
	_ =	swait.ge @!p0 [sflag:s8], $0x0  }
0x24: {  	s3 =	sadd.s32 $0x88, s3;
	s6 =	simm.s32 @!p1 $0x1082;
	[sflag:s4] =	ssyncset.s32 $0xFFFFF086  }
0x25: {  	[simem:s6], [sflag:s4] =	dma.local [hbm:s3], $0xF7A  }
0x26: {  	[smem:$0x3F8F] =	sst s1;
	(tag) =	ssettag s2;
	_ =	strace s9  }
0x27: {  	s1 =	sld [smem:$0x3F9F]  }
0x28: {  	s2 =	sld [smem:$0x3FA0]  }
0x29: {  	s4 =	sld [smem:$0x3FA2]  }
0x2a: {  	p0 =	seq.s32 s5, $0x0;
	s5 =	sld [smem:$0x3FA3]  }
0x2b: {  	s6 =	sld [smem:$0x3FA4]  }
0x2c: {  	s7 =	sld [smem:$0x3FA5]  }
0x2d: {  	s3 =	simm.s32 $0x108;
	s8 =	sld [smem:$0x3FA6]  }
0x2e: {  	s3 =	simm.s32 @!p0 $0x1082;
	s9 =	sld [smem:$0x3FA7]  }
0x2f: {  	lr =	sadd.s32 s0, s3;
	s0 =	sld [smem:$0x3F9E]  }
0x30: {  	s3 =	sld [smem:$0x3FA1]  }
0x31: {  	[smem:$0x3FAA] =	sst s10  }
0x32: {  	s10 =	sld [smem:$0x3FA8];
	_ =	sdelay $0x3  }
0x33: {  	p0 =	seq.s32 s10, $0x1;
	s10 =	sld [smem:$0x3FAA];
	_ =	sdelay $0x3  }
0x34: {  	[smem:$0x3FAA] =	sst s10  }
0x35: {  	s10 =	sld [smem:$0x3FA9];
	_ =	sdelay $0x3  }
0x36: {  	p1 =	seq.s32 s10, $0x1;
	s10 =	sld [smem:$0x3FAA];
	_ =	sdelay $0x3  }
0x37: {  	[smem:$0x3FAA] =	sst s10  }
0x38: {  	s10 =	sld [smem:$0x3FAB]  }
0x39: {  	_ = 	snop;
	(pc) =	sbr.ind lr, $3  }
0x3a: {  	_ = 	snop  }
0x3b: {  	_ = 	snop  }
0x3c: {  	p2 =	seq.s32 s10, $0x1;
	s10 =	sld [smem:$0x3FAA]  }
0x3d: {  	_ =	shalt  }
0x3e: {  	_ =	shalt  }
0x3f: {  	_ =	shalt  }
0x40: {  	_ =	shalt  }
0x41: {  	_ =	shalt  }
0x42: {  	_ =	shalt  }
0x43: {  	_ =	shalt  }
0x44: {  	_ =	shalt  }
0x45: {  	_ =	shalt  }
0x46: {  	_ =	shalt  }
0x47: {  	_ =	shalt  }
0x48: {  	_ =	shalt  }
0x49: {  	_ =	shalt  }
0x4a: {  	_ =	shalt  }
0x4b: {  	_ =	shalt  }
0x4c: {  	_ =	shalt  }
0x4d: {  	_ =	shalt  }
0x4e: {  	_ =	shalt  }
0x4f: {  	_ =	shalt  }
0x50: {  	_ =	shalt  }
0x51: {  	_ =	shalt  }
0x52: {  	_ =	shalt  }
0x53: {  	_ =	shalt  }
0x54: {  	_ =	shalt  }
0x55: {  	_ =	shalt  }
0x56: {  	_ =	shalt  }
0x57: {  	_ =	shalt  }
0x58: {  	_ =	shalt  }
0x59: {  	_ =	shalt  }
0x5a: {  	_ =	shalt  }
0x5b: {  	_ =	shalt  }
0x5c: {  	_ =	shalt  }
0x5d: {  	_ =	shalt  }
0x5e: {  	_ =	shalt  }
0x5f: {  	_ =	shalt  }
0x60: {  	_ =	shalt  }
0x61: {  	_ =	shalt  }
0x62: {  	_ =	shalt  }
0x63: {  	_ =	shalt  }
0x64: {  	_ =	shalt  }
0x65: {  	_ =	shalt  }
0x66: {  	_ =	shalt  }
0x67: {  	_ =	shalt  }
0x68: {  	_ =	shalt  }
0x69: {  	_ =	shalt  }
0x6a: {  	_ =	shalt  }
0x6b: {  	_ =	shalt  }
0x6c: {  	_ =	shalt  }
0x6d: {  	_ =	shalt  }
0x6e: {  	_ =	shalt  }
0x6f: {  	_ =	shalt  }
0x70: {  	_ =	shalt  }
0x71: {  	_ =	shalt  }
0x72: {  	_ =	shalt  }
0x73: {  	_ =	shalt  }
0x74: {  	_ =	shalt  }
0x75: {  	_ =	shalt  }
0x76: {  	_ =	shalt  }
0x77: {  	_ =	shalt  }
0x78: {  	_ =	shalt  }
0x79: {  	_ =	shalt  }
0x7a: {  	_ =	shalt  }
0x7b: {  	_ =	shalt  }
0x7c: {  	_ =	shalt  }
0x7d: {  	_ =	shalt  }
0x7e: {  	_ =	shalt  }
0x7f: {  	_ =	shalt  }
0x80: {  	_ =	shalt  }
0x81: {  	_ =	shalt  }
0x82: {  	_ =	shalt  }
0x83: {  	_ =	shalt  }
0x84: {  	_ =	shalt  }
0x85: {  	_ =	shalt  }
0x86: {  	_ =	shalt  }
0x87: {  	_ =	shalt  }
.Lfunc_end0:
.L_simem_size_0:
called_computation.1_lowered:
.L_overlay_start_0:
0x88: {  	s2 =	sld [smem:$0x3FD9]  }
0x89: {  	s3 =	sld [smem:$0x3FFE];
	_ =	sdelay $0x1  }
0x8a: {  	s1 =	srdreg.scid  }
0x8b: {  	s0 =	sand.u32 $0x1, s1  }
0x8c: {  	s16 =	sshll.u32 s0, $0xA;
	s2 =	sadd.s32 s3, s2  }
0x8d: {  	s2 =	sadd.s32 s2, s16  }
0x8e: {  	[smem:$0x3FB6] =	sst s2  }
0x8f: {  	_ = 	snop  }
0x90: {  	(tm) =	ssettm $0x1  }
0x91: {  	s17 =	sld [smem:$0x3FFB];
	_ =	sdelay $0x3  }
0x92: {  	_ =	strace s17  }
0x93: {  	s2 =	sld [smem:$0x3FFC];
	_ =	sdelay $0x3  }
0x94: {  	_ =	strace s2  }
0x95: {  	s2 =	sld [smem:$0x3FFD];
	_ =	sdelay $0x3  }
0x96: {  	_ =	strace s2  }
0x97: {  	_ =	strace $0x8FFFFFFF  }
0x98: {  	s18 =	sld [smem:$0x3FDB];
	_ =	sdelay $0x1  }
0x99: {  	s19 =	simm.s32 $_scs_section_size  }
0x9a: {  	s4 =	simm.s32 $_size__tile_overlayer_lowered;
	s5 =	simm.s32 $_tile_overlayer_lowered  }
0x9b: {  	s22 =	simm.s32 $0x1BFF;
	s21 =	sshll.u32 s5, $0x1;
	s2 =	sadd.s32 s19, s18  }
0x9c: {  	s6 =	simm.s32 $0x0;
	s20 =	sshll.u32 s4, $0x1;
	s4 =	sadd.s32 s21, s2  }
0x9d: {  	[timem:s6], [sflag:s22] =	dma.local [hbm:s4], s20  }
0x9e: {  	_ =	swait.ge [sflag:s22], s20  }
0x9f: {  	s3 =	ssub.s32 $0x0, s20;
	[sflag:s22] =	ssyncset.done $0x0  }
0xa0: {  	[sflag:s22] =	ssyncadd.s32 s3;
	_ =	sdelay $0x1  }
0xa1: {  	s23 =	simm.s32 $0x1B8B  }
0xa2: {  	_ =	swait.ge [sflag:s23], $0x1  }
0xa3: {  	[sflag:s23] =	ssyncset.done $0x0  }
0xa4: {  	s25 =	simm.s32 $0x1B8E;
	s24 =	sld [smem:$0x3FFE];
	[sflag:s23] =	ssyncadd.s32 $0xFFFFFFFF  }
0xa5: {  	s26 =	simm.s32 $execute0_lowered;
	[smem:$0x3FD2] =	sst s25  }
0xa6: {  	s4 =	sshll.u32 s26, $0x1;
	_ =	strace $0x80000049;
	[dreg:$0x1] =	wrdreg $0xFFFFFFFF  }
0xa7: {  	s28 =	simm.s32 $_size_execute0_lowered;
	s2 =	sadd.s32 s2, s4;
	[dreg:$0x0] =	wrdreg $0x0  }
0xa8: {  	s4 =	sshll.u32 s28, $0x1;
	[dreg:$0x2] =	wrdreg s2  }
0xa9: {  	[dreg:$0x3] =	wrdreg s4  }
0xaa: {  	[dreg:$0x4] =	wrdreg $0xC0  }
0xab: {  	_ =	task [dreg:s6], $0x5FFFF  }
0xac: {  	[dreg:$0x1] =	wrdreg $0xFFFFFFFF  }
0xad: {  	[dreg:$0x0] =	wrdreg $0x60  }
0xae: {  	[dreg:$0x2] =	wrdreg s24  }
0xaf: {  	[dreg:$0x3] =	wrdreg $0x82000  }
0xb0: {  	[dreg:$0x4] =	wrdreg $0x9  }
0xb1: {  	_ =	task.clear_ibuf [dreg:s6], $0x5FFFF;
	_ =	strace $0x90000049  }
0xb2: {  	s29 =	simm.s32 $0x9;
	_ =	strace $0x8000004B  }
0xb3: {  	_ =	swait.ge [sflag:s29], $0x1  }
0xb4: {  	[sflag:s29] =	ssyncadd.s32 $0xFFFFFFFF  }
0xb5: {  	_ =	strace $0x9000004B  }
0xb6: {  	_ =	sfence  }
0xb7: {  	s30 =	sld [smem:$0x0];
	_ =	sdelay $0x2  }
0xb8: {  	s31 =	sshll.u32 s1, $0xD;
	s1 =	sshrl.u32 s1, $0x2  }
0xb9: {  	s3 =	sand.u32 $0x4000, s31;
	s1 =	sadd.s32 s1, s30  }
0xba: {  	s0 =	sor.u32 s3, s0;
	s1 =	sshll.u32 s1, $0x11  }
0xbb: {  	s0 =	sor.u32 s1, s0  }
0xbc: {  	s0 =	sadd.s32 $0x8F2B, s0  }
0xbd: {  	[sflag:s0] =	ssyncadd.remote.s32 $0x1  }
0xbe: {  	_ =	sfence.sel $0xFFFF  }
0xbf: {  	[dreg:$0x0] =	wrdreg $0xFFFFFFFF;
	(pc) =	sbr.abs _section_cstart, $3  }
0xc0: {  	[dreg:$0x1] =	wrdreg $0xFFFFFFFF  }
0xc1: {  	_ =	task.clear_ibuf [dreg:s6], $0x2FFFF;
	_ =	strace $0x9FFFFFFF  }
0xc2: {  	(tm) =	ssettm $0x7FFFFFFF  }
0xc3: {  	_ =	shalt  }
tec
execute0_lowered:
.L_overlay_start_1:
0x0: {  	(tag) =	ssettag $0x1  }
0x1: {  	s0 =	rddreg [dreg:$0x0]  }
0x2: {  	s1 =	rddreg [dreg:$0x1];
	s2 =	simm.s32 $0x0  }
0x3: {  	s4 =	stileid.u32;
	s6 =	srdreg.scid;
	s28 =	simm.s32 $0x4200  }
0x4: {  	s29 =	simm.s32 $0x1;
	s30 =	simm.s32 $0x2;
	s31 =	simm.s32 $0x3  }
0x5: {  	[smem:$0x7FF] =	sst s2;
	s5 =	smul.u32 $0x13800, s4;
	s3 =	sadd.s32 $0x18C00, s0  }
0x6: {  	s7 =	sadd.s32 $0xEC00, s0;
	s8 =	sand.u32 $0x1, s6;
	s10 =	smul.u32 $0x4E000, s4  }
0x7: {  	s20 =	sadd.s32 $0x4C00, s0;
	s16 =	sadd.s32 $0x67000, s0;
	s24 =	sshll.u32 s4, $0x6  }
0x8: {  	s18 =	sshll.u32 s4, $0x5;
	s26 =	sadd.s32 $0x138000, s1;
	p0 =	sne.s32 s4, $0x0  }
0x9: {  	p1 =	sgt.u32 s4, $0x1;
	s4 =	simm.s32 $0x0;
	_ =	strace $0x8000004A  }
0xa: {  	s9 =	ssub.s32 $0x2, s8;
	s25 =	sshll.u32 s8, $0x4;
	[dreg:$0x5] =	wrdreg s26  }
0xb: {  	s8 =	smul.u32 $0x138800, s8;
	s22 =	sshrl.u32 s5, $0x3;
	s11 =	sshrl.u32 s9, $0x1  }
0xc: {  	s23 =	sshrl.u32 s10, $0x2;
	s6 =	sadd.s32 s22, s0;
	s17 =	ssub.s32 s9, s11  }
0xd: {  	s9 =	sadd.s32 s23, s1;
	s0 =	sadd.s32 $0x66E00, s0;
	s11 =	sor.u32 s25, s18  }
0xe: {  	s5 =	sadd.s32 s5, s8;
	s8 =	sshrl.u32 s8, $0x3;
	[dreg:$0x3] =	wrdreg s9  }
0xf: {  	s22 =	sor.u32 $0x600, s18;
	s6 =	sadd.s32 $0x3FE00, s6;
	[dreg:$0x6] =	wrdreg s0  }
0x10: {  	s9 =	sadd.s32 s7, s11;
	s12 =	sor.u32 $0x200, s11;
	s15 =	sadd.s32 s20, s11  }
0x11: {  	s14 =	sor.u32 $0x9C00, s11;
	s5 =	sshrl.u32 s5, $0x3;
	s21 =	sadd.s32 s16, s8  }
0x12: {  	s17 =	smax.u32 s17, $0x1;
	s23 =	sand.u32 $0x780, s22;
	[dreg:$0x4] =	wrdreg s6  }
0x13: {  	s0 =	sand.u32 $0x70, s11;
	s22 =	simm.s32 $0x5;
	[dreg:$0x7] =	wrdreg s9  }
0x14: {  	s6 =	sor.u32 $0x1C05, s24;
	[dreg:$0x8] =	wrdreg s15;
	s19 =	sadd.s32 s7, s12  }
0x15: {  	s12 =	sadd.s32 s20, s12;
	s13 =	sadd.s32 s7, s14;
	s14 =	sadd.s32 s20, s14  }
0x16: {  	s15 =	sadd.s32 s16, s5;
	s16 =	sadd.s32 $0x27000, s21;
	s8 =	sadd.s32 s23, s7  }
0x17: {  	s5 =	sadd.s32 s23, s20;
	[dreg:$0x9] =	wrdreg s19;
	s19 =	sor.u32 $0x400, s18  }
0x18: {  	s23 =	simm.s32 $0x80;
	s18 =	sadd.s32 s0, s8;
	s24 =	sand.u32 $0x580, s19  }
0x19: {  	s19 =	sadd.s32 s0, s5;
	s25 =	sadd.s32 s24, s7;
	s26 =	sadd.s32 s24, s20  }
0x1a: {  	s24 =	simm.s32 $0x200;
	s20 =	sadd.s32 s0, s25;
	s21 =	sadd.s32 s0, s26  }
0x1b: {  	s25 =	simm.s32 $0x100;
	s26 =	simm.s32 $0x180;
	s0 =	simm.s32 $0x4  }
.LBB2_1:
0x1c: {  	s5 =	rddreg [dreg:$0x3]  }
0x1d: {  	s7 =	rddreg [dreg:$0x4];
	s5 =	sshrl.u32 s5, $0x3  }
0x1e: {  	[spmem:s5], [sflag:s6] =	dma.local [hbm:s7], $0x2700  }
0x1f: {  	_ =	swait.ge [sflag:s22], $0x2700  }
0x20: {  	[sflag:s22] =	ssyncset.done $0x0;
	s7 =	rddreg [dreg:$0x5]  }
0x21: {  	s8 =	rddreg [dreg:$0x6];
	[sflag:s22] =	ssyncadd.s32 $0xFFFFD900;
	s7 =	sshrl.u32 @!p0 s7, $0x3  }
0x22: {  	[spmem:s7], [sflag:s6] =	dma.local @!p0 [hbm:s8], $0x100  }
0x23: {  	s8 =	simm.s32 @!p0 $0x5  }
0x24: {  	_ =	swait.ge @!p0 [sflag:s8], $0x100  }
0x25: {  	[sflag:s8] =	ssyncset.done @!p0 $0x0  }
0x26: {  	[sflag:s8] =	ssyncadd.s32 @!p0 $0xFFFFFF00  }
0x27: {  	[bflag:$0x0] =	sbarrier.arrive $0xFFFF  }
0x28: {  	s11 =	rddreg [dreg:$0x7]  }
0x29: {  	[tilespmem:s2], [sflag:$0x5] =	stream.linear.gather [hbm4b:s11+s2], $0x80, $0x38;
	[tilespmem:$0x1BA80] =	vst v63  }
0x2a: {  	_ =	swait.ge [sflag:s22], $0x80  }
0x2b: {  	[sflag:s22] =	ssyncset.done $0x0  }
0x2c: {  	s9 =	rddreg [dreg:$0x8];
	[sflag:s22] =	ssyncadd.s32 $0xFFFFFF80  }
0x2d: {  	[tilespmem:s23], [sflag:$0x5] =	stream.linear.gather [hbm4b:s9+s2], $0x80, $0x38;
	[tilespmem:$0x1BA80] =	vst v63  }
0x2e: {  	_ =	swait.ge [sflag:s22], $0x80  }
0x2f: {  	[sflag:s22] =	ssyncset.done $0x0  }
0x30: {  	[sflag:s22] =	ssyncadd.s32 $0xFFFFFF80  }
0x31: {  	[tilespmem:s24], [sflag:$0x1] =	stream.indirect.gather [hbm4b:s3+s23], $0x80, s2, s23, $0xb8;
	[tilespmem:$0x1BA80] =	vst v63  }
0x32: {  	s10 =	rddreg [dreg:$0x9]  }
0x33: {  	[tilespmem:s25], [sflag:$0x5] =	stream.linear.gather [hbm4b:s10+s2], $0x80, $0x38;
	[tilespmem:$0x1BA80] =	vst v63  }
0x34: {  	_ =	swait.ge [sflag:s22], $0x80  }
0x35: {  	[sflag:s22] =	ssyncset.done $0x0  }
0x36: {  	[sflag:s22] =	ssyncadd.s32 $0xFFFFFF80  }
0x37: {  	[tilespmem:s26], [sflag:$0x5] =	stream.linear.gather [hbm4b:s12+s2], $0x80, $0x38;
	[tilespmem:$0x1BA80] =	vst v63  }
0x38: {  	_ =	swait.ge [sflag:s22], $0x80  }
0x39: {  	[sflag:s22] =	ssyncset.done $0x0  }
0x3a: {  	[sflag:s22] =	ssyncadd.s32 $0xFFFFFF80  }
0x3b: {  	[tilespmem:s28], [sflag:$0x2] =	stream.indirect.gather [hbm4b:s3+s23], $0x80, s25, s23, $0xb8;
	[tilespmem:$0x1BA80] =	vst v63  }
0x3c: {  	_ =	swait.ge [sflag:s29], $0x4000  }
0x3d: {  	[sflag:s29] =	ssyncset.done $0x0  }
0x3e: {  	[sflag:s29] =	ssyncadd.s32 $0xFFFFC000  }
0x3f: {  	[spmem:s1] =	stream.indirect.scatter.add.f32 [tilespmem:s24], [sflag:$0x3], $0x80, s23, s23, $0xb8;
	[tilespmem:$0x1BA80] =	vst v63  }
0x40: {  	_ =	swait.ge [sflag:s30], $0x4000  }
0x41: {  	[sflag:s30] =	ssyncset.done $0x0  }
0x42: {  	[sflag:s30] =	ssyncadd.s32 $0xFFFFC000  }
0x43: {  	[spmem:s1] =	stream.indirect.scatter.add.f32 [tilespmem:s28], [sflag:$0x4], $0x80, s26, s23, $0xb8;
	[tilespmem:$0x1BA80] =	vst v63  }
0x44: {  	_ =	swait.ge [sflag:s31], $0x4000  }
0x45: {  	[sflag:s31] =	ssyncset.done $0x0  }
0x46: {  	s11 =	sadd.s32 $0x0, s20;
	[sflag:s31] =	ssyncadd.s32 $0xFFFFC000  }
0x47: {  	[tilespmem:s2], [sflag:$0x5] =	stream.linear.gather [hbm4b:s11+s2], $0x80, $0x38;
	[tilespmem:$0x1BA80] =	vst v63  }
0x48: {  	_ =	swait.ge [sflag:s22], $0x80  }
0x49: {  	[sflag:s22] =	ssyncset.done $0x0  }
0x4a: {  	s9 =	sadd.s32 $0x0, s21;
	[sflag:s22] =	ssyncadd.s32 $0xFFFFFF80  }
0x4b: {  	[tilespmem:s23], [sflag:$0x5] =	stream.linear.gather [hbm4b:s9+s2], $0x80, $0x38;
	[tilespmem:$0x1BA80] =	vst v63  }
0x4c: {  	_ =	swait.ge [sflag:s22], $0x80  }
0x4d: {  	[sflag:s22] =	ssyncset.done $0x0  }
0x4e: {  	[sflag:s22] =	ssyncadd.s32 $0xFFFFFF80  }
0x4f: {  	[tilespmem:s24], [sflag:$0x1] =	stream.indirect.gather [hbm4b:s3+s23], $0x80, s2, s23, $0xb8;
	[tilespmem:$0x1BA80] =	vst v63  }
0x50: {  	_ =	swait.ge [sflag:s0], $0x4000  }
0x51: {  	[sflag:s0] =	ssyncset.done $0x0  }
0x52: {  	s10 =	sadd.s32 $0x0, s18;
	[sflag:s0] =	ssyncadd.s32 $0xFFFFC000  }
0x53: {  	[tilespmem:s25], [sflag:$0x5] =	stream.linear.gather [hbm4b:s10+s2], $0x80, $0x38;
	[tilespmem:$0x1BA80] =	vst v63  }
0x54: {  	_ =	swait.ge [sflag:s22], $0x80  }
0x55: {  	[sflag:s22] =	ssyncset.done $0x0  }
0x56: {  	s11 =	sadd.s32 $0x0, s19;
	[sflag:s22] =	ssyncadd.s32 $0xFFFFFF80  }
0x57: {  	[tilespmem:s26], [sflag:$0x5] =	stream.linear.gather [hbm4b:s11+s2], $0x80, $0x38;
	[tilespmem:$0x1BA80] =	vst v63  }
0x58: {  	_ =	swait.ge [sflag:s22], $0x80  }
0x59: {  	[sflag:s22] =	ssyncset.done $0x0  }
0x5a: {  	s8 =	simm.s32 $0x400;
	[sflag:s22] =	ssyncadd.s32 $0xFFFFFF80  }
.LBB2_2:
0x5b: {  	[tilespmem:s28], [sflag:$0x2] =	stream.indirect.gather [hbm4b:s3+s23], $0x80, s25, s23, $0xb8;
	[tilespmem:$0x1BA80] =	vst v63  }
0x5c: {  	s9 =	smov.u32 s8  }
0x5d: {  	p2 =	sne.s32 s8, $0x9400;
	s8 =	sadd.s32 $0x400, s8;
	_ =	swait.ge [sflag:s29], $0x4000  }
0x5e: {  	[sflag:s29] =	ssyncset.done $0x0  }
0x5f: {  	[sflag:s29] =	ssyncadd.s32 $0xFFFFC000  }
0x60: {  	[spmem:s1] =	stream.indirect.scatter.add.f32 [tilespmem:s24], [sflag:$0x3], $0x80, s23, s23, $0xb8;
	[tilespmem:$0x1BA80] =	vst v63  }
0x61: {  	_ =	swait.ge [sflag:s30], $0x4000  }
0x62: {  	[sflag:s30] =	ssyncset.done $0x0  }
0x63: {  	[sflag:s30] =	ssyncadd.s32 $0xFFFFC000  }
0x64: {  	[spmem:s1] =	stream.indirect.scatter.add.f32 [tilespmem:s28], [sflag:$0x4], $0x80, s26, s23, $0xb8;
	[tilespmem:$0x1BA80] =	vst v63  }
0x65: {  	_ =	swait.ge [sflag:s31], $0x4000  }
0x66: {  	[sflag:s31] =	ssyncset.done $0x0  }
0x67: {  	s10 =	sadd.s32 s9, s20;
	[sflag:s31] =	ssyncadd.s32 $0xFFFFC000  }
0x68: {  	[tilespmem:s2], [sflag:$0x5] =	stream.linear.gather [hbm4b:s10+s2], $0x80, $0x38;
	[tilespmem:$0x1BA80] =	vst v63  }
0x69: {  	_ =	swait.ge [sflag:s22], $0x80  }
0x6a: {  	[sflag:s22] =	ssyncset.done $0x0  }
0x6b: {  	s10 =	sadd.s32 s9, s21;
	[sflag:s22] =	ssyncadd.s32 $0xFFFFFF80  }
0x6c: {  	[tilespmem:s23], [sflag:$0x5] =	stream.linear.gather [hbm4b:s10+s2], $0x80, $0x38;
	[tilespmem:$0x1BA80] =	vst v63  }
0x6d: {  	_ =	swait.ge [sflag:s22], $0x80  }
0x6e: {  	[sflag:s22] =	ssyncset.done $0x0  }
0x6f: {  	[sflag:s22] =	ssyncadd.s32 $0xFFFFFF80  }
0x70: {  	[tilespmem:s24], [sflag:$0x1] =	stream.indirect.gather [hbm4b:s3+s23], $0x80, s2, s23, $0xb8;
	[tilespmem:$0x1BA80] =	vst v63  }
0x71: {  	_ =	swait.ge [sflag:s0], $0x4000  }
0x72: {  	[sflag:s0] =	ssyncset.done $0x0  }
0x73: {  	s10 =	sadd.s32 s9, s18;
	[sflag:s0] =	ssyncadd.s32 $0xFFFFC000  }
0x74: {  	[tilespmem:s25], [sflag:$0x5] =	stream.linear.gather [hbm4b:s10+s2], $0x80, $0x38;
	[tilespmem:$0x1BA80] =	vst v63  }
0x75: {  	_ =	swait.ge [sflag:s22], $0x80  }
0x76: {  	[sflag:s22] =	ssyncset.done $0x0  }
.Ltmp0:
0x77: {  	s9 =	sadd.s32 s9, s19;
	[sflag:s22] =	ssyncadd.s32 $0xFFFFFF80;
	(pc) =	sbr.rel @p2 .LBB2_2-.Ltmp0, $4  }
0x78: {  	[tilespmem:s26], [sflag:$0x5] =	stream.linear.gather [hbm4b:s9+s2], $0x80, $0x38;
	[tilespmem:$0x1BA80] =	vst v63  }
0x79: {  	_ =	swait.ge [sflag:s22], $0x80  }
0x7a: {  	[sflag:s22] =	ssyncset.done $0x0  }
0x7b: {  	[sflag:s22] =	ssyncadd.s32 $0xFFFFFF80  }
0x7c: {  	[tilespmem:s28], [sflag:$0x2] =	stream.indirect.gather [hbm4b:s3+s23], $0x80, s25, s23, $0xb8;
	[tilespmem:$0x1BA80] =	vst v63  }
0x7d: {  	_ =	swait.ge [sflag:s29], $0x4000  }
0x7e: {  	[sflag:s29] =	ssyncset.done $0x0  }
0x7f: {  	[sflag:s29] =	ssyncadd.s32 $0xFFFFC000  }
0x80: {  	[spmem:s1] =	stream.indirect.scatter.add.f32 [tilespmem:s24], [sflag:$0x3], $0x80, s23, s23, $0xb8;
	[tilespmem:$0x1BA80] =	vst v63  }
0x81: {  	_ =	swait.ge [sflag:s30], $0x4000  }
0x82: {  	[sflag:s30] =	ssyncset.done $0x0  }
0x83: {  	[sflag:s30] =	ssyncadd.s32 $0xFFFFC000  }
0x84: {  	[spmem:s1] =	stream.indirect.scatter.add.f32 [tilespmem:s28], [sflag:$0x4], $0x80, s26, s23, $0xb8;
	[tilespmem:$0x1BA80] =	vst v63  }
0x85: {  	_ =	swait.ge [sflag:s31], $0x4000  }
0x86: {  	[sflag:s31] =	ssyncset.done $0x0  }
0x87: {  	[sflag:s31] =	ssyncadd.s32 $0xFFFFC000  }
0x88: {  	_ =	swait.ge [sflag:s0], $0x4000  }
0x89: {  	[sflag:s0] =	ssyncset.done $0x0  }
0x8a: {  	s8 =	simm.s32 @!p1 $0x0;
	s9 =	simm.s32 @!p1 $0x5;
	[sflag:s0] =	ssyncadd.s32 $0xFFFFC000  }
0x8b: {  	[tilespmem:s8], [sflag:$0x5] =	stream.linear.gather @!p1 [hbm4b:s13+s8], $0x80, $0x38;
	[tilespmem:$0x1BA80] =	vst v63  }
0x8c: {  	_ =	swait.ge @!p1 [sflag:s9], $0x80  }
0x8d: {  	[sflag:s9] =	ssyncset.done @!p1 $0x0  }
0x8e: {  	s10 =	simm.s32 @!p1 $0x80;
	[sflag:s9] =	ssyncadd.s32 @!p1 $0xFFFFFF80  }
0x8f: {  	[tilespmem:s10], [sflag:$0x5] =	stream.linear.gather @!p1 [hbm4b:s14+s8], $0x80, $0x38;
	[tilespmem:$0x1BA80] =	vst v63  }
0x90: {  	_ =	swait.ge @!p1 [sflag:s9], $0x80  }
0x91: {  	[sflag:s9] =	ssyncset.done @!p1 $0x0  }
0x92: {  	s11 =	simm.s32 @!p1 $0x200;
	[sflag:s9] =	ssyncadd.s32 @!p1 $0xFFFFFF80  }
0x93: {  	[tilespmem:s11], [sflag:$0x1] =	stream.indirect.gather @!p1 [hbm4b:s3+s10], $0x80, s8, s10, $0xb8;
	[tilespmem:$0x1BA80] =	vst v63  }
0x94: {  	s8 =	simm.s32 @!p1 $0x1  }
0x95: {  	_ =	swait.ge @!p1 [sflag:s8], $0x4000  }
0x96: {  	[sflag:s8] =	ssyncset.done @!p1 $0x0  }
0x97: {  	[sflag:s8] =	ssyncadd.s32 @!p1 $0xFFFFC000  }
0x98: {  	[spmem:s1] =	stream.indirect.scatter.add.f32 @!p1 [tilespmem:s11], [sflag:$0x5], $0x80, s10, s10, $0xb8;
	[tilespmem:$0x1BA80] =	vst v63  }
0x99: {  	_ =	swait.ge @!p1 [sflag:s9], $0x4000  }
0x9a: {  	[sflag:s9] =	ssyncset.done @!p1 $0x0  }
0x9b: {  	[sflag:s9] =	ssyncadd.s32 @!p1 $0xFFFFC000  }
0x9c: {  	[bflag:$0x0] =	sbarrier.arrive $0xFFFF  }
0x9d: {  	[hbm:s15], [sflag:s6] =	dma.local [spmem:s5], $0x2700  }
0x9e: {  	s4 =	sadd.s32 $0x1, s4;
	_ =	swait.ge [sflag:s22], $0x2700  }
0x9f: {  	p2 =	sne.s32 s4, s17;
	[sflag:s22] =	ssyncset.done $0x0  }
.Ltmp1:
0xa0: {  	s5 =	simm.s32 @!p0 $0x5;
	[sflag:s22] =	ssyncadd.s32 $0xFFFFD900;
	(pc) =	sbr.rel @p2 .LBB2_1-.Ltmp1, $4  }
0xa1: {  	[hbm:s16], [sflag:s6] =	dma.local @!p0 [spmem:s7], $0x100  }
0xa2: {  	_ =	swait.ge @!p0 [sflag:s5], $0x100  }
0xa3: {  	[sflag:s5] =	ssyncset.done @!p0 $0x0  }
0xa4: {  	[sflag:s5] =	ssyncadd.s32 @!p0 $0xFFFFFF00  }
0xa5: {  	_ =	sfence.sel $0x180000  }
0xa6: {  	[bflag:$0x0] =	sbarrier.arrive $0xFFFF  }
0xa7: {  	_ =	strace $0x9000004A  }
0xa8: {  	[bflag:$0x2] =	sbarrier.arrive $0xFFFF  }
0xa9: {  	s0 =	rddreg [dreg:$0x2]  }
0xaa: {  	s0 =	sadd.s32 @!p0 $0x100000, s0  }
0xab: {  	[sflag:s0] =	ssyncadd.tile.s32 @!p0 $0x1;
	_ =	shalt  }
.Lfunc_end2:
_tile_overlayer_lowered:
.L_overlay_start_2:
0xac: {  	(tag) =	ssettag $0x2  }
0xad: {  	s0 =	rddreg [dreg:$0x0];
	s2 =	stileid.u32  }
0xae: {  	s1 =	rddreg [dreg:$0x1];
	p0 =	sne.s32 s2, $0x0  }
0xaf: {  	s3 =	rddreg [dreg:$0x2];
	[bflag:$0x3] =	sbarrier.arrive $0xFFFF;
	s2 =	simm.s32 @!p0 $0x1C05  }
0xb0: {  	[timem:s3], [sflag:s2] =	dma.local @!p0 [hbm:s0], s1  }
0xb1: {  	s0 =	simm.s32 @!p0 $0x5  }
0xb2: {  	_ =	swait.ge @!p0 [sflag:s0], s1  }
0xb3: {  	s1 =	ssub.s32 @!p0 $0x0, s1;
	[sflag:s0] =	ssyncset.done @!p0 $0x0  }
0xb4: {  	[sflag:s0] =	ssyncadd.s32 @!p0 s1  }
0xb5: {  	[bflag:$0x3] =	sbarrier.arrive $0xFFFF  }
0xb6: {  	_ =	shalt  }

// kernel: kernel.17.cloned.1.call-start
scs
__scs_entry_jumppad:
0x0: {  	(pc) =	sbr.rel $0x88, $3  }
0x1: {  	(tag) =	ssettag $0x0;
	lr =	simm.s32 $0x1  }
0x2: {  	[smem:$0x3F8F] =	sst lr;
	_ =	strace $0xD0000000  }
0x3: {  	_ = 	snop  }
0x4: {  	_ = 	snop  }
0x5: {  	_ = 	snop  }
0x6: {  	_ = 	snop  }
0x7: {  	_ = 	snop  }
__scs_overlays_trampoline_lowered:
0x8: {  	[smem:$0x3F9E] =	sst s0  }
0x9: {  	[smem:$0x3F9F] =	sst s1  }
0xa: {  	[smem:$0x3FA0] =	sst s2  }
0xb: {  	[smem:$0x3FA1] =	sst s3  }
0xc: {  	[smem:$0x3FA2] =	sst s4  }
0xd: {  	[smem:$0x3FA3] =	sst s5  }
0xe: {  	[smem:$0x3FA4] =	sst s6  }
0xf: {  	[smem:$0x3FA5] =	sst s7  }
0x10: {  	[smem:$0x3FA6] =	sst s8  }
0x11: {  	[smem:$0x3FA7] =	sst s9;
	s0 =	simm.s32 @!p0 $0x0  }
0x12: {  	s1 =	sld [smem:$0x3F8D];
	s0 =	simm.s32 @p0 $0x1  }
0x13: {  	[smem:$0x3FA8] =	sst s0;
	s0 =	simm.s32 @!p1 $0x0  }
0x14: {  	s2 =	sld [smem:$0x3F8C];
	s0 =	simm.s32 @p1 $0x1  }
0x15: {  	[smem:$0x3FA9] =	sst s0;
	s0 =	simm.s32 @!p2 $0x0  }
0x16: {  	s3 =	sld [smem:$0x3FDB];
	s0 =	simm.s32 @p2 $0x1  }
0x17: {  	s4 =	simm.s32 $0x1BF5;
	[smem:$0x3FAB] =	sst s0  }
0x18: {  	s0 =	sld [smem:$0x3F8E];
	_ =	swait.ge [sflag:s4], $0x0  }
0x19: {  	s7 =	sld [smem:$0x3F8F]  }
0x1a: {  	s8 =	sadd.s32 $0xFFFFE003, lr  }
0x1b: {  	s9 =	sadd.s32 $0xFFFFFEF7, lr;
	s5 =	simm.s32 $0xFFFFFFFF;
	p2 =	slt.u32 s8, $0xFFFFF086  }
0x1c: {  	p1 =	slt.u32 s9, $0xF7A;
	s5 =	simm.s32 @!p2 $0x0  }
0x1d: {  	s5 =	simm.s32 @p1 $0x1;
	p0 =	seq.s32 s7, s2  }
0x1e: {  	s7 =	smul.u32 @!p0 $0xF7A, s2;
	p2 =	seq.s32 @!p0 s5, $0x0  }
0x1f: {  	s9 =	smul.u32 $0xF7A, s1;
	s8 =	simm.s32 @!p0 $0x1BF5;
	p2 =	por !p2, p0  }
0x20: {  	[sflag:s8] =	ssyncset.s32 @!p0 $0xFFFFF086;
	s6 =	sadd.s32 @!p0 s3, s7;
	s7 =	simm.s32 @!p0 $0x108  }
0x21: {  	s3 =	sadd.s32 s3, s9;
	s6 =	sadd.s32 @!p0 $0x88, s6;
	s7 =	simm.s32 @p2 $0x1082  }
0x22: {  	[simem:s7], [sflag:s8] =	dma.local @!p0 [hbm:s6], $0xF7A  }
0x23: {  	s9 =	sor.u32 $0xD0000000, s2;
	s6 =	simm.s32 $0x108;
	_ =	swait.ge @!p0 [sflag:s8], $0x0  }
0x24: {  	s3 =	sadd.s32 $0x88, s3;
	s6 =	simm.s32 @!p1 $0x1082;
	[sflag:s4] =	ssyncset.s32 $0xFFFFF086  }
0x25: {  	[simem:s6], [sflag:s4] =	dma.local [hbm:s3], $0xF7A  }
0x26: {  	[smem:$0x3F8F] =	sst s1;
	(tag) =	ssettag s2;
	_ =	strace s9  }
0x27: {  	s1 =	sld [smem:$0x3F9F]  }
0x28: {  	s2 =	sld [smem:$0x3FA0]  }
0x29: {  	s4 =	sld [smem:$0x3FA2]  }
0x2a: {  	p0 =	seq.s32 s5, $0x0;
	s5 =	sld [smem:$0x3FA3]  }
0x2b: {  	s6 =	sld [smem:$0x3FA4]  }
0x2c: {  	s7 =	sld [smem:$0x3FA5]  }
0x2d: {  	s3 =	simm.s32 $0x108;
	s8 =	sld [smem:$0x3FA6]  }
0x2e: {  	s3 =	simm.s32 @!p0 $0x1082;
	s9 =	sld [smem:$0x3FA7]  }
0x2f: {  	lr =	sadd.s32 s0, s3;
	s0 =	sld [smem:$0x3F9E]  }
0x30: {  	s3 =	sld [smem:$0x3FA1]  }
0x31: {  	[smem:$0x3FAA] =	sst s10  }
0x32: {  	s10 =	sld [smem:$0x3FA8];
	_ =	sdelay $0x3  }
0x33: {  	p0 =	seq.s32 s10, $0x1;
	s10 =	sld [smem:$0x3FAA];
	_ =	sdelay $0x3  }
0x34: {  	[smem:$0x3FAA] =	sst s10  }
0x35: {  	s10 =	sld [smem:$0x3FA9];
	_ =	sdelay $0x3  }
0x36: {  	p1 =	seq.s32 s10, $0x1;
	s10 =	sld [smem:$0x3FAA];
	_ =	sdelay $0x3  }
0x37: {  	[smem:$0x3FAA] =	sst s10  }
0x38: {  	s10 =	sld [smem:$0x3FAB]  }
0x39: {  	_ = 	snop;
	(pc) =	sbr.ind lr, $3  }
0x3a: {  	_ = 	snop  }
0x3b: {  	_ = 	snop  }
0x3c: {  	p2 =	seq.s32 s10, $0x1;
	s10 =	sld [smem:$0x3FAA]  }
0x3d: {  	_ =	shalt  }
0x3e: {  	_ =	shalt  }
0x3f: {  	_ =	shalt  }
0x40: {  	_ =	shalt  }
0x41: {  	_ =	shalt  }
0x42: {  	_ =	shalt  }
0x43: {  	_ =	shalt  }
0x44: {  	_ =	shalt  }
0x45: {  	_ =	shalt  }
0x46: {  	_ =	shalt  }
0x47: {  	_ =	shalt  }
0x48: {  	_ =	shalt  }
0x49: {  	_ =	shalt  }
0x4a: {  	_ =	shalt  }
0x4b: {  	_ =	shalt  }
0x4c: {  	_ =	shalt  }
0x4d: {  	_ =	shalt  }
0x4e: {  	_ =	shalt  }
0x4f: {  	_ =	shalt  }
0x50: {  	_ =	shalt  }
0x51: {  	_ =	shalt  }
0x52: {  	_ =	shalt  }
0x53: {  	_ =	shalt  }
0x54: {  	_ =	shalt  }
0x55: {  	_ =	shalt  }
0x56: {  	_ =	shalt  }
0x57: {  	_ =	shalt  }
0x58: {  	_ =	shalt  }
0x59: {  	_ =	shalt  }
0x5a: {  	_ =	shalt  }
0x5b: {  	_ =	shalt  }
0x5c: {  	_ =	shalt  }
0x5d: {  	_ =	shalt  }
0x5e: {  	_ =	shalt  }
0x5f: {  	_ =	shalt  }
0x60: {  	_ =	shalt  }
0x61: {  	_ =	shalt  }
0x62: {  	_ =	shalt  }
0x63: {  	_ =	shalt  }
0x64: {  	_ =	shalt  }
0x65: {  	_ =	shalt  }
0x66: {  	_ =	shalt  }
0x67: {  	_ =	shalt  }
0x68: {  	_ =	shalt  }
0x69: {  	_ =	shalt  }
0x6a: {  	_ =	shalt  }
0x6b: {  	_ =	shalt  }
0x6c: {  	_ =	shalt  }
0x6d: {  	_ =	shalt  }
0x6e: {  	_ =	shalt  }
0x6f: {  	_ =	shalt  }
0x70: {  	_ =	shalt  }
0x71: {  	_ =	shalt  }
0x72: {  	_ =	shalt  }
0x73: {  	_ =	shalt  }
0x74: {  	_ =	shalt  }
0x75: {  	_ =	shalt  }
0x76: {  	_ =	shalt  }
0x77: {  	_ =	shalt  }
0x78: {  	_ =	shalt  }
0x79: {  	_ =	shalt  }
0x7a: {  	_ =	shalt  }
0x7b: {  	_ =	shalt  }
0x7c: {  	_ =	shalt  }
0x7d: {  	_ =	shalt  }
0x7e: {  	_ =	shalt  }
0x7f: {  	_ =	shalt  }
0x80: {  	_ =	shalt  }
0x81: {  	_ =	shalt  }
0x82: {  	_ =	shalt  }
0x83: {  	_ =	shalt  }
0x84: {  	_ =	shalt  }
0x85: {  	_ =	shalt  }
0x86: {  	_ =	shalt  }
0x87: {  	_ =	shalt  }
.Lfunc_end0:
.L_simem_size_0:
called_computation.2_lowered:
.L_overlay_start_0:
0x88: {  	s2 =	sld [smem:$0x3FD9]  }
0x89: {  	s3 =	sld [smem:$0x3FFE];
	_ =	sdelay $0x1  }
0x8a: {  	s1 =	srdreg.scid  }
0x8b: {  	s0 =	sand.u32 $0x1, s1  }
0x8c: {  	s16 =	sshll.u32 s0, $0xA;
	s2 =	sadd.s32 s3, s2  }
0x8d: {  	s2 =	sadd.s32 s2, s16  }
0x8e: {  	[smem:$0x3FB6] =	sst s2  }
0x8f: {  	_ = 	snop  }
0x90: {  	(tm) =	ssettm $0x1  }
0x91: {  	s17 =	sld [smem:$0x3FFB];
	_ =	sdelay $0x3  }
0x92: {  	_ =	strace s17  }
0x93: {  	s2 =	sld [smem:$0x3FFC];
	_ =	sdelay $0x3  }
0x94: {  	_ =	strace s2  }
0x95: {  	s2 =	sld [smem:$0x3FFD];
	_ =	sdelay $0x3  }
0x96: {  	_ =	strace s2  }
0x97: {  	_ =	strace $0x8FFFFFFF  }
0x98: {  	s18 =	sld [smem:$0x3FDB];
	_ =	sdelay $0x1  }
0x99: {  	s19 =	simm.s32 $_scs_section_size  }
0x9a: {  	s4 =	simm.s32 $_size__tile_overlayer_lowered;
	s5 =	simm.s32 $_tile_overlayer_lowered  }
0x9b: {  	s22 =	simm.s32 $0x1BFF;
	s21 =	sshll.u32 s5, $0x1;
	s2 =	sadd.s32 s19, s18  }
0x9c: {  	s6 =	simm.s32 $0x0;
	s20 =	sshll.u32 s4, $0x1;
	s4 =	sadd.s32 s21, s2  }
0x9d: {  	[timem:s6], [sflag:s22] =	dma.local [hbm:s4], s20  }
0x9e: {  	_ =	swait.ge [sflag:s22], s20  }
0x9f: {  	s3 =	ssub.s32 $0x0, s20;
	[sflag:s22] =	ssyncset.done $0x0  }
0xa0: {  	[sflag:s22] =	ssyncadd.s32 s3;
	_ =	sdelay $0x1  }
0xa1: {  	s23 =	simm.s32 $0x1B8B  }
0xa2: {  	_ =	swait.ge [sflag:s23], $0x1  }
0xa3: {  	[sflag:s23] =	ssyncset.done $0x0  }
0xa4: {  	s25 =	simm.s32 $0x1B8E;
	s24 =	sld [smem:$0x3FFE];
	[sflag:s23] =	ssyncadd.s32 $0xFFFFFFFF  }
0xa5: {  	s26 =	simm.s32 $execute0_lowered;
	[smem:$0x3FD2] =	sst s25  }
0xa6: {  	s4 =	sshll.u32 s26, $0x1;
	_ =	strace $0x8000004C;
	[dreg:$0x1] =	wrdreg $0xFFFFFFFF  }
0xa7: {  	s28 =	simm.s32 $_size_execute0_lowered;
	s2 =	sadd.s32 s2, s4;
	[dreg:$0x0] =	wrdreg $0x0  }
0xa8: {  	s4 =	sshll.u32 s28, $0x1;
	[dreg:$0x2] =	wrdreg s2  }
0xa9: {  	[dreg:$0x3] =	wrdreg s4  }
0xaa: {  	[dreg:$0x4] =	wrdreg $0xC0  }
0xab: {  	_ =	task [dreg:s6], $0x5FFFF  }
0xac: {  	[dreg:$0x1] =	wrdreg $0xFFFFFFFF  }
0xad: {  	[dreg:$0x0] =	wrdreg $0x60  }
0xae: {  	[dreg:$0x2] =	wrdreg s24  }
0xaf: {  	[dreg:$0x3] =	wrdreg $0x82000  }
0xb0: {  	[dreg:$0x4] =	wrdreg $0x9  }
0xb1: {  	_ =	task.clear_ibuf [dreg:s6], $0x5FFFF;
	_ =	strace $0x9000004C  }
0xb2: {  	s29 =	simm.s32 $0x9;
	_ =	strace $0x8000004E  }
0xb3: {  	_ =	swait.ge [sflag:s29], $0x1  }
0xb4: {  	[sflag:s29] =	ssyncadd.s32 $0xFFFFFFFF  }
0xb5: {  	_ =	strace $0x9000004E  }
0xb6: {  	_ =	sfence  }
0xb7: {  	s30 =	sld [smem:$0x0];
	_ =	sdelay $0x2  }
0xb8: {  	s31 =	sshll.u32 s1, $0xD;
	s1 =	sshrl.u32 s1, $0x2  }
0xb9: {  	s3 =	sand.u32 $0x4000, s31;
	s1 =	sadd.s32 s1, s30  }
0xba: {  	s0 =	sor.u32 s3, s0;
	s1 =	sshll.u32 s1, $0x11  }
0xbb: {  	s0 =	sor.u32 s1, s0  }
0xbc: {  	s0 =	sadd.s32 $0x8F2B, s0  }
0xbd: {  	[sflag:s0] =	ssyncadd.remote.s32 $0x1  }
0xbe: {  	_ =	sfence.sel $0xFFFF  }
0xbf: {  	[dreg:$0x0] =	wrdreg $0xFFFFFFFF;
	(pc) =	sbr.abs _section_cstart, $3  }
0xc0: {  	[dreg:$0x1] =	wrdreg $0xFFFFFFFF  }
0xc1: {  	_ =	task.clear_ibuf [dreg:s6], $0x2FFFF;
	_ =	strace $0x9FFFFFFF  }
0xc2: {  	(tm) =	ssettm $0x7FFFFFFF  }
0xc3: {  	_ =	shalt  }
tec
execute0_lowered:
.L_overlay_start_1:
0x0: {  	(tag) =	ssettag $0x1  }
0x1: {  	s0 =	rddreg [dreg:$0x0]  }
0x2: {  	s1 =	rddreg [dreg:$0x1];
	s2 =	simm.s32 $0x0  }
0x3: {  	s4 =	stileid.u32;
	s6 =	srdreg.scid;
	s28 =	simm.s32 $0x4200  }
0x4: {  	s29 =	simm.s32 $0x1;
	s30 =	simm.s32 $0x2;
	s31 =	simm.s32 $0x3  }
0x5: {  	[smem:$0x7FF] =	sst s2;
	s5 =	smul.u32 $0x13800, s4;
	s3 =	sadd.s32 $0x18C00, s0  }
0x6: {  	s7 =	sadd.s32 $0xEC00, s0;
	s8 =	sand.u32 $0x1, s6;
	s10 =	smul.u32 $0x4E000, s4  }
0x7: {  	s20 =	sadd.s32 $0x4C00, s0;
	s16 =	sadd.s32 $0x67000, s0;
	s24 =	sshll.u32 s4, $0x6  }
0x8: {  	s18 =	sshll.u32 s4, $0x5;
	s26 =	sadd.s32 $0x138000, s1;
	p0 =	sne.s32 s4, $0x0  }
0x9: {  	p1 =	sgt.u32 s4, $0x1;
	s4 =	simm.s32 $0x0;
	_ =	strace $0x8000004D  }
0xa: {  	s9 =	ssub.s32 $0x2, s8;
	s25 =	sshll.u32 s8, $0x4;
	[dreg:$0x5] =	wrdreg s26  }
0xb: {  	s8 =	smul.u32 $0x138800, s8;
	s22 =	sshrl.u32 s5, $0x3;
	s11 =	sshrl.u32 s9, $0x1  }
0xc: {  	s23 =	sshrl.u32 s10, $0x2;
	s6 =	sadd.s32 s22, s0;
	s17 =	ssub.s32 s9, s11  }
0xd: {  	s9 =	sadd.s32 s23, s1;
	s0 =	sadd.s32 $0x66E00, s0;
	s11 =	sor.u32 s25, s18  }
0xe: {  	s5 =	sadd.s32 s5, s8;
	s8 =	sshrl.u32 s8, $0x3;
	[dreg:$0x3] =	wrdreg s9  }
0xf: {  	s22 =	sor.u32 $0x600, s18;
	s6 =	sadd.s32 $0x3FE00, s6;
	[dreg:$0x6] =	wrdreg s0  }
0x10: {  	s9 =	sadd.s32 s7, s11;
	s12 =	sor.u32 $0x200, s11;
	s15 =	sadd.s32 s20, s11  }
0x11: {  	s14 =	sor.u32 $0x9C00, s11;
	s5 =	sshrl.u32 s5, $0x3;
	s21 =	sadd.s32 s16, s8  }
0x12: {  	s17 =	smax.u32 s17, $0x1;
	s23 =	sand.u32 $0x780, s22;
	[dreg:$0x4] =	wrdreg s6  }
0x13: {  	s0 =	sand.u32 $0x70, s11;
	s22 =	simm.s32 $0x5;
	[dreg:$0x7] =	wrdreg s9  }
0x14: {  	s6 =	sor.u32 $0x1C05, s24;
	[dreg:$0x8] =	wrdreg s15;
	s19 =	sadd.s32 s7, s12  }
0x15: {  	s12 =	sadd.s32 s20, s12;
	s13 =	sadd.s32 s7, s14;
	s14 =	sadd.s32 s20, s14  }
0x16: {  	s15 =	sadd.s32 s16, s5;
	s16 =	sadd.s32 $0x27000, s21;
	s8 =	sadd.s32 s23, s7  }
0x17: {  	s5 =	sadd.s32 s23, s20;
	[dreg:$0x9] =	wrdreg s19;
	s19 =	sor.u32 $0x400, s18  }
0x18: {  	s23 =	simm.s32 $0x80;
	s18 =	sadd.s32 s0, s8;
	s24 =	sand.u32 $0x580, s19  }
0x19: {  	s19 =	sadd.s32 s0, s5;
	s25 =	sadd.s32 s24, s7;
	s26 =	sadd.s32 s24, s20  }
0x1a: {  	s24 =	simm.s32 $0x200;
	s20 =	sadd.s32 s0, s25;
	s21 =	sadd.s32 s0, s26  }
0x1b: {  	s25 =	simm.s32 $0x100;
	s26 =	simm.s32 $0x180;
	s0 =	simm.s32 $0x4  }
.LBB2_1:
0x1c: {  	s5 =	rddreg [dreg:$0x3]  }
0x1d: {  	s7 =	rddreg [dreg:$0x4];
	s5 =	sshrl.u32 s5, $0x3  }
0x1e: {  	[spmem:s5], [sflag:s6] =	dma.local [hbm:s7], $0x2700  }
0x1f: {  	_ =	swait.ge [sflag:s22], $0x2700  }
0x20: {  	[sflag:s22] =	ssyncset.done $0x0;
	s7 =	rddreg [dreg:$0x5]  }
0x21: {  	s8 =	rddreg [dreg:$0x6];
	[sflag:s22] =	ssyncadd.s32 $0xFFFFD900;
	s7 =	sshrl.u32 @!p0 s7, $0x3  }
0x22: {  	[spmem:s7], [sflag:s6] =	dma.local @!p0 [hbm:s8], $0x100  }
0x23: {  	s8 =	simm.s32 @!p0 $0x5  }
0x24: {  	_ =	swait.ge @!p0 [sflag:s8], $0x100  }
0x25: {  	[sflag:s8] =	ssyncset.done @!p0 $0x0  }
0x26: {  	[sflag:s8] =	ssyncadd.s32 @!p0 $0xFFFFFF00  }
0x27: {  	[bflag:$0x0] =	sbarrier.arrive $0xFFFF  }
0x28: {  	s11 =	rddreg [dreg:$0x7]  }
0x29: {  	[tilespmem:s2], [sflag:$0x5] =	stream.linear.gather [hbm4b:s11+s2], $0x80, $0x38;
	[tilespmem:$0x1BA80] =	vst v63  }
0x2a: {  	_ =	swait.ge [sflag:s22], $0x80  }
0x2b: {  	[sflag:s22] =	ssyncset.done $0x0  }
0x2c: {  	s9 =	rddreg [dreg:$0x8];
	[sflag:s22] =	ssyncadd.s32 $0xFFFFFF80  }
0x2d: {  	[tilespmem:s23], [sflag:$0x5] =	stream.linear.gather [hbm4b:s9+s2], $0x80, $0x38;
	[tilespmem:$0x1BA80] =	vst v63  }
0x2e: {  	_ =	swait.ge [sflag:s22], $0x80  }
0x2f: {  	[sflag:s22] =	ssyncset.done $0x0  }
0x30: {  	[sflag:s22] =	ssyncadd.s32 $0xFFFFFF80  }
0x31: {  	[tilespmem:s24], [sflag:$0x1] =	stream.indirect.gather [hbm4b:s3+s23], $0x80, s2, s23, $0xb8;
	[tilespmem:$0x1BA80] =	vst v63  }
0x32: {  	s10 =	rddreg [dreg:$0x9]  }
0x33: {  	[tilespmem:s25], [sflag:$0x5] =	stream.linear.gather [hbm4b:s10+s2], $0x80, $0x38;
	[tilespmem:$0x1BA80] =	vst v63  }
0x34: {  	_ =	swait.ge [sflag:s22], $0x80  }
0x35: {  	[sflag:s22] =	ssyncset.done $0x0  }
0x36: {  	[sflag:s22] =	ssyncadd.s32 $0xFFFFFF80  }
0x37: {  	[tilespmem:s26], [sflag:$0x5] =	stream.linear.gather [hbm4b:s12+s2], $0x80, $0x38;
	[tilespmem:$0x1BA80] =	vst v63  }
0x38: {  	_ =	swait.ge [sflag:s22], $0x80  }
0x39: {  	[sflag:s22] =	ssyncset.done $0x0  }
0x3a: {  	[sflag:s22] =	ssyncadd.s32 $0xFFFFFF80  }
0x3b: {  	[tilespmem:s28], [sflag:$0x2] =	stream.indirect.gather [hbm4b:s3+s23], $0x80, s25, s23, $0xb8;
	[tilespmem:$0x1BA80] =	vst v63  }
0x3c: {  	_ =	swait.ge [sflag:s29], $0x4000  }
0x3d: {  	[sflag:s29] =	ssyncset.done $0x0  }
0x3e: {  	[sflag:s29] =	ssyncadd.s32 $0xFFFFC000  }
0x3f: {  	[spmem:s1] =	stream.indirect.scatter.add.f32 [tilespmem:s24], [sflag:$0x3], $0x80, s23, s23, $0xb8;
	[tilespmem:$0x1BA80] =	vst v63  }
0x40: {  	_ =	swait.ge [sflag:s30], $0x4000  }
0x41: {  	[sflag:s30] =	ssyncset.done $0x0  }
0x42: {  	[sflag:s30] =	ssyncadd.s32 $0xFFFFC000  }
0x43: {  	[spmem:s1] =	stream.indirect.scatter.add.f32 [tilespmem:s28], [sflag:$0x4], $0x80, s26, s23, $0xb8;
	[tilespmem:$0x1BA80] =	vst v63  }
0x44: {  	_ =	swait.ge [sflag:s31], $0x4000  }
0x45: {  	[sflag:s31] =	ssyncset.done $0x0  }
0x46: {  	s11 =	sadd.s32 $0x0, s20;
	[sflag:s31] =	ssyncadd.s32 $0xFFFFC000  }
0x47: {  	[tilespmem:s2], [sflag:$0x5] =	stream.linear.gather [hbm4b:s11+s2], $0x80, $0x38;
	[tilespmem:$0x1BA80] =	vst v63  }
0x48: {  	_ =	swait.ge [sflag:s22], $0x80  }
0x49: {  	[sflag:s22] =	ssyncset.done $0x0  }
0x4a: {  	s9 =	sadd.s32 $0x0, s21;
	[sflag:s22] =	ssyncadd.s32 $0xFFFFFF80  }
0x4b: {  	[tilespmem:s23], [sflag:$0x5] =	stream.linear.gather [hbm4b:s9+s2], $0x80, $0x38;
	[tilespmem:$0x1BA80] =	vst v63  }
0x4c: {  	_ =	swait.ge [sflag:s22], $0x80  }
0x4d: {  	[sflag:s22] =	ssyncset.done $0x0  }
0x4e: {  	[sflag:s22] =	ssyncadd.s32 $0xFFFFFF80  }
0x4f: {  	[tilespmem:s24], [sflag:$0x1] =	stream.indirect.gather [hbm4b:s3+s23], $0x80, s2, s23, $0xb8;
	[tilespmem:$0x1BA80] =	vst v63  }
0x50: {  	_ =	swait.ge [sflag:s0], $0x4000  }
0x51: {  	[sflag:s0] =	ssyncset.done $0x0  }
0x52: {  	s10 =	sadd.s32 $0x0, s18;
	[sflag:s0] =	ssyncadd.s32 $0xFFFFC000  }
0x53: {  	[tilespmem:s25], [sflag:$0x5] =	stream.linear.gather [hbm4b:s10+s2], $0x80, $0x38;
	[tilespmem:$0x1BA80] =	vst v63  }
0x54: {  	_ =	swait.ge [sflag:s22], $0x80  }
0x55: {  	[sflag:s22] =	ssyncset.done $0x0  }
0x56: {  	s11 =	sadd.s32 $0x0, s19;
	[sflag:s22] =	ssyncadd.s32 $0xFFFFFF80  }
0x57: {  	[tilespmem:s26], [sflag:$0x5] =	stream.linear.gather [hbm4b:s11+s2], $0x80, $0x38;
	[tilespmem:$0x1BA80] =	vst v63  }
0x58: {  	_ =	swait.ge [sflag:s22], $0x80  }
0x59: {  	[sflag:s22] =	ssyncset.done $0x0  }
0x5a: {  	s8 =	simm.s32 $0x400;
	[sflag:s22] =	ssyncadd.s32 $0xFFFFFF80  }
.LBB2_2:
0x5b: {  	[tilespmem:s28], [sflag:$0x2] =	stream.indirect.gather [hbm4b:s3+s23], $0x80, s25, s23, $0xb8;
	[tilespmem:$0x1BA80] =	vst v63  }
0x5c: {  	s9 =	smov.u32 s8  }
0x5d: {  	p2 =	sne.s32 s8, $0x9400;
	s8 =	sadd.s32 $0x400, s8;
	_ =	swait.ge [sflag:s29], $0x4000  }
0x5e: {  	[sflag:s29] =	ssyncset.done $0x0  }
0x5f: {  	[sflag:s29] =	ssyncadd.s32 $0xFFFFC000  }
0x60: {  	[spmem:s1] =	stream.indirect.scatter.add.f32 [tilespmem:s24], [sflag:$0x3], $0x80, s23, s23, $0xb8;
	[tilespmem:$0x1BA80] =	vst v63  }
0x61: {  	_ =	swait.ge [sflag:s30], $0x4000  }
0x62: {  	[sflag:s30] =	ssyncset.done $0x0  }
0x63: {  	[sflag:s30] =	ssyncadd.s32 $0xFFFFC000  }
0x64: {  	[spmem:s1] =	stream.indirect.scatter.add.f32 [tilespmem:s28], [sflag:$0x4], $0x80, s26, s23, $0xb8;
	[tilespmem:$0x1BA80] =	vst v63  }
0x65: {  	_ =	swait.ge [sflag:s31], $0x4000  }
0x66: {  	[sflag:s31] =	ssyncset.done $0x0  }
0x67: {  	s10 =	sadd.s32 s9, s20;
	[sflag:s31] =	ssyncadd.s32 $0xFFFFC000  }
0x68: {  	[tilespmem:s2], [sflag:$0x5] =	stream.linear.gather [hbm4b:s10+s2], $0x80, $0x38;
	[tilespmem:$0x1BA80] =	vst v63  }
0x69: {  	_ =	swait.ge [sflag:s22], $0x80  }
0x6a: {  	[sflag:s22] =	ssyncset.done $0x0  }
0x6b: {  	s10 =	sadd.s32 s9, s21;
	[sflag:s22] =	ssyncadd.s32 $0xFFFFFF80  }
0x6c: {  	[tilespmem:s23], [sflag:$0x5] =	stream.linear.gather [hbm4b:s10+s2], $0x80, $0x38;
	[tilespmem:$0x1BA80] =	vst v63  }
0x6d: {  	_ =	swait.ge [sflag:s22], $0x80  }
0x6e: {  	[sflag:s22] =	ssyncset.done $0x0  }
0x6f: {  	[sflag:s22] =	ssyncadd.s32 $0xFFFFFF80  }
0x70: {  	[tilespmem:s24], [sflag:$0x1] =	stream.indirect.gather [hbm4b:s3+s23], $0x80, s2, s23, $0xb8;
	[tilespmem:$0x1BA80] =	vst v63  }
0x71: {  	_ =	swait.ge [sflag:s0], $0x4000  }
0x72: {  	[sflag:s0] =	ssyncset.done $0x0  }
0x73: {  	s10 =	sadd.s32 s9, s18;
	[sflag:s0] =	ssyncadd.s32 $0xFFFFC000  }
0x74: {  	[tilespmem:s25], [sflag:$0x5] =	stream.linear.gather [hbm4b:s10+s2], $0x80, $0x38;
	[tilespmem:$0x1BA80] =	vst v63  }
0x75: {  	_ =	swait.ge [sflag:s22], $0x80  }
0x76: {  	[sflag:s22] =	ssyncset.done $0x0  }
.Ltmp0:
0x77: {  	s9 =	sadd.s32 s9, s19;
	[sflag:s22] =	ssyncadd.s32 $0xFFFFFF80;
	(pc) =	sbr.rel @p2 .LBB2_2-.Ltmp0, $4  }
0x78: {  	[tilespmem:s26], [sflag:$0x5] =	stream.linear.gather [hbm4b:s9+s2], $0x80, $0x38;
	[tilespmem:$0x1BA80] =	vst v63  }
0x79: {  	_ =	swait.ge [sflag:s22], $0x80  }
0x7a: {  	[sflag:s22] =	ssyncset.done $0x0  }
0x7b: {  	[sflag:s22] =	ssyncadd.s32 $0xFFFFFF80  }
0x7c: {  	[tilespmem:s28], [sflag:$0x2] =	stream.indirect.gather [hbm4b:s3+s23], $0x80, s25, s23, $0xb8;
	[tilespmem:$0x1BA80] =	vst v63  }
0x7d: {  	_ =	swait.ge [sflag:s29], $0x4000  }
0x7e: {  	[sflag:s29] =	ssyncset.done $0x0  }
0x7f: {  	[sflag:s29] =	ssyncadd.s32 $0xFFFFC000  }
0x80: {  	[spmem:s1] =	stream.indirect.scatter.add.f32 [tilespmem:s24], [sflag:$0x3], $0x80, s23, s23, $0xb8;
	[tilespmem:$0x1BA80] =	vst v63  }
0x81: {  	_ =	swait.ge [sflag:s30], $0x4000  }
0x82: {  	[sflag:s30] =	ssyncset.done $0x0  }
0x83: {  	[sflag:s30] =	ssyncadd.s32 $0xFFFFC000  }
0x84: {  	[spmem:s1] =	stream.indirect.scatter.add.f32 [tilespmem:s28], [sflag:$0x4], $0x80, s26, s23, $0xb8;
	[tilespmem:$0x1BA80] =	vst v63  }
0x85: {  	_ =	swait.ge [sflag:s31], $0x4000  }
0x86: {  	[sflag:s31] =	ssyncset.done $0x0  }
0x87: {  	[sflag:s31] =	ssyncadd.s32 $0xFFFFC000  }
0x88: {  	_ =	swait.ge [sflag:s0], $0x4000  }
0x89: {  	[sflag:s0] =	ssyncset.done $0x0  }
0x8a: {  	s8 =	simm.s32 @!p1 $0x0;
	s9 =	simm.s32 @!p1 $0x5;
	[sflag:s0] =	ssyncadd.s32 $0xFFFFC000  }
0x8b: {  	[tilespmem:s8], [sflag:$0x5] =	stream.linear.gather @!p1 [hbm4b:s13+s8], $0x80, $0x38;
	[tilespmem:$0x1BA80] =	vst v63  }
0x8c: {  	_ =	swait.ge @!p1 [sflag:s9], $0x80  }
0x8d: {  	[sflag:s9] =	ssyncset.done @!p1 $0x0  }
0x8e: {  	s10 =	simm.s32 @!p1 $0x80;
	[sflag:s9] =	ssyncadd.s32 @!p1 $0xFFFFFF80  }
0x8f: {  	[tilespmem:s10], [sflag:$0x5] =	stream.linear.gather @!p1 [hbm4b:s14+s8], $0x80, $0x38;
	[tilespmem:$0x1BA80] =	vst v63  }
0x90: {  	_ =	swait.ge @!p1 [sflag:s9], $0x80  }
0x91: {  	[sflag:s9] =	ssyncset.done @!p1 $0x0  }
0x92: {  	s11 =	simm.s32 @!p1 $0x200;
	[sflag:s9] =	ssyncadd.s32 @!p1 $0xFFFFFF80  }
0x93: {  	[tilespmem:s11], [sflag:$0x1] =	stream.indirect.gather @!p1 [hbm4b:s3+s10], $0x80, s8, s10, $0xb8;
	[tilespmem:$0x1BA80] =	vst v63  }
0x94: {  	s8 =	simm.s32 @!p1 $0x1  }
0x95: {  	_ =	swait.ge @!p1 [sflag:s8], $0x4000  }
0x96: {  	[sflag:s8] =	ssyncset.done @!p1 $0x0  }
0x97: {  	[sflag:s8] =	ssyncadd.s32 @!p1 $0xFFFFC000  }
0x98: {  	[spmem:s1] =	stream.indirect.scatter.add.f32 @!p1 [tilespmem:s11], [sflag:$0x5], $0x80, s10, s10, $0xb8;
	[tilespmem:$0x1BA80] =	vst v63  }
0x99: {  	_ =	swait.ge @!p1 [sflag:s9], $0x4000  }
0x9a: {  	[sflag:s9] =	ssyncset.done @!p1 $0x0  }
0x9b: {  	[sflag:s9] =	ssyncadd.s32 @!p1 $0xFFFFC000  }
0x9c: {  	[bflag:$0x0] =	sbarrier.arrive $0xFFFF  }
0x9d: {  	[hbm:s15], [sflag:s6] =	dma.local [spmem:s5], $0x2700  }
0x9e: {  	s4 =	sadd.s32 $0x1, s4;
	_ =	swait.ge [sflag:s22], $0x2700  }
0x9f: {  	p2 =	sne.s32 s4, s17;
	[sflag:s22] =	ssyncset.done $0x0  }
.Ltmp1:
0xa0: {  	s5 =	simm.s32 @!p0 $0x5;
	[sflag:s22] =	ssyncadd.s32 $0xFFFFD900;
	(pc) =	sbr.rel @p2 .LBB2_1-.Ltmp1, $4  }
0xa1: {  	[hbm:s16], [sflag:s6] =	dma.local @!p0 [spmem:s7], $0x100  }
0xa2: {  	_ =	swait.ge @!p0 [sflag:s5], $0x100  }
0xa3: {  	[sflag:s5] =	ssyncset.done @!p0 $0x0  }
0xa4: {  	[sflag:s5] =	ssyncadd.s32 @!p0 $0xFFFFFF00  }
0xa5: {  	_ =	sfence.sel $0x180000  }
0xa6: {  	[bflag:$0x0] =	sbarrier.arrive $0xFFFF  }
0xa7: {  	_ =	strace $0x9000004D  }
0xa8: {  	[bflag:$0x2] =	sbarrier.arrive $0xFFFF  }
0xa9: {  	s0 =	rddreg [dreg:$0x2]  }
0xaa: {  	s0 =	sadd.s32 @!p0 $0x100000, s0  }
0xab: {  	[sflag:s0] =	ssyncadd.tile.s32 @!p0 $0x1;
	_ =	shalt  }
.Lfunc_end2:
_tile_overlayer_lowered:
.L_overlay_start_2:
0xac: {  	(tag) =	ssettag $0x2  }
0xad: {  	s0 =	rddreg [dreg:$0x0];
	s2 =	stileid.u32  }
0xae: {  	s1 =	rddreg [dreg:$0x1];
	p0 =	sne.s32 s2, $0x0  }
0xaf: {  	s3 =	rddreg [dreg:$0x2];
	[bflag:$0x3] =	sbarrier.arrive $0xFFFF;
	s2 =	simm.s32 @!p0 $0x1C05  }
0xb0: {  	[timem:s3], [sflag:s2] =	dma.local @!p0 [hbm:s0], s1  }
0xb1: {  	s0 =	simm.s32 @!p0 $0x5  }
0xb2: {  	_ =	swait.ge @!p0 [sflag:s0], s1  }
0xb3: {  	s1 =	ssub.s32 @!p0 $0x0, s1;
	[sflag:s0] =	ssyncset.done @!p0 $0x0  }
0xb4: {  	[sflag:s0] =	ssyncadd.s32 @!p0 s1  }
0xb5: {  	[bflag:$0x3] =	sbarrier.arrive $0xFFFF  }
0xb6: {  	_ =	shalt  }

// kernel: kernel.20.cloned.1.call-start
scs
__scs_entry_jumppad:
0x0: {  	(pc) =	sbr.rel $0x88, $3  }
0x1: {  	(tag) =	ssettag $0x0;
	lr =	simm.s32 $0x1  }
0x2: {  	[smem:$0x3F8F] =	sst lr;
	_ =	strace $0xD0000000  }
0x3: {  	_ = 	snop  }
0x4: {  	_ = 	snop  }
0x5: {  	_ = 	snop  }
0x6: {  	_ = 	snop  }
0x7: {  	_ = 	snop  }
__scs_overlays_trampoline_lowered:
0x8: {  	[smem:$0x3F9E] =	sst s0  }
0x9: {  	[smem:$0x3F9F] =	sst s1  }
0xa: {  	[smem:$0x3FA0] =	sst s2  }
0xb: {  	[smem:$0x3FA1] =	sst s3  }
0xc: {  	[smem:$0x3FA2] =	sst s4  }
0xd: {  	[smem:$0x3FA3] =	sst s5  }
0xe: {  	[smem:$0x3FA4] =	sst s6  }
0xf: {  	[smem:$0x3FA5] =	sst s7  }
0x10: {  	[smem:$0x3FA6] =	sst s8  }
0x11: {  	[smem:$0x3FA7] =	sst s9;
	s0 =	simm.s32 @!p0 $0x0  }
0x12: {  	s1 =	sld [smem:$0x3F8D];
	s0 =	simm.s32 @p0 $0x1  }
0x13: {  	[smem:$0x3FA8] =	sst s0;
	s0 =	simm.s32 @!p1 $0x0  }
0x14: {  	s2 =	sld [smem:$0x3F8C];
	s0 =	simm.s32 @p1 $0x1  }
0x15: {  	[smem:$0x3FA9] =	sst s0;
	s0 =	simm.s32 @!p2 $0x0  }
0x16: {  	s3 =	sld [smem:$0x3FDB];
	s0 =	simm.s32 @p2 $0x1  }
0x17: {  	s4 =	simm.s32 $0x1BF5;
	[smem:$0x3FAB] =	sst s0  }
0x18: {  	s0 =	sld [smem:$0x3F8E];
	_ =	swait.ge [sflag:s4], $0x0  }
0x19: {  	s7 =	sld [smem:$0x3F8F]  }
0x1a: {  	s8 =	sadd.s32 $0xFFFFE003, lr  }
0x1b: {  	s9 =	sadd.s32 $0xFFFFFEF7, lr;
	s5 =	simm.s32 $0xFFFFFFFF;
	p2 =	slt.u32 s8, $0xFFFFF086  }
0x1c: {  	p1 =	slt.u32 s9, $0xF7A;
	s5 =	simm.s32 @!p2 $0x0  }
0x1d: {  	s5 =	simm.s32 @p1 $0x1;
	p0 =	seq.s32 s7, s2  }
0x1e: {  	s7 =	smul.u32 @!p0 $0xF7A, s2;
	p2 =	seq.s32 @!p0 s5, $0x0  }
0x1f: {  	s9 =	smul.u32 $0xF7A, s1;
	s8 =	simm.s32 @!p0 $0x1BF5;
	p2 =	por !p2, p0  }
0x20: {  	[sflag:s8] =	ssyncset.s32 @!p0 $0xFFFFF086;
	s6 =	sadd.s32 @!p0 s3, s7;
	s7 =	simm.s32 @!p0 $0x108  }
0x21: {  	s3 =	sadd.s32 s3, s9;
	s6 =	sadd.s32 @!p0 $0x88, s6;
	s7 =	simm.s32 @p2 $0x1082  }
0x22: {  	[simem:s7], [sflag:s8] =	dma.local @!p0 [hbm:s6], $0xF7A  }
0x23: {  	s9 =	sor.u32 $0xD0000000, s2;
	s6 =	simm.s32 $0x108;
	_ =	swait.ge @!p0 [sflag:s8], $0x0  }
0x24: {  	s3 =	sadd.s32 $0x88, s3;
	s6 =	simm.s32 @!p1 $0x1082;
	[sflag:s4] =	ssyncset.s32 $0xFFFFF086  }
0x25: {  	[simem:s6], [sflag:s4] =	dma.local [hbm:s3], $0xF7A  }
0x26: {  	[smem:$0x3F8F] =	sst s1;
	(tag) =	ssettag s2;
	_ =	strace s9  }
0x27: {  	s1 =	sld [smem:$0x3F9F]  }
0x28: {  	s2 =	sld [smem:$0x3FA0]  }
0x29: {  	s4 =	sld [smem:$0x3FA2]  }
0x2a: {  	p0 =	seq.s32 s5, $0x0;
	s5 =	sld [smem:$0x3FA3]  }
0x2b: {  	s6 =	sld [smem:$0x3FA4]  }
0x2c: {  	s7 =	sld [smem:$0x3FA5]  }
0x2d: {  	s3 =	simm.s32 $0x108;
	s8 =	sld [smem:$0x3FA6]  }
0x2e: {  	s3 =	simm.s32 @!p0 $0x1082;
	s9 =	sld [smem:$0x3FA7]  }
0x2f: {  	lr =	sadd.s32 s0, s3;
	s0 =	sld [smem:$0x3F9E]  }
0x30: {  	s3 =	sld [smem:$0x3FA1]  }
0x31: {  	[smem:$0x3FAA] =	sst s10  }
0x32: {  	s10 =	sld [smem:$0x3FA8];
	_ =	sdelay $0x3  }
0x33: {  	p0 =	seq.s32 s10, $0x1;
	s10 =	sld [smem:$0x3FAA];
	_ =	sdelay $0x3  }
0x34: {  	[smem:$0x3FAA] =	sst s10  }
0x35: {  	s10 =	sld [smem:$0x3FA9];
	_ =	sdelay $0x3  }
0x36: {  	p1 =	seq.s32 s10, $0x1;
	s10 =	sld [smem:$0x3FAA];
	_ =	sdelay $0x3  }
0x37: {  	[smem:$0x3FAA] =	sst s10  }
0x38: {  	s10 =	sld [smem:$0x3FAB]  }
0x39: {  	_ = 	snop;
	(pc) =	sbr.ind lr, $3  }
0x3a: {  	_ = 	snop  }
0x3b: {  	_ = 	snop  }
0x3c: {  	p2 =	seq.s32 s10, $0x1;
	s10 =	sld [smem:$0x3FAA]  }
0x3d: {  	_ =	shalt  }
0x3e: {  	_ =	shalt  }
0x3f: {  	_ =	shalt  }
0x40: {  	_ =	shalt  }
0x41: {  	_ =	shalt  }
0x42: {  	_ =	shalt  }
0x43: {  	_ =	shalt  }
0x44: {  	_ =	shalt  }
0x45: {  	_ =	shalt  }
0x46: {  	_ =	shalt  }
0x47: {  	_ =	shalt  }
0x48: {  	_ =	shalt  }
0x49: {  	_ =	shalt  }
0x4a: {  	_ =	shalt  }
0x4b: {  	_ =	shalt  }
0x4c: {  	_ =	shalt  }
0x4d: {  	_ =	shalt  }
0x4e: {  	_ =	shalt  }
0x4f: {  	_ =	shalt  }
0x50: {  	_ =	shalt  }
0x51: {  	_ =	shalt  }
0x52: {  	_ =	shalt  }
0x53: {  	_ =	shalt  }
0x54: {  	_ =	shalt  }
0x55: {  	_ =	shalt  }
0x56: {  	_ =	shalt  }
0x57: {  	_ =	shalt  }
0x58: {  	_ =	shalt  }
0x59: {  	_ =	shalt  }
0x5a: {  	_ =	shalt  }
0x5b: {  	_ =	shalt  }
0x5c: {  	_ =	shalt  }
0x5d: {  	_ =	shalt  }
0x5e: {  	_ =	shalt  }
0x5f: {  	_ =	shalt  }
0x60: {  	_ =	shalt  }
0x61: {  	_ =	shalt  }
0x62: {  	_ =	shalt  }
0x63: {  	_ =	shalt  }
0x64: {  	_ =	shalt  }
0x65: {  	_ =	shalt  }
0x66: {  	_ =	shalt  }
0x67: {  	_ =	shalt  }
0x68: {  	_ =	shalt  }
0x69: {  	_ =	shalt  }
0x6a: {  	_ =	shalt  }
0x6b: {  	_ =	shalt  }
0x6c: {  	_ =	shalt  }
0x6d: {  	_ =	shalt  }
0x6e: {  	_ =	shalt  }
0x6f: {  	_ =	shalt  }
0x70: {  	_ =	shalt  }
0x71: {  	_ =	shalt  }
0x72: {  	_ =	shalt  }
0x73: {  	_ =	shalt  }
0x74: {  	_ =	shalt  }
0x75: {  	_ =	shalt  }
0x76: {  	_ =	shalt  }
0x77: {  	_ =	shalt  }
0x78: {  	_ =	shalt  }
0x79: {  	_ =	shalt  }
0x7a: {  	_ =	shalt  }
0x7b: {  	_ =	shalt  }
0x7c: {  	_ =	shalt  }
0x7d: {  	_ =	shalt  }
0x7e: {  	_ =	shalt  }
0x7f: {  	_ =	shalt  }
0x80: {  	_ =	shalt  }
0x81: {  	_ =	shalt  }
0x82: {  	_ =	shalt  }
0x83: {  	_ =	shalt  }
0x84: {  	_ =	shalt  }
0x85: {  	_ =	shalt  }
0x86: {  	_ =	shalt  }
0x87: {  	_ =	shalt  }
.Lfunc_end0:
.L_simem_size_0:
called_computation.3_lowered:
.L_overlay_start_0:
0x88: {  	s2 =	sld [smem:$0x3FD9]  }
0x89: {  	s3 =	sld [smem:$0x3FFE];
	_ =	sdelay $0x1  }
0x8a: {  	s1 =	srdreg.scid  }
0x8b: {  	s0 =	sand.u32 $0x1, s1  }
0x8c: {  	s16 =	sshll.u32 s0, $0xA;
	s2 =	sadd.s32 s3, s2  }
0x8d: {  	s2 =	sadd.s32 s2, s16  }
0x8e: {  	[smem:$0x3FB6] =	sst s2  }
0x8f: {  	_ = 	snop  }
0x90: {  	(tm) =	ssettm $0x1  }
0x91: {  	s17 =	sld [smem:$0x3FFB];
	_ =	sdelay $0x3  }
0x92: {  	_ =	strace s17  }
0x93: {  	s2 =	sld [smem:$0x3FFC];
	_ =	sdelay $0x3  }
0x94: {  	_ =	strace s2  }
0x95: {  	s2 =	sld [smem:$0x3FFD];
	_ =	sdelay $0x3  }
0x96: {  	_ =	strace s2  }
0x97: {  	_ =	strace $0x8FFFFFFF  }
0x98: {  	s18 =	sld [smem:$0x3FDB];
	_ =	sdelay $0x1  }
0x99: {  	s19 =	simm.s32 $_scs_section_size  }
0x9a: {  	s4 =	simm.s32 $_size__tile_overlayer_lowered;
	s5 =	simm.s32 $_tile_overlayer_lowered  }
0x9b: {  	s22 =	simm.s32 $0x1BFF;
	s21 =	sshll.u32 s5, $0x1;
	s2 =	sadd.s32 s19, s18  }
0x9c: {  	s6 =	simm.s32 $0x0;
	s20 =	sshll.u32 s4, $0x1;
	s4 =	sadd.s32 s21, s2  }
0x9d: {  	[timem:s6], [sflag:s22] =	dma.local [hbm:s4], s20  }
0x9e: {  	_ =	swait.ge [sflag:s22], s20  }
0x9f: {  	s3 =	ssub.s32 $0x0, s20;
	[sflag:s22] =	ssyncset.done $0x0  }
0xa0: {  	[sflag:s22] =	ssyncadd.s32 s3;
	_ =	sdelay $0x1  }
0xa1: {  	s23 =	simm.s32 $0x1B8B  }
0xa2: {  	_ =	swait.ge [sflag:s23], $0x1  }
0xa3: {  	[sflag:s23] =	ssyncset.done $0x0  }
0xa4: {  	s25 =	simm.s32 $0x1B8E;
	s24 =	sld [smem:$0x3FFE];
	[sflag:s23] =	ssyncadd.s32 $0xFFFFFFFF  }
0xa5: {  	s26 =	simm.s32 $execute0_lowered;
	[smem:$0x3FD2] =	sst s25  }
0xa6: {  	s4 =	sshll.u32 s26, $0x1;
	_ =	strace $0x8000004F;
	[dreg:$0x1] =	wrdreg $0xFFFFFFFF  }
0xa7: {  	s28 =	simm.s32 $_size_execute0_lowered;
	s2 =	sadd.s32 s2, s4;
	[dreg:$0x0] =	wrdreg $0x0  }
0xa8: {  	s4 =	sshll.u32 s28, $0x1;
	[dreg:$0x2] =	wrdreg s2  }
0xa9: {  	[dreg:$0x3] =	wrdreg s4  }
0xaa: {  	[dreg:$0x4] =	wrdreg $0xC0  }
0xab: {  	_ =	task [dreg:s6], $0x5FFFF  }
0xac: {  	[dreg:$0x1] =	wrdreg $0xFFFFFFFF  }
0xad: {  	[dreg:$0x0] =	wrdreg $0x60  }
0xae: {  	[dreg:$0x2] =	wrdreg s24  }
0xaf: {  	[dreg:$0x3] =	wrdreg $0x9  }
0xb0: {  	_ =	task.clear_ibuf [dreg:s6], $0x4FFFF;
	_ =	strace $0x9000004F  }
0xb1: {  	s29 =	simm.s32 $0x9;
	_ =	strace $0x80000051  }
0xb2: {  	_ =	swait.ge [sflag:s29], $0x1  }
0xb3: {  	[sflag:s29] =	ssyncadd.s32 $0xFFFFFFFF  }
0xb4: {  	_ =	strace $0x90000051  }
0xb5: {  	_ =	sfence  }
0xb6: {  	s30 =	sld [smem:$0x0];
	_ =	sdelay $0x2  }
0xb7: {  	s31 =	sshll.u32 s1, $0xD;
	s1 =	sshrl.u32 s1, $0x2  }
0xb8: {  	s3 =	sand.u32 $0x4000, s31;
	s1 =	sadd.s32 s1, s30  }
0xb9: {  	s0 =	sor.u32 s3, s0;
	s1 =	sshll.u32 s1, $0x11  }
0xba: {  	s0 =	sor.u32 s1, s0  }
0xbb: {  	s0 =	sadd.s32 $0x8F2B, s0  }
0xbc: {  	[sflag:s0] =	ssyncadd.remote.s32 $0x1  }
0xbd: {  	_ =	sfence.sel $0xFFFF  }
0xbe: {  	[dreg:$0x0] =	wrdreg $0xFFFFFFFF;
	(pc) =	sbr.abs _section_cstart, $3  }
0xbf: {  	[dreg:$0x1] =	wrdreg $0xFFFFFFFF  }
0xc0: {  	_ =	task.clear_ibuf [dreg:s6], $0x2FFFF;
	_ =	strace $0x9FFFFFFF  }
0xc1: {  	(tm) =	ssettm $0x7FFFFFFF  }
tec
execute0_lowered:
.L_overlay_start_1:
0x0: {  	(tag) =	ssettag $0x1  }
0x1: {  	s0 =	rddreg [dreg:$0x0];
	s1 =	simm.s32 $0x0  }
0x2: {  	s2 =	srdreg.scid;
	s11 =	stileid.u32;
	s28 =	simm.s32 $0xC200  }
0x3: {  	s29 =	simm.s32 $0x1;
	s30 =	simm.s32 $0x2;
	s31 =	simm.s32 $0x10200  }
0x4: {  	s16 =	simm.s32 $0x12200;
	[smem:$0x7FF] =	sst s1;
	s3 =	sadd.s32 $0x18C00, s0  }
0x5: {  	s2 =	sand.u32 $0x1, s2;
	s4 =	sadd.s32 $0xEC00, s0;
	s9 =	sshll.u32 s11, $0x1  }
0x6: {  	s5 =	sadd.s32 $0x4C00, s0;
	s7 =	sadd.s32 $0x3FE00, s0;
	p0 =	sgt.u32 s11, $0x1  }
0x7: {  	_ =	strace $0x80000050;
	s8 =	ssub.s32 $0x2, s2;
	s6 =	sor.u32 s2, s9  }
0x8: {  	s12 =	sor.u32 $0x40, s9;
	s13 =	sor.u32 $0x60, s9;
	s10 =	sshrl.u32 s8, $0x1  }
0x9: {  	s2 =	sshll.u32 s6, $0x4;
	s22 =	sshll.u32 s6, $0xA;
	s17 =	ssub.s32 s8, s10  }
0xa: {  	s18 =	sadd.s32 s4, s2;
	s19 =	sadd.s32 s5, s2;
	s20 =	sor.u32 $0x200, s2  }
0xb: {  	s23 =	sor.u32 $0x9C00, s2;
	s14 =	sadd.s32 s7, s22;
	[dreg:$0x2] =	wrdreg s18  }
0xc: {  	s15 =	sand.u32 $0x70, s2;
	[dreg:$0x3] =	wrdreg s19;
	s21 =	sadd.s32 s4, s20  }
0xd: {  	s2 =	simm.s32 $0x4;
	s8 =	sadd.s32 s5, s20;
	[dreg:$0x4] =	wrdreg s21  }
0xe: {  	s22 =	simm.s32 $0x0;
	s24 =	sadd.s32 s4, s23;
	[dreg:$0x5] =	wrdreg s8  }
.Ltmp0:
0xf: {  	s25 =	sadd.s32 s5, s23;
	[dreg:$0x6] =	wrdreg s24;
	(pc) =	sbr.rel .LBB2_1-.Ltmp0, $4  }
0x10: {  	s26 =	sadd.s32 $0x270000, s14;
	s0 =	smax.u32 s17, $0x1;
	[dreg:$0x7] =	wrdreg s25  }
0x11: {  	s20 =	simm.s32 $0x7;
	s18 =	simm.s32 $0x6;
	[dreg:$0x8] =	wrdreg s26  }
0x12: {  	[dreg:$0x9] =	wrdreg s0;
	s21 =	simm.s32 $0x80;
	s24 =	simm.s32 $0x100  }
0x13: {  	s25 =	simm.s32 $0x180;
	s26 =	simm.s32 $0x8200;
	s0 =	simm.s32 $0x3  }
.LBB2_12:
0x14: {  	s22 =	sadd.s32 $0x1, s22;
	s8 =	rddreg [dreg:$0x9]  }
0x15: {  	p1 =	sne.s32 s22, s8  }
.Ltmp1:
0x16: {  	_ = 	snop;
	(pc) =	sbr.rel @!p1 .LBB2_13-.Ltmp1, $1  }
0x17: {  	_ =	sdelay $0x3  }
.LBB2_1:
0x18: {  	s8 =	rddreg [dreg:$0x2]  }
0x19: {  	[tilespmem:s1], [sflag:$0x7] =	stream.linear.gather [hbm4b:s8+s1], $0x80, $0x38;
	[tilespmem:$0x14200] =	vst v63  }
0x1a: {  	_ =	swait.ge [sflag:s20], $0x80  }
0x1b: {  	[sflag:s20] =	ssyncset.done $0x0  }
0x1c: {  	s10 =	rddreg [dreg:$0x3];
	[sflag:s20] =	ssyncadd.s32 $0xFFFFFF80  }
0x1d: {  	[tilespmem:s21], [sflag:$0x7] =	stream.linear.gather [hbm4b:s10+s1], $0x80, $0x38;
	[tilespmem:$0x14200] =	vst v63  }
0x1e: {  	_ =	swait.ge [sflag:s20], $0x80  }
0x1f: {  	[sflag:s20] =	ssyncset.done $0x0  }
0x20: {  	s11 =	simm.s32 $0x200;
	[sflag:s20] =	ssyncadd.s32 $0xFFFFFF80  }
0x21: {  	[tilespmem:s11], [sflag:$0x1] =	stream.indirect.gather [hbm4b:s3+s21], $0x80, s1, s21, $0xb8;
	[tilespmem:$0x14200] =	vst v63  }
0x22: {  	s17 =	simm.s32 $0x4200  }
0x23: {  	[tilespmem:s17], [sflag:$0x2] =	stream.indirect.gather [hbm4b:s3+s21], $0x80, s21, s21, $0xb8;
	[tilespmem:$0x14200] =	vst v63  }
0x24: {  	s19 =	rddreg [dreg:$0x4]  }
0x25: {  	[tilespmem:s24], [sflag:$0x7] =	stream.linear.gather [hbm4b:s19+s1], $0x80, $0x38;
	[tilespmem:$0x14200] =	vst v63  }
0x26: {  	_ =	swait.ge [sflag:s20], $0x80  }
0x27: {  	[sflag:s20] =	ssyncset.done $0x0  }
0x28: {  	s23 =	rddreg [dreg:$0x5];
	[sflag:s20] =	ssyncadd.s32 $0xFFFFFF80  }
0x29: {  	[tilespmem:s25], [sflag:$0x7] =	stream.linear.gather [hbm4b:s23+s1], $0x80, $0x38;
	[tilespmem:$0x14200] =	vst v63  }
0x2a: {  	_ =	swait.ge [sflag:s20], $0x80  }
0x2b: {  	[sflag:s20] =	ssyncset.done $0x0  }
0x2c: {  	[sflag:s20] =	ssyncadd.s32 $0xFFFFFF80  }
0x2d: {  	[tilespmem:s26], [sflag:$0x3] =	stream.indirect.gather [hbm4b:s3+s21], $0x80, s24, s21, $0xb8;
	[tilespmem:$0x14200] =	vst v63  }
0x2e: {  	s23 =	simm.s32 $0x0  }
0x2f: {  	[tilespmem:s28], [sflag:$0x4] =	stream.indirect.gather [hbm4b:s3+s21], $0x80, s25, s21, $0xb8;
	[tilespmem:$0x14200] =	vst v63  }
.LBB2_2:
0x30: {  	_ =	swait.ge [sflag:s29], $0x4000  }
0x31: {  	[sflag:s29] =	ssyncset.done $0x0  }
0x32: {  	[sflag:s29] =	ssyncadd.s32 $0xFFFFC000  }
0x33: {  	_ =	swait.ge [sflag:s30], $0x4000  }
0x34: {  	p1 =	seq.s32 s23, $0x0;
	[sflag:s30] =	ssyncset.done $0x0  }
0x35: {  	s8 =	simm.s32 @!p1 $0x5;
	[sflag:s30] =	ssyncadd.s32 $0xFFFFC000  }
0x36: {  	_ =	swait.ge @!p1 [sflag:s8], $0x2000  }
0x37: {  	[sflag:s8] =	ssyncset.done @!p1 $0x0  }
0x38: {  	s10 =	simm.s32 $0x0;
	[sflag:s8] =	ssyncadd.s32 @!p1 $0xFFFFE000  }
0x39: {  	v0 =	vld [tilespmem:s10+$0x200]  }
0x3a: {  	v1 =	vld [tilespmem:s10+$0x4240];
	_ =	sdelay $0x4  }
0x3b: {  	v0 =	vadd.f32 v1, v0  }
0x3c: {  	s9 =	simm.s32 $0x10240  }
0x3d: {  	[tilespmem:s9+$0xFFFFFFC0] =	vst v0  }
0x3e: {  	v0 =	vld [tilespmem:s10+$0x210]  }
0x3f: {  	v58 =	vld [tilespmem:s10+$0x4250];
	_ =	sdelay $0x4  }
0x40: {  	v0 =	vadd.f32 v58, v0;
	_ =	sdelay $0x1  }
0x41: {  	[tilespmem:s9+$0xFFFFFFD0] =	vst v0  }
0x42: {  	v0 =	vld [tilespmem:s10+$0x220]  }
0x43: {  	v59 =	vld [tilespmem:s10+$0x4260];
	_ =	sdelay $0x4  }
0x44: {  	v0 =	vadd.f32 v59, v0;
	_ =	sdelay $0x1  }
0x45: {  	[tilespmem:s9+$0xFFFFFFE0] =	vst v0  }
0x46: {  	v0 =	vld [tilespmem:s10+$0x230]  }
0x47: {  	v60 =	vld [tilespmem:s10+$0x4270];
	_ =	sdelay $0x4  }
0x48: {  	v0 =	vadd.f32 v60, v0;
	_ =	sdelay $0x1  }
0x49: {  	[tilespmem:s9+$0xFFFFFFF0] =	vst v0  }
0x4a: {  	v0 =	vld [tilespmem:s10+$0x280]  }
0x4b: {  	v61 =	vld [tilespmem:s10+$0x42C0];
	_ =	sdelay $0x4  }
0x4c: {  	v0 =	vadd.f32 v61, v0;
	_ =	sdelay $0x1  }
0x4d: {  	[tilespmem:s9+$0x0] =	vst v0  }
0x4e: {  	v0 =	vld [tilespmem:s10+$0x290]  }
0x4f: {  	v62 =	vld [tilespmem:s10+$0x42D0];
	_ =	sdelay $0x4  }
0x50: {  	v0 =	vadd.f32 v62, v0;
	_ =	sdelay $0x1  }
0x51: {  	[tilespmem:s9+$0x10] =	vst v0  }
0x52: {  	v0 =	vld [tilespmem:s10+$0x2A0]  }
0x53: {  	v63 =	vld [tilespmem:s10+$0x42E0];
	_ =	sdelay $0x4  }
0x54: {  	v0 =	vadd.f32 v63, v0;
	_ =	sdelay $0x1  }
0x55: {  	s19 =	simm.s32 $0x400;
	s11 =	simm.s32 $0x10240;
	s8 =	sshll.u32 s23, $0x6;
	[tilespmem:s9+$0x20] =	vst v0  }
.LBB2_3:
0x56: {  	p2 =	sne.s32 s19, $0xFC00  }
0x57: {  	v0 =	vld [tilespmem:s10+$0x2B0];
	s9 =	sadd.s32 $0x80, s9;
	s17 =	smov.u32 s19;
	s19 =	sadd.s32 $0x400, s19  }
0x58: {  	v1 =	vld [tilespmem:s10+$0x42F0];
	_ =	sdelay $0x4  }
0x59: {  	v0 =	vadd.f32 v1, v0;
	_ =	sdelay $0x1  }
0x5a: {  	s10 =	sshra.s32 s17, $0x2;
	[tilespmem:s11+$0x30] =	vst v0;
	s11 =	smov.u32 s9  }
0x5b: {  	v0 =	vld [tilespmem:s10+$0x200]  }
0x5c: {  	v1 =	vld [tilespmem:s10+$0x4240];
	_ =	sdelay $0x4  }
0x5d: {  	v0 =	vadd.f32 v1, v0;
	_ =	sdelay $0x1  }
0x5e: {  	[tilespmem:s9+$0xFFFFFFC0] =	vst v0  }
0x5f: {  	v0 =	vld [tilespmem:s10+$0x210]  }
0x60: {  	v1 =	vld [tilespmem:s10+$0x4250];
	_ =	sdelay $0x4  }
0x61: {  	v0 =	vadd.f32 v1, v0;
	_ =	sdelay $0x1  }
0x62: {  	[tilespmem:s9+$0xFFFFFFD0] =	vst v0  }
0x63: {  	v0 =	vld [tilespmem:s10+$0x220]  }
0x64: {  	v1 =	vld [tilespmem:s10+$0x4260];
	_ =	sdelay $0x4  }
0x65: {  	v0 =	vadd.f32 v1, v0;
	_ =	sdelay $0x1  }
0x66: {  	[tilespmem:s9+$0xFFFFFFE0] =	vst v0  }
0x67: {  	v0 =	vld [tilespmem:s10+$0x230]  }
0x68: {  	v1 =	vld [tilespmem:s10+$0x4270];
	_ =	sdelay $0x4  }
0x69: {  	v0 =	vadd.f32 v1, v0;
	_ =	sdelay $0x1  }
0x6a: {  	[tilespmem:s9+$0xFFFFFFF0] =	vst v0  }
0x6b: {  	v0 =	vld [tilespmem:s10+$0x280]  }
0x6c: {  	v1 =	vld [tilespmem:s10+$0x42C0];
	_ =	sdelay $0x4  }
0x6d: {  	v0 =	vadd.f32 v1, v0;
	_ =	sdelay $0x1  }
0x6e: {  	[tilespmem:s9+$0x0] =	vst v0  }
0x6f: {  	v0 =	vld [tilespmem:s10+$0x290]  }
0x70: {  	v1 =	vld [tilespmem:s10+$0x42D0];
	_ =	sdelay $0x4  }
0x71: {  	v0 =	vadd.f32 v1, v0;
	_ =	sdelay $0x1  }
0x72: {  	[tilespmem:s9+$0x10] =	vst v0  }
0x73: {  	v0 =	vld [tilespmem:s10+$0x2A0]  }
0x74: {  	v1 =	vld [tilespmem:s10+$0x42E0];
	_ =	sdelay $0x2  }
.Ltmp2:
0x75: {  	(pc) =	sbr.rel @p2 .LBB2_3-.Ltmp2, $3  }
0x76: {  	_ = 	snop  }
0x77: {  	v0 =	vadd.f32 v1, v0;
	_ =	sdelay $0x1  }
0x78: {  	[tilespmem:s9+$0x20] =	vst v0  }
0x79: {  	v0 =	vld [tilespmem:s10+$0x2B0]  }
0x7a: {  	v1 =	vld [tilespmem:s10+$0x42F0];
	_ =	sdelay $0x4  }
0x7b: {  	v0 =	vadd.f32 v1, v0  }
0x7c: {  	s9 =	sshll.u32 s23, $0x10  }
0x7d: {  	p2 =	seq.s32 s23, $0x26;
	s9 =	sadd.s32 s9, s14;
	[tilespmem:s11+$0x30] =	vst v0  }
0x7e: {  	[hbm4b:s9+s1] =	stream.linear.scatter [tilespmem:s31], [sflag:$0x5], $0x2000, $0x38;
	[tilespmem:$0x14200] =	vst v63  }
0x7f: {  	s9 =	sadd.s32 @!p2 s12, s8  }
0x80: {  	s9 =	sshll.u32 @!p2 s9, $0x4  }
0x81: {  	s9 =	sand.u32 @!p2 $0x1FD80, s9  }
0x82: {  	s9 =	sor.u32 @!p2 s15, s9  }
0x83: {  	s11 =	simm.s32 @!p2 $0x0;
	s10 =	sadd.s32 @!p2 s4, s9  }
0x84: {  	[tilespmem:s11], [sflag:$0x7] =	stream.linear.gather @!p2 [hbm4b:s10+s11], $0x80, $0x38;
	[tilespmem:$0x14200] =	vst v63  }
0x85: {  	s10 =	simm.s32 @!p2 $0x7  }
0x86: {  	_ =	swait.ge @!p2 [sflag:s10], $0x80  }
0x87: {  	[sflag:s10] =	ssyncset.done @!p2 $0x0  }
0x88: {  	s17 =	simm.s32 @!p2 $0x80;
	s9 =	sadd.s32 @!p2 s5, s9;
	[sflag:s10] =	ssyncadd.s32 @!p2 $0xFFFFFF80  }
0x89: {  	[tilespmem:s17], [sflag:$0x7] =	stream.linear.gather @!p2 [hbm4b:s9+s11], $0x80, $0x38;
	[tilespmem:$0x14200] =	vst v63  }
0x8a: {  	_ =	swait.ge @!p2 [sflag:s10], $0x80  }
0x8b: {  	[sflag:s10] =	ssyncset.done @!p2 $0x0  }
0x8c: {  	s9 =	simm.s32 @!p2 $0x200;
	[sflag:s10] =	ssyncadd.s32 @!p2 $0xFFFFFF80  }
0x8d: {  	[tilespmem:s9], [sflag:$0x1] =	stream.indirect.gather @!p2 [hbm4b:s3+s17], $0x80, s11, s17, $0xb8;
	[tilespmem:$0x14200] =	vst v63  }
0x8e: {  	s9 =	simm.s32 @!p2 $0x4200  }
0x8f: {  	[tilespmem:s9], [sflag:$0x2] =	stream.indirect.gather @!p2 [hbm4b:s3+s17], $0x80, s17, s17, $0xb8;
	[tilespmem:$0x14200] =	vst v63  }
0x90: {  	_ =	swait.ge [sflag:s0], $0x4000  }
0x91: {  	[sflag:s0] =	ssyncset.done $0x0  }
0x92: {  	[sflag:s0] =	ssyncadd.s32 $0xFFFFC000  }
0x93: {  	_ =	swait.ge [sflag:s2], $0x4000  }
0x94: {  	[sflag:s2] =	ssyncset.done $0x0  }
0x95: {  	s9 =	simm.s32 @!p1 $0x6;
	[sflag:s2] =	ssyncadd.s32 $0xFFFFC000  }
0x96: {  	_ =	swait.ge @!p1 [sflag:s9], $0x2000  }
0x97: {  	[sflag:s9] =	ssyncset.done @!p1 $0x0  }
0x98: {  	s10 =	simm.s32 $0x0;
	[sflag:s9] =	ssyncadd.s32 @!p1 $0xFFFFE000  }
0x99: {  	v56 =	vld [tilespmem:s10+$0x8200]  }
0x9a: {  	v57 =	vld [tilespmem:s10+$0xC240];
	_ =	sdelay $0x4  }
0x9b: {  	v0 =	vadd.f32 v57, v56  }
0x9c: {  	s9 =	simm.s32 $0x12240  }
0x9d: {  	[tilespmem:s9+$0xFFFFFFC0] =	vst v0  }
0x9e: {  	v0 =	vld [tilespmem:s10+$0x8210]  }
0x9f: {  	v58 =	vld [tilespmem:s10+$0xC250];
	_ =	sdelay $0x4  }
0xa0: {  	v0 =	vadd.f32 v58, v0;
	_ =	sdelay $0x1  }
0xa1: {  	[tilespmem:s9+$0xFFFFFFD0] =	vst v0  }
0xa2: {  	v0 =	vld [tilespmem:s10+$0x8220]  }
0xa3: {  	v59 =	vld [tilespmem:s10+$0xC260];
	_ =	sdelay $0x4  }
0xa4: {  	v0 =	vadd.f32 v59, v0;
	_ =	sdelay $0x1  }
0xa5: {  	[tilespmem:s9+$0xFFFFFFE0] =	vst v0  }
0xa6: {  	v0 =	vld [tilespmem:s10+$0x8230]  }
0xa7: {  	v60 =	vld [tilespmem:s10+$0xC270];
	_ =	sdelay $0x4  }
0xa8: {  	v0 =	vadd.f32 v60, v0;
	_ =	sdelay $0x1  }
0xa9: {  	[tilespmem:s9+$0xFFFFFFF0] =	vst v0  }
0xaa: {  	v0 =	vld [tilespmem:s10+$0x8280]  }
0xab: {  	v61 =	vld [tilespmem:s10+$0xC2C0];
	_ =	sdelay $0x4  }
0xac: {  	v0 =	vadd.f32 v61, v0;
	_ =	sdelay $0x1  }
0xad: {  	[tilespmem:s9+$0x0] =	vst v0  }
0xae: {  	v0 =	vld [tilespmem:s10+$0x8290]  }
0xaf: {  	v62 =	vld [tilespmem:s10+$0xC2D0];
	_ =	sdelay $0x4  }
0xb0: {  	v0 =	vadd.f32 v62, v0;
	_ =	sdelay $0x1  }
0xb1: {  	[tilespmem:s9+$0x10] =	vst v0  }
0xb2: {  	v0 =	vld [tilespmem:s10+$0x82A0]  }
0xb3: {  	v63 =	vld [tilespmem:s10+$0xC2E0];
	_ =	sdelay $0x4  }
0xb4: {  	v0 =	vadd.f32 v63, v0;
	_ =	sdelay $0x1  }
0xb5: {  	s19 =	simm.s32 $0x400;
	s11 =	simm.s32 $0x12240;
	[tilespmem:s9+$0x20] =	vst v0  }
.LBB2_5:
0xb6: {  	p1 =	sne.s32 s19, $0xFC00  }
0xb7: {  	v0 =	vld [tilespmem:s10+$0x82B0];
	s9 =	sadd.s32 $0x80, s9;
	s17 =	smov.u32 s19;
	s19 =	sadd.s32 $0x400, s19  }
0xb8: {  	v1 =	vld [tilespmem:s10+$0xC2F0];
	_ =	sdelay $0x4  }
0xb9: {  	v0 =	vadd.f32 v1, v0;
	_ =	sdelay $0x1  }
0xba: {  	s10 =	sshra.s32 s17, $0x2;
	[tilespmem:s11+$0x30] =	vst v0;
	s11 =	smov.u32 s9  }
0xbb: {  	v0 =	vld [tilespmem:s10+$0x8200]  }
0xbc: {  	v1 =	vld [tilespmem:s10+$0xC240];
	_ =	sdelay $0x4  }
0xbd: {  	v0 =	vadd.f32 v1, v0;
	_ =	sdelay $0x1  }
0xbe: {  	[tilespmem:s9+$0xFFFFFFC0] =	vst v0  }
0xbf: {  	v0 =	vld [tilespmem:s10+$0x8210]  }
0xc0: {  	v1 =	vld [tilespmem:s10+$0xC250];
	_ =	sdelay $0x4  }
0xc1: {  	v0 =	vadd.f32 v1, v0;
	_ =	sdelay $0x1  }
0xc2: {  	[tilespmem:s9+$0xFFFFFFD0] =	vst v0  }
0xc3: {  	v0 =	vld [tilespmem:s10+$0x8220]  }
0xc4: {  	v1 =	vld [tilespmem:s10+$0xC260];
	_ =	sdelay $0x4  }
0xc5: {  	v0 =	vadd.f32 v1, v0;
	_ =	sdelay $0x1  }
0xc6: {  	[tilespmem:s9+$0xFFFFFFE0] =	vst v0  }
0xc7: {  	v0 =	vld [tilespmem:s10+$0x8230]  }
0xc8: {  	v1 =	vld [tilespmem:s10+$0xC270];
	_ =	sdelay $0x4  }
0xc9: {  	v0 =	vadd.f32 v1, v0;
	_ =	sdelay $0x1  }
0xca: {  	[tilespmem:s9+$0xFFFFFFF0] =	vst v0  }
0xcb: {  	v0 =	vld [tilespmem:s10+$0x8280]  }
0xcc: {  	v1 =	vld [tilespmem:s10+$0xC2C0];
	_ =	sdelay $0x4  }
0xcd: {  	v0 =	vadd.f32 v1, v0;
	_ =	sdelay $0x1  }
0xce: {  	[tilespmem:s9+$0x0] =	vst v0  }
0xcf: {  	v0 =	vld [tilespmem:s10+$0x8290]  }
0xd0: {  	v1 =	vld [tilespmem:s10+$0xC2D0];
	_ =	sdelay $0x4  }
0xd1: {  	v0 =	vadd.f32 v1, v0;
	_ =	sdelay $0x1  }
0xd2: {  	[tilespmem:s9+$0x10] =	vst v0  }
0xd3: {  	v0 =	vld [tilespmem:s10+$0x82A0]  }
0xd4: {  	v1 =	vld [tilespmem:s10+$0xC2E0];
	_ =	sdelay $0x2  }
.Ltmp3:
0xd5: {  	(pc) =	sbr.rel @p1 .LBB2_5-.Ltmp3, $3  }
0xd6: {  	_ = 	snop  }
0xd7: {  	v0 =	vadd.f32 v1, v0;
	_ =	sdelay $0x1  }
0xd8: {  	[tilespmem:s9+$0x20] =	vst v0  }
0xd9: {  	v0 =	vld [tilespmem:s10+$0x82B0]  }
0xda: {  	v1 =	vld [tilespmem:s10+$0xC2F0];
	_ =	sdelay $0x3  }
.Ltmp4:
0xdb: {  	s9 =	sor.u32 s6, s8;
	(pc) =	sbr.rel @p2 .LBB2_8-.Ltmp4, $4  }
0xdc: {  	s9 =	sshll.u32 s9, $0xA;
	v0 =	vadd.f32 v1, v0  }
0xdd: {  	s9 =	sadd.s32 s9, s7  }
0xde: {  	s9 =	sadd.s32 $0x8000, s9;
	[tilespmem:s11+$0x30] =	vst v0  }
0xdf: {  	[hbm4b:s9+s1] =	stream.linear.scatter [tilespmem:s16], [sflag:$0x6], $0x2000, $0x38;
	[tilespmem:$0x14200] =	vst v63  }
0xe0: {  	s8 =	sadd.s32 s13, s8  }
0xe1: {  	s8 =	sshll.u32 s8, $0x4  }
0xe2: {  	s8 =	sand.u32 $0x1FF80, s8  }
0xe3: {  	s8 =	sor.u32 s15, s8  }
0xe4: {  	s9 =	sadd.s32 s4, s8  }
0xe5: {  	[tilespmem:s24], [sflag:$0x7] =	stream.linear.gather [hbm4b:s9+s1], $0x80, $0x38;
	[tilespmem:$0x14200] =	vst v63  }
0xe6: {  	_ =	swait.ge [sflag:s20], $0x80  }
0xe7: {  	[sflag:s20] =	ssyncset.done $0x0  }
0xe8: {  	s8 =	sadd.s32 s5, s8;
	[sflag:s20] =	ssyncadd.s32 $0xFFFFFF80  }
0xe9: {  	[tilespmem:s25], [sflag:$0x7] =	stream.linear.gather [hbm4b:s8+s1], $0x80, $0x38;
	[tilespmem:$0x14200] =	vst v63  }
0xea: {  	_ =	swait.ge [sflag:s20], $0x80  }
.Ltmp5:
0xeb: {  	[sflag:s20] =	ssyncset.done $0x0;
	(pc) =	sbr.rel .LBB2_2-.Ltmp5, $4  }
0xec: {  	[sflag:s20] =	ssyncadd.s32 $0xFFFFFF80  }
0xed: {  	[tilespmem:s26], [sflag:$0x3] =	stream.indirect.gather [hbm4b:s3+s21], $0x80, s24, s21, $0xb8;
	[tilespmem:$0x14200] =	vst v63  }
0xee: {  	s23 =	sadd.s32 $0x1, s23  }
0xef: {  	[tilespmem:s28], [sflag:$0x4] =	stream.indirect.gather [hbm4b:s3+s21], $0x80, s25, s21, $0xb8;
	[tilespmem:$0x14200] =	vst v63  }
.LBB2_8:
0xf0: {  	s8 =	simm.s32 $0x5  }
0xf1: {  	_ =	swait.ge [sflag:s8], $0x2000  }
.Ltmp6:
0xf2: {  	[sflag:s8] =	ssyncset.done $0x0;
	(pc) =	sbr.rel @p0 .LBB2_12-.Ltmp6, $4  }
0xf3: {  	[sflag:s8] =	ssyncadd.s32 $0xFFFFE000  }
0xf4: {  	_ =	swait.ge [sflag:s18], $0x2000  }
0xf5: {  	[sflag:s18] =	ssyncset.done $0x0  }
0xf6: {  	[sflag:s18] =	ssyncadd.s32 $0xFFFFE000  }
0xf7: {  	s8 =	simm.s32 $0x0;
	s9 =	rddreg [dreg:$0x6]  }
0xf8: {  	[tilespmem:s8], [sflag:$0x7] =	stream.linear.gather [hbm4b:s9+s8], $0x80, $0x38;
	[tilespmem:$0x14200] =	vst v63  }
0xf9: {  	_ =	swait.ge [sflag:s20], $0x80  }
0xfa: {  	[sflag:s20] =	ssyncset.done $0x0  }
0xfb: {  	s17 =	rddreg [dreg:$0x7];
	[sflag:s20] =	ssyncadd.s32 $0xFFFFFF80  }
0xfc: {  	[tilespmem:s21], [sflag:$0x7] =	stream.linear.gather [hbm4b:s17+s8], $0x80, $0x38;
	[tilespmem:$0x14200] =	vst v63  }
0xfd: {  	_ =	swait.ge [sflag:s20], $0x80  }
0xfe: {  	[sflag:s20] =	ssyncset.done $0x0  }
0xff: {  	s19 =	simm.s32 $0x200;
	[sflag:s20] =	ssyncadd.s32 $0xFFFFFF80  }
0x100: {  	[tilespmem:s19], [sflag:$0x1] =	stream.indirect.gather [hbm4b:s3+s21], $0x80, s8, s21, $0xb8;
	[tilespmem:$0x14200] =	vst v63  }
0x101: {  	_ =	swait.ge [sflag:s29], $0x4000  }
0x102: {  	[sflag:s29] =	ssyncset.done $0x0  }
0x103: {  	s23 =	simm.s32 $0x4200;
	[sflag:s29] =	ssyncadd.s32 $0xFFFFC000  }
0x104: {  	[tilespmem:s23], [sflag:$0x2] =	stream.indirect.gather [hbm4b:s3+s21], $0x80, s21, s21, $0xb8;
	[tilespmem:$0x14200] =	vst v63  }
0x105: {  	_ =	swait.ge [sflag:s30], $0x4000  }
0x106: {  	[sflag:s30] =	ssyncset.done $0x0  }
0x107: {  	s9 =	simm.s32 $0x0;
	[sflag:s30] =	ssyncadd.s32 $0xFFFFC000  }
0x108: {  	v0 =	vld [tilespmem:s9+$0x200]  }
0x109: {  	v1 =	vld [tilespmem:s9+$0x4240];
	_ =	sdelay $0x4  }
0x10a: {  	v0 =	vadd.f32 v1, v0  }
0x10b: {  	s8 =	simm.s32 $0x10240  }
0x10c: {  	[tilespmem:s8+$0xFFFFFFC0] =	vst v0  }
0x10d: {  	v0 =	vld [tilespmem:s9+$0x210]  }
0x10e: {  	v58 =	vld [tilespmem:s9+$0x4250];
	_ =	sdelay $0x4  }
0x10f: {  	v0 =	vadd.f32 v58, v0;
	_ =	sdelay $0x1  }
0x110: {  	[tilespmem:s8+$0xFFFFFFD0] =	vst v0  }
0x111: {  	v0 =	vld [tilespmem:s9+$0x220]  }
0x112: {  	v59 =	vld [tilespmem:s9+$0x4260];
	_ =	sdelay $0x4  }
0x113: {  	v0 =	vadd.f32 v59, v0;
	_ =	sdelay $0x1  }
0x114: {  	[tilespmem:s8+$0xFFFFFFE0] =	vst v0  }
0x115: {  	v0 =	vld [tilespmem:s9+$0x230]  }
0x116: {  	v60 =	vld [tilespmem:s9+$0x4270];
	_ =	sdelay $0x4  }
0x117: {  	v0 =	vadd.f32 v60, v0;
	_ =	sdelay $0x1  }
0x118: {  	[tilespmem:s8+$0xFFFFFFF0] =	vst v0  }
0x119: {  	v0 =	vld [tilespmem:s9+$0x280]  }
0x11a: {  	v61 =	vld [tilespmem:s9+$0x42C0];
	_ =	sdelay $0x4  }
0x11b: {  	v0 =	vadd.f32 v61, v0;
	_ =	sdelay $0x1  }
0x11c: {  	[tilespmem:s8+$0x0] =	vst v0  }
0x11d: {  	v0 =	vld [tilespmem:s9+$0x290]  }
0x11e: {  	v62 =	vld [tilespmem:s9+$0x42D0];
	_ =	sdelay $0x4  }
0x11f: {  	v0 =	vadd.f32 v62, v0;
	_ =	sdelay $0x1  }
0x120: {  	[tilespmem:s8+$0x10] =	vst v0  }
0x121: {  	v0 =	vld [tilespmem:s9+$0x2A0]  }
0x122: {  	v63 =	vld [tilespmem:s9+$0x42E0];
	_ =	sdelay $0x4  }
0x123: {  	v0 =	vadd.f32 v63, v0;
	_ =	sdelay $0x1  }
0x124: {  	s11 =	simm.s32 $0x400;
	s10 =	simm.s32 $0x10240;
	[tilespmem:s8+$0x20] =	vst v0  }
.LBB2_10:
0x125: {  	p1 =	sne.s32 s11, $0xFC00  }
0x126: {  	v0 =	vld [tilespmem:s9+$0x2B0];
	s8 =	sadd.s32 $0x80, s8;
	s17 =	smov.u32 s11;
	s11 =	sadd.s32 $0x400, s11  }
0x127: {  	v1 =	vld [tilespmem:s9+$0x42F0];
	_ =	sdelay $0x4  }
0x128: {  	v0 =	vadd.f32 v1, v0;
	_ =	sdelay $0x1  }
0x129: {  	s9 =	sshra.s32 s17, $0x2;
	[tilespmem:s10+$0x30] =	vst v0;
	s10 =	smov.u32 s8  }
0x12a: {  	v0 =	vld [tilespmem:s9+$0x200]  }
0x12b: {  	v1 =	vld [tilespmem:s9+$0x4240];
	_ =	sdelay $0x4  }
0x12c: {  	v0 =	vadd.f32 v1, v0;
	_ =	sdelay $0x1  }
0x12d: {  	[tilespmem:s8+$0xFFFFFFC0] =	vst v0  }
0x12e: {  	v0 =	vld [tilespmem:s9+$0x210]  }
0x12f: {  	v1 =	vld [tilespmem:s9+$0x4250];
	_ =	sdelay $0x4  }
0x130: {  	v0 =	vadd.f32 v1, v0;
	_ =	sdelay $0x1  }
0x131: {  	[tilespmem:s8+$0xFFFFFFD0] =	vst v0  }
0x132: {  	v0 =	vld [tilespmem:s9+$0x220]  }
0x133: {  	v1 =	vld [tilespmem:s9+$0x4260];
	_ =	sdelay $0x4  }
0x134: {  	v0 =	vadd.f32 v1, v0;
	_ =	sdelay $0x1  }
0x135: {  	[tilespmem:s8+$0xFFFFFFE0] =	vst v0  }
0x136: {  	v0 =	vld [tilespmem:s9+$0x230]  }
0x137: {  	v1 =	vld [tilespmem:s9+$0x4270];
	_ =	sdelay $0x4  }
0x138: {  	v0 =	vadd.f32 v1, v0;
	_ =	sdelay $0x1  }
0x139: {  	[tilespmem:s8+$0xFFFFFFF0] =	vst v0  }
0x13a: {  	v0 =	vld [tilespmem:s9+$0x280]  }
0x13b: {  	v1 =	vld [tilespmem:s9+$0x42C0];
	_ =	sdelay $0x4  }
0x13c: {  	v0 =	vadd.f32 v1, v0;
	_ =	sdelay $0x1  }
0x13d: {  	[tilespmem:s8+$0x0] =	vst v0  }
0x13e: {  	v0 =	vld [tilespmem:s9+$0x290]  }
0x13f: {  	v1 =	vld [tilespmem:s9+$0x42D0];
	_ =	sdelay $0x4  }
0x140: {  	v0 =	vadd.f32 v1, v0;
	_ =	sdelay $0x1  }
0x141: {  	[tilespmem:s8+$0x10] =	vst v0  }
0x142: {  	v0 =	vld [tilespmem:s9+$0x2A0]  }
0x143: {  	v1 =	vld [tilespmem:s9+$0x42E0];
	_ =	sdelay $0x2  }
.Ltmp7:
0x144: {  	(pc) =	sbr.rel @p1 .LBB2_10-.Ltmp7, $3  }
0x145: {  	_ = 	snop  }
0x146: {  	v0 =	vadd.f32 v1, v0;
	_ =	sdelay $0x1  }
0x147: {  	[tilespmem:s8+$0x20] =	vst v0  }
0x148: {  	v0 =	vld [tilespmem:s9+$0x2B0]  }
0x149: {  	v1 =	vld [tilespmem:s9+$0x42F0];
	_ =	sdelay $0x4  }
0x14a: {  	v0 =	vadd.f32 v1, v0;
	_ =	sdelay $0x1  }
.Ltmp8:
0x14b: {  	s8 =	rddreg [dreg:$0x8];
	[tilespmem:s10+$0x30] =	vst v0;
	(pc) =	sbr.rel .LBB2_12-.Ltmp8, $4  }
0x14c: {  	[hbm4b:s8+s1] =	stream.linear.scatter [tilespmem:s31], [sflag:$0x7], $0x2000, $0x38;
	[tilespmem:$0x14200] =	vst v63  }
0x14d: {  	_ =	swait.ge [sflag:s20], $0x2000  }
0x14e: {  	[sflag:s20] =	ssyncset.done $0x0  }
0x14f: {  	[sflag:s20] =	ssyncadd.s32 $0xFFFFE000  }
.LBB2_13:
0x150: {  	_ =	sfence.sel $0x180000  }
0x151: {  	[bflag:$0x0] =	sbarrier.arrive $0xFFFF  }
0x152: {  	_ =	strace $0x90000050  }
0x153: {  	s0 =	stileid.u32;
	[bflag:$0x2] =	sbarrier.arrive $0xFFFF  }
0x154: {  	p0 =	sne.s32 s0, $0x0;
	s0 =	rddreg [dreg:$0x1]  }
0x155: {  	s0 =	sadd.s32 @!p0 $0x100000, s0  }
0x156: {  	[sflag:s0] =	ssyncadd.tile.s32 @!p0 $0x1;
	_ =	shalt  }
.Lfunc_end2:
_tile_overlayer_lowered:
.L_overlay_start_2:
0x157: {  	(tag) =	ssettag $0x2  }
0x158: {  	s0 =	rddreg [dreg:$0x0];
	s2 =	stileid.u32  }
0x159: {  	s1 =	rddreg [dreg:$0x1];
	p0 =	sne.s32 s2, $0x0  }
0x15a: {  	s3 =	rddreg [dreg:$0x2];
	[bflag:$0x3] =	sbarrier.arrive $0xFFFF;
	s2 =	simm.s32 @!p0 $0x1C07  }
0x15b: {  	[timem:s3], [sflag:s2] =	dma.local @!p0 [hbm:s0], s1  }
0x15c: {  	s0 =	simm.s32 @!p0 $0x7  }
0x15d: {  	_ =	swait.ge @!p0 [sflag:s0], s1  }
0x15e: {  	s1 =	ssub.s32 @!p0 $0x0, s1;
	[sflag:s0] =	ssyncset.done @!p0 $0x0  }
0x15f: {  	[sflag:s0] =	ssyncadd.s32 @!p0 s1  }
0x160: {  	[bflag:$0x3] =	sbarrier.arrive $0xFFFF  }
0x161: {  	_ =	shalt  }

</sc_bundles>
